<compile_context>
chip_gen: v7x
topology: tpu7x:2x2x1
jax: 0.10.2.dev20260603
libtpu: 0.0.44.dev20260713+nightly
codegen_flags: <defaults>
</compile_context>

<pallas_src>
import functools

import jax
import jax.numpy as jnp
from jax import lax
from jax.experimental import pallas as pl
from jax.experimental.pallas import tpu as pltpu
from jax.experimental.pallas import tpu_sc as plsc

_B, _C, _N = 4, 64, 32768
_M, _K = 8192, 16
_NC, _NS, _L = 2, 16, 16
_NW = _NC * _NS
_ROWS = _B * _M
_RPW = _ROWS // _NW
_R = 32
_STEPS = _RPW // _R
_IDXW = 512
_G = (_R * _K) // _IDXW
_IDXR = _RPW * _K // _IDXW


def _gather_max(table, idx):
  mesh = plsc.VectorSubcoreMesh(
      core_axis_name="c", subcore_axis_name="s",
      num_cores=_NC, num_subcores=_NS)

  @functools.partial(
      pl.kernel,
      out_type=jax.ShapeDtypeStruct((_ROWS, _C), jnp.float32),
      mesh=mesh,
      scratch_types=[
          pltpu.VMEM((2, _K, _R), jnp.int32),
          pltpu.VMEM((2, _K * _R), jnp.int32),
          pltpu.VMEM((2, _R * _K, _C), jnp.float32),
          pltpu.VMEM((2, _R, _C), jnp.float32),
          pltpu.SemaphoreType.DMA,
          pltpu.SemaphoreType.DMA,
          pltpu.SemaphoreType.DMA,
          pltpu.SemaphoreType.DMA,
          pltpu.SemaphoreType.DMA,
          pltpu.SemaphoreType.DMA,
      ],
      compiler_params=pltpu.CompilerParams(use_tc_tiling_on_sc=False),
  )
  def body(table_hbm, idx_hbm, out_hbm, idx_v, idx_l, rows_v, out_v,
           sg0, sg1, so0, so1, si0, si1):
    wid = lax.axis_index("s") * _NC + lax.axis_index("c")
    wbase = wid * _RPW
    batch = wbase // _M
    mw = wbase % _M
    sg = (sg0, sg1)
    so = (so0, so1)
    si = (si0, si1)
    boffv = jnp.full((_L,), 0, jnp.int32) + batch * _N

    def stage_idx(s, P):
      m0 = pl.multiple_of(mw + s * _R, _R)
      pltpu.async_copy(
          idx_hbm.at[batch, :, pl.ds(m0, _R)], idx_v.at[P], si[P])

    def fire(s, P):
      m0 = pl.multiple_of(mw + s * _R, _R)
      pltpu.make_async_copy(
          idx_hbm.at[batch, :, pl.ds(m0, _R)], idx_v.at[P], si[P]).wait()
      for k in range(_K):
        for h in range(_R // _L):
          sl = pl.ds(h * _L, _L)
          idx_l[P, pl.ds(k * _R + h * _L, _L)] = idx_v[P, k, sl] + boffv
      pltpu.async_copy(
          table_hbm.at[idx_l.at[P]], rows_v.at[P], sg[P])

    def drain(P):
      pltpu.make_async_copy(
          table_hbm.at[idx_l.at[P]], rows_v.at[P], sg[P]).wait()

    def compute(P):
      @pl.loop(0, _R // 2)
      def _row(r2):
        for u in range(2):
          r = r2 * 2 + u
          for j in range(_C // _L):
            sl = pl.ds(j * _L, _L)
            acc = rows_v[P, r, sl]
            for kk in range(1, _K):
              acc = jnp.maximum(acc, rows_v[P, kk * _R + r, sl])
            out_v[P, r, sl] = acc

    def store(s, P):
      base = pl.multiple_of(wbase + s * _R, _R)
      pltpu.async_copy(out_v.at[P], out_hbm.at[pl.ds(base, _R)], so[P])

    def drain_store(s, P):
      base = pl.multiple_of(wbase + s * _R, _R)
      pltpu.make_async_copy(
          out_v.at[P], out_hbm.at[pl.ds(base, _R)], so[P]).wait()

    stage_idx(0, 0)
    stage_idx(1, 1)
    fire(0, 0)

    @pl.loop(0, _STEPS // 2)
    def _pair(p):
      s0 = p * 2
      fire(s0 + 1, 1)

      @pl.when(p < _STEPS // 2 - 1)
      def _():
        stage_idx(s0 + 2, 0)

      drain(0)

      @pl.when(p > 0)
      def _():
        drain_store(s0 - 2, 0)

      compute(0)
      store(s0, 0)

      @pl.when(p < _STEPS // 2 - 1)
      def _():
        fire(s0 + 2, 0)
        stage_idx(s0 + 3, 1)

      drain(1)

      @pl.when(p > 0)
      def _():
        drain_store(s0 - 1, 1)

      compute(1)
      store(s0 + 1, 1)

    drain_store(_STEPS - 2, 0)
    drain_store(_STEPS - 1, 1)

  return body(table, idx)


def kernel(input, points, support_points, indices):
  table = input.transpose(0, 2, 1).reshape(_B * _N, _C)
  idx = indices.transpose(0, 2, 1).astype(jnp.int32)
  out = _gather_max(table, idx)
  features = out.reshape(_B, _M, _C).transpose(0, 2, 1)
  return (features, support_points, indices)

# --- scband reference (transcript-rebuilt; emitter-appended) ---
"""Pipeline reference for scband-max-pool-73177652789352 (READ-ONLY COPY).

The authoritative reference and input builder live on the scoring server;
editing this copy changes nothing except your own understanding.
"""

import jax, jax.numpy as jnp
import numpy as np


def setup_inputs(seed: int = 0) -> dict:
    key = jax.random.key(seed)
    k1, k2, k3, k4 = jax.random.split(key, 4)
    B, C, N = 4, 64, 32768
    M, K = 8192, 16
    inp = jax.random.normal(k1, (B, C, N), dtype=jnp.float32)
    points = jax.random.normal(k2, (B, 3, N), dtype=jnp.float32)
    support_points = jax.random.normal(k3, (B, 3, M), dtype=jnp.float32)
    indices = jax.random.randint(k4, (B, M, K), 0, N, dtype=jnp.int64)
    return {"input": inp, "points": points, "support_points": support_points, "indices": indices}


def reference(input, points, support_points, indices):
    # batched_index_select along dim=2 of input [B, C, N] with index [B, M, K]
    B, C, N = input.shape
    M, K = indices.shape[1], indices.shape[2]
    idx = indices.reshape(B, 1, M * K)
    idx = jnp.broadcast_to(idx, (B, C, M * K))
    features = jnp.take_along_axis(input, idx, axis=2).reshape(B, C, M, K)
    features = jnp.max(features, axis=3)
    return (features, support_points, indices)

if __name__ == "__main__":
    import jax
    _d = setup_inputs()
    print(jax.jit(kernel)(*tuple(_d.values())))

</pallas_src>

<mosaic_0001>
#map = affine_map<(d0, d1) -> (0, 0)>
#map1 = affine_map<(d0, d1) -> (0, 0, 0)>
module attributes {stable_mosaic.version = 14 : i64} {
  func.func @body(%arg0: i32, %arg1: i32, %arg2: memref<131072x64xf32, #tpu.memory_space<hbm>>, %arg3: memref<4x16x8192xi32, #tpu.memory_space<hbm>>, %arg4: memref<32768x64xf32, #tpu.memory_space<hbm>>, %arg5: memref<2x16x32xi32, #tpu.memory_space<vmem>>, %arg6: memref<2x512xi32, #tpu.memory_space<vmem>>, %arg7: memref<2x512x64xf32, #tpu.memory_space<vmem>>, %arg8: memref<2x32x64xf32, #tpu.memory_space<vmem>>, %arg9: memref<!tpu.dma_semaphore, #tpu.memory_space<semaphore_mem>>, %arg10: memref<!tpu.dma_semaphore, #tpu.memory_space<semaphore_mem>>, %arg11: memref<!tpu.dma_semaphore, #tpu.memory_space<semaphore_mem>>, %arg12: memref<!tpu.dma_semaphore, #tpu.memory_space<semaphore_mem>>, %arg13: memref<!tpu.dma_semaphore, #tpu.memory_space<semaphore_mem>>, %arg14: memref<!tpu.dma_semaphore, #tpu.memory_space<semaphore_mem>>) attributes {dimension_semantics = [#tpu.dimension_semantics<core_parallel>, #tpu.dimension_semantics<subcore_parallel>], iteration_bounds = array<i64: 2, 16>, scalar_prefetch = 0 : i64, scratch_operands = 10 : i64, tpu.core_type = #tpu.core_type<sc_vector_subcore>, window_params = [{transform_indices = #map}, {transform_indices = #map1}, {transform_indices = #map}]} {
    %mul3A = arith.constant 2 : i32
    %mul3A_0 = arith.muli %arg1, %mul3A : i32
    %add3A = arith.addi %mul3A_0, %arg0 : i32
    %mul3A_1 = arith.constant 1024 : i32
    %mul3A_2 = arith.muli %add3A, %mul3A_1 : i32
    %jit3A = arith.constant 8192 : i32
    %div3A = arith.divsi %mul3A_2, %jit3A : i32
    %sign3A = arith.constant 0 : i32
    %sign3A_3 = arith.cmpi sgt, %mul3A_2, %sign3A : i32
    %sign3A_4 = arith.extui %sign3A_3 : i1 to i32
    %sign3A_5 = arith.constant 0 : i32
    %sign3A_6 = arith.cmpi slt, %mul3A_2, %sign3A_5 : i32
    %sign3A_7 = arith.extui %sign3A_6 : i1 to i32
    %sign3A_8 = arith.subi %sign3A_4, %sign3A_7 : i32
    %sign3A_9 = arith.constant 0 : i32
    %sign3A_10 = arith.cmpi sgt, %jit3A, %sign3A_9 : i32
    %sign3A_11 = arith.extui %sign3A_10 : i1 to i32
    %sign3A_12 = arith.constant 0 : i32
    %sign3A_13 = arith.cmpi slt, %jit3A, %sign3A_12 : i32
    %sign3A_14 = arith.extui %sign3A_13 : i1 to i32
    %sign3A_15 = arith.subi %sign3A_11, %sign3A_14 : i32
    %ne3A = arith.cmpi ne, %sign3A_8, %sign3A_15 : i32
    %rem3A = arith.remsi %mul3A_2, %jit3A : i32
    %ne3A_16 = arith.constant 0 : i32
    %ne3A_17 = arith.cmpi ne, %rem3A, %ne3A_16 : i32
    %and3A = arith.andi %ne3A, %ne3A_17 : i1
    %sub3A = arith.constant 1 : i32
    %sub3A_18 = arith.subi %div3A, %sub3A : i32
    %select_n3A = arith.select %and3A, %sub3A_18, %div3A : i32
    %jit3A_19 = arith.constant 8192 : i32
    %eq3A = arith.constant 0 : i32
    %eq3A_20 = arith.cmpi eq, %jit3A_19, %eq3A : i32
    %jit3A_21 = arith.constant 1 : i32
    %select_n3A_22 = arith.select %eq3A_20, %jit3A_21, %jit3A_19 : i32
    %rem3A_23 = arith.remsi %mul3A_2, %select_n3A_22 : i32
    %ne3A_24 = arith.constant 0 : i32
    %ne3A_25 = arith.cmpi ne, %rem3A_23, %ne3A_24 : i32
    %lt3A = arith.constant 0 : i32
    %lt3A_26 = arith.cmpi slt, %rem3A_23, %lt3A : i32
    %lt3A_27 = arith.constant 0 : i32
    %lt3A_28 = arith.cmpi slt, %select_n3A_22, %lt3A_27 : i32
    %ne3A_29 = arith.xori %lt3A_26, %lt3A_28 : i1
    %and3A_30 = arith.andi %ne3A_29, %ne3A_25 : i1
    %add3A_31 = arith.addi %rem3A_23, %select_n3A_22 : i32
    %select_n3A_32 = arith.select %and3A_30, %add3A_31, %rem3A_23 : i32
    %broadcast_in_dim3A = arith.constant 0 : i32
    %broadcast_in_dim3A_33 = vector.broadcast %broadcast_in_dim3A : i32 to vector<16xi32>
    %mul3A_34 = arith.constant 32768 : i32
    %mul3A_35 = arith.muli %select_n3A, %mul3A_34 : i32
    %add3A_36 = vector.broadcast %mul3A_35 : i32 to vector<16xi32>
    %add3A_37 = arith.addi %broadcast_in_dim3A_33, %add3A_36 : vector<16xi32>
    %add3A_38 = arith.constant 0 : i32
    %add3A_39 = arith.addi %select_n3A_32, %add3A_38 : i32
    %multiple_of3A = tpu.assume_multiple %add3A_39, 32 : i32
    %dma_start3A = arith.constant 0 : i32
    %dma_start3A_40 = arith.constant 0 : i32
    %dma_start3A_41 = arith.constant 0 : i32
    %dma_start3A_42 = tpu.memref_slice %arg5[%dma_start3A, %dma_start3A_40, %dma_start3A_41] : memref<2x16x32xi32, #tpu.memory_space<vmem>> -> memref<1x16x32xi32, #tpu.memory_space<vmem>>
    %dma_start3A_43 = tpu.memref_squeeze %dma_start3A_42 : memref<1x16x32xi32, #tpu.memory_space<vmem>> -> memref<16x32xi32, #tpu.memory_space<vmem>>
    %dma_start3A_44 = arith.constant 0 : i32
    %dma_start3A_45 = tpu.memref_slice %arg3[%select_n3A, %dma_start3A_44, %multiple_of3A] : memref<4x16x8192xi32, #tpu.memory_space<hbm>> -> memref<1x16x32xi32, #tpu.memory_space<hbm>>
    %dma_start3A_46 = tpu.memref_squeeze %dma_start3A_45 : memref<1x16x32xi32, #tpu.memory_space<hbm>> -> memref<16x32xi32, #tpu.memory_space<hbm>>
    %dma_start3A_47 = arith.constant 0 : i32
    %dma_start3A_48 = arith.constant 0 : i32
    %dma_start3A_49 = tpu.memref_slice %arg5[%dma_start3A, %dma_start3A_47, %dma_start3A_48] : memref<2x16x32xi32, #tpu.memory_space<vmem>> -> memref<1x16x32xi32, #tpu.memory_space<vmem>>
    %dma_start3A_50 = tpu.memref_squeeze %dma_start3A_49 : memref<1x16x32xi32, #tpu.memory_space<vmem>> -> memref<16x32xi32, #tpu.memory_space<vmem>>
    %dma_start3A_51 = arith.constant 0 : i32
    %dma_start3A_52 = tpu.memref_slice %arg3[%select_n3A, %dma_start3A_51, %multiple_of3A] : memref<4x16x8192xi32, #tpu.memory_space<hbm>> -> memref<1x16x32xi32, #tpu.memory_space<hbm>>
    %dma_start3A_53 = tpu.memref_squeeze %dma_start3A_52 : memref<1x16x32xi32, #tpu.memory_space<hbm>> -> memref<16x32xi32, #tpu.memory_space<hbm>>
    tpu.enqueue_dma source(%dma_start3A_53 : memref<16x32xi32, #tpu.memory_space<hbm>>) target(%dma_start3A_50 : memref<16x32xi32, #tpu.memory_space<vmem>>) target_semaphore(%arg13 : memref<!tpu.dma_semaphore, #tpu.memory_space<semaphore_mem>>)
    %add3A_54 = arith.constant 32 : i32
    %add3A_55 = arith.addi %select_n3A_32, %add3A_54 : i32
    %multiple_of3A_56 = tpu.assume_multiple %add3A_55, 32 : i32
    %dma_start3A_57 = arith.constant 1 : i32
    %dma_start3A_58 = arith.constant 0 : i32
    %dma_start3A_59 = arith.constant 0 : i32
    %dma_start3A_60 = tpu.memref_slice %arg5[%dma_start3A_57, %dma_start3A_58, %dma_start3A_59] : memref<2x16x32xi32, #tpu.memory_space<vmem>> -> memref<1x16x32xi32, #tpu.memory_space<vmem>>
    %dma_start3A_61 = tpu.memref_squeeze %dma_start3A_60 : memref<1x16x32xi32, #tpu.memory_space<vmem>> -> memref<16x32xi32, #tpu.memory_space<vmem>>
    %dma_start3A_62 = arith.constant 0 : i32
    %dma_start3A_63 = tpu.memref_slice %arg3[%select_n3A, %dma_start3A_62, %multiple_of3A_56] : memref<4x16x8192xi32, #tpu.memory_space<hbm>> -> memref<1x16x32xi32, #tpu.memory_space<hbm>>
    %dma_start3A_64 = tpu.memref_squeeze %dma_start3A_63 : memref<1x16x32xi32, #tpu.memory_space<hbm>> -> memref<16x32xi32, #tpu.memory_space<hbm>>
    %dma_start3A_65 = arith.constant 0 : i32
    %dma_start3A_66 = arith.constant 0 : i32
    %dma_start3A_67 = tpu.memref_slice %arg5[%dma_start3A_57, %dma_start3A_65, %dma_start3A_66] : memref<2x16x32xi32, #tpu.memory_space<vmem>> -> memref<1x16x32xi32, #tpu.memory_space<vmem>>
    %dma_start3A_68 = tpu.memref_squeeze %dma_start3A_67 : memref<1x16x32xi32, #tpu.memory_space<vmem>> -> memref<16x32xi32, #tpu.memory_space<vmem>>
    %dma_start3A_69 = arith.constant 0 : i32
    %dma_start3A_70 = tpu.memref_slice %arg3[%select_n3A, %dma_start3A_69, %multiple_of3A_56] : memref<4x16x8192xi32, #tpu.memory_space<hbm>> -> memref<1x16x32xi32, #tpu.memory_space<hbm>>
    %dma_start3A_71 = tpu.memref_squeeze %dma_start3A_70 : memref<1x16x32xi32, #tpu.memory_space<hbm>> -> memref<16x32xi32, #tpu.memory_space<hbm>>
    tpu.enqueue_dma source(%dma_start3A_71 : memref<16x32xi32, #tpu.memory_space<hbm>>) target(%dma_start3A_68 : memref<16x32xi32, #tpu.memory_space<vmem>>) target_semaphore(%arg14 : memref<!tpu.dma_semaphore, #tpu.memory_space<semaphore_mem>>)
    %add3A_72 = arith.constant 0 : i32
    %add3A_73 = arith.addi %select_n3A_32, %add3A_72 : i32
    %multiple_of3A_74 = tpu.assume_multiple %add3A_73, 32 : i32
    %dma_wait3A = arith.constant 0 : i32
    %dma_wait3A_75 = arith.constant 0 : i32
    %dma_wait3A_76 = arith.constant 0 : i32
    %dma_wait3A_77 = tpu.memref_slice %arg5[%dma_wait3A, %dma_wait3A_75, %dma_wait3A_76] : memref<2x16x32xi32, #tpu.memory_space<vmem>> -> memref<1x16x32xi32, #tpu.memory_space<vmem>>
    %dma_wait3A_78 = tpu.memref_squeeze %dma_wait3A_77 : memref<1x16x32xi32, #tpu.memory_space<vmem>> -> memref<16x32xi32, #tpu.memory_space<vmem>>
    %dma_wait3A_79 = arith.constant 0 : i32
    %dma_wait3A_80 = tpu.memref_slice %arg3[%select_n3A, %dma_wait3A_79, %multiple_of3A_74] : memref<4x16x8192xi32, #tpu.memory_space<hbm>> -> memref<1x16x32xi32, #tpu.memory_space<hbm>>
    %dma_wait3A_81 = tpu.memref_squeeze %dma_wait3A_80 : memref<1x16x32xi32, #tpu.memory_space<hbm>> -> memref<16x32xi32, #tpu.memory_space<hbm>>
    %dma_wait3A_82 = arith.constant 0 : i32
    %dma_wait3A_83 = arith.constant 0 : i32
    %dma_wait3A_84 = tpu.memref_slice %arg5[%dma_wait3A, %dma_wait3A_82, %dma_wait3A_83] : memref<2x16x32xi32, #tpu.memory_space<vmem>> -> memref<1x16x32xi32, #tpu.memory_space<vmem>>
    %dma_wait3A_85 = tpu.memref_squeeze %dma_wait3A_84 : memref<1x16x32xi32, #tpu.memory_space<vmem>> -> memref<16x32xi32, #tpu.memory_space<vmem>>
    %dma_wait3A_86 = arith.constant 0 : i32
    %dma_wait3A_87 = tpu.memref_slice %arg3[%select_n3A, %dma_wait3A_86, %multiple_of3A_74] : memref<4x16x8192xi32, #tpu.memory_space<hbm>> -> memref<1x16x32xi32, #tpu.memory_space<hbm>>
    %dma_wait3A_88 = tpu.memref_squeeze %dma_wait3A_87 : memref<1x16x32xi32, #tpu.memory_space<hbm>> -> memref<16x32xi32, #tpu.memory_space<hbm>>
    tpu.wait_dma2 semaphore(%arg13 : memref<!tpu.dma_semaphore, #tpu.memory_space<semaphore_mem>>) src(%dma_wait3A_88 : memref<16x32xi32, #tpu.memory_space<hbm>>) dst(%dma_wait3A_85 : memref<16x32xi32, #tpu.memory_space<vmem>>)
    %get3A = arith.constant 0 : i32
    %get3A_89 = arith.constant 0 : i32
    %get3A_90 = arith.index_cast %get3A : i32 to index
    %get3A_91 = arith.index_cast %get3A_89 : i32 to index
    %get3A_92 = arith.constant 0 : index
    %get3A_93 = tpu.vector_load %arg5[%get3A_90, %get3A_91, %get3A_92] {strides = array<i32>} : memref<2x16x32xi32, #tpu.memory_space<vmem>>, vector<1x1x16xi32>,
    %get3A_94 = vector.shape_cast %get3A_93 : vector<1x1x16xi32> to vector<16xi32>
    %add3A_95 = arith.addi %get3A_94, %add3A_37 : vector<16xi32>
    %swap3A = arith.constant 0 : i32
    %swap3A_96 = arith.index_cast %swap3A : i32 to index
    %swap3A_97 = arith.constant 0 : index
    %swap3A_98 = tpu.vector_load %arg6[%swap3A_96, %swap3A_97] {strides = array<i32>} : memref<2x512xi32, #tpu.memory_space<vmem>>, vector<1x16xi32>,
    %swap3A_99 = vector.shape_cast %swap3A_98 : vector<1x16xi32> to vector<16xi32>
    %swap3A_100 = vector.shape_cast %add3A_95 : vector<16xi32> to vector<1x16xi32>
    tpu.vector_store %arg6[%swap3A_96, %swap3A_97], %swap3A_100 {strides = array<i32>} : memref<2x512xi32, #tpu.memory_space<vmem>>, vector<1x16xi32>,
    %get3A_101 = arith.constant 0 : i32
    %get3A_102 = arith.constant 0 : i32
    %get3A_103 = arith.index_cast %get3A_101 : i32 to index
    %get3A_104 = arith.index_cast %get3A_102 : i32 to index
    %get3A_105 = arith.constant 16 : index
    %get3A_106 = tpu.vector_load %arg5[%get3A_103, %get3A_104, %get3A_105] {strides = array<i32>} : memref<2x16x32xi32, #tpu.memory_space<vmem>>, vector<1x1x16xi32>,
    %get3A_107 = vector.shape_cast %get3A_106 : vector<1x1x16xi32> to vector<16xi32>
    %add3A_108 = arith.addi %get3A_107, %add3A_37 : vector<16xi32>
    %swap3A_109 = arith.constant 0 : i32
    %swap3A_110 = arith.index_cast %swap3A_109 : i32 to index
    %swap3A_111 = arith.constant 16 : index
    %swap3A_112 = tpu.vector_load %arg6[%swap3A_110, %swap3A_111] {strides = array<i32>} : memref<2x512xi32, #tpu.memory_space<vmem>>, vector<1x16xi32>,
    %swap3A_113 = vector.shape_cast %swap3A_112 : vector<1x16xi32> to vector<16xi32>
    %swap3A_114 = vector.shape_cast %add3A_108 : vector<16xi32> to vector<1x16xi32>
    tpu.vector_store %arg6[%swap3A_110, %swap3A_111], %swap3A_114 {strides = array<i32>} : memref<2x512xi32, #tpu.memory_space<vmem>>, vector<1x16xi32>,
    %get3A_115 = arith.constant 0 : i32
    %get3A_116 = arith.constant 1 : i32
    %get3A_117 = arith.index_cast %get3A_115 : i32 to index
    %get3A_118 = arith.index_cast %get3A_116 : i32 to index
    %get3A_119 = arith.constant 0 : index
    %get3A_120 = tpu.vector_load %arg5[%get3A_117, %get3A_118, %get3A_119] {strides = array<i32>} : memref<2x16x32xi32, #tpu.memory_space<vmem>>, vector<1x1x16xi32>,
    %get3A_121 = vector.shape_cast %get3A_120 : vector<1x1x16xi32> to vector<16xi32>
    %add3A_122 = arith.addi %get3A_121, %add3A_37 : vector<16xi32>
    %swap3A_123 = arith.constant 0 : i32
    %swap3A_124 = arith.index_cast %swap3A_123 : i32 to index
    %swap3A_125 = arith.constant 32 : index
    %swap3A_126 = tpu.vector_load %arg6[%swap3A_124, %swap3A_125] {strides = array<i32>} : memref<2x512xi32, #tpu.memory_space<vmem>>, vector<1x16xi32>,
    %swap3A_127 = vector.shape_cast %swap3A_126 : vector<1x16xi32> to vector<16xi32>
    %swap3A_128 = vector.shape_cast %add3A_122 : vector<16xi32> to vector<1x16xi32>
    tpu.vector_store %arg6[%swap3A_124, %swap3A_125], %swap3A_128 {strides = array<i32>} : memref<2x512xi32, #tpu.memory_space<vmem>>, vector<1x16xi32>,
    %get3A_129 = arith.constant 0 : i32
    %get3A_130 = arith.constant 1 : i32
    %get3A_131 = arith.index_cast %get3A_129 : i32 to index
    %get3A_132 = arith.index_cast %get3A_130 : i32 to index
    %get3A_133 = arith.constant 16 : index
    %get3A_134 = tpu.vector_load %arg5[%get3A_131, %get3A_132, %get3A_133] {strides = array<i32>} : memref<2x16x32xi32, #tpu.memory_space<vmem>>, vector<1x1x16xi32>,
    %get3A_135 = vector.shape_cast %get3A_134 : vector<1x1x16xi32> to vector<16xi32>
    %add3A_136 = arith.addi %get3A_135, %add3A_37 : vector<16xi32>
    %swap3A_137 = arith.constant 0 : i32
    %swap3A_138 = arith.index_cast %swap3A_137 : i32 to index
    %swap3A_139 = arith.constant 48 : index
    %swap3A_140 = tpu.vector_load %arg6[%swap3A_138, %swap3A_139] {strides = array<i32>} : memref<2x512xi32, #tpu.memory_space<vmem>>, vector<1x16xi32>,
    %swap3A_141 = vector.shape_cast %swap3A_140 : vector<1x16xi32> to vector<16xi32>
    %swap3A_142 = vector.shape_cast %add3A_136 : vector<16xi32> to vector<1x16xi32>
    tpu.vector_store %arg6[%swap3A_138, %swap3A_139], %swap3A_142 {strides = array<i32>} : memref<2x512xi32, #tpu.memory_space<vmem>>, vector<1x16xi32>,
    %get3A_143 = arith.constant 0 : i32
    %get3A_144 = arith.constant 2 : i32
    %get3A_145 = arith.index_cast %get3A_143 : i32 to index
    %get3A_146 = arith.index_cast %get3A_144 : i32 to index
    %get3A_147 = arith.constant 0 : index
    %get3A_148 = tpu.vector_load %arg5[%get3A_145, %get3A_146, %get3A_147] {strides = array<i32>} : memref<2x16x32xi32, #tpu.memory_space<vmem>>, vector<1x1x16xi32>,
    %get3A_149 = vector.shape_cast %get3A_148 : vector<1x1x16xi32> to vector<16xi32>
    %add3A_150 = arith.addi %get3A_149, %add3A_37 : vector<16xi32>
    %swap3A_151 = arith.constant 0 : i32
    %swap3A_152 = arith.index_cast %swap3A_151 : i32 to index
    %swap3A_153 = arith.constant 64 : index
    %swap3A_154 = tpu.vector_load %arg6[%swap3A_152, %swap3A_153] {strides = array<i32>} : memref<2x512xi32, #tpu.memory_space<vmem>>, vector<1x16xi32>,
    %swap3A_155 = vector.shape_cast %swap3A_154 : vector<1x16xi32> to vector<16xi32>
    %swap3A_156 = vector.shape_cast %add3A_150 : vector<16xi32> to vector<1x16xi32>
    tpu.vector_store %arg6[%swap3A_152, %swap3A_153], %swap3A_156 {strides = array<i32>} : memref<2x512xi32, #tpu.memory_space<vmem>>, vector<1x16xi32>,
    %get3A_157 = arith.constant 0 : i32
    %get3A_158 = arith.constant 2 : i32
    %get3A_159 = arith.index_cast %get3A_157 : i32 to index
    %get3A_160 = arith.index_cast %get3A_158 : i32 to index
    %get3A_161 = arith.constant 16 : index
    %get3A_162 = tpu.vector_load %arg5[%get3A_159, %get3A_160, %get3A_161] {strides = array<i32>} : memref<2x16x32xi32, #tpu.memory_space<vmem>>, vector<1x1x16xi32>,
    %get3A_163 = vector.shape_cast %get3A_162 : vector<1x1x16xi32> to vector<16xi32>
    %add3A_164 = arith.addi %get3A_163, %add3A_37 : vector<16xi32>
    %swap3A_165 = arith.constant 0 : i32
    %swap3A_166 = arith.index_cast %swap3A_165 : i32 to index
    %swap3A_167 = arith.constant 80 : index
    %swap3A_168 = tpu.vector_load %arg6[%swap3A_166, %swap3A_167] {strides = array<i32>} : memref<2x512xi32, #tpu.memory_space<vmem>>, vector<1x16xi32>,
    %swap3A_169 = vector.shape_cast %swap3A_168 : vector<1x16xi32> to vector<16xi32>
    %swap3A_170 = vector.shape_cast %add3A_164 : vector<16xi32> to vector<1x16xi32>
    tpu.vector_store %arg6[%swap3A_166, %swap3A_167], %swap3A_170 {strides = array<i32>} : memref<2x512xi32, #tpu.memory_space<vmem>>, vector<1x16xi32>,
    %get3A_171 = arith.constant 0 : i32
    %get3A_172 = arith.constant 3 : i32
    %get3A_173 = arith.index_cast %get3A_171 : i32 to index
    %get3A_174 = arith.index_cast %get3A_172 : i32 to index
    %get3A_175 = arith.constant 0 : index
    %get3A_176 = tpu.vector_load %arg5[%get3A_173, %get3A_174, %get3A_175] {strides = array<i32>} : memref<2x16x32xi32, #tpu.memory_space<vmem>>, vector<1x1x16xi32>,
    %get3A_177 = vector.shape_cast %get3A_176 : vector<1x1x16xi32> to vector<16xi32>
    %add3A_178 = arith.addi %get3A_177, %add3A_37 : vector<16xi32>
    %swap3A_179 = arith.constant 0 : i32
    %swap3A_180 = arith.index_cast %swap3A_179 : i32 to index
    %swap3A_181 = arith.constant 96 : index
    %swap3A_182 = tpu.vector_load %arg6[%swap3A_180, %swap3A_181] {strides = array<i32>} : memref<2x512xi32, #tpu.memory_space<vmem>>, vector<1x16xi32>,
    %swap3A_183 = vector.shape_cast %swap3A_182 : vector<1x16xi32> to vector<16xi32>
    %swap3A_184 = vector.shape_cast %add3A_178 : vector<16xi32> to vector<1x16xi32>
    tpu.vector_store %arg6[%swap3A_180, %swap3A_181], %swap3A_184 {strides = array<i32>} : memref<2x512xi32, #tpu.memory_space<vmem>>, vector<1x16xi32>,
    %get3A_185 = arith.constant 0 : i32
    %get3A_186 = arith.constant 3 : i32
    %get3A_187 = arith.index_cast %get3A_185 : i32 to index
    %get3A_188 = arith.index_cast %get3A_186 : i32 to index
    %get3A_189 = arith.constant 16 : index
    %get3A_190 = tpu.vector_load %arg5[%get3A_187, %get3A_188, %get3A_189] {strides = array<i32>} : memref<2x16x32xi32, #tpu.memory_space<vmem>>, vector<1x1x16xi32>,
    %get3A_191 = vector.shape_cast %get3A_190 : vector<1x1x16xi32> to vector<16xi32>
    %add3A_192 = arith.addi %get3A_191, %add3A_37 : vector<16xi32>
    %swap3A_193 = arith.constant 0 : i32
    %swap3A_194 = arith.index_cast %swap3A_193 : i32 to index
    %swap3A_195 = arith.constant 112 : index
    %swap3A_196 = tpu.vector_load %arg6[%swap3A_194, %swap3A_195] {strides = array<i32>} : memref<2x512xi32, #tpu.memory_space<vmem>>, vector<1x16xi32>,
    %swap3A_197 = vector.shape_cast %swap3A_196 : vector<1x16xi32> to vector<16xi32>
    %swap3A_198 = vector.shape_cast %add3A_192 : vector<16xi32> to vector<1x16xi32>
    tpu.vector_store %arg6[%swap3A_194, %swap3A_195], %swap3A_198 {strides = array<i32>} : memref<2x512xi32, #tpu.memory_space<vmem>>, vector<1x16xi32>,
    %get3A_199 = arith.constant 0 : i32
    %get3A_200 = arith.constant 4 : i32
    %get3A_201 = arith.index_cast %get3A_199 : i32 to index
    %get3A_202 = arith.index_cast %get3A_200 : i32 to index
    %get3A_203 = arith.constant 0 : index
    %get3A_204 = tpu.vector_load %arg5[%get3A_201, %get3A_202, %get3A_203] {strides = array<i32>} : memref<2x16x32xi32, #tpu.memory_space<vmem>>, vector<1x1x16xi32>,
    %get3A_205 = vector.shape_cast %get3A_204 : vector<1x1x16xi32> to vector<16xi32>
    %add3A_206 = arith.addi %get3A_205, %add3A_37 : vector<16xi32>
    %swap3A_207 = arith.constant 0 : i32
    %swap3A_208 = arith.index_cast %swap3A_207 : i32 to index
    %swap3A_209 = arith.constant 128 : index
    %swap3A_210 = tpu.vector_load %arg6[%swap3A_208, %swap3A_209] {strides = array<i32>} : memref<2x512xi32, #tpu.memory_space<vmem>>, vector<1x16xi32>,
    %swap3A_211 = vector.shape_cast %swap3A_210 : vector<1x16xi32> to vector<16xi32>
    %swap3A_212 = vector.shape_cast %add3A_206 : vector<16xi32> to vector<1x16xi32>
    tpu.vector_store %arg6[%swap3A_208, %swap3A_209], %swap3A_212 {strides = array<i32>} : memref<2x512xi32, #tpu.memory_space<vmem>>, vector<1x16xi32>,
    %get3A_213 = arith.constant 0 : i32
    %get3A_214 = arith.constant 4 : i32
    %get3A_215 = arith.index_cast %get3A_213 : i32 to index
    %get3A_216 = arith.index_cast %get3A_214 : i32 to index
    %get3A_217 = arith.constant 16 : index
    %get3A_218 = tpu.vector_load %arg5[%get3A_215, %get3A_216, %get3A_217] {strides = array<i32>} : memref<2x16x32xi32, #tpu.memory_space<vmem>>, vector<1x1x16xi32>,
    %get3A_219 = vector.shape_cast %get3A_218 : vector<1x1x16xi32> to vector<16xi32>
    %add3A_220 = arith.addi %get3A_219, %add3A_37 : vector<16xi32>
    %swap3A_221 = arith.constant 0 : i32
    %swap3A_222 = arith.index_cast %swap3A_221 : i32 to index
    %swap3A_223 = arith.constant 144 : index
    %swap3A_224 = tpu.vector_load %arg6[%swap3A_222, %swap3A_223] {strides = array<i32>} : memref<2x512xi32, #tpu.memory_space<vmem>>, vector<1x16xi32>,
    %swap3A_225 = vector.shape_cast %swap3A_224 : vector<1x16xi32> to vector<16xi32>
    %swap3A_226 = vector.shape_cast %add3A_220 : vector<16xi32> to vector<1x16xi32>
    tpu.vector_store %arg6[%swap3A_222, %swap3A_223], %swap3A_226 {strides = array<i32>} : memref<2x512xi32, #tpu.memory_space<vmem>>, vector<1x16xi32>,
    %get3A_227 = arith.constant 0 : i32
    %get3A_228 = arith.constant 5 : i32
    %get3A_229 = arith.index_cast %get3A_227 : i32 to index
    %get3A_230 = arith.index_cast %get3A_228 : i32 to index
    %get3A_231 = arith.constant 0 : index
    %get3A_232 = tpu.vector_load %arg5[%get3A_229, %get3A_230, %get3A_231] {strides = array<i32>} : memref<2x16x32xi32, #tpu.memory_space<vmem>>, vector<1x1x16xi32>,
    %get3A_233 = vector.shape_cast %get3A_232 : vector<1x1x16xi32> to vector<16xi32>
    %add3A_234 = arith.addi %get3A_233, %add3A_37 : vector<16xi32>
    %swap3A_235 = arith.constant 0 : i32
    %swap3A_236 = arith.index_cast %swap3A_235 : i32 to index
    %swap3A_237 = arith.constant 160 : index
    %swap3A_238 = tpu.vector_load %arg6[%swap3A_236, %swap3A_237] {strides = array<i32>} : memref<2x512xi32, #tpu.memory_space<vmem>>, vector<1x16xi32>,
    %swap3A_239 = vector.shape_cast %swap3A_238 : vector<1x16xi32> to vector<16xi32>
    %swap3A_240 = vector.shape_cast %add3A_234 : vector<16xi32> to vector<1x16xi32>
    tpu.vector_store %arg6[%swap3A_236, %swap3A_237], %swap3A_240 {strides = array<i32>} : memref<2x512xi32, #tpu.memory_space<vmem>>, vector<1x16xi32>,
    %get3A_241 = arith.constant 0 : i32
    %get3A_242 = arith.constant 5 : i32
    %get3A_243 = arith.index_cast %get3A_241 : i32 to index
    %get3A_244 = arith.index_cast %get3A_242 : i32 to index
    %get3A_245 = arith.constant 16 : index
    %get3A_246 = tpu.vector_load %arg5[%get3A_243, %get3A_244, %get3A_245] {strides = array<i32>} : memref<2x16x32xi32, #tpu.memory_space<vmem>>, vector<1x1x16xi32>,
    %get3A_247 = vector.shape_cast %get3A_246 : vector<1x1x16xi32> to vector<16xi32>
    %add3A_248 = arith.addi %get3A_247, %add3A_37 : vector<16xi32>
    %swap3A_249 = arith.constant 0 : i32
    %swap3A_250 = arith.index_cast %swap3A_249 : i32 to index
    %swap3A_251 = arith.constant 176 : index
    %swap3A_252 = tpu.vector_load %arg6[%swap3A_250, %swap3A_251] {strides = array<i32>} : memref<2x512xi32, #tpu.memory_space<vmem>>, vector<1x16xi32>,
    %swap3A_253 = vector.shape_cast %swap3A_252 : vector<1x16xi32> to vector<16xi32>
    %swap3A_254 = vector.shape_cast %add3A_248 : vector<16xi32> to vector<1x16xi32>
    tpu.vector_store %arg6[%swap3A_250, %swap3A_251], %swap3A_254 {strides = array<i32>} : memref<2x512xi32, #tpu.memory_space<vmem>>, vector<1x16xi32>,
    %get3A_255 = arith.constant 0 : i32
    %get3A_256 = arith.constant 6 : i32
    %get3A_257 = arith.index_cast %get3A_255 : i32 to index
    %get3A_258 = arith.index_cast %get3A_256 : i32 to index
    %get3A_259 = arith.constant 0 : index
    %get3A_260 = tpu.vector_load %arg5[%get3A_257, %get3A_258, %get3A_259] {strides = array<i32>} : memref<2x16x32xi32, #tpu.memory_space<vmem>>, vector<1x1x16xi32>,
    %get3A_261 = vector.shape_cast %get3A_260 : vector<1x1x16xi32> to vector<16xi32>
    %add3A_262 = arith.addi %get3A_261, %add3A_37 : vector<16xi32>
    %swap3A_263 = arith.constant 0 : i32
    %swap3A_264 = arith.index_cast %swap3A_263 : i32 to index
    %swap3A_265 = arith.constant 192 : index
    %swap3A_266 = tpu.vector_load %arg6[%swap3A_264, %swap3A_265] {strides = array<i32>} : memref<2x512xi32, #tpu.memory_space<vmem>>, vector<1x16xi32>,
    %swap3A_267 = vector.shape_cast %swap3A_266 : vector<1x16xi32> to vector<16xi32>
    %swap3A_268 = vector.shape_cast %add3A_262 : vector<16xi32> to vector<1x16xi32>
    tpu.vector_store %arg6[%swap3A_264, %swap3A_265], %swap3A_268 {strides = array<i32>} : memref<2x512xi32, #tpu.memory_space<vmem>>, vector<1x16xi32>,
    %get3A_269 = arith.constant 0 : i32
    %get3A_270 = arith.constant 6 : i32
    %get3A_271 = arith.index_cast %get3A_269 : i32 to index
    %get3A_272 = arith.index_cast %get3A_270 : i32 to index
    %get3A_273 = arith.constant 16 : index
    %get3A_274 = tpu.vector_load %arg5[%get3A_271, %get3A_272, %get3A_273] {strides = array<i32>} : memref<2x16x32xi32, #tpu.memory_space<vmem>>, vector<1x1x16xi32>,
    %get3A_275 = vector.shape_cast %get3A_274 : vector<1x1x16xi32> to vector<16xi32>
    %add3A_276 = arith.addi %get3A_275, %add3A_37 : vector<16xi32>
    %swap3A_277 = arith.constant 0 : i32
    %swap3A_278 = arith.index_cast %swap3A_277 : i32 to index
    %swap3A_279 = arith.constant 208 : index
    %swap3A_280 = tpu.vector_load %arg6[%swap3A_278, %swap3A_279] {strides = array<i32>} : memref<2x512xi32, #tpu.memory_space<vmem>>, vector<1x16xi32>,
    %swap3A_281 = vector.shape_cast %swap3A_280 : vector<1x16xi32> to vector<16xi32>
    %swap3A_282 = vector.shape_cast %add3A_276 : vector<16xi32> to vector<1x16xi32>
    tpu.vector_store %arg6[%swap3A_278, %swap3A_279], %swap3A_282 {strides = array<i32>} : memref<2x512xi32, #tpu.memory_space<vmem>>, vector<1x16xi32>,
    %get3A_283 = arith.constant 0 : i32
    %get3A_284 = arith.constant 7 : i32
    %get3A_285 = arith.index_cast %get3A_283 : i32 to index
    %get3A_286 = arith.index_cast %get3A_284 : i32 to index
    %get3A_287 = arith.constant 0 : index
    %get3A_288 = tpu.vector_load %arg5[%get3A_285, %get3A_286, %get3A_287] {strides = array<i32>} : memref<2x16x32xi32, #tpu.memory_space<vmem>>, vector<1x1x16xi32>,
    %get3A_289 = vector.shape_cast %get3A_288 : vector<1x1x16xi32> to vector<16xi32>
    %add3A_290 = arith.addi %get3A_289, %add3A_37 : vector<16xi32>
    %swap3A_291 = arith.constant 0 : i32
    %swap3A_292 = arith.index_cast %swap3A_291 : i32 to index
    %swap3A_293 = arith.constant 224 : index
    %swap3A_294 = tpu.vector_load %arg6[%swap3A_292, %swap3A_293] {strides = array<i32>} : memref<2x512xi32, #tpu.memory_space<vmem>>, vector<1x16xi32>,
    %swap3A_295 = vector.shape_cast %swap3A_294 : vector<1x16xi32> to vector<16xi32>
    %swap3A_296 = vector.shape_cast %add3A_290 : vector<16xi32> to vector<1x16xi32>
    tpu.vector_store %arg6[%swap3A_292, %swap3A_293], %swap3A_296 {strides = array<i32>} : memref<2x512xi32, #tpu.memory_space<vmem>>, vector<1x16xi32>,
    %get3A_297 = arith.constant 0 : i32
    %get3A_298 = arith.constant 7 : i32
    %get3A_299 = arith.index_cast %get3A_297 : i32 to index
    %get3A_300 = arith.index_cast %get3A_298 : i32 to index
    %get3A_301 = arith.constant 16 : index
    %get3A_302 = tpu.vector_load %arg5[%get3A_299, %get3A_300, %get3A_301] {strides = array<i32>} : memref<2x16x32xi32, #tpu.memory_space<vmem>>, vector<1x1x16xi32>,
    %get3A_303 = vector.shape_cast %get3A_302 : vector<1x1x16xi32> to vector<16xi32>
    %add3A_304 = arith.addi %get3A_303, %add3A_37 : vector<16xi32>
    %swap3A_305 = arith.constant 0 : i32
    %swap3A_306 = arith.index_cast %swap3A_305 : i32 to index
    %swap3A_307 = arith.constant 240 : index
    %swap3A_308 = tpu.vector_load %arg6[%swap3A_306, %swap3A_307] {strides = array<i32>} : memref<2x512xi32, #tpu.memory_space<vmem>>, vector<1x16xi32>,
    %swap3A_309 = vector.shape_cast %swap3A_308 : vector<1x16xi32> to vector<16xi32>
    %swap3A_310 = vector.shape_cast %add3A_304 : vector<16xi32> to vector<1x16xi32>
    tpu.vector_store %arg6[%swap3A_306, %swap3A_307], %swap3A_310 {strides = array<i32>} : memref<2x512xi32, #tpu.memory_space<vmem>>, vector<1x16xi32>,
    %get3A_311 = arith.constant 0 : i32
    %get3A_312 = arith.constant 8 : i32
    %get3A_313 = arith.index_cast %get3A_311 : i32 to index
    %get3A_314 = arith.index_cast %get3A_312 : i32 to index
    %get3A_315 = arith.constant 0 : index
    %get3A_316 = tpu.vector_load %arg5[%get3A_313, %get3A_314, %get3A_315] {strides = array<i32>} : memref<2x16x32xi32, #tpu.memory_space<vmem>>, vector<1x1x16xi32>,
    %get3A_317 = vector.shape_cast %get3A_316 : vector<1x1x16xi32> to vector<16xi32>
    %add3A_318 = arith.addi %get3A_317, %add3A_37 : vector<16xi32>
    %swap3A_319 = arith.constant 0 : i32
    %swap3A_320 = arith.index_cast %swap3A_319 : i32 to index
    %swap3A_321 = arith.constant 256 : index
    %swap3A_322 = tpu.vector_load %arg6[%swap3A_320, %swap3A_321] {strides = array<i32>} : memref<2x512xi32, #tpu.memory_space<vmem>>, vector<1x16xi32>,
    %swap3A_323 = vector.shape_cast %swap3A_322 : vector<1x16xi32> to vector<16xi32>
    %swap3A_324 = vector.shape_cast %add3A_318 : vector<16xi32> to vector<1x16xi32>
    tpu.vector_store %arg6[%swap3A_320, %swap3A_321], %swap3A_324 {strides = array<i32>} : memref<2x512xi32, #tpu.memory_space<vmem>>, vector<1x16xi32>,
    %get3A_325 = arith.constant 0 : i32
    %get3A_326 = arith.constant 8 : i32
    %get3A_327 = arith.index_cast %get3A_325 : i32 to index
    %get3A_328 = arith.index_cast %get3A_326 : i32 to index
    %get3A_329 = arith.constant 16 : index
    %get3A_330 = tpu.vector_load %arg5[%get3A_327, %get3A_328, %get3A_329] {strides = array<i32>} : memref<2x16x32xi32, #tpu.memory_space<vmem>>, vector<1x1x16xi32>,
    %get3A_331 = vector.shape_cast %get3A_330 : vector<1x1x16xi32> to vector<16xi32>
    %add3A_332 = arith.addi %get3A_331, %add3A_37 : vector<16xi32>
    %swap3A_333 = arith.constant 0 : i32
    %swap3A_334 = arith.index_cast %swap3A_333 : i32 to index
    %swap3A_335 = arith.constant 272 : index
    %swap3A_336 = tpu.vector_load %arg6[%swap3A_334, %swap3A_335] {strides = array<i32>} : memref<2x512xi32, #tpu.memory_space<vmem>>, vector<1x16xi32>,
    %swap3A_337 = vector.shape_cast %swap3A_336 : vector<1x16xi32> to vector<16xi32>
    %swap3A_338 = vector.shape_cast %add3A_332 : vector<16xi32> to vector<1x16xi32>
    tpu.vector_store %arg6[%swap3A_334, %swap3A_335], %swap3A_338 {strides = array<i32>} : memref<2x512xi32, #tpu.memory_space<vmem>>, vector<1x16xi32>,
    %get3A_339 = arith.constant 0 : i32
    %get3A_340 = arith.constant 9 : i32
    %get3A_341 = arith.index_cast %get3A_339 : i32 to index
    %get3A_342 = arith.index_cast %get3A_340 : i32 to index
    %get3A_343 = arith.constant 0 : index
    %get3A_344 = tpu.vector_load %arg5[%get3A_341, %get3A_342, %get3A_343] {strides = array<i32>} : memref<2x16x32xi32, #tpu.memory_space<vmem>>, vector<1x1x16xi32>,
    %get3A_345 = vector.shape_cast %get3A_344 : vector<1x1x16xi32> to vector<16xi32>
    %add3A_346 = arith.addi %get3A_345, %add3A_37 : vector<16xi32>
    %swap3A_347 = arith.constant 0 : i32
    %swap3A_348 = arith.index_cast %swap3A_347 : i32 to index
    %swap3A_349 = arith.constant 288 : index
    %swap3A_350 = tpu.vector_load %arg6[%swap3A_348, %swap3A_349] {strides = array<i32>} : memref<2x512xi32, #tpu.memory_space<vmem>>, vector<1x16xi32>,
    %swap3A_351 = vector.shape_cast %swap3A_350 : vector<1x16xi32> to vector<16xi32>
    %swap3A_352 = vector.shape_cast %add3A_346 : vector<16xi32> to vector<1x16xi32>
    tpu.vector_store %arg6[%swap3A_348, %swap3A_349], %swap3A_352 {strides = array<i32>} : memref<2x512xi32, #tpu.memory_space<vmem>>, vector<1x16xi32>,
    %get3A_353 = arith.constant 0 : i32
    %get3A_354 = arith.constant 9 : i32
    %get3A_355 = arith.index_cast %get3A_353 : i32 to index
    %get3A_356 = arith.index_cast %get3A_354 : i32 to index
    %get3A_357 = arith.constant 16 : index
    %get3A_358 = tpu.vector_load %arg5[%get3A_355, %get3A_356, %get3A_357] {strides = array<i32>} : memref<2x16x32xi32, #tpu.memory_space<vmem>>, vector<1x1x16xi32>,
    %get3A_359 = vector.shape_cast %get3A_358 : vector<1x1x16xi32> to vector<16xi32>
    %add3A_360 = arith.addi %get3A_359, %add3A_37 : vector<16xi32>
    %swap3A_361 = arith.constant 0 : i32
    %swap3A_362 = arith.index_cast %swap3A_361 : i32 to index
    %swap3A_363 = arith.constant 304 : index
    %swap3A_364 = tpu.vector_load %arg6[%swap3A_362, %swap3A_363] {strides = array<i32>} : memref<2x512xi32, #tpu.memory_space<vmem>>, vector<1x16xi32>,
    %swap3A_365 = vector.shape_cast %swap3A_364 : vector<1x16xi32> to vector<16xi32>
    %swap3A_366 = vector.shape_cast %add3A_360 : vector<16xi32> to vector<1x16xi32>
    tpu.vector_store %arg6[%swap3A_362, %swap3A_363], %swap3A_366 {strides = array<i32>} : memref<2x512xi32, #tpu.memory_space<vmem>>, vector<1x16xi32>,
    %get3A_367 = arith.constant 0 : i32
    %get3A_368 = arith.constant 10 : i32
    %get3A_369 = arith.index_cast %get3A_367 : i32 to index
    %get3A_370 = arith.index_cast %get3A_368 : i32 to index
    %get3A_371 = arith.constant 0 : index
    %get3A_372 = tpu.vector_load %arg5[%get3A_369, %get3A_370, %get3A_371] {strides = array<i32>} : memref<2x16x32xi32, #tpu.memory_space<vmem>>, vector<1x1x16xi32>,
    %get3A_373 = vector.shape_cast %get3A_372 : vector<1x1x16xi32> to vector<16xi32>
    %add3A_374 = arith.addi %get3A_373, %add3A_37 : vector<16xi32>
    %swap3A_375 = arith.constant 0 : i32
    %swap3A_376 = arith.index_cast %swap3A_375 : i32 to index
    %swap3A_377 = arith.constant 320 : index
    %swap3A_378 = tpu.vector_load %arg6[%swap3A_376, %swap3A_377] {strides = array<i32>} : memref<2x512xi32, #tpu.memory_space<vmem>>, vector<1x16xi32>,
    %swap3A_379 = vector.shape_cast %swap3A_378 : vector<1x16xi32> to vector<16xi32>
    %swap3A_380 = vector.shape_cast %add3A_374 : vector<16xi32> to vector<1x16xi32>
    tpu.vector_store %arg6[%swap3A_376, %swap3A_377], %swap3A_380 {strides = array<i32>} : memref<2x512xi32, #tpu.memory_space<vmem>>, vector<1x16xi32>,
    %get3A_381 = arith.constant 0 : i32
    %get3A_382 = arith.constant 10 : i32
    %get3A_383 = arith.index_cast %get3A_381 : i32 to index
    %get3A_384 = arith.index_cast %get3A_382 : i32 to index
    %get3A_385 = arith.constant 16 : index
    %get3A_386 = tpu.vector_load %arg5[%get3A_383, %get3A_384, %get3A_385] {strides = array<i32>} : memref<2x16x32xi32, #tpu.memory_space<vmem>>, vector<1x1x16xi32>,
    %get3A_387 = vector.shape_cast %get3A_386 : vector<1x1x16xi32> to vector<16xi32>
    %add3A_388 = arith.addi %get3A_387, %add3A_37 : vector<16xi32>
    %swap3A_389 = arith.constant 0 : i32
    %swap3A_390 = arith.index_cast %swap3A_389 : i32 to index
    %swap3A_391 = arith.constant 336 : index
    %swap3A_392 = tpu.vector_load %arg6[%swap3A_390, %swap3A_391] {strides = array<i32>} : memref<2x512xi32, #tpu.memory_space<vmem>>, vector<1x16xi32>,
    %swap3A_393 = vector.shape_cast %swap3A_392 : vector<1x16xi32> to vector<16xi32>
    %swap3A_394 = vector.shape_cast %add3A_388 : vector<16xi32> to vector<1x16xi32>
    tpu.vector_store %arg6[%swap3A_390, %swap3A_391], %swap3A_394 {strides = array<i32>} : memref<2x512xi32, #tpu.memory_space<vmem>>, vector<1x16xi32>,
    %get3A_395 = arith.constant 0 : i32
    %get3A_396 = arith.constant 11 : i32
    %get3A_397 = arith.index_cast %get3A_395 : i32 to index
    %get3A_398 = arith.index_cast %get3A_396 : i32 to index
    %get3A_399 = arith.constant 0 : index
    %get3A_400 = tpu.vector_load %arg5[%get3A_397, %get3A_398, %get3A_399] {strides = array<i32>} : memref<2x16x32xi32, #tpu.memory_space<vmem>>, vector<1x1x16xi32>,
    %get3A_401 = vector.shape_cast %get3A_400 : vector<1x1x16xi32> to vector<16xi32>
    %add3A_402 = arith.addi %get3A_401, %add3A_37 : vector<16xi32>
    %swap3A_403 = arith.constant 0 : i32
    %swap3A_404 = arith.index_cast %swap3A_403 : i32 to index
    %swap3A_405 = arith.constant 352 : index
    %swap3A_406 = tpu.vector_load %arg6[%swap3A_404, %swap3A_405] {strides = array<i32>} : memref<2x512xi32, #tpu.memory_space<vmem>>, vector<1x16xi32>,
    %swap3A_407 = vector.shape_cast %swap3A_406 : vector<1x16xi32> to vector<16xi32>
    %swap3A_408 = vector.shape_cast %add3A_402 : vector<16xi32> to vector<1x16xi32>
    tpu.vector_store %arg6[%swap3A_404, %swap3A_405], %swap3A_408 {strides = array<i32>} : memref<2x512xi32, #tpu.memory_space<vmem>>, vector<1x16xi32>,
    %get3A_409 = arith.constant 0 : i32
    %get3A_410 = arith.constant 11 : i32
    %get3A_411 = arith.index_cast %get3A_409 : i32 to index
    %get3A_412 = arith.index_cast %get3A_410 : i32 to index
    %get3A_413 = arith.constant 16 : index
    %get3A_414 = tpu.vector_load %arg5[%get3A_411, %get3A_412, %get3A_413] {strides = array<i32>} : memref<2x16x32xi32, #tpu.memory_space<vmem>>, vector<1x1x16xi32>,
    %get3A_415 = vector.shape_cast %get3A_414 : vector<1x1x16xi32> to vector<16xi32>
    %add3A_416 = arith.addi %get3A_415, %add3A_37 : vector<16xi32>
    %swap3A_417 = arith.constant 0 : i32
    %swap3A_418 = arith.index_cast %swap3A_417 : i32 to index
    %swap3A_419 = arith.constant 368 : index
    %swap3A_420 = tpu.vector_load %arg6[%swap3A_418, %swap3A_419] {strides = array<i32>} : memref<2x512xi32, #tpu.memory_space<vmem>>, vector<1x16xi32>,
    %swap3A_421 = vector.shape_cast %swap3A_420 : vector<1x16xi32> to vector<16xi32>
    %swap3A_422 = vector.shape_cast %add3A_416 : vector<16xi32> to vector<1x16xi32>
    tpu.vector_store %arg6[%swap3A_418, %swap3A_419], %swap3A_422 {strides = array<i32>} : memref<2x512xi32, #tpu.memory_space<vmem>>, vector<1x16xi32>,
    %get3A_423 = arith.constant 0 : i32
    %get3A_424 = arith.constant 12 : i32
    %get3A_425 = arith.index_cast %get3A_423 : i32 to index
    %get3A_426 = arith.index_cast %get3A_424 : i32 to index
    %get3A_427 = arith.constant 0 : index
    %get3A_428 = tpu.vector_load %arg5[%get3A_425, %get3A_426, %get3A_427] {strides = array<i32>} : memref<2x16x32xi32, #tpu.memory_space<vmem>>, vector<1x1x16xi32>,
    %get3A_429 = vector.shape_cast %get3A_428 : vector<1x1x16xi32> to vector<16xi32>
    %add3A_430 = arith.addi %get3A_429, %add3A_37 : vector<16xi32>
    %swap3A_431 = arith.constant 0 : i32
    %swap3A_432 = arith.index_cast %swap3A_431 : i32 to index
    %swap3A_433 = arith.constant 384 : index
    %swap3A_434 = tpu.vector_load %arg6[%swap3A_432, %swap3A_433] {strides = array<i32>} : memref<2x512xi32, #tpu.memory_space<vmem>>, vector<1x16xi32>,
    %swap3A_435 = vector.shape_cast %swap3A_434 : vector<1x16xi32> to vector<16xi32>
    %swap3A_436 = vector.shape_cast %add3A_430 : vector<16xi32> to vector<1x16xi32>
    tpu.vector_store %arg6[%swap3A_432, %swap3A_433], %swap3A_436 {strides = array<i32>} : memref<2x512xi32, #tpu.memory_space<vmem>>, vector<1x16xi32>,
    %get3A_437 = arith.constant 0 : i32
    %get3A_438 = arith.constant 12 : i32
    %get3A_439 = arith.index_cast %get3A_437 : i32 to index
    %get3A_440 = arith.index_cast %get3A_438 : i32 to index
    %get3A_441 = arith.constant 16 : index
    %get3A_442 = tpu.vector_load %arg5[%get3A_439, %get3A_440, %get3A_441] {strides = array<i32>} : memref<2x16x32xi32, #tpu.memory_space<vmem>>, vector<1x1x16xi32>,
    %get3A_443 = vector.shape_cast %get3A_442 : vector<1x1x16xi32> to vector<16xi32>
    %add3A_444 = arith.addi %get3A_443, %add3A_37 : vector<16xi32>
    %swap3A_445 = arith.constant 0 : i32
    %swap3A_446 = arith.index_cast %swap3A_445 : i32 to index
    %swap3A_447 = arith.constant 400 : index
    %swap3A_448 = tpu.vector_load %arg6[%swap3A_446, %swap3A_447] {strides = array<i32>} : memref<2x512xi32, #tpu.memory_space<vmem>>, vector<1x16xi32>,
    %swap3A_449 = vector.shape_cast %swap3A_448 : vector<1x16xi32> to vector<16xi32>
    %swap3A_450 = vector.shape_cast %add3A_444 : vector<16xi32> to vector<1x16xi32>
    tpu.vector_store %arg6[%swap3A_446, %swap3A_447], %swap3A_450 {strides = array<i32>} : memref<2x512xi32, #tpu.memory_space<vmem>>, vector<1x16xi32>,
    %get3A_451 = arith.constant 0 : i32
    %get3A_452 = arith.constant 13 : i32
    %get3A_453 = arith.index_cast %get3A_451 : i32 to index
    %get3A_454 = arith.index_cast %get3A_452 : i32 to index
    %get3A_455 = arith.constant 0 : index
    %get3A_456 = tpu.vector_load %arg5[%get3A_453, %get3A_454, %get3A_455] {strides = array<i32>} : memref<2x16x32xi32, #tpu.memory_space<vmem>>, vector<1x1x16xi32>,
    %get3A_457 = vector.shape_cast %get3A_456 : vector<1x1x16xi32> to vector<16xi32>
    %add3A_458 = arith.addi %get3A_457, %add3A_37 : vector<16xi32>
    %swap3A_459 = arith.constant 0 : i32
    %swap3A_460 = arith.index_cast %swap3A_459 : i32 to index
    %swap3A_461 = arith.constant 416 : index
    %swap3A_462 = tpu.vector_load %arg6[%swap3A_460, %swap3A_461] {strides = array<i32>} : memref<2x512xi32, #tpu.memory_space<vmem>>, vector<1x16xi32>,
    %swap3A_463 = vector.shape_cast %swap3A_462 : vector<1x16xi32> to vector<16xi32>
    %swap3A_464 = vector.shape_cast %add3A_458 : vector<16xi32> to vector<1x16xi32>
    tpu.vector_store %arg6[%swap3A_460, %swap3A_461], %swap3A_464 {strides = array<i32>} : memref<2x512xi32, #tpu.memory_space<vmem>>, vector<1x16xi32>,
    %get3A_465 = arith.constant 0 : i32
    %get3A_466 = arith.constant 13 : i32
    %get3A_467 = arith.index_cast %get3A_465 : i32 to index
    %get3A_468 = arith.index_cast %get3A_466 : i32 to index
    %get3A_469 = arith.constant 16 : index
    %get3A_470 = tpu.vector_load %arg5[%get3A_467, %get3A_468, %get3A_469] {strides = array<i32>} : memref<2x16x32xi32, #tpu.memory_space<vmem>>, vector<1x1x16xi32>,
    %get3A_471 = vector.shape_cast %get3A_470 : vector<1x1x16xi32> to vector<16xi32>
    %add3A_472 = arith.addi %get3A_471, %add3A_37 : vector<16xi32>
    %swap3A_473 = arith.constant 0 : i32
    %swap3A_474 = arith.index_cast %swap3A_473 : i32 to index
    %swap3A_475 = arith.constant 432 : index
    %swap3A_476 = tpu.vector_load %arg6[%swap3A_474, %swap3A_475] {strides = array<i32>} : memref<2x512xi32, #tpu.memory_space<vmem>>, vector<1x16xi32>,
    %swap3A_477 = vector.shape_cast %swap3A_476 : vector<1x16xi32> to vector<16xi32>
    %swap3A_478 = vector.shape_cast %add3A_472 : vector<16xi32> to vector<1x16xi32>
    tpu.vector_store %arg6[%swap3A_474, %swap3A_475], %swap3A_478 {strides = array<i32>} : memref<2x512xi32, #tpu.memory_space<vmem>>, vector<1x16xi32>,
    %get3A_479 = arith.constant 0 : i32
    %get3A_480 = arith.constant 14 : i32
    %get3A_481 = arith.index_cast %get3A_479 : i32 to index
    %get3A_482 = arith.index_cast %get3A_480 : i32 to index
    %get3A_483 = arith.constant 0 : index
    %get3A_484 = tpu.vector_load %arg5[%get3A_481, %get3A_482, %get3A_483] {strides = array<i32>} : memref<2x16x32xi32, #tpu.memory_space<vmem>>, vector<1x1x16xi32>,
    %get3A_485 = vector.shape_cast %get3A_484 : vector<1x1x16xi32> to vector<16xi32>
    %add3A_486 = arith.addi %get3A_485, %add3A_37 : vector<16xi32>
    %swap3A_487 = arith.constant 0 : i32
    %swap3A_488 = arith.index_cast %swap3A_487 : i32 to index
    %swap3A_489 = arith.constant 448 : index
    %swap3A_490 = tpu.vector_load %arg6[%swap3A_488, %swap3A_489] {strides = array<i32>} : memref<2x512xi32, #tpu.memory_space<vmem>>, vector<1x16xi32>,
    %swap3A_491 = vector.shape_cast %swap3A_490 : vector<1x16xi32> to vector<16xi32>
    %swap3A_492 = vector.shape_cast %add3A_486 : vector<16xi32> to vector<1x16xi32>
    tpu.vector_store %arg6[%swap3A_488, %swap3A_489], %swap3A_492 {strides = array<i32>} : memref<2x512xi32, #tpu.memory_space<vmem>>, vector<1x16xi32>,
    %get3A_493 = arith.constant 0 : i32
    %get3A_494 = arith.constant 14 : i32
    %get3A_495 = arith.index_cast %get3A_493 : i32 to index
    %get3A_496 = arith.index_cast %get3A_494 : i32 to index
    %get3A_497 = arith.constant 16 : index
    %get3A_498 = tpu.vector_load %arg5[%get3A_495, %get3A_496, %get3A_497] {strides = array<i32>} : memref<2x16x32xi32, #tpu.memory_space<vmem>>, vector<1x1x16xi32>,
    %get3A_499 = vector.shape_cast %get3A_498 : vector<1x1x16xi32> to vector<16xi32>
    %add3A_500 = arith.addi %get3A_499, %add3A_37 : vector<16xi32>
    %swap3A_501 = arith.constant 0 : i32
    %swap3A_502 = arith.index_cast %swap3A_501 : i32 to index
    %swap3A_503 = arith.constant 464 : index
    %swap3A_504 = tpu.vector_load %arg6[%swap3A_502, %swap3A_503] {strides = array<i32>} : memref<2x512xi32, #tpu.memory_space<vmem>>, vector<1x16xi32>,
    %swap3A_505 = vector.shape_cast %swap3A_504 : vector<1x16xi32> to vector<16xi32>
    %swap3A_506 = vector.shape_cast %add3A_500 : vector<16xi32> to vector<1x16xi32>
    tpu.vector_store %arg6[%swap3A_502, %swap3A_503], %swap3A_506 {strides = array<i32>} : memref<2x512xi32, #tpu.memory_space<vmem>>, vector<1x16xi32>,
    %get3A_507 = arith.constant 0 : i32
    %get3A_508 = arith.constant 15 : i32
    %get3A_509 = arith.index_cast %get3A_507 : i32 to index
    %get3A_510 = arith.index_cast %get3A_508 : i32 to index
    %get3A_511 = arith.constant 0 : index
    %get3A_512 = tpu.vector_load %arg5[%get3A_509, %get3A_510, %get3A_511] {strides = array<i32>} : memref<2x16x32xi32, #tpu.memory_space<vmem>>, vector<1x1x16xi32>,
    %get3A_513 = vector.shape_cast %get3A_512 : vector<1x1x16xi32> to vector<16xi32>
    %add3A_514 = arith.addi %get3A_513, %add3A_37 : vector<16xi32>
    %swap3A_515 = arith.constant 0 : i32
    %swap3A_516 = arith.index_cast %swap3A_515 : i32 to index
    %swap3A_517 = arith.constant 480 : index
    %swap3A_518 = tpu.vector_load %arg6[%swap3A_516, %swap3A_517] {strides = array<i32>} : memref<2x512xi32, #tpu.memory_space<vmem>>, vector<1x16xi32>,
    %swap3A_519 = vector.shape_cast %swap3A_518 : vector<1x16xi32> to vector<16xi32>
    %swap3A_520 = vector.shape_cast %add3A_514 : vector<16xi32> to vector<1x16xi32>
    tpu.vector_store %arg6[%swap3A_516, %swap3A_517], %swap3A_520 {strides = array<i32>} : memref<2x512xi32, #tpu.memory_space<vmem>>, vector<1x16xi32>,
    %get3A_521 = arith.constant 0 : i32
    %get3A_522 = arith.constant 15 : i32
    %get3A_523 = arith.index_cast %get3A_521 : i32 to index
    %get3A_524 = arith.index_cast %get3A_522 : i32 to index
    %get3A_525 = arith.constant 16 : index
    %get3A_526 = tpu.vector_load %arg5[%get3A_523, %get3A_524, %get3A_525] {strides = array<i32>} : memref<2x16x32xi32, #tpu.memory_space<vmem>>, vector<1x1x16xi32>,
    %get3A_527 = vector.shape_cast %get3A_526 : vector<1x1x16xi32> to vector<16xi32>
    %add3A_528 = arith.addi %get3A_527, %add3A_37 : vector<16xi32>
    %swap3A_529 = arith.constant 0 : i32
    %swap3A_530 = arith.index_cast %swap3A_529 : i32 to index
    %swap3A_531 = arith.constant 496 : index
    %swap3A_532 = tpu.vector_load %arg6[%swap3A_530, %swap3A_531] {strides = array<i32>} : memref<2x512xi32, #tpu.memory_space<vmem>>, vector<1x16xi32>,
    %swap3A_533 = vector.shape_cast %swap3A_532 : vector<1x16xi32> to vector<16xi32>
    %swap3A_534 = vector.shape_cast %add3A_528 : vector<16xi32> to vector<1x16xi32>
    tpu.vector_store %arg6[%swap3A_530, %swap3A_531], %swap3A_534 {strides = array<i32>} : memref<2x512xi32, #tpu.memory_space<vmem>>, vector<1x16xi32>,
    %dma_start3A_535 = arith.constant 0 : i32
    %dma_start3A_536 = arith.constant 0 : i32
    %dma_start3A_537 = arith.constant 0 : i32
    %dma_start3A_538 = arith.constant 0 : i32
    %dma_start3A_539 = tpu.memref_slice %arg7[%dma_start3A_536, %dma_start3A_537, %dma_start3A_538] : memref<2x512x64xf32, #tpu.memory_space<vmem>> -> memref<1x512x64xf32, #tpu.memory_space<vmem>>
    %dma_start3A_540 = tpu.memref_squeeze %dma_start3A_539 : memref<1x512x64xf32, #tpu.memory_space<vmem>> -> memref<512x64xf32, #tpu.memory_space<vmem>>
    %dma_start3A_541 = arith.constant 0 : i32
    %dma_start3A_542 = tpu.memref_slice %arg6[%dma_start3A_535, %dma_start3A_541] : memref<2x512xi32, #tpu.memory_space<vmem>> -> memref<1x512xi32, #tpu.memory_space<vmem>>
    %dma_start3A_543 = tpu.memref_squeeze %dma_start3A_542 : memref<1x512xi32, #tpu.memory_space<vmem>> -> memref<512xi32, #tpu.memory_space<vmem>>
    %dma_start3A_544 = arith.constant 0 : i32
    %dma_start3A_545 = arith.constant 0 : i32
    %dma_start3A_546 = tpu.memref_slice %arg2[%dma_start3A_544, %dma_start3A_545] : memref<131072x64xf32, #tpu.memory_space<hbm>> -> memref<131072x64xf32, #tpu.memory_space<hbm>>
    tpu.enqueue_indirect_dma source(%dma_start3A_546 : memref<131072x64xf32, #tpu.memory_space<hbm>>) target(%dma_start3A_540 : memref<512x64xf32, #tpu.memory_space<vmem>>) offsets(%dma_start3A_543 : memref<512xi32, #tpu.memory_space<vmem>>) semaphore(%arg9 : memref<!tpu.dma_semaphore, #tpu.memory_space<semaphore_mem>>)
    %scan3A = arith.constant 0 : i32
    %scan3A_547 = arith.constant 16 : i32
    %scan3A_548 = arith.addi %scan3A, %scan3A_547 : i32
    %scan3A_549 = arith.constant 1 : i32
    scf.for %scan3A_583 = %scan3A to %scan3A_548 step %scan3A_549  : i32 {
      %mul3A_584 = arith.constant 1 : i32
      %mul3A_585 = arith.muli %scan3A_583, %mul3A_584 : i32
      %add3A_586 = arith.constant 0 : i32
      %add3A_587 = arith.addi %add3A_586, %mul3A_585 : i32
      %mul3A_588 = arith.constant 2 : i32
      %mul3A_589 = arith.muli %add3A_587, %mul3A_588 : i32
      %add3A_590 = arith.constant 1 : i32
      %add3A_591 = arith.addi %mul3A_589, %add3A_590 : i32
      %mul3A_592 = arith.constant 32 : i32
      %mul3A_593 = arith.muli %add3A_591, %mul3A_592 : i32
      %add3A_594 = arith.addi %select_n3A_32, %mul3A_593 : i32
      %multiple_of3A_595 = tpu.assume_multiple %add3A_594, 32 : i32
      %dma_wait3A_596 = arith.constant 1 : i32
      %dma_wait3A_597 = arith.constant 0 : i32
      %dma_wait3A_598 = arith.constant 0 : i32
      %dma_wait3A_599 = tpu.memref_slice %arg5[%dma_wait3A_596, %dma_wait3A_597, %dma_wait3A_598] : memref<2x16x32xi32, #tpu.memory_space<vmem>> -> memref<1x16x32xi32, #tpu.memory_space<vmem>>
      %dma_wait3A_600 = tpu.memref_squeeze %dma_wait3A_599 : memref<1x16x32xi32, #tpu.memory_space<vmem>> -> memref<16x32xi32, #tpu.memory_space<vmem>>
      %dma_wait3A_601 = arith.constant 0 : i32
      %dma_wait3A_602 = tpu.memref_slice %arg3[%select_n3A, %dma_wait3A_601, %multiple_of3A_595] : memref<4x16x8192xi32, #tpu.memory_space<hbm>> -> memref<1x16x32xi32, #tpu.memory_space<hbm>>
      %dma_wait3A_603 = tpu.memref_squeeze %dma_wait3A_602 : memref<1x16x32xi32, #tpu.memory_space<hbm>> -> memref<16x32xi32, #tpu.memory_space<hbm>>
      %dma_wait3A_604 = arith.constant 0 : i32
      %dma_wait3A_605 = arith.constant 0 : i32
      %dma_wait3A_606 = tpu.memref_slice %arg5[%dma_wait3A_596, %dma_wait3A_604, %dma_wait3A_605] : memref<2x16x32xi32, #tpu.memory_space<vmem>> -> memref<1x16x32xi32, #tpu.memory_space<vmem>>
      %dma_wait3A_607 = tpu.memref_squeeze %dma_wait3A_606 : memref<1x16x32xi32, #tpu.memory_space<vmem>> -> memref<16x32xi32, #tpu.memory_space<vmem>>
      %dma_wait3A_608 = arith.constant 0 : i32
      %dma_wait3A_609 = tpu.memref_slice %arg3[%select_n3A, %dma_wait3A_608, %multiple_of3A_595] : memref<4x16x8192xi32, #tpu.memory_space<hbm>> -> memref<1x16x32xi32, #tpu.memory_space<hbm>>
      %dma_wait3A_610 = tpu.memref_squeeze %dma_wait3A_609 : memref<1x16x32xi32, #tpu.memory_space<hbm>> -> memref<16x32xi32, #tpu.memory_space<hbm>>
      tpu.wait_dma2 semaphore(%arg14 : memref<!tpu.dma_semaphore, #tpu.memory_space<semaphore_mem>>) src(%dma_wait3A_610 : memref<16x32xi32, #tpu.memory_space<hbm>>) dst(%dma_wait3A_607 : memref<16x32xi32, #tpu.memory_space<vmem>>)
      %get3A_611 = arith.constant 1 : i32
      %get3A_612 = arith.constant 0 : i32
      %get3A_613 = arith.index_cast %get3A_611 : i32 to index
      %get3A_614 = arith.index_cast %get3A_612 : i32 to index
      %get3A_615 = arith.constant 0 : index
      %get3A_616 = tpu.vector_load %arg5[%get3A_613, %get3A_614, %get3A_615] {strides = array<i32>} : memref<2x16x32xi32, #tpu.memory_space<vmem>>, vector<1x1x16xi32>,
      %get3A_617 = vector.shape_cast %get3A_616 : vector<1x1x16xi32> to vector<16xi32>
      %add3A_618 = arith.addi %get3A_617, %add3A_37 : vector<16xi32>
      %swap3A_619 = arith.constant 1 : i32
      %swap3A_620 = arith.index_cast %swap3A_619 : i32 to index
      %swap3A_621 = arith.constant 0 : index
      %swap3A_622 = tpu.vector_load %arg6[%swap3A_620, %swap3A_621] {strides = array<i32>} : memref<2x512xi32, #tpu.memory_space<vmem>>, vector<1x16xi32>,
      %swap3A_623 = vector.shape_cast %swap3A_622 : vector<1x16xi32> to vector<16xi32>
      %swap3A_624 = vector.shape_cast %add3A_618 : vector<16xi32> to vector<1x16xi32>
      tpu.vector_store %arg6[%swap3A_620, %swap3A_621], %swap3A_624 {strides = array<i32>} : memref<2x512xi32, #tpu.memory_space<vmem>>, vector<1x16xi32>,
      %get3A_625 = arith.constant 1 : i32
      %get3A_626 = arith.constant 0 : i32
      %get3A_627 = arith.index_cast %get3A_625 : i32 to index
      %get3A_628 = arith.index_cast %get3A_626 : i32 to index
      %get3A_629 = arith.constant 16 : index
      %get3A_630 = tpu.vector_load %arg5[%get3A_627, %get3A_628, %get3A_629] {strides = array<i32>} : memref<2x16x32xi32, #tpu.memory_space<vmem>>, vector<1x1x16xi32>,
      %get3A_631 = vector.shape_cast %get3A_630 : vector<1x1x16xi32> to vector<16xi32>
      %add3A_632 = arith.addi %get3A_631, %add3A_37 : vector<16xi32>
      %swap3A_633 = arith.constant 1 : i32
      %swap3A_634 = arith.index_cast %swap3A_633 : i32 to index
      %swap3A_635 = arith.constant 16 : index
      %swap3A_636 = tpu.vector_load %arg6[%swap3A_634, %swap3A_635] {strides = array<i32>} : memref<2x512xi32, #tpu.memory_space<vmem>>, vector<1x16xi32>,
      %swap3A_637 = vector.shape_cast %swap3A_636 : vector<1x16xi32> to vector<16xi32>
      %swap3A_638 = vector.shape_cast %add3A_632 : vector<16xi32> to vector<1x16xi32>
      tpu.vector_store %arg6[%swap3A_634, %swap3A_635], %swap3A_638 {strides = array<i32>} : memref<2x512xi32, #tpu.memory_space<vmem>>, vector<1x16xi32>,
      %get3A_639 = arith.constant 1 : i32
      %get3A_640 = arith.constant 1 : i32
      %get3A_641 = arith.index_cast %get3A_639 : i32 to index
      %get3A_642 = arith.index_cast %get3A_640 : i32 to index
      %get3A_643 = arith.constant 0 : index
      %get3A_644 = tpu.vector_load %arg5[%get3A_641, %get3A_642, %get3A_643] {strides = array<i32>} : memref<2x16x32xi32, #tpu.memory_space<vmem>>, vector<1x1x16xi32>,
      %get3A_645 = vector.shape_cast %get3A_644 : vector<1x1x16xi32> to vector<16xi32>
      %add3A_646 = arith.addi %get3A_645, %add3A_37 : vector<16xi32>
      %swap3A_647 = arith.constant 1 : i32
      %swap3A_648 = arith.index_cast %swap3A_647 : i32 to index
      %swap3A_649 = arith.constant 32 : index
      %swap3A_650 = tpu.vector_load %arg6[%swap3A_648, %swap3A_649] {strides = array<i32>} : memref<2x512xi32, #tpu.memory_space<vmem>>, vector<1x16xi32>,
      %swap3A_651 = vector.shape_cast %swap3A_650 : vector<1x16xi32> to vector<16xi32>
      %swap3A_652 = vector.shape_cast %add3A_646 : vector<16xi32> to vector<1x16xi32>
      tpu.vector_store %arg6[%swap3A_648, %swap3A_649], %swap3A_652 {strides = array<i32>} : memref<2x512xi32, #tpu.memory_space<vmem>>, vector<1x16xi32>,
      %get3A_653 = arith.constant 1 : i32
      %get3A_654 = arith.constant 1 : i32
      %get3A_655 = arith.index_cast %get3A_653 : i32 to index
      %get3A_656 = arith.index_cast %get3A_654 : i32 to index
      %get3A_657 = arith.constant 16 : index
      %get3A_658 = tpu.vector_load %arg5[%get3A_655, %get3A_656, %get3A_657] {strides = array<i32>} : memref<2x16x32xi32, #tpu.memory_space<vmem>>, vector<1x1x16xi32>,
      %get3A_659 = vector.shape_cast %get3A_658 : vector<1x1x16xi32> to vector<16xi32>
      %add3A_660 = arith.addi %get3A_659, %add3A_37 : vector<16xi32>
      %swap3A_661 = arith.constant 1 : i32
      %swap3A_662 = arith.index_cast %swap3A_661 : i32 to index
      %swap3A_663 = arith.constant 48 : index
      %swap3A_664 = tpu.vector_load %arg6[%swap3A_662, %swap3A_663] {strides = array<i32>} : memref<2x512xi32, #tpu.memory_space<vmem>>, vector<1x16xi32>,
      %swap3A_665 = vector.shape_cast %swap3A_664 : vector<1x16xi32> to vector<16xi32>
      %swap3A_666 = vector.shape_cast %add3A_660 : vector<16xi32> to vector<1x16xi32>
      tpu.vector_store %arg6[%swap3A_662, %swap3A_663], %swap3A_666 {strides = array<i32>} : memref<2x512xi32, #tpu.memory_space<vmem>>, vector<1x16xi32>,
      %get3A_667 = arith.constant 1 : i32
      %get3A_668 = arith.constant 2 : i32
      %get3A_669 = arith.index_cast %get3A_667 : i32 to index
      %get3A_670 = arith.index_cast %get3A_668 : i32 to index
      %get3A_671 = arith.constant 0 : index
      %get3A_672 = tpu.vector_load %arg5[%get3A_669, %get3A_670, %get3A_671] {strides = array<i32>} : memref<2x16x32xi32, #tpu.memory_space<vmem>>, vector<1x1x16xi32>,
      %get3A_673 = vector.shape_cast %get3A_672 : vector<1x1x16xi32> to vector<16xi32>
      %add3A_674 = arith.addi %get3A_673, %add3A_37 : vector<16xi32>
      %swap3A_675 = arith.constant 1 : i32
      %swap3A_676 = arith.index_cast %swap3A_675 : i32 to index
      %swap3A_677 = arith.constant 64 : index
      %swap3A_678 = tpu.vector_load %arg6[%swap3A_676, %swap3A_677] {strides = array<i32>} : memref<2x512xi32, #tpu.memory_space<vmem>>, vector<1x16xi32>,
      %swap3A_679 = vector.shape_cast %swap3A_678 : vector<1x16xi32> to vector<16xi32>
      %swap3A_680 = vector.shape_cast %add3A_674 : vector<16xi32> to vector<1x16xi32>
      tpu.vector_store %arg6[%swap3A_676, %swap3A_677], %swap3A_680 {strides = array<i32>} : memref<2x512xi32, #tpu.memory_space<vmem>>, vector<1x16xi32>,
      %get3A_681 = arith.constant 1 : i32
      %get3A_682 = arith.constant 2 : i32
      %get3A_683 = arith.index_cast %get3A_681 : i32 to index
      %get3A_684 = arith.index_cast %get3A_682 : i32 to index
      %get3A_685 = arith.constant 16 : index
      %get3A_686 = tpu.vector_load %arg5[%get3A_683, %get3A_684, %get3A_685] {strides = array<i32>} : memref<2x16x32xi32, #tpu.memory_space<vmem>>, vector<1x1x16xi32>,
      %get3A_687 = vector.shape_cast %get3A_686 : vector<1x1x16xi32> to vector<16xi32>
      %add3A_688 = arith.addi %get3A_687, %add3A_37 : vector<16xi32>
      %swap3A_689 = arith.constant 1 : i32
      %swap3A_690 = arith.index_cast %swap3A_689 : i32 to index
      %swap3A_691 = arith.constant 80 : index
      %swap3A_692 = tpu.vector_load %arg6[%swap3A_690, %swap3A_691] {strides = array<i32>} : memref<2x512xi32, #tpu.memory_space<vmem>>, vector<1x16xi32>,
      %swap3A_693 = vector.shape_cast %swap3A_692 : vector<1x16xi32> to vector<16xi32>
      %swap3A_694 = vector.shape_cast %add3A_688 : vector<16xi32> to vector<1x16xi32>
      tpu.vector_store %arg6[%swap3A_690, %swap3A_691], %swap3A_694 {strides = array<i32>} : memref<2x512xi32, #tpu.memory_space<vmem>>, vector<1x16xi32>,
      %get3A_695 = arith.constant 1 : i32
      %get3A_696 = arith.constant 3 : i32
      %get3A_697 = arith.index_cast %get3A_695 : i32 to index
      %get3A_698 = arith.index_cast %get3A_696 : i32 to index
      %get3A_699 = arith.constant 0 : index
      %get3A_700 = tpu.vector_load %arg5[%get3A_697, %get3A_698, %get3A_699] {strides = array<i32>} : memref<2x16x32xi32, #tpu.memory_space<vmem>>, vector<1x1x16xi32>,
      %get3A_701 = vector.shape_cast %get3A_700 : vector<1x1x16xi32> to vector<16xi32>
      %add3A_702 = arith.addi %get3A_701, %add3A_37 : vector<16xi32>
      %swap3A_703 = arith.constant 1 : i32
      %swap3A_704 = arith.index_cast %swap3A_703 : i32 to index
      %swap3A_705 = arith.constant 96 : index
      %swap3A_706 = tpu.vector_load %arg6[%swap3A_704, %swap3A_705] {strides = array<i32>} : memref<2x512xi32, #tpu.memory_space<vmem>>, vector<1x16xi32>,
      %swap3A_707 = vector.shape_cast %swap3A_706 : vector<1x16xi32> to vector<16xi32>
      %swap3A_708 = vector.shape_cast %add3A_702 : vector<16xi32> to vector<1x16xi32>
      tpu.vector_store %arg6[%swap3A_704, %swap3A_705], %swap3A_708 {strides = array<i32>} : memref<2x512xi32, #tpu.memory_space<vmem>>, vector<1x16xi32>,
      %get3A_709 = arith.constant 1 : i32
      %get3A_710 = arith.constant 3 : i32
      %get3A_711 = arith.index_cast %get3A_709 : i32 to index
      %get3A_712 = arith.index_cast %get3A_710 : i32 to index
      %get3A_713 = arith.constant 16 : index
      %get3A_714 = tpu.vector_load %arg5[%get3A_711, %get3A_712, %get3A_713] {strides = array<i32>} : memref<2x16x32xi32, #tpu.memory_space<vmem>>, vector<1x1x16xi32>,
      %get3A_715 = vector.shape_cast %get3A_714 : vector<1x1x16xi32> to vector<16xi32>
      %add3A_716 = arith.addi %get3A_715, %add3A_37 : vector<16xi32>
      %swap3A_717 = arith.constant 1 : i32
      %swap3A_718 = arith.index_cast %swap3A_717 : i32 to index
      %swap3A_719 = arith.constant 112 : index
      %swap3A_720 = tpu.vector_load %arg6[%swap3A_718, %swap3A_719] {strides = array<i32>} : memref<2x512xi32, #tpu.memory_space<vmem>>, vector<1x16xi32>,
      %swap3A_721 = vector.shape_cast %swap3A_720 : vector<1x16xi32> to vector<16xi32>
      %swap3A_722 = vector.shape_cast %add3A_716 : vector<16xi32> to vector<1x16xi32>
      tpu.vector_store %arg6[%swap3A_718, %swap3A_719], %swap3A_722 {strides = array<i32>} : memref<2x512xi32, #tpu.memory_space<vmem>>, vector<1x16xi32>,
      %get3A_723 = arith.constant 1 : i32
      %get3A_724 = arith.constant 4 : i32
      %get3A_725 = arith.index_cast %get3A_723 : i32 to index
      %get3A_726 = arith.index_cast %get3A_724 : i32 to index
      %get3A_727 = arith.constant 0 : index
      %get3A_728 = tpu.vector_load %arg5[%get3A_725, %get3A_726, %get3A_727] {strides = array<i32>} : memref<2x16x32xi32, #tpu.memory_space<vmem>>, vector<1x1x16xi32>,
      %get3A_729 = vector.shape_cast %get3A_728 : vector<1x1x16xi32> to vector<16xi32>
      %add3A_730 = arith.addi %get3A_729, %add3A_37 : vector<16xi32>
      %swap3A_731 = arith.constant 1 : i32
      %swap3A_732 = arith.index_cast %swap3A_731 : i32 to index
      %swap3A_733 = arith.constant 128 : index
      %swap3A_734 = tpu.vector_load %arg6[%swap3A_732, %swap3A_733] {strides = array<i32>} : memref<2x512xi32, #tpu.memory_space<vmem>>, vector<1x16xi32>,
      %swap3A_735 = vector.shape_cast %swap3A_734 : vector<1x16xi32> to vector<16xi32>
      %swap3A_736 = vector.shape_cast %add3A_730 : vector<16xi32> to vector<1x16xi32>
      tpu.vector_store %arg6[%swap3A_732, %swap3A_733], %swap3A_736 {strides = array<i32>} : memref<2x512xi32, #tpu.memory_space<vmem>>, vector<1x16xi32>,
      %get3A_737 = arith.constant 1 : i32
      %get3A_738 = arith.constant 4 : i32
      %get3A_739 = arith.index_cast %get3A_737 : i32 to index
      %get3A_740 = arith.index_cast %get3A_738 : i32 to index
      %get3A_741 = arith.constant 16 : index
      %get3A_742 = tpu.vector_load %arg5[%get3A_739, %get3A_740, %get3A_741] {strides = array<i32>} : memref<2x16x32xi32, #tpu.memory_space<vmem>>, vector<1x1x16xi32>,
      %get3A_743 = vector.shape_cast %get3A_742 : vector<1x1x16xi32> to vector<16xi32>
      %add3A_744 = arith.addi %get3A_743, %add3A_37 : vector<16xi32>
      %swap3A_745 = arith.constant 1 : i32
      %swap3A_746 = arith.index_cast %swap3A_745 : i32 to index
      %swap3A_747 = arith.constant 144 : index
      %swap3A_748 = tpu.vector_load %arg6[%swap3A_746, %swap3A_747] {strides = array<i32>} : memref<2x512xi32, #tpu.memory_space<vmem>>, vector<1x16xi32>,
      %swap3A_749 = vector.shape_cast %swap3A_748 : vector<1x16xi32> to vector<16xi32>
      %swap3A_750 = vector.shape_cast %add3A_744 : vector<16xi32> to vector<1x16xi32>
      tpu.vector_store %arg6[%swap3A_746, %swap3A_747], %swap3A_750 {strides = array<i32>} : memref<2x512xi32, #tpu.memory_space<vmem>>, vector<1x16xi32>,
      %get3A_751 = arith.constant 1 : i32
      %get3A_752 = arith.constant 5 : i32
      %get3A_753 = arith.index_cast %get3A_751 : i32 to index
      %get3A_754 = arith.index_cast %get3A_752 : i32 to index
      %get3A_755 = arith.constant 0 : index
      %get3A_756 = tpu.vector_load %arg5[%get3A_753, %get3A_754, %get3A_755] {strides = array<i32>} : memref<2x16x32xi32, #tpu.memory_space<vmem>>, vector<1x1x16xi32>,
      %get3A_757 = vector.shape_cast %get3A_756 : vector<1x1x16xi32> to vector<16xi32>
      %add3A_758 = arith.addi %get3A_757, %add3A_37 : vector<16xi32>
      %swap3A_759 = arith.constant 1 : i32
      %swap3A_760 = arith.index_cast %swap3A_759 : i32 to index
      %swap3A_761 = arith.constant 160 : index
      %swap3A_762 = tpu.vector_load %arg6[%swap3A_760, %swap3A_761] {strides = array<i32>} : memref<2x512xi32, #tpu.memory_space<vmem>>, vector<1x16xi32>,
      %swap3A_763 = vector.shape_cast %swap3A_762 : vector<1x16xi32> to vector<16xi32>
      %swap3A_764 = vector.shape_cast %add3A_758 : vector<16xi32> to vector<1x16xi32>
      tpu.vector_store %arg6[%swap3A_760, %swap3A_761], %swap3A_764 {strides = array<i32>} : memref<2x512xi32, #tpu.memory_space<vmem>>, vector<1x16xi32>,
      %get3A_765 = arith.constant 1 : i32
      %get3A_766 = arith.constant 5 : i32
      %get3A_767 = arith.index_cast %get3A_765 : i32 to index
      %get3A_768 = arith.index_cast %get3A_766 : i32 to index
      %get3A_769 = arith.constant 16 : index
      %get3A_770 = tpu.vector_load %arg5[%get3A_767, %get3A_768, %get3A_769] {strides = array<i32>} : memref<2x16x32xi32, #tpu.memory_space<vmem>>, vector<1x1x16xi32>,
      %get3A_771 = vector.shape_cast %get3A_770 : vector<1x1x16xi32> to vector<16xi32>
      %add3A_772 = arith.addi %get3A_771, %add3A_37 : vector<16xi32>
      %swap3A_773 = arith.constant 1 : i32
      %swap3A_774 = arith.index_cast %swap3A_773 : i32 to index
      %swap3A_775 = arith.constant 176 : index
      %swap3A_776 = tpu.vector_load %arg6[%swap3A_774, %swap3A_775] {strides = array<i32>} : memref<2x512xi32, #tpu.memory_space<vmem>>, vector<1x16xi32>,
      %swap3A_777 = vector.shape_cast %swap3A_776 : vector<1x16xi32> to vector<16xi32>
      %swap3A_778 = vector.shape_cast %add3A_772 : vector<16xi32> to vector<1x16xi32>
      tpu.vector_store %arg6[%swap3A_774, %swap3A_775], %swap3A_778 {strides = array<i32>} : memref<2x512xi32, #tpu.memory_space<vmem>>, vector<1x16xi32>,
      %get3A_779 = arith.constant 1 : i32
      %get3A_780 = arith.constant 6 : i32
      %get3A_781 = arith.index_cast %get3A_779 : i32 to index
      %get3A_782 = arith.index_cast %get3A_780 : i32 to index
      %get3A_783 = arith.constant 0 : index
      %get3A_784 = tpu.vector_load %arg5[%get3A_781, %get3A_782, %get3A_783] {strides = array<i32>} : memref<2x16x32xi32, #tpu.memory_space<vmem>>, vector<1x1x16xi32>,
      %get3A_785 = vector.shape_cast %get3A_784 : vector<1x1x16xi32> to vector<16xi32>
      %add3A_786 = arith.addi %get3A_785, %add3A_37 : vector<16xi32>
      %swap3A_787 = arith.constant 1 : i32
      %swap3A_788 = arith.index_cast %swap3A_787 : i32 to index
      %swap3A_789 = arith.constant 192 : index
      %swap3A_790 = tpu.vector_load %arg6[%swap3A_788, %swap3A_789] {strides = array<i32>} : memref<2x512xi32, #tpu.memory_space<vmem>>, vector<1x16xi32>,
      %swap3A_791 = vector.shape_cast %swap3A_790 : vector<1x16xi32> to vector<16xi32>
      %swap3A_792 = vector.shape_cast %add3A_786 : vector<16xi32> to vector<1x16xi32>
      tpu.vector_store %arg6[%swap3A_788, %swap3A_789], %swap3A_792 {strides = array<i32>} : memref<2x512xi32, #tpu.memory_space<vmem>>, vector<1x16xi32>,
      %get3A_793 = arith.constant 1 : i32
      %get3A_794 = arith.constant 6 : i32
      %get3A_795 = arith.index_cast %get3A_793 : i32 to index
      %get3A_796 = arith.index_cast %get3A_794 : i32 to index
      %get3A_797 = arith.constant 16 : index
      %get3A_798 = tpu.vector_load %arg5[%get3A_795, %get3A_796, %get3A_797] {strides = array<i32>} : memref<2x16x32xi32, #tpu.memory_space<vmem>>, vector<1x1x16xi32>,
      %get3A_799 = vector.shape_cast %get3A_798 : vector<1x1x16xi32> to vector<16xi32>
      %add3A_800 = arith.addi %get3A_799, %add3A_37 : vector<16xi32>
      %swap3A_801 = arith.constant 1 : i32
      %swap3A_802 = arith.index_cast %swap3A_801 : i32 to index
      %swap3A_803 = arith.constant 208 : index
      %swap3A_804 = tpu.vector_load %arg6[%swap3A_802, %swap3A_803] {strides = array<i32>} : memref<2x512xi32, #tpu.memory_space<vmem>>, vector<1x16xi32>,
      %swap3A_805 = vector.shape_cast %swap3A_804 : vector<1x16xi32> to vector<16xi32>
      %swap3A_806 = vector.shape_cast %add3A_800 : vector<16xi32> to vector<1x16xi32>
      tpu.vector_store %arg6[%swap3A_802, %swap3A_803], %swap3A_806 {strides = array<i32>} : memref<2x512xi32, #tpu.memory_space<vmem>>, vector<1x16xi32>,
      %get3A_807 = arith.constant 1 : i32
      %get3A_808 = arith.constant 7 : i32
      %get3A_809 = arith.index_cast %get3A_807 : i32 to index
      %get3A_810 = arith.index_cast %get3A_808 : i32 to index
      %get3A_811 = arith.constant 0 : index
      %get3A_812 = tpu.vector_load %arg5[%get3A_809, %get3A_810, %get3A_811] {strides = array<i32>} : memref<2x16x32xi32, #tpu.memory_space<vmem>>, vector<1x1x16xi32>,
      %get3A_813 = vector.shape_cast %get3A_812 : vector<1x1x16xi32> to vector<16xi32>
      %add3A_814 = arith.addi %get3A_813, %add3A_37 : vector<16xi32>
      %swap3A_815 = arith.constant 1 : i32
      %swap3A_816 = arith.index_cast %swap3A_815 : i32 to index
      %swap3A_817 = arith.constant 224 : index
      %swap3A_818 = tpu.vector_load %arg6[%swap3A_816, %swap3A_817] {strides = array<i32>} : memref<2x512xi32, #tpu.memory_space<vmem>>, vector<1x16xi32>,
      %swap3A_819 = vector.shape_cast %swap3A_818 : vector<1x16xi32> to vector<16xi32>
      %swap3A_820 = vector.shape_cast %add3A_814 : vector<16xi32> to vector<1x16xi32>
      tpu.vector_store %arg6[%swap3A_816, %swap3A_817], %swap3A_820 {strides = array<i32>} : memref<2x512xi32, #tpu.memory_space<vmem>>, vector<1x16xi32>,
      %get3A_821 = arith.constant 1 : i32
      %get3A_822 = arith.constant 7 : i32
      %get3A_823 = arith.index_cast %get3A_821 : i32 to index
      %get3A_824 = arith.index_cast %get3A_822 : i32 to index
      %get3A_825 = arith.constant 16 : index
      %get3A_826 = tpu.vector_load %arg5[%get3A_823, %get3A_824, %get3A_825] {strides = array<i32>} : memref<2x16x32xi32, #tpu.memory_space<vmem>>, vector<1x1x16xi32>,
      %get3A_827 = vector.shape_cast %get3A_826 : vector<1x1x16xi32> to vector<16xi32>
      %add3A_828 = arith.addi %get3A_827, %add3A_37 : vector<16xi32>
      %swap3A_829 = arith.constant 1 : i32
      %swap3A_830 = arith.index_cast %swap3A_829 : i32 to index
      %swap3A_831 = arith.constant 240 : index
      %swap3A_832 = tpu.vector_load %arg6[%swap3A_830, %swap3A_831] {strides = array<i32>} : memref<2x512xi32, #tpu.memory_space<vmem>>, vector<1x16xi32>,
      %swap3A_833 = vector.shape_cast %swap3A_832 : vector<1x16xi32> to vector<16xi32>
      %swap3A_834 = vector.shape_cast %add3A_828 : vector<16xi32> to vector<1x16xi32>
      tpu.vector_store %arg6[%swap3A_830, %swap3A_831], %swap3A_834 {strides = array<i32>} : memref<2x512xi32, #tpu.memory_space<vmem>>, vector<1x16xi32>,
      %get3A_835 = arith.constant 1 : i32
      %get3A_836 = arith.constant 8 : i32
      %get3A_837 = arith.index_cast %get3A_835 : i32 to index
      %get3A_838 = arith.index_cast %get3A_836 : i32 to index
      %get3A_839 = arith.constant 0 : index
      %get3A_840 = tpu.vector_load %arg5[%get3A_837, %get3A_838, %get3A_839] {strides = array<i32>} : memref<2x16x32xi32, #tpu.memory_space<vmem>>, vector<1x1x16xi32>,
      %get3A_841 = vector.shape_cast %get3A_840 : vector<1x1x16xi32> to vector<16xi32>
      %add3A_842 = arith.addi %get3A_841, %add3A_37 : vector<16xi32>
      %swap3A_843 = arith.constant 1 : i32
      %swap3A_844 = arith.index_cast %swap3A_843 : i32 to index
      %swap3A_845 = arith.constant 256 : index
      %swap3A_846 = tpu.vector_load %arg6[%swap3A_844, %swap3A_845] {strides = array<i32>} : memref<2x512xi32, #tpu.memory_space<vmem>>, vector<1x16xi32>,
      %swap3A_847 = vector.shape_cast %swap3A_846 : vector<1x16xi32> to vector<16xi32>
      %swap3A_848 = vector.shape_cast %add3A_842 : vector<16xi32> to vector<1x16xi32>
      tpu.vector_store %arg6[%swap3A_844, %swap3A_845], %swap3A_848 {strides = array<i32>} : memref<2x512xi32, #tpu.memory_space<vmem>>, vector<1x16xi32>,
      %get3A_849 = arith.constant 1 : i32
      %get3A_850 = arith.constant 8 : i32
      %get3A_851 = arith.index_cast %get3A_849 : i32 to index
      %get3A_852 = arith.index_cast %get3A_850 : i32 to index
      %get3A_853 = arith.constant 16 : index
      %get3A_854 = tpu.vector_load %arg5[%get3A_851, %get3A_852, %get3A_853] {strides = array<i32>} : memref<2x16x32xi32, #tpu.memory_space<vmem>>, vector<1x1x16xi32>,
      %get3A_855 = vector.shape_cast %get3A_854 : vector<1x1x16xi32> to vector<16xi32>
      %add3A_856 = arith.addi %get3A_855, %add3A_37 : vector<16xi32>
      %swap3A_857 = arith.constant 1 : i32
      %swap3A_858 = arith.index_cast %swap3A_857 : i32 to index
      %swap3A_859 = arith.constant 272 : index
      %swap3A_860 = tpu.vector_load %arg6[%swap3A_858, %swap3A_859] {strides = array<i32>} : memref<2x512xi32, #tpu.memory_space<vmem>>, vector<1x16xi32>,
      %swap3A_861 = vector.shape_cast %swap3A_860 : vector<1x16xi32> to vector<16xi32>
      %swap3A_862 = vector.shape_cast %add3A_856 : vector<16xi32> to vector<1x16xi32>
      tpu.vector_store %arg6[%swap3A_858, %swap3A_859], %swap3A_862 {strides = array<i32>} : memref<2x512xi32, #tpu.memory_space<vmem>>, vector<1x16xi32>,
      %get3A_863 = arith.constant 1 : i32
      %get3A_864 = arith.constant 9 : i32
      %get3A_865 = arith.index_cast %get3A_863 : i32 to index
      %get3A_866 = arith.index_cast %get3A_864 : i32 to index
      %get3A_867 = arith.constant 0 : index
      %get3A_868 = tpu.vector_load %arg5[%get3A_865, %get3A_866, %get3A_867] {strides = array<i32>} : memref<2x16x32xi32, #tpu.memory_space<vmem>>, vector<1x1x16xi32>,
      %get3A_869 = vector.shape_cast %get3A_868 : vector<1x1x16xi32> to vector<16xi32>
      %add3A_870 = arith.addi %get3A_869, %add3A_37 : vector<16xi32>
      %swap3A_871 = arith.constant 1 : i32
      %swap3A_872 = arith.index_cast %swap3A_871 : i32 to index
      %swap3A_873 = arith.constant 288 : index
      %swap3A_874 = tpu.vector_load %arg6[%swap3A_872, %swap3A_873] {strides = array<i32>} : memref<2x512xi32, #tpu.memory_space<vmem>>, vector<1x16xi32>,
      %swap3A_875 = vector.shape_cast %swap3A_874 : vector<1x16xi32> to vector<16xi32>
      %swap3A_876 = vector.shape_cast %add3A_870 : vector<16xi32> to vector<1x16xi32>
      tpu.vector_store %arg6[%swap3A_872, %swap3A_873], %swap3A_876 {strides = array<i32>} : memref<2x512xi32, #tpu.memory_space<vmem>>, vector<1x16xi32>,
      %get3A_877 = arith.constant 1 : i32
      %get3A_878 = arith.constant 9 : i32
      %get3A_879 = arith.index_cast %get3A_877 : i32 to index
      %get3A_880 = arith.index_cast %get3A_878 : i32 to index
      %get3A_881 = arith.constant 16 : index
      %get3A_882 = tpu.vector_load %arg5[%get3A_879, %get3A_880, %get3A_881] {strides = array<i32>} : memref<2x16x32xi32, #tpu.memory_space<vmem>>, vector<1x1x16xi32>,
      %get3A_883 = vector.shape_cast %get3A_882 : vector<1x1x16xi32> to vector<16xi32>
      %add3A_884 = arith.addi %get3A_883, %add3A_37 : vector<16xi32>
      %swap3A_885 = arith.constant 1 : i32
      %swap3A_886 = arith.index_cast %swap3A_885 : i32 to index
      %swap3A_887 = arith.constant 304 : index
      %swap3A_888 = tpu.vector_load %arg6[%swap3A_886, %swap3A_887] {strides = array<i32>} : memref<2x512xi32, #tpu.memory_space<vmem>>, vector<1x16xi32>,
      %swap3A_889 = vector.shape_cast %swap3A_888 : vector<1x16xi32> to vector<16xi32>
      %swap3A_890 = vector.shape_cast %add3A_884 : vector<16xi32> to vector<1x16xi32>
      tpu.vector_store %arg6[%swap3A_886, %swap3A_887], %swap3A_890 {strides = array<i32>} : memref<2x512xi32, #tpu.memory_space<vmem>>, vector<1x16xi32>,
      %get3A_891 = arith.constant 1 : i32
      %get3A_892 = arith.constant 10 : i32
      %get3A_893 = arith.index_cast %get3A_891 : i32 to index
      %get3A_894 = arith.index_cast %get3A_892 : i32 to index
      %get3A_895 = arith.constant 0 : index
      %get3A_896 = tpu.vector_load %arg5[%get3A_893, %get3A_894, %get3A_895] {strides = array<i32>} : memref<2x16x32xi32, #tpu.memory_space<vmem>>, vector<1x1x16xi32>,
      %get3A_897 = vector.shape_cast %get3A_896 : vector<1x1x16xi32> to vector<16xi32>
      %add3A_898 = arith.addi %get3A_897, %add3A_37 : vector<16xi32>
      %swap3A_899 = arith.constant 1 : i32
      %swap3A_900 = arith.index_cast %swap3A_899 : i32 to index
      %swap3A_901 = arith.constant 320 : index
      %swap3A_902 = tpu.vector_load %arg6[%swap3A_900, %swap3A_901] {strides = array<i32>} : memref<2x512xi32, #tpu.memory_space<vmem>>, vector<1x16xi32>,
      %swap3A_903 = vector.shape_cast %swap3A_902 : vector<1x16xi32> to vector<16xi32>
      %swap3A_904 = vector.shape_cast %add3A_898 : vector<16xi32> to vector<1x16xi32>
      tpu.vector_store %arg6[%swap3A_900, %swap3A_901], %swap3A_904 {strides = array<i32>} : memref<2x512xi32, #tpu.memory_space<vmem>>, vector<1x16xi32>,
      %get3A_905 = arith.constant 1 : i32
      %get3A_906 = arith.constant 10 : i32
      %get3A_907 = arith.index_cast %get3A_905 : i32 to index
      %get3A_908 = arith.index_cast %get3A_906 : i32 to index
      %get3A_909 = arith.constant 16 : index
      %get3A_910 = tpu.vector_load %arg5[%get3A_907, %get3A_908, %get3A_909] {strides = array<i32>} : memref<2x16x32xi32, #tpu.memory_space<vmem>>, vector<1x1x16xi32>,
      %get3A_911 = vector.shape_cast %get3A_910 : vector<1x1x16xi32> to vector<16xi32>
      %add3A_912 = arith.addi %get3A_911, %add3A_37 : vector<16xi32>
      %swap3A_913 = arith.constant 1 : i32
      %swap3A_914 = arith.index_cast %swap3A_913 : i32 to index
      %swap3A_915 = arith.constant 336 : index
      %swap3A_916 = tpu.vector_load %arg6[%swap3A_914, %swap3A_915] {strides = array<i32>} : memref<2x512xi32, #tpu.memory_space<vmem>>, vector<1x16xi32>,
      %swap3A_917 = vector.shape_cast %swap3A_916 : vector<1x16xi32> to vector<16xi32>
      %swap3A_918 = vector.shape_cast %add3A_912 : vector<16xi32> to vector<1x16xi32>
      tpu.vector_store %arg6[%swap3A_914, %swap3A_915], %swap3A_918 {strides = array<i32>} : memref<2x512xi32, #tpu.memory_space<vmem>>, vector<1x16xi32>,
      %get3A_919 = arith.constant 1 : i32
      %get3A_920 = arith.constant 11 : i32
      %get3A_921 = arith.index_cast %get3A_919 : i32 to index
      %get3A_922 = arith.index_cast %get3A_920 : i32 to index
      %get3A_923 = arith.constant 0 : index
      %get3A_924 = tpu.vector_load %arg5[%get3A_921, %get3A_922, %get3A_923] {strides = array<i32>} : memref<2x16x32xi32, #tpu.memory_space<vmem>>, vector<1x1x16xi32>,
      %get3A_925 = vector.shape_cast %get3A_924 : vector<1x1x16xi32> to vector<16xi32>
      %add3A_926 = arith.addi %get3A_925, %add3A_37 : vector<16xi32>
      %swap3A_927 = arith.constant 1 : i32
      %swap3A_928 = arith.index_cast %swap3A_927 : i32 to index
      %swap3A_929 = arith.constant 352 : index
      %swap3A_930 = tpu.vector_load %arg6[%swap3A_928, %swap3A_929] {strides = array<i32>} : memref<2x512xi32, #tpu.memory_space<vmem>>, vector<1x16xi32>,
      %swap3A_931 = vector.shape_cast %swap3A_930 : vector<1x16xi32> to vector<16xi32>
      %swap3A_932 = vector.shape_cast %add3A_926 : vector<16xi32> to vector<1x16xi32>
      tpu.vector_store %arg6[%swap3A_928, %swap3A_929], %swap3A_932 {strides = array<i32>} : memref<2x512xi32, #tpu.memory_space<vmem>>, vector<1x16xi32>,
      %get3A_933 = arith.constant 1 : i32
      %get3A_934 = arith.constant 11 : i32
      %get3A_935 = arith.index_cast %get3A_933 : i32 to index
      %get3A_936 = arith.index_cast %get3A_934 : i32 to index
      %get3A_937 = arith.constant 16 : index
      %get3A_938 = tpu.vector_load %arg5[%get3A_935, %get3A_936, %get3A_937] {strides = array<i32>} : memref<2x16x32xi32, #tpu.memory_space<vmem>>, vector<1x1x16xi32>,
      %get3A_939 = vector.shape_cast %get3A_938 : vector<1x1x16xi32> to vector<16xi32>
      %add3A_940 = arith.addi %get3A_939, %add3A_37 : vector<16xi32>
      %swap3A_941 = arith.constant 1 : i32
      %swap3A_942 = arith.index_cast %swap3A_941 : i32 to index
      %swap3A_943 = arith.constant 368 : index
      %swap3A_944 = tpu.vector_load %arg6[%swap3A_942, %swap3A_943] {strides = array<i32>} : memref<2x512xi32, #tpu.memory_space<vmem>>, vector<1x16xi32>,
      %swap3A_945 = vector.shape_cast %swap3A_944 : vector<1x16xi32> to vector<16xi32>
      %swap3A_946 = vector.shape_cast %add3A_940 : vector<16xi32> to vector<1x16xi32>
      tpu.vector_store %arg6[%swap3A_942, %swap3A_943], %swap3A_946 {strides = array<i32>} : memref<2x512xi32, #tpu.memory_space<vmem>>, vector<1x16xi32>,
      %get3A_947 = arith.constant 1 : i32
      %get3A_948 = arith.constant 12 : i32
      %get3A_949 = arith.index_cast %get3A_947 : i32 to index
      %get3A_950 = arith.index_cast %get3A_948 : i32 to index
      %get3A_951 = arith.constant 0 : index
      %get3A_952 = tpu.vector_load %arg5[%get3A_949, %get3A_950, %get3A_951] {strides = array<i32>} : memref<2x16x32xi32, #tpu.memory_space<vmem>>, vector<1x1x16xi32>,
      %get3A_953 = vector.shape_cast %get3A_952 : vector<1x1x16xi32> to vector<16xi32>
      %add3A_954 = arith.addi %get3A_953, %add3A_37 : vector<16xi32>
      %swap3A_955 = arith.constant 1 : i32
      %swap3A_956 = arith.index_cast %swap3A_955 : i32 to index
      %swap3A_957 = arith.constant 384 : index
      %swap3A_958 = tpu.vector_load %arg6[%swap3A_956, %swap3A_957] {strides = array<i32>} : memref<2x512xi32, #tpu.memory_space<vmem>>, vector<1x16xi32>,
      %swap3A_959 = vector.shape_cast %swap3A_958 : vector<1x16xi32> to vector<16xi32>
      %swap3A_960 = vector.shape_cast %add3A_954 : vector<16xi32> to vector<1x16xi32>
      tpu.vector_store %arg6[%swap3A_956, %swap3A_957], %swap3A_960 {strides = array<i32>} : memref<2x512xi32, #tpu.memory_space<vmem>>, vector<1x16xi32>,
      %get3A_961 = arith.constant 1 : i32
      %get3A_962 = arith.constant 12 : i32
      %get3A_963 = arith.index_cast %get3A_961 : i32 to index
      %get3A_964 = arith.index_cast %get3A_962 : i32 to index
      %get3A_965 = arith.constant 16 : index
      %get3A_966 = tpu.vector_load %arg5[%get3A_963, %get3A_964, %get3A_965] {strides = array<i32>} : memref<2x16x32xi32, #tpu.memory_space<vmem>>, vector<1x1x16xi32>,
      %get3A_967 = vector.shape_cast %get3A_966 : vector<1x1x16xi32> to vector<16xi32>
      %add3A_968 = arith.addi %get3A_967, %add3A_37 : vector<16xi32>
      %swap3A_969 = arith.constant 1 : i32
      %swap3A_970 = arith.index_cast %swap3A_969 : i32 to index
      %swap3A_971 = arith.constant 400 : index
      %swap3A_972 = tpu.vector_load %arg6[%swap3A_970, %swap3A_971] {strides = array<i32>} : memref<2x512xi32, #tpu.memory_space<vmem>>, vector<1x16xi32>,
      %swap3A_973 = vector.shape_cast %swap3A_972 : vector<1x16xi32> to vector<16xi32>
      %swap3A_974 = vector.shape_cast %add3A_968 : vector<16xi32> to vector<1x16xi32>
      tpu.vector_store %arg6[%swap3A_970, %swap3A_971], %swap3A_974 {strides = array<i32>} : memref<2x512xi32, #tpu.memory_space<vmem>>, vector<1x16xi32>,
      %get3A_975 = arith.constant 1 : i32
      %get3A_976 = arith.constant 13 : i32
      %get3A_977 = arith.index_cast %get3A_975 : i32 to index
      %get3A_978 = arith.index_cast %get3A_976 : i32 to index
      %get3A_979 = arith.constant 0 : index
      %get3A_980 = tpu.vector_load %arg5[%get3A_977, %get3A_978, %get3A_979] {strides = array<i32>} : memref<2x16x32xi32, #tpu.memory_space<vmem>>, vector<1x1x16xi32>,
      %get3A_981 = vector.shape_cast %get3A_980 : vector<1x1x16xi32> to vector<16xi32>
      %add3A_982 = arith.addi %get3A_981, %add3A_37 : vector<16xi32>
      %swap3A_983 = arith.constant 1 : i32
      %swap3A_984 = arith.index_cast %swap3A_983 : i32 to index
      %swap3A_985 = arith.constant 416 : index
      %swap3A_986 = tpu.vector_load %arg6[%swap3A_984, %swap3A_985] {strides = array<i32>} : memref<2x512xi32, #tpu.memory_space<vmem>>, vector<1x16xi32>,
      %swap3A_987 = vector.shape_cast %swap3A_986 : vector<1x16xi32> to vector<16xi32>
      %swap3A_988 = vector.shape_cast %add3A_982 : vector<16xi32> to vector<1x16xi32>
      tpu.vector_store %arg6[%swap3A_984, %swap3A_985], %swap3A_988 {strides = array<i32>} : memref<2x512xi32, #tpu.memory_space<vmem>>, vector<1x16xi32>,
      %get3A_989 = arith.constant 1 : i32
      %get3A_990 = arith.constant 13 : i32
      %get3A_991 = arith.index_cast %get3A_989 : i32 to index
      %get3A_992 = arith.index_cast %get3A_990 : i32 to index
      %get3A_993 = arith.constant 16 : index
      %get3A_994 = tpu.vector_load %arg5[%get3A_991, %get3A_992, %get3A_993] {strides = array<i32>} : memref<2x16x32xi32, #tpu.memory_space<vmem>>, vector<1x1x16xi32>,
      %get3A_995 = vector.shape_cast %get3A_994 : vector<1x1x16xi32> to vector<16xi32>
      %add3A_996 = arith.addi %get3A_995, %add3A_37 : vector<16xi32>
      %swap3A_997 = arith.constant 1 : i32
      %swap3A_998 = arith.index_cast %swap3A_997 : i32 to index
      %swap3A_999 = arith.constant 432 : index
      %swap3A_1000 = tpu.vector_load %arg6[%swap3A_998, %swap3A_999] {strides = array<i32>} : memref<2x512xi32, #tpu.memory_space<vmem>>, vector<1x16xi32>,
      %swap3A_1001 = vector.shape_cast %swap3A_1000 : vector<1x16xi32> to vector<16xi32>
      %swap3A_1002 = vector.shape_cast %add3A_996 : vector<16xi32> to vector<1x16xi32>
      tpu.vector_store %arg6[%swap3A_998, %swap3A_999], %swap3A_1002 {strides = array<i32>} : memref<2x512xi32, #tpu.memory_space<vmem>>, vector<1x16xi32>,
      %get3A_1003 = arith.constant 1 : i32
      %get3A_1004 = arith.constant 14 : i32
      %get3A_1005 = arith.index_cast %get3A_1003 : i32 to index
      %get3A_1006 = arith.index_cast %get3A_1004 : i32 to index
      %get3A_1007 = arith.constant 0 : index
      %get3A_1008 = tpu.vector_load %arg5[%get3A_1005, %get3A_1006, %get3A_1007] {strides = array<i32>} : memref<2x16x32xi32, #tpu.memory_space<vmem>>, vector<1x1x16xi32>,
      %get3A_1009 = vector.shape_cast %get3A_1008 : vector<1x1x16xi32> to vector<16xi32>
      %add3A_1010 = arith.addi %get3A_1009, %add3A_37 : vector<16xi32>
      %swap3A_1011 = arith.constant 1 : i32
      %swap3A_1012 = arith.index_cast %swap3A_1011 : i32 to index
      %swap3A_1013 = arith.constant 448 : index
      %swap3A_1014 = tpu.vector_load %arg6[%swap3A_1012, %swap3A_1013] {strides = array<i32>} : memref<2x512xi32, #tpu.memory_space<vmem>>, vector<1x16xi32>,
      %swap3A_1015 = vector.shape_cast %swap3A_1014 : vector<1x16xi32> to vector<16xi32>
      %swap3A_1016 = vector.shape_cast %add3A_1010 : vector<16xi32> to vector<1x16xi32>
      tpu.vector_store %arg6[%swap3A_1012, %swap3A_1013], %swap3A_1016 {strides = array<i32>} : memref<2x512xi32, #tpu.memory_space<vmem>>, vector<1x16xi32>,
      %get3A_1017 = arith.constant 1 : i32
      %get3A_1018 = arith.constant 14 : i32
      %get3A_1019 = arith.index_cast %get3A_1017 : i32 to index
      %get3A_1020 = arith.index_cast %get3A_1018 : i32 to index
      %get3A_1021 = arith.constant 16 : index
      %get3A_1022 = tpu.vector_load %arg5[%get3A_1019, %get3A_1020, %get3A_1021] {strides = array<i32>} : memref<2x16x32xi32, #tpu.memory_space<vmem>>, vector<1x1x16xi32>,
      %get3A_1023 = vector.shape_cast %get3A_1022 : vector<1x1x16xi32> to vector<16xi32>
      %add3A_1024 = arith.addi %get3A_1023, %add3A_37 : vector<16xi32>
      %swap3A_1025 = arith.constant 1 : i32
      %swap3A_1026 = arith.index_cast %swap3A_1025 : i32 to index
      %swap3A_1027 = arith.constant 464 : index
      %swap3A_1028 = tpu.vector_load %arg6[%swap3A_1026, %swap3A_1027] {strides = array<i32>} : memref<2x512xi32, #tpu.memory_space<vmem>>, vector<1x16xi32>,
      %swap3A_1029 = vector.shape_cast %swap3A_1028 : vector<1x16xi32> to vector<16xi32>
      %swap3A_1030 = vector.shape_cast %add3A_1024 : vector<16xi32> to vector<1x16xi32>
      tpu.vector_store %arg6[%swap3A_1026, %swap3A_1027], %swap3A_1030 {strides = array<i32>} : memref<2x512xi32, #tpu.memory_space<vmem>>, vector<1x16xi32>,
      %get3A_1031 = arith.constant 1 : i32
      %get3A_1032 = arith.constant 15 : i32
      %get3A_1033 = arith.index_cast %get3A_1031 : i32 to index
      %get3A_1034 = arith.index_cast %get3A_1032 : i32 to index
      %get3A_1035 = arith.constant 0 : index
      %get3A_1036 = tpu.vector_load %arg5[%get3A_1033, %get3A_1034, %get3A_1035] {strides = array<i32>} : memref<2x16x32xi32, #tpu.memory_space<vmem>>, vector<1x1x16xi32>,
      %get3A_1037 = vector.shape_cast %get3A_1036 : vector<1x1x16xi32> to vector<16xi32>
      %add3A_1038 = arith.addi %get3A_1037, %add3A_37 : vector<16xi32>
      %swap3A_1039 = arith.constant 1 : i32
      %swap3A_1040 = arith.index_cast %swap3A_1039 : i32 to index
      %swap3A_1041 = arith.constant 480 : index
      %swap3A_1042 = tpu.vector_load %arg6[%swap3A_1040, %swap3A_1041] {strides = array<i32>} : memref<2x512xi32, #tpu.memory_space<vmem>>, vector<1x16xi32>,
      %swap3A_1043 = vector.shape_cast %swap3A_1042 : vector<1x16xi32> to vector<16xi32>
      %swap3A_1044 = vector.shape_cast %add3A_1038 : vector<16xi32> to vector<1x16xi32>
      tpu.vector_store %arg6[%swap3A_1040, %swap3A_1041], %swap3A_1044 {strides = array<i32>} : memref<2x512xi32, #tpu.memory_space<vmem>>, vector<1x16xi32>,
      %get3A_1045 = arith.constant 1 : i32
      %get3A_1046 = arith.constant 15 : i32
      %get3A_1047 = arith.index_cast %get3A_1045 : i32 to index
      %get3A_1048 = arith.index_cast %get3A_1046 : i32 to index
      %get3A_1049 = arith.constant 16 : index
      %get3A_1050 = tpu.vector_load %arg5[%get3A_1047, %get3A_1048, %get3A_1049] {strides = array<i32>} : memref<2x16x32xi32, #tpu.memory_space<vmem>>, vector<1x1x16xi32>,
      %get3A_1051 = vector.shape_cast %get3A_1050 : vector<1x1x16xi32> to vector<16xi32>
      %add3A_1052 = arith.addi %get3A_1051, %add3A_37 : vector<16xi32>
      %swap3A_1053 = arith.constant 1 : i32
      %swap3A_1054 = arith.index_cast %swap3A_1053 : i32 to index
      %swap3A_1055 = arith.constant 496 : index
      %swap3A_1056 = tpu.vector_load %arg6[%swap3A_1054, %swap3A_1055] {strides = array<i32>} : memref<2x512xi32, #tpu.memory_space<vmem>>, vector<1x16xi32>,
      %swap3A_1057 = vector.shape_cast %swap3A_1056 : vector<1x16xi32> to vector<16xi32>
      %swap3A_1058 = vector.shape_cast %add3A_1052 : vector<16xi32> to vector<1x16xi32>
      tpu.vector_store %arg6[%swap3A_1054, %swap3A_1055], %swap3A_1058 {strides = array<i32>} : memref<2x512xi32, #tpu.memory_space<vmem>>, vector<1x16xi32>,
      %dma_start3A_1059 = arith.constant 1 : i32
      %dma_start3A_1060 = arith.constant 1 : i32
      %dma_start3A_1061 = arith.constant 0 : i32
      %dma_start3A_1062 = arith.constant 0 : i32
      %dma_start3A_1063 = tpu.memref_slice %arg7[%dma_start3A_1060, %dma_start3A_1061, %dma_start3A_1062] : memref<2x512x64xf32, #tpu.memory_space<vmem>> -> memref<1x512x64xf32, #tpu.memory_space<vmem>>
      %dma_start3A_1064 = tpu.memref_squeeze %dma_start3A_1063 : memref<1x512x64xf32, #tpu.memory_space<vmem>> -> memref<512x64xf32, #tpu.memory_space<vmem>>
      %dma_start3A_1065 = arith.constant 0 : i32
      %dma_start3A_1066 = tpu.memref_slice %arg6[%dma_start3A_1059, %dma_start3A_1065] : memref<2x512xi32, #tpu.memory_space<vmem>> -> memref<1x512xi32, #tpu.memory_space<vmem>>
      %dma_start3A_1067 = tpu.memref_squeeze %dma_start3A_1066 : memref<1x512xi32, #tpu.memory_space<vmem>> -> memref<512xi32, #tpu.memory_space<vmem>>
      %dma_start3A_1068 = arith.constant 0 : i32
      %dma_start3A_1069 = arith.constant 0 : i32
      %dma_start3A_1070 = tpu.memref_slice %arg2[%dma_start3A_1068, %dma_start3A_1069] : memref<131072x64xf32, #tpu.memory_space<hbm>> -> memref<131072x64xf32, #tpu.memory_space<hbm>>
      tpu.enqueue_indirect_dma source(%dma_start3A_1070 : memref<131072x64xf32, #tpu.memory_space<hbm>>) target(%dma_start3A_1064 : memref<512x64xf32, #tpu.memory_space<vmem>>) offsets(%dma_start3A_1067 : memref<512xi32, #tpu.memory_space<vmem>>) semaphore(%arg10 : memref<!tpu.dma_semaphore, #tpu.memory_space<semaphore_mem>>)
      %lt3A_1071 = arith.constant 15 : i32
      %lt3A_1072 = arith.cmpi slt, %add3A_587, %lt3A_1071 : i32
      %convert_element_type3A = arith.extui %lt3A_1072 : i1 to i32
      %cond3A = arith.constant 0 : i32
      %cond3A_1073 = arith.cmpi ne, %convert_element_type3A, %cond3A : i32
      scf.if %cond3A_1073 {
        %add3A_1158 = arith.constant 2 : i32
        %add3A_1159 = arith.addi %mul3A_589, %add3A_1158 : i32
        %mul3A_1160 = arith.constant 32 : i32
        %mul3A_1161 = arith.muli %add3A_1159, %mul3A_1160 : i32
        %add3A_1162 = arith.addi %select_n3A_32, %mul3A_1161 : i32
        %multiple_of3A_1163 = tpu.assume_multiple %add3A_1162, 32 : i32
        %dma_start3A_1164 = arith.constant 0 : i32
        %dma_start3A_1165 = arith.constant 0 : i32
        %dma_start3A_1166 = arith.constant 0 : i32
        %dma_start3A_1167 = tpu.memref_slice %arg5[%dma_start3A_1164, %dma_start3A_1165, %dma_start3A_1166] : memref<2x16x32xi32, #tpu.memory_space<vmem>> -> memref<1x16x32xi32, #tpu.memory_space<vmem>>
        %dma_start3A_1168 = tpu.memref_squeeze %dma_start3A_1167 : memref<1x16x32xi32, #tpu.memory_space<vmem>> -> memref<16x32xi32, #tpu.memory_space<vmem>>
        %dma_start3A_1169 = arith.constant 0 : i32
        %dma_start3A_1170 = tpu.memref_slice %arg3[%select_n3A, %dma_start3A_1169, %multiple_of3A_1163] : memref<4x16x8192xi32, #tpu.memory_space<hbm>> -> memref<1x16x32xi32, #tpu.memory_space<hbm>>
        %dma_start3A_1171 = tpu.memref_squeeze %dma_start3A_1170 : memref<1x16x32xi32, #tpu.memory_space<hbm>> -> memref<16x32xi32, #tpu.memory_space<hbm>>
        %dma_start3A_1172 = arith.constant 0 : i32
        %dma_start3A_1173 = arith.constant 0 : i32
        %dma_start3A_1174 = tpu.memref_slice %arg5[%dma_start3A_1164, %dma_start3A_1172, %dma_start3A_1173] : memref<2x16x32xi32, #tpu.memory_space<vmem>> -> memref<1x16x32xi32, #tpu.memory_space<vmem>>
        %dma_start3A_1175 = tpu.memref_squeeze %dma_start3A_1174 : memref<1x16x32xi32, #tpu.memory_space<vmem>> -> memref<16x32xi32, #tpu.memory_space<vmem>>
        %dma_start3A_1176 = arith.constant 0 : i32
        %dma_start3A_1177 = tpu.memref_slice %arg3[%select_n3A, %dma_start3A_1176, %multiple_of3A_1163] : memref<4x16x8192xi32, #tpu.memory_space<hbm>> -> memref<1x16x32xi32, #tpu.memory_space<hbm>>
        %dma_start3A_1178 = tpu.memref_squeeze %dma_start3A_1177 : memref<1x16x32xi32, #tpu.memory_space<hbm>> -> memref<16x32xi32, #tpu.memory_space<hbm>>
        tpu.enqueue_dma source(%dma_start3A_1178 : memref<16x32xi32, #tpu.memory_space<hbm>>) target(%dma_start3A_1175 : memref<16x32xi32, #tpu.memory_space<vmem>>) target_semaphore(%arg13 : memref<!tpu.dma_semaphore, #tpu.memory_space<semaphore_mem>>)
      } else {
      }
      %dma_wait3A_1074 = arith.constant 0 : i32
      %dma_wait3A_1075 = arith.constant 0 : i32
      %dma_wait3A_1076 = arith.constant 0 : i32
      %dma_wait3A_1077 = arith.constant 0 : i32
      %dma_wait3A_1078 = tpu.memref_slice %arg7[%dma_wait3A_1075, %dma_wait3A_1076, %dma_wait3A_1077] : memref<2x512x64xf32, #tpu.memory_space<vmem>> -> memref<1x512x64xf32, #tpu.memory_space<vmem>>
      %dma_wait3A_1079 = tpu.memref_squeeze %dma_wait3A_1078 : memref<1x512x64xf32, #tpu.memory_space<vmem>> -> memref<512x64xf32, #tpu.memory_space<vmem>>
      %dma_wait3A_1080 = arith.constant 0 : i32
      %dma_wait3A_1081 = tpu.memref_slice %arg6[%dma_wait3A_1074, %dma_wait3A_1080] : memref<2x512xi32, #tpu.memory_space<vmem>> -> memref<1x512xi32, #tpu.memory_space<vmem>>
      %dma_wait3A_1082 = tpu.memref_squeeze %dma_wait3A_1081 : memref<1x512xi32, #tpu.memory_space<vmem>> -> memref<512xi32, #tpu.memory_space<vmem>>
      %dma_wait3A_1083 = arith.constant 0 : i32
      %dma_wait3A_1084 = arith.constant 0 : i32
      %dma_wait3A_1085 = tpu.memref_slice %arg2[%dma_wait3A_1083, %dma_wait3A_1084] : memref<131072x64xf32, #tpu.memory_space<hbm>> -> memref<131072x64xf32, #tpu.memory_space<hbm>>
      tpu.wait_indirect_dma semaphore(%arg9 : memref<!tpu.dma_semaphore, #tpu.memory_space<semaphore_mem>>) src(%dma_wait3A_1085 : memref<131072x64xf32, #tpu.memory_space<hbm>>) dst(%dma_wait3A_1079 : memref<512x64xf32, #tpu.memory_space<vmem>>)
      %gt3A = arith.constant 0 : i32
      %gt3A_1086 = arith.cmpi sgt, %add3A_587, %gt3A : i32
      %convert_element_type3A_1087 = arith.extui %gt3A_1086 : i1 to i32
      %cond3A_1088 = arith.constant 0 : i32
      %cond3A_1089 = arith.cmpi ne, %convert_element_type3A_1087, %cond3A_1088 : i32
      scf.if %cond3A_1089 {
        %sub3A_1158 = arith.constant 2 : i32
        %sub3A_1159 = arith.subi %mul3A_589, %sub3A_1158 : i32
        %mul3A_1160 = arith.constant 32 : i32
        %mul3A_1161 = arith.muli %sub3A_1159, %mul3A_1160 : i32
        %add3A_1162 = arith.addi %mul3A_2, %mul3A_1161 : i32
        %multiple_of3A_1163 = tpu.assume_multiple %add3A_1162, 32 : i32
        %dma_wait3A_1164 = arith.constant 0 : i32
        %dma_wait3A_1165 = arith.constant 0 : i32
        %dma_wait3A_1166 = arith.constant 0 : i32
        %dma_wait3A_1167 = tpu.memref_slice %arg8[%dma_wait3A_1164, %dma_wait3A_1165, %dma_wait3A_1166] : memref<2x32x64xf32, #tpu.memory_space<vmem>> -> memref<1x32x64xf32, #tpu.memory_space<vmem>>
        %dma_wait3A_1168 = tpu.memref_squeeze %dma_wait3A_1167 : memref<1x32x64xf32, #tpu.memory_space<vmem>> -> memref<32x64xf32, #tpu.memory_space<vmem>>
        %dma_wait3A_1169 = arith.constant 0 : i32
        %dma_wait3A_1170 = tpu.memref_slice %arg4[%multiple_of3A_1163, %dma_wait3A_1169] : memref<32768x64xf32, #tpu.memory_space<hbm>> -> memref<32x64xf32, #tpu.memory_space<hbm>>
        %dma_wait3A_1171 = arith.constant 0 : i32
        %dma_wait3A_1172 = tpu.memref_slice %arg4[%multiple_of3A_1163, %dma_wait3A_1171] : memref<32768x64xf32, #tpu.memory_space<hbm>> -> memref<32x64xf32, #tpu.memory_space<hbm>>
        %dma_wait3A_1173 = arith.constant 0 : i32
        %dma_wait3A_1174 = arith.constant 0 : i32
        %dma_wait3A_1175 = tpu.memref_slice %arg8[%dma_wait3A_1164, %dma_wait3A_1173, %dma_wait3A_1174] : memref<2x32x64xf32, #tpu.memory_space<vmem>> -> memref<1x32x64xf32, #tpu.memory_space<vmem>>
        %dma_wait3A_1176 = tpu.memref_squeeze %dma_wait3A_1175 : memref<1x32x64xf32, #tpu.memory_space<vmem>> -> memref<32x64xf32, #tpu.memory_space<vmem>>
        tpu.wait_dma2 semaphore(%arg11 : memref<!tpu.dma_semaphore, #tpu.memory_space<semaphore_mem>>) src(%dma_wait3A_1176 : memref<32x64xf32, #tpu.memory_space<vmem>>) dst(%dma_wait3A_1172 : memref<32x64xf32, #tpu.memory_space<hbm>>)
      } else {
      }
      %scan3A_1090 = arith.constant 0 : i32
      %scan3A_1091 = arith.constant 16 : i32
      %scan3A_1092 = arith.addi %scan3A_1090, %scan3A_1091 : i32
      %scan3A_1093 = arith.constant 1 : i32
      scf.for %scan3A_1158 = %scan3A_1090 to %scan3A_1092 step %scan3A_1093  : i32 {
        %mul3A_1159 = arith.constant 1 : i32
        %mul3A_1160 = arith.muli %scan3A_1158, %mul3A_1159 : i32
        %add3A_1161 = arith.constant 0 : i32
        %add3A_1162 = arith.addi %add3A_1161, %mul3A_1160 : i32
        %mul3A_1163 = arith.constant 2 : i32
        %mul3A_1164 = arith.muli %add3A_1162, %mul3A_1163 : i32
        %add3A_1165 = arith.constant 0 : i32
        %add3A_1166 = arith.addi %mul3A_1164, %add3A_1165 : i32
        %get3A_1167 = arith.constant 0 : i32
        %get3A_1168 = arith.index_cast %get3A_1167 : i32 to index
        %get3A_1169 = arith.index_cast %add3A_1166 : i32 to index
        %get3A_1170 = arith.constant 0 : index
        %get3A_1171 = tpu.vector_load %arg7[%get3A_1168, %get3A_1169, %get3A_1170] {strides = array<i32>} : memref<2x512x64xf32, #tpu.memory_space<vmem>>, vector<1x1x16xf32>,
        %get3A_1172 = vector.shape_cast %get3A_1171 : vector<1x1x16xf32> to vector<16xf32>
        %add3A_1173 = arith.constant 32 : i32
        %add3A_1174 = arith.addi %add3A_1173, %add3A_1166 : i32
        %get3A_1175 = arith.constant 0 : i32
        %get3A_1176 = arith.index_cast %get3A_1175 : i32 to index
        %get3A_1177 = arith.index_cast %add3A_1174 : i32 to index
        %get3A_1178 = arith.constant 0 : index
        %get3A_1179 = tpu.vector_load %arg7[%get3A_1176, %get3A_1177, %get3A_1178] {strides = array<i32>} : memref<2x512x64xf32, #tpu.memory_space<vmem>>, vector<1x1x16xf32>,
        %get3A_1180 = vector.shape_cast %get3A_1179 : vector<1x1x16xf32> to vector<16xf32>
        %max3A = arith.maximumf %get3A_1172, %get3A_1180 : vector<16xf32>
        %add3A_1181 = arith.constant 64 : i32
        %add3A_1182 = arith.addi %add3A_1181, %add3A_1166 : i32
        %get3A_1183 = arith.constant 0 : i32
        %get3A_1184 = arith.index_cast %get3A_1183 : i32 to index
        %get3A_1185 = arith.index_cast %add3A_1182 : i32 to index
        %get3A_1186 = arith.constant 0 : index
        %get3A_1187 = tpu.vector_load %arg7[%get3A_1184, %get3A_1185, %get3A_1186] {strides = array<i32>} : memref<2x512x64xf32, #tpu.memory_space<vmem>>, vector<1x1x16xf32>,
        %get3A_1188 = vector.shape_cast %get3A_1187 : vector<1x1x16xf32> to vector<16xf32>
        %max3A_1189 = arith.maximumf %max3A, %get3A_1188 : vector<16xf32>
        %add3A_1190 = arith.constant 96 : i32
        %add3A_1191 = arith.addi %add3A_1190, %add3A_1166 : i32
        %get3A_1192 = arith.constant 0 : i32
        %get3A_1193 = arith.index_cast %get3A_1192 : i32 to index
        %get3A_1194 = arith.index_cast %add3A_1191 : i32 to index
        %get3A_1195 = arith.constant 0 : index
        %get3A_1196 = tpu.vector_load %arg7[%get3A_1193, %get3A_1194, %get3A_1195] {strides = array<i32>} : memref<2x512x64xf32, #tpu.memory_space<vmem>>, vector<1x1x16xf32>,
        %get3A_1197 = vector.shape_cast %get3A_1196 : vector<1x1x16xf32> to vector<16xf32>
        %max3A_1198 = arith.maximumf %max3A_1189, %get3A_1197 : vector<16xf32>
        %add3A_1199 = arith.constant 128 : i32
        %add3A_1200 = arith.addi %add3A_1199, %add3A_1166 : i32
        %get3A_1201 = arith.constant 0 : i32
        %get3A_1202 = arith.index_cast %get3A_1201 : i32 to index
        %get3A_1203 = arith.index_cast %add3A_1200 : i32 to index
        %get3A_1204 = arith.constant 0 : index
        %get3A_1205 = tpu.vector_load %arg7[%get3A_1202, %get3A_1203, %get3A_1204] {strides = array<i32>} : memref<2x512x64xf32, #tpu.memory_space<vmem>>, vector<1x1x16xf32>,
        %get3A_1206 = vector.shape_cast %get3A_1205 : vector<1x1x16xf32> to vector<16xf32>
        %max3A_1207 = arith.maximumf %max3A_1198, %get3A_1206 : vector<16xf32>
        %add3A_1208 = arith.constant 160 : i32
        %add3A_1209 = arith.addi %add3A_1208, %add3A_1166 : i32
        %get3A_1210 = arith.constant 0 : i32
        %get3A_1211 = arith.index_cast %get3A_1210 : i32 to index
        %get3A_1212 = arith.index_cast %add3A_1209 : i32 to index
        %get3A_1213 = arith.constant 0 : index
        %get3A_1214 = tpu.vector_load %arg7[%get3A_1211, %get3A_1212, %get3A_1213] {strides = array<i32>} : memref<2x512x64xf32, #tpu.memory_space<vmem>>, vector<1x1x16xf32>,
        %get3A_1215 = vector.shape_cast %get3A_1214 : vector<1x1x16xf32> to vector<16xf32>
        %max3A_1216 = arith.maximumf %max3A_1207, %get3A_1215 : vector<16xf32>
        %add3A_1217 = arith.constant 192 : i32
        %add3A_1218 = arith.addi %add3A_1217, %add3A_1166 : i32
        %get3A_1219 = arith.constant 0 : i32
        %get3A_1220 = arith.index_cast %get3A_1219 : i32 to index
        %get3A_1221 = arith.index_cast %add3A_1218 : i32 to index
        %get3A_1222 = arith.constant 0 : index
        %get3A_1223 = tpu.vector_load %arg7[%get3A_1220, %get3A_1221, %get3A_1222] {strides = array<i32>} : memref<2x512x64xf32, #tpu.memory_space<vmem>>, vector<1x1x16xf32>,
        %get3A_1224 = vector.shape_cast %get3A_1223 : vector<1x1x16xf32> to vector<16xf32>
        %max3A_1225 = arith.maximumf %max3A_1216, %get3A_1224 : vector<16xf32>
        %add3A_1226 = arith.constant 224 : i32
        %add3A_1227 = arith.addi %add3A_1226, %add3A_1166 : i32
        %get3A_1228 = arith.constant 0 : i32
        %get3A_1229 = arith.index_cast %get3A_1228 : i32 to index
        %get3A_1230 = arith.index_cast %add3A_1227 : i32 to index
        %get3A_1231 = arith.constant 0 : index
        %get3A_1232 = tpu.vector_load %arg7[%get3A_1229, %get3A_1230, %get3A_1231] {strides = array<i32>} : memref<2x512x64xf32, #tpu.memory_space<vmem>>, vector<1x1x16xf32>,
        %get3A_1233 = vector.shape_cast %get3A_1232 : vector<1x1x16xf32> to vector<16xf32>
        %max3A_1234 = arith.maximumf %max3A_1225, %get3A_1233 : vector<16xf32>
        %add3A_1235 = arith.constant 256 : i32
        %add3A_1236 = arith.addi %add3A_1235, %add3A_1166 : i32
        %get3A_1237 = arith.constant 0 : i32
        %get3A_1238 = arith.index_cast %get3A_1237 : i32 to index
        %get3A_1239 = arith.index_cast %add3A_1236 : i32 to index
        %get3A_1240 = arith.constant 0 : index
        %get3A_1241 = tpu.vector_load %arg7[%get3A_1238, %get3A_1239, %get3A_1240] {strides = array<i32>} : memref<2x512x64xf32, #tpu.memory_space<vmem>>, vector<1x1x16xf32>,
        %get3A_1242 = vector.shape_cast %get3A_1241 : vector<1x1x16xf32> to vector<16xf32>
        %max3A_1243 = arith.maximumf %max3A_1234, %get3A_1242 : vector<16xf32>
        %add3A_1244 = arith.constant 288 : i32
        %add3A_1245 = arith.addi %add3A_1244, %add3A_1166 : i32
        %get3A_1246 = arith.constant 0 : i32
        %get3A_1247 = arith.index_cast %get3A_1246 : i32 to index
        %get3A_1248 = arith.index_cast %add3A_1245 : i32 to index
        %get3A_1249 = arith.constant 0 : index
        %get3A_1250 = tpu.vector_load %arg7[%get3A_1247, %get3A_1248, %get3A_1249] {strides = array<i32>} : memref<2x512x64xf32, #tpu.memory_space<vmem>>, vector<1x1x16xf32>,
        %get3A_1251 = vector.shape_cast %get3A_1250 : vector<1x1x16xf32> to vector<16xf32>
        %max3A_1252 = arith.maximumf %max3A_1243, %get3A_1251 : vector<16xf32>
        %add3A_1253 = arith.constant 320 : i32
        %add3A_1254 = arith.addi %add3A_1253, %add3A_1166 : i32
        %get3A_1255 = arith.constant 0 : i32
        %get3A_1256 = arith.index_cast %get3A_1255 : i32 to index
        %get3A_1257 = arith.index_cast %add3A_1254 : i32 to index
        %get3A_1258 = arith.constant 0 : index
        %get3A_1259 = tpu.vector_load %arg7[%get3A_1256, %get3A_1257, %get3A_1258] {strides = array<i32>} : memref<2x512x64xf32, #tpu.memory_space<vmem>>, vector<1x1x16xf32>,
        %get3A_1260 = vector.shape_cast %get3A_1259 : vector<1x1x16xf32> to vector<16xf32>
        %max3A_1261 = arith.maximumf %max3A_1252, %get3A_1260 : vector<16xf32>
        %add3A_1262 = arith.constant 352 : i32
        %add3A_1263 = arith.addi %add3A_1262, %add3A_1166 : i32
        %get3A_1264 = arith.constant 0 : i32
        %get3A_1265 = arith.index_cast %get3A_1264 : i32 to index
        %get3A_1266 = arith.index_cast %add3A_1263 : i32 to index
        %get3A_1267 = arith.constant 0 : index
        %get3A_1268 = tpu.vector_load %arg7[%get3A_1265, %get3A_1266, %get3A_1267] {strides = array<i32>} : memref<2x512x64xf32, #tpu.memory_space<vmem>>, vector<1x1x16xf32>,
        %get3A_1269 = vector.shape_cast %get3A_1268 : vector<1x1x16xf32> to vector<16xf32>
        %max3A_1270 = arith.maximumf %max3A_1261, %get3A_1269 : vector<16xf32>
        %add3A_1271 = arith.constant 384 : i32
        %add3A_1272 = arith.addi %add3A_1271, %add3A_1166 : i32
        %get3A_1273 = arith.constant 0 : i32
        %get3A_1274 = arith.index_cast %get3A_1273 : i32 to index
        %get3A_1275 = arith.index_cast %add3A_1272 : i32 to index
        %get3A_1276 = arith.constant 0 : index
        %get3A_1277 = tpu.vector_load %arg7[%get3A_1274, %get3A_1275, %get3A_1276] {strides = array<i32>} : memref<2x512x64xf32, #tpu.memory_space<vmem>>, vector<1x1x16xf32>,
        %get3A_1278 = vector.shape_cast %get3A_1277 : vector<1x1x16xf32> to vector<16xf32>
        %max3A_1279 = arith.maximumf %max3A_1270, %get3A_1278 : vector<16xf32>
        %add3A_1280 = arith.constant 416 : i32
        %add3A_1281 = arith.addi %add3A_1280, %add3A_1166 : i32
        %get3A_1282 = arith.constant 0 : i32
        %get3A_1283 = arith.index_cast %get3A_1282 : i32 to index
        %get3A_1284 = arith.index_cast %add3A_1281 : i32 to index
        %get3A_1285 = arith.constant 0 : index
        %get3A_1286 = tpu.vector_load %arg7[%get3A_1283, %get3A_1284, %get3A_1285] {strides = array<i32>} : memref<2x512x64xf32, #tpu.memory_space<vmem>>, vector<1x1x16xf32>,
        %get3A_1287 = vector.shape_cast %get3A_1286 : vector<1x1x16xf32> to vector<16xf32>
        %max3A_1288 = arith.maximumf %max3A_1279, %get3A_1287 : vector<16xf32>
        %add3A_1289 = arith.constant 448 : i32
        %add3A_1290 = arith.addi %add3A_1289, %add3A_1166 : i32
        %get3A_1291 = arith.constant 0 : i32
        %get3A_1292 = arith.index_cast %get3A_1291 : i32 to index
        %get3A_1293 = arith.index_cast %add3A_1290 : i32 to index
        %get3A_1294 = arith.constant 0 : index
        %get3A_1295 = tpu.vector_load %arg7[%get3A_1292, %get3A_1293, %get3A_1294] {strides = array<i32>} : memref<2x512x64xf32, #tpu.memory_space<vmem>>, vector<1x1x16xf32>,
        %get3A_1296 = vector.shape_cast %get3A_1295 : vector<1x1x16xf32> to vector<16xf32>
        %max3A_1297 = arith.maximumf %max3A_1288, %get3A_1296 : vector<16xf32>
        %add3A_1298 = arith.constant 480 : i32
        %add3A_1299 = arith.addi %add3A_1298, %add3A_1166 : i32
        %get3A_1300 = arith.constant 0 : i32
        %get3A_1301 = arith.index_cast %get3A_1300 : i32 to index
        %get3A_1302 = arith.index_cast %add3A_1299 : i32 to index
        %get3A_1303 = arith.constant 0 : index
        %get3A_1304 = tpu.vector_load %arg7[%get3A_1301, %get3A_1302, %get3A_1303] {strides = array<i32>} : memref<2x512x64xf32, #tpu.memory_space<vmem>>, vector<1x1x16xf32>,
        %get3A_1305 = vector.shape_cast %get3A_1304 : vector<1x1x16xf32> to vector<16xf32>
        %max3A_1306 = arith.maximumf %max3A_1297, %get3A_1305 : vector<16xf32>
        %swap3A_1307 = arith.constant 0 : i32
        %swap3A_1308 = arith.index_cast %swap3A_1307 : i32 to index
        %swap3A_1309 = arith.index_cast %add3A_1166 : i32 to index
        %swap3A_1310 = arith.constant 0 : index
        %swap3A_1311 = tpu.vector_load %arg8[%swap3A_1308, %swap3A_1309, %swap3A_1310] {strides = array<i32>} : memref<2x32x64xf32, #tpu.memory_space<vmem>>, vector<1x1x16xf32>,
        %swap3A_1312 = vector.shape_cast %swap3A_1311 : vector<1x1x16xf32> to vector<16xf32>
        %swap3A_1313 = vector.shape_cast %max3A_1306 : vector<16xf32> to vector<1x1x16xf32>
        tpu.vector_store %arg8[%swap3A_1308, %swap3A_1309, %swap3A_1310], %swap3A_1313 {strides = array<i32>} : memref<2x32x64xf32, #tpu.memory_space<vmem>>, vector<1x1x16xf32>,
        %get3A_1314 = arith.constant 0 : i32
        %get3A_1315 = arith.index_cast %get3A_1314 : i32 to index
        %get3A_1316 = arith.index_cast %add3A_1166 : i32 to index
        %get3A_1317 = arith.constant 16 : index
        %get3A_1318 = tpu.vector_load %arg7[%get3A_1315, %get3A_1316, %get3A_1317] {strides = array<i32>} : memref<2x512x64xf32, #tpu.memory_space<vmem>>, vector<1x1x16xf32>,
        %get3A_1319 = vector.shape_cast %get3A_1318 : vector<1x1x16xf32> to vector<16xf32>
        %add3A_1320 = arith.constant 32 : i32
        %add3A_1321 = arith.addi %add3A_1320, %add3A_1166 : i32
        %get3A_1322 = arith.constant 0 : i32
        %get3A_1323 = arith.index_cast %get3A_1322 : i32 to index
        %get3A_1324 = arith.index_cast %add3A_1321 : i32 to index
        %get3A_1325 = arith.constant 16 : index
        %get3A_1326 = tpu.vector_load %arg7[%get3A_1323, %get3A_1324, %get3A_1325] {strides = array<i32>} : memref<2x512x64xf32, #tpu.memory_space<vmem>>, vector<1x1x16xf32>,
        %get3A_1327 = vector.shape_cast %get3A_1326 : vector<1x1x16xf32> to vector<16xf32>
        %max3A_1328 = arith.maximumf %get3A_1319, %get3A_1327 : vector<16xf32>
        %add3A_1329 = arith.constant 64 : i32
        %add3A_1330 = arith.addi %add3A_1329, %add3A_1166 : i32
        %get3A_1331 = arith.constant 0 : i32
        %get3A_1332 = arith.index_cast %get3A_1331 : i32 to index
        %get3A_1333 = arith.index_cast %add3A_1330 : i32 to index
        %get3A_1334 = arith.constant 16 : index
        %get3A_1335 = tpu.vector_load %arg7[%get3A_1332, %get3A_1333, %get3A_1334] {strides = array<i32>} : memref<2x512x64xf32, #tpu.memory_space<vmem>>, vector<1x1x16xf32>,
        %get3A_1336 = vector.shape_cast %get3A_1335 : vector<1x1x16xf32> to vector<16xf32>
        %max3A_1337 = arith.maximumf %max3A_1328, %get3A_1336 : vector<16xf32>
        %add3A_1338 = arith.constant 96 : i32
        %add3A_1339 = arith.addi %add3A_1338, %add3A_1166 : i32
        %get3A_1340 = arith.constant 0 : i32
        %get3A_1341 = arith.index_cast %get3A_1340 : i32 to index
        %get3A_1342 = arith.index_cast %add3A_1339 : i32 to index
        %get3A_1343 = arith.constant 16 : index
        %get3A_1344 = tpu.vector_load %arg7[%get3A_1341, %get3A_1342, %get3A_1343] {strides = array<i32>} : memref<2x512x64xf32, #tpu.memory_space<vmem>>, vector<1x1x16xf32>,
        %get3A_1345 = vector.shape_cast %get3A_1344 : vector<1x1x16xf32> to vector<16xf32>
        %max3A_1346 = arith.maximumf %max3A_1337, %get3A_1345 : vector<16xf32>
        %add3A_1347 = arith.constant 128 : i32
        %add3A_1348 = arith.addi %add3A_1347, %add3A_1166 : i32
        %get3A_1349 = arith.constant 0 : i32
        %get3A_1350 = arith.index_cast %get3A_1349 : i32 to index
        %get3A_1351 = arith.index_cast %add3A_1348 : i32 to index
        %get3A_1352 = arith.constant 16 : index
        %get3A_1353 = tpu.vector_load %arg7[%get3A_1350, %get3A_1351, %get3A_1352] {strides = array<i32>} : memref<2x512x64xf32, #tpu.memory_space<vmem>>, vector<1x1x16xf32>,
        %get3A_1354 = vector.shape_cast %get3A_1353 : vector<1x1x16xf32> to vector<16xf32>
        %max3A_1355 = arith.maximumf %max3A_1346, %get3A_1354 : vector<16xf32>
        %add3A_1356 = arith.constant 160 : i32
        %add3A_1357 = arith.addi %add3A_1356, %add3A_1166 : i32
        %get3A_1358 = arith.constant 0 : i32
        %get3A_1359 = arith.index_cast %get3A_1358 : i32 to index
        %get3A_1360 = arith.index_cast %add3A_1357 : i32 to index
        %get3A_1361 = arith.constant 16 : index
        %get3A_1362 = tpu.vector_load %arg7[%get3A_1359, %get3A_1360, %get3A_1361] {strides = array<i32>} : memref<2x512x64xf32, #tpu.memory_space<vmem>>, vector<1x1x16xf32>,
        %get3A_1363 = vector.shape_cast %get3A_1362 : vector<1x1x16xf32> to vector<16xf32>
        %max3A_1364 = arith.maximumf %max3A_1355, %get3A_1363 : vector<16xf32>
        %add3A_1365 = arith.constant 192 : i32
        %add3A_1366 = arith.addi %add3A_1365, %add3A_1166 : i32
        %get3A_1367 = arith.constant 0 : i32
        %get3A_1368 = arith.index_cast %get3A_1367 : i32 to index
        %get3A_1369 = arith.index_cast %add3A_1366 : i32 to index
        %get3A_1370 = arith.constant 16 : index
        %get3A_1371 = tpu.vector_load %arg7[%get3A_1368, %get3A_1369, %get3A_1370] {strides = array<i32>} : memref<2x512x64xf32, #tpu.memory_space<vmem>>, vector<1x1x16xf32>,
        %get3A_1372 = vector.shape_cast %get3A_1371 : vector<1x1x16xf32> to vector<16xf32>
        %max3A_1373 = arith.maximumf %max3A_1364, %get3A_1372 : vector<16xf32>
        %add3A_1374 = arith.constant 224 : i32
        %add3A_1375 = arith.addi %add3A_1374, %add3A_1166 : i32
        %get3A_1376 = arith.constant 0 : i32
        %get3A_1377 = arith.index_cast %get3A_1376 : i32 to index
        %get3A_1378 = arith.index_cast %add3A_1375 : i32 to index
        %get3A_1379 = arith.constant 16 : index
        %get3A_1380 = tpu.vector_load %arg7[%get3A_1377, %get3A_1378, %get3A_1379] {strides = array<i32>} : memref<2x512x64xf32, #tpu.memory_space<vmem>>, vector<1x1x16xf32>,
        %get3A_1381 = vector.shape_cast %get3A_1380 : vector<1x1x16xf32> to vector<16xf32>
        %max3A_1382 = arith.maximumf %max3A_1373, %get3A_1381 : vector<16xf32>
        %add3A_1383 = arith.constant 256 : i32
        %add3A_1384 = arith.addi %add3A_1383, %add3A_1166 : i32
        %get3A_1385 = arith.constant 0 : i32
        %get3A_1386 = arith.index_cast %get3A_1385 : i32 to index
        %get3A_1387 = arith.index_cast %add3A_1384 : i32 to index
        %get3A_1388 = arith.constant 16 : index
        %get3A_1389 = tpu.vector_load %arg7[%get3A_1386, %get3A_1387, %get3A_1388] {strides = array<i32>} : memref<2x512x64xf32, #tpu.memory_space<vmem>>, vector<1x1x16xf32>,
        %get3A_1390 = vector.shape_cast %get3A_1389 : vector<1x1x16xf32> to vector<16xf32>
        %max3A_1391 = arith.maximumf %max3A_1382, %get3A_1390 : vector<16xf32>
        %add3A_1392 = arith.constant 288 : i32
        %add3A_1393 = arith.addi %add3A_1392, %add3A_1166 : i32
        %get3A_1394 = arith.constant 0 : i32
        %get3A_1395 = arith.index_cast %get3A_1394 : i32 to index
        %get3A_1396 = arith.index_cast %add3A_1393 : i32 to index
        %get3A_1397 = arith.constant 16 : index
        %get3A_1398 = tpu.vector_load %arg7[%get3A_1395, %get3A_1396, %get3A_1397] {strides = array<i32>} : memref<2x512x64xf32, #tpu.memory_space<vmem>>, vector<1x1x16xf32>,
        %get3A_1399 = vector.shape_cast %get3A_1398 : vector<1x1x16xf32> to vector<16xf32>
        %max3A_1400 = arith.maximumf %max3A_1391, %get3A_1399 : vector<16xf32>
        %add3A_1401 = arith.constant 320 : i32
        %add3A_1402 = arith.addi %add3A_1401, %add3A_1166 : i32
        %get3A_1403 = arith.constant 0 : i32
        %get3A_1404 = arith.index_cast %get3A_1403 : i32 to index
        %get3A_1405 = arith.index_cast %add3A_1402 : i32 to index
        %get3A_1406 = arith.constant 16 : index
        %get3A_1407 = tpu.vector_load %arg7[%get3A_1404, %get3A_1405, %get3A_1406] {strides = array<i32>} : memref<2x512x64xf32, #tpu.memory_space<vmem>>, vector<1x1x16xf32>,
        %get3A_1408 = vector.shape_cast %get3A_1407 : vector<1x1x16xf32> to vector<16xf32>
        %max3A_1409 = arith.maximumf %max3A_1400, %get3A_1408 : vector<16xf32>
        %add3A_1410 = arith.constant 352 : i32
        %add3A_1411 = arith.addi %add3A_1410, %add3A_1166 : i32
        %get3A_1412 = arith.constant 0 : i32
        %get3A_1413 = arith.index_cast %get3A_1412 : i32 to index
        %get3A_1414 = arith.index_cast %add3A_1411 : i32 to index
        %get3A_1415 = arith.constant 16 : index
        %get3A_1416 = tpu.vector_load %arg7[%get3A_1413, %get3A_1414, %get3A_1415] {strides = array<i32>} : memref<2x512x64xf32, #tpu.memory_space<vmem>>, vector<1x1x16xf32>,
        %get3A_1417 = vector.shape_cast %get3A_1416 : vector<1x1x16xf32> to vector<16xf32>
        %max3A_1418 = arith.maximumf %max3A_1409, %get3A_1417 : vector<16xf32>
        %add3A_1419 = arith.constant 384 : i32
        %add3A_1420 = arith.addi %add3A_1419, %add3A_1166 : i32
        %get3A_1421 = arith.constant 0 : i32
        %get3A_1422 = arith.index_cast %get3A_1421 : i32 to index
        %get3A_1423 = arith.index_cast %add3A_1420 : i32 to index
        %get3A_1424 = arith.constant 16 : index
        %get3A_1425 = tpu.vector_load %arg7[%get3A_1422, %get3A_1423, %get3A_1424] {strides = array<i32>} : memref<2x512x64xf32, #tpu.memory_space<vmem>>, vector<1x1x16xf32>,
        %get3A_1426 = vector.shape_cast %get3A_1425 : vector<1x1x16xf32> to vector<16xf32>
        %max3A_1427 = arith.maximumf %max3A_1418, %get3A_1426 : vector<16xf32>
        %add3A_1428 = arith.constant 416 : i32
        %add3A_1429 = arith.addi %add3A_1428, %add3A_1166 : i32
        %get3A_1430 = arith.constant 0 : i32
        %get3A_1431 = arith.index_cast %get3A_1430 : i32 to index
        %get3A_1432 = arith.index_cast %add3A_1429 : i32 to index
        %get3A_1433 = arith.constant 16 : index
        %get3A_1434 = tpu.vector_load %arg7[%get3A_1431, %get3A_1432, %get3A_1433] {strides = array<i32>} : memref<2x512x64xf32, #tpu.memory_space<vmem>>, vector<1x1x16xf32>,
        %get3A_1435 = vector.shape_cast %get3A_1434 : vector<1x1x16xf32> to vector<16xf32>
        %max3A_1436 = arith.maximumf %max3A_1427, %get3A_1435 : vector<16xf32>
        %add3A_1437 = arith.constant 448 : i32
        %add3A_1438 = arith.addi %add3A_1437, %add3A_1166 : i32
        %get3A_1439 = arith.constant 0 : i32
        %get3A_1440 = arith.index_cast %get3A_1439 : i32 to index
        %get3A_1441 = arith.index_cast %add3A_1438 : i32 to index
        %get3A_1442 = arith.constant 16 : index
        %get3A_1443 = tpu.vector_load %arg7[%get3A_1440, %get3A_1441, %get3A_1442] {strides = array<i32>} : memref<2x512x64xf32, #tpu.memory_space<vmem>>, vector<1x1x16xf32>,
        %get3A_1444 = vector.shape_cast %get3A_1443 : vector<1x1x16xf32> to vector<16xf32>
        %max3A_1445 = arith.maximumf %max3A_1436, %get3A_1444 : vector<16xf32>
        %add3A_1446 = arith.constant 480 : i32
        %add3A_1447 = arith.addi %add3A_1446, %add3A_1166 : i32
        %get3A_1448 = arith.constant 0 : i32
        %get3A_1449 = arith.index_cast %get3A_1448 : i32 to index
        %get3A_1450 = arith.index_cast %add3A_1447 : i32 to index
        %get3A_1451 = arith.constant 16 : index
        %get3A_1452 = tpu.vector_load %arg7[%get3A_1449, %get3A_1450, %get3A_1451] {strides = array<i32>} : memref<2x512x64xf32, #tpu.memory_space<vmem>>, vector<1x1x16xf32>,
        %get3A_1453 = vector.shape_cast %get3A_1452 : vector<1x1x16xf32> to vector<16xf32>
        %max3A_1454 = arith.maximumf %max3A_1445, %get3A_1453 : vector<16xf32>
        %swap3A_1455 = arith.constant 0 : i32
        %swap3A_1456 = arith.index_cast %swap3A_1455 : i32 to index
        %swap3A_1457 = arith.index_cast %add3A_1166 : i32 to index
        %swap3A_1458 = arith.constant 16 : index
        %swap3A_1459 = tpu.vector_load %arg8[%swap3A_1456, %swap3A_1457, %swap3A_1458] {strides = array<i32>} : memref<2x32x64xf32, #tpu.memory_space<vmem>>, vector<1x1x16xf32>,
        %swap3A_1460 = vector.shape_cast %swap3A_1459 : vector<1x1x16xf32> to vector<16xf32>
        %swap3A_1461 = vector.shape_cast %max3A_1454 : vector<16xf32> to vector<1x1x16xf32>
        tpu.vector_store %arg8[%swap3A_1456, %swap3A_1457, %swap3A_1458], %swap3A_1461 {strides = array<i32>} : memref<2x32x64xf32, #tpu.memory_space<vmem>>, vector<1x1x16xf32>,
        %get3A_1462 = arith.constant 0 : i32
        %get3A_1463 = arith.index_cast %get3A_1462 : i32 to index
        %get3A_1464 = arith.index_cast %add3A_1166 : i32 to index
        %get3A_1465 = arith.constant 32 : index
        %get3A_1466 = tpu.vector_load %arg7[%get3A_1463, %get3A_1464, %get3A_1465] {strides = array<i32>} : memref<2x512x64xf32, #tpu.memory_space<vmem>>, vector<1x1x16xf32>,
        %get3A_1467 = vector.shape_cast %get3A_1466 : vector<1x1x16xf32> to vector<16xf32>
        %add3A_1468 = arith.constant 32 : i32
        %add3A_1469 = arith.addi %add3A_1468, %add3A_1166 : i32
        %get3A_1470 = arith.constant 0 : i32
        %get3A_1471 = arith.index_cast %get3A_1470 : i32 to index
        %get3A_1472 = arith.index_cast %add3A_1469 : i32 to index
        %get3A_1473 = arith.constant 32 : index
        %get3A_1474 = tpu.vector_load %arg7[%get3A_1471, %get3A_1472, %get3A_1473] {strides = array<i32>} : memref<2x512x64xf32, #tpu.memory_space<vmem>>, vector<1x1x16xf32>,
        %get3A_1475 = vector.shape_cast %get3A_1474 : vector<1x1x16xf32> to vector<16xf32>
        %max3A_1476 = arith.maximumf %get3A_1467, %get3A_1475 : vector<16xf32>
        %add3A_1477 = arith.constant 64 : i32
        %add3A_1478 = arith.addi %add3A_1477, %add3A_1166 : i32
        %get3A_1479 = arith.constant 0 : i32
        %get3A_1480 = arith.index_cast %get3A_1479 : i32 to index
        %get3A_1481 = arith.index_cast %add3A_1478 : i32 to index
        %get3A_1482 = arith.constant 32 : index
        %get3A_1483 = tpu.vector_load %arg7[%get3A_1480, %get3A_1481, %get3A_1482] {strides = array<i32>} : memref<2x512x64xf32, #tpu.memory_space<vmem>>, vector<1x1x16xf32>,
        %get3A_1484 = vector.shape_cast %get3A_1483 : vector<1x1x16xf32> to vector<16xf32>
        %max3A_1485 = arith.maximumf %max3A_1476, %get3A_1484 : vector<16xf32>
        %add3A_1486 = arith.constant 96 : i32
        %add3A_1487 = arith.addi %add3A_1486, %add3A_1166 : i32
        %get3A_1488 = arith.constant 0 : i32
        %get3A_1489 = arith.index_cast %get3A_1488 : i32 to index
        %get3A_1490 = arith.index_cast %add3A_1487 : i32 to index
        %get3A_1491 = arith.constant 32 : index
        %get3A_1492 = tpu.vector_load %arg7[%get3A_1489, %get3A_1490, %get3A_1491] {strides = array<i32>} : memref<2x512x64xf32, #tpu.memory_space<vmem>>, vector<1x1x16xf32>,
        %get3A_1493 = vector.shape_cast %get3A_1492 : vector<1x1x16xf32> to vector<16xf32>
        %max3A_1494 = arith.maximumf %max3A_1485, %get3A_1493 : vector<16xf32>
        %add3A_1495 = arith.constant 128 : i32
        %add3A_1496 = arith.addi %add3A_1495, %add3A_1166 : i32
        %get3A_1497 = arith.constant 0 : i32
        %get3A_1498 = arith.index_cast %get3A_1497 : i32 to index
        %get3A_1499 = arith.index_cast %add3A_1496 : i32 to index
        %get3A_1500 = arith.constant 32 : index
        %get3A_1501 = tpu.vector_load %arg7[%get3A_1498, %get3A_1499, %get3A_1500] {strides = array<i32>} : memref<2x512x64xf32, #tpu.memory_space<vmem>>, vector<1x1x16xf32>,
        %get3A_1502 = vector.shape_cast %get3A_1501 : vector<1x1x16xf32> to vector<16xf32>
        %max3A_1503 = arith.maximumf %max3A_1494, %get3A_1502 : vector<16xf32>
        %add3A_1504 = arith.constant 160 : i32
        %add3A_1505 = arith.addi %add3A_1504, %add3A_1166 : i32
        %get3A_1506 = arith.constant 0 : i32
        %get3A_1507 = arith.index_cast %get3A_1506 : i32 to index
        %get3A_1508 = arith.index_cast %add3A_1505 : i32 to index
        %get3A_1509 = arith.constant 32 : index
        %get3A_1510 = tpu.vector_load %arg7[%get3A_1507, %get3A_1508, %get3A_1509] {strides = array<i32>} : memref<2x512x64xf32, #tpu.memory_space<vmem>>, vector<1x1x16xf32>,
        %get3A_1511 = vector.shape_cast %get3A_1510 : vector<1x1x16xf32> to vector<16xf32>
        %max3A_1512 = arith.maximumf %max3A_1503, %get3A_1511 : vector<16xf32>
        %add3A_1513 = arith.constant 192 : i32
        %add3A_1514 = arith.addi %add3A_1513, %add3A_1166 : i32
        %get3A_1515 = arith.constant 0 : i32
        %get3A_1516 = arith.index_cast %get3A_1515 : i32 to index
        %get3A_1517 = arith.index_cast %add3A_1514 : i32 to index
        %get3A_1518 = arith.constant 32 : index
        %get3A_1519 = tpu.vector_load %arg7[%get3A_1516, %get3A_1517, %get3A_1518] {strides = array<i32>} : memref<2x512x64xf32, #tpu.memory_space<vmem>>, vector<1x1x16xf32>,
        %get3A_1520 = vector.shape_cast %get3A_1519 : vector<1x1x16xf32> to vector<16xf32>
        %max3A_1521 = arith.maximumf %max3A_1512, %get3A_1520 : vector<16xf32>
        %add3A_1522 = arith.constant 224 : i32
        %add3A_1523 = arith.addi %add3A_1522, %add3A_1166 : i32
        %get3A_1524 = arith.constant 0 : i32
        %get3A_1525 = arith.index_cast %get3A_1524 : i32 to index
        %get3A_1526 = arith.index_cast %add3A_1523 : i32 to index
        %get3A_1527 = arith.constant 32 : index
        %get3A_1528 = tpu.vector_load %arg7[%get3A_1525, %get3A_1526, %get3A_1527] {strides = array<i32>} : memref<2x512x64xf32, #tpu.memory_space<vmem>>, vector<1x1x16xf32>,
        %get3A_1529 = vector.shape_cast %get3A_1528 : vector<1x1x16xf32> to vector<16xf32>
        %max3A_1530 = arith.maximumf %max3A_1521, %get3A_1529 : vector<16xf32>
        %add3A_1531 = arith.constant 256 : i32
        %add3A_1532 = arith.addi %add3A_1531, %add3A_1166 : i32
        %get3A_1533 = arith.constant 0 : i32
        %get3A_1534 = arith.index_cast %get3A_1533 : i32 to index
        %get3A_1535 = arith.index_cast %add3A_1532 : i32 to index
        %get3A_1536 = arith.constant 32 : index
        %get3A_1537 = tpu.vector_load %arg7[%get3A_1534, %get3A_1535, %get3A_1536] {strides = array<i32>} : memref<2x512x64xf32, #tpu.memory_space<vmem>>, vector<1x1x16xf32>,
        %get3A_1538 = vector.shape_cast %get3A_1537 : vector<1x1x16xf32> to vector<16xf32>
        %max3A_1539 = arith.maximumf %max3A_1530, %get3A_1538 : vector<16xf32>
        %add3A_1540 = arith.constant 288 : i32
        %add3A_1541 = arith.addi %add3A_1540, %add3A_1166 : i32
        %get3A_1542 = arith.constant 0 : i32
        %get3A_1543 = arith.index_cast %get3A_1542 : i32 to index
        %get3A_1544 = arith.index_cast %add3A_1541 : i32 to index
        %get3A_1545 = arith.constant 32 : index
        %get3A_1546 = tpu.vector_load %arg7[%get3A_1543, %get3A_1544, %get3A_1545] {strides = array<i32>} : memref<2x512x64xf32, #tpu.memory_space<vmem>>, vector<1x1x16xf32>,
        %get3A_1547 = vector.shape_cast %get3A_1546 : vector<1x1x16xf32> to vector<16xf32>
        %max3A_1548 = arith.maximumf %max3A_1539, %get3A_1547 : vector<16xf32>
        %add3A_1549 = arith.constant 320 : i32
        %add3A_1550 = arith.addi %add3A_1549, %add3A_1166 : i32
        %get3A_1551 = arith.constant 0 : i32
        %get3A_1552 = arith.index_cast %get3A_1551 : i32 to index
        %get3A_1553 = arith.index_cast %add3A_1550 : i32 to index
        %get3A_1554 = arith.constant 32 : index
        %get3A_1555 = tpu.vector_load %arg7[%get3A_1552, %get3A_1553, %get3A_1554] {strides = array<i32>} : memref<2x512x64xf32, #tpu.memory_space<vmem>>, vector<1x1x16xf32>,
        %get3A_1556 = vector.shape_cast %get3A_1555 : vector<1x1x16xf32> to vector<16xf32>
        %max3A_1557 = arith.maximumf %max3A_1548, %get3A_1556 : vector<16xf32>
        %add3A_1558 = arith.constant 352 : i32
        %add3A_1559 = arith.addi %add3A_1558, %add3A_1166 : i32
        %get3A_1560 = arith.constant 0 : i32
        %get3A_1561 = arith.index_cast %get3A_1560 : i32 to index
        %get3A_1562 = arith.index_cast %add3A_1559 : i32 to index
        %get3A_1563 = arith.constant 32 : index
        %get3A_1564 = tpu.vector_load %arg7[%get3A_1561, %get3A_1562, %get3A_1563] {strides = array<i32>} : memref<2x512x64xf32, #tpu.memory_space<vmem>>, vector<1x1x16xf32>,
        %get3A_1565 = vector.shape_cast %get3A_1564 : vector<1x1x16xf32> to vector<16xf32>
        %max3A_1566 = arith.maximumf %max3A_1557, %get3A_1565 : vector<16xf32>
        %add3A_1567 = arith.constant 384 : i32
        %add3A_1568 = arith.addi %add3A_1567, %add3A_1166 : i32
        %get3A_1569 = arith.constant 0 : i32
        %get3A_1570 = arith.index_cast %get3A_1569 : i32 to index
        %get3A_1571 = arith.index_cast %add3A_1568 : i32 to index
        %get3A_1572 = arith.constant 32 : index
        %get3A_1573 = tpu.vector_load %arg7[%get3A_1570, %get3A_1571, %get3A_1572] {strides = array<i32>} : memref<2x512x64xf32, #tpu.memory_space<vmem>>, vector<1x1x16xf32>,
        %get3A_1574 = vector.shape_cast %get3A_1573 : vector<1x1x16xf32> to vector<16xf32>
        %max3A_1575 = arith.maximumf %max3A_1566, %get3A_1574 : vector<16xf32>
        %add3A_1576 = arith.constant 416 : i32
        %add3A_1577 = arith.addi %add3A_1576, %add3A_1166 : i32
        %get3A_1578 = arith.constant 0 : i32
        %get3A_1579 = arith.index_cast %get3A_1578 : i32 to index
        %get3A_1580 = arith.index_cast %add3A_1577 : i32 to index
        %get3A_1581 = arith.constant 32 : index
        %get3A_1582 = tpu.vector_load %arg7[%get3A_1579, %get3A_1580, %get3A_1581] {strides = array<i32>} : memref<2x512x64xf32, #tpu.memory_space<vmem>>, vector<1x1x16xf32>,
        %get3A_1583 = vector.shape_cast %get3A_1582 : vector<1x1x16xf32> to vector<16xf32>
        %max3A_1584 = arith.maximumf %max3A_1575, %get3A_1583 : vector<16xf32>
        %add3A_1585 = arith.constant 448 : i32
        %add3A_1586 = arith.addi %add3A_1585, %add3A_1166 : i32
        %get3A_1587 = arith.constant 0 : i32
        %get3A_1588 = arith.index_cast %get3A_1587 : i32 to index
        %get3A_1589 = arith.index_cast %add3A_1586 : i32 to index
        %get3A_1590 = arith.constant 32 : index
        %get3A_1591 = tpu.vector_load %arg7[%get3A_1588, %get3A_1589, %get3A_1590] {strides = array<i32>} : memref<2x512x64xf32, #tpu.memory_space<vmem>>, vector<1x1x16xf32>,
        %get3A_1592 = vector.shape_cast %get3A_1591 : vector<1x1x16xf32> to vector<16xf32>
        %max3A_1593 = arith.maximumf %max3A_1584, %get3A_1592 : vector<16xf32>
        %add3A_1594 = arith.constant 480 : i32
        %add3A_1595 = arith.addi %add3A_1594, %add3A_1166 : i32
        %get3A_1596 = arith.constant 0 : i32
        %get3A_1597 = arith.index_cast %get3A_1596 : i32 to index
        %get3A_1598 = arith.index_cast %add3A_1595 : i32 to index
        %get3A_1599 = arith.constant 32 : index
        %get3A_1600 = tpu.vector_load %arg7[%get3A_1597, %get3A_1598, %get3A_1599] {strides = array<i32>} : memref<2x512x64xf32, #tpu.memory_space<vmem>>, vector<1x1x16xf32>,
        %get3A_1601 = vector.shape_cast %get3A_1600 : vector<1x1x16xf32> to vector<16xf32>
        %max3A_1602 = arith.maximumf %max3A_1593, %get3A_1601 : vector<16xf32>
        %swap3A_1603 = arith.constant 0 : i32
        %swap3A_1604 = arith.index_cast %swap3A_1603 : i32 to index
        %swap3A_1605 = arith.index_cast %add3A_1166 : i32 to index
        %swap3A_1606 = arith.constant 32 : index
        %swap3A_1607 = tpu.vector_load %arg8[%swap3A_1604, %swap3A_1605, %swap3A_1606] {strides = array<i32>} : memref<2x32x64xf32, #tpu.memory_space<vmem>>, vector<1x1x16xf32>,
        %swap3A_1608 = vector.shape_cast %swap3A_1607 : vector<1x1x16xf32> to vector<16xf32>
        %swap3A_1609 = vector.shape_cast %max3A_1602 : vector<16xf32> to vector<1x1x16xf32>
        tpu.vector_store %arg8[%swap3A_1604, %swap3A_1605, %swap3A_1606], %swap3A_1609 {strides = array<i32>} : memref<2x32x64xf32, #tpu.memory_space<vmem>>, vector<1x1x16xf32>,
        %get3A_1610 = arith.constant 0 : i32
        %get3A_1611 = arith.index_cast %get3A_1610 : i32 to index
        %get3A_1612 = arith.index_cast %add3A_1166 : i32 to index
        %get3A_1613 = arith.constant 48 : index
        %get3A_1614 = tpu.vector_load %arg7[%get3A_1611, %get3A_1612, %get3A_1613] {strides = array<i32>} : memref<2x512x64xf32, #tpu.memory_space<vmem>>, vector<1x1x16xf32>,
        %get3A_1615 = vector.shape_cast %get3A_1614 : vector<1x1x16xf32> to vector<16xf32>
        %add3A_1616 = arith.constant 32 : i32
        %add3A_1617 = arith.addi %add3A_1616, %add3A_1166 : i32
        %get3A_1618 = arith.constant 0 : i32
        %get3A_1619 = arith.index_cast %get3A_1618 : i32 to index
        %get3A_1620 = arith.index_cast %add3A_1617 : i32 to index
        %get3A_1621 = arith.constant 48 : index
        %get3A_1622 = tpu.vector_load %arg7[%get3A_1619, %get3A_1620, %get3A_1621] {strides = array<i32>} : memref<2x512x64xf32, #tpu.memory_space<vmem>>, vector<1x1x16xf32>,
        %get3A_1623 = vector.shape_cast %get3A_1622 : vector<1x1x16xf32> to vector<16xf32>
        %max3A_1624 = arith.maximumf %get3A_1615, %get3A_1623 : vector<16xf32>
        %add3A_1625 = arith.constant 64 : i32
        %add3A_1626 = arith.addi %add3A_1625, %add3A_1166 : i32
        %get3A_1627 = arith.constant 0 : i32
        %get3A_1628 = arith.index_cast %get3A_1627 : i32 to index
        %get3A_1629 = arith.index_cast %add3A_1626 : i32 to index
        %get3A_1630 = arith.constant 48 : index
        %get3A_1631 = tpu.vector_load %arg7[%get3A_1628, %get3A_1629, %get3A_1630] {strides = array<i32>} : memref<2x512x64xf32, #tpu.memory_space<vmem>>, vector<1x1x16xf32>,
        %get3A_1632 = vector.shape_cast %get3A_1631 : vector<1x1x16xf32> to vector<16xf32>
        %max3A_1633 = arith.maximumf %max3A_1624, %get3A_1632 : vector<16xf32>
        %add3A_1634 = arith.constant 96 : i32
        %add3A_1635 = arith.addi %add3A_1634, %add3A_1166 : i32
        %get3A_1636 = arith.constant 0 : i32
        %get3A_1637 = arith.index_cast %get3A_1636 : i32 to index
        %get3A_1638 = arith.index_cast %add3A_1635 : i32 to index
        %get3A_1639 = arith.constant 48 : index
        %get3A_1640 = tpu.vector_load %arg7[%get3A_1637, %get3A_1638, %get3A_1639] {strides = array<i32>} : memref<2x512x64xf32, #tpu.memory_space<vmem>>, vector<1x1x16xf32>,
        %get3A_1641 = vector.shape_cast %get3A_1640 : vector<1x1x16xf32> to vector<16xf32>
        %max3A_1642 = arith.maximumf %max3A_1633, %get3A_1641 : vector<16xf32>
        %add3A_1643 = arith.constant 128 : i32
        %add3A_1644 = arith.addi %add3A_1643, %add3A_1166 : i32
        %get3A_1645 = arith.constant 0 : i32
        %get3A_1646 = arith.index_cast %get3A_1645 : i32 to index
        %get3A_1647 = arith.index_cast %add3A_1644 : i32 to index
        %get3A_1648 = arith.constant 48 : index
        %get3A_1649 = tpu.vector_load %arg7[%get3A_1646, %get3A_1647, %get3A_1648] {strides = array<i32>} : memref<2x512x64xf32, #tpu.memory_space<vmem>>, vector<1x1x16xf32>,
        %get3A_1650 = vector.shape_cast %get3A_1649 : vector<1x1x16xf32> to vector<16xf32>
        %max3A_1651 = arith.maximumf %max3A_1642, %get3A_1650 : vector<16xf32>
        %add3A_1652 = arith.constant 160 : i32
        %add3A_1653 = arith.addi %add3A_1652, %add3A_1166 : i32
        %get3A_1654 = arith.constant 0 : i32
        %get3A_1655 = arith.index_cast %get3A_1654 : i32 to index
        %get3A_1656 = arith.index_cast %add3A_1653 : i32 to index
        %get3A_1657 = arith.constant 48 : index
        %get3A_1658 = tpu.vector_load %arg7[%get3A_1655, %get3A_1656, %get3A_1657] {strides = array<i32>} : memref<2x512x64xf32, #tpu.memory_space<vmem>>, vector<1x1x16xf32>,
        %get3A_1659 = vector.shape_cast %get3A_1658 : vector<1x1x16xf32> to vector<16xf32>
        %max3A_1660 = arith.maximumf %max3A_1651, %get3A_1659 : vector<16xf32>
        %add3A_1661 = arith.constant 192 : i32
        %add3A_1662 = arith.addi %add3A_1661, %add3A_1166 : i32
        %get3A_1663 = arith.constant 0 : i32
        %get3A_1664 = arith.index_cast %get3A_1663 : i32 to index
        %get3A_1665 = arith.index_cast %add3A_1662 : i32 to index
        %get3A_1666 = arith.constant 48 : index
        %get3A_1667 = tpu.vector_load %arg7[%get3A_1664, %get3A_1665, %get3A_1666] {strides = array<i32>} : memref<2x512x64xf32, #tpu.memory_space<vmem>>, vector<1x1x16xf32>,
        %get3A_1668 = vector.shape_cast %get3A_1667 : vector<1x1x16xf32> to vector<16xf32>
        %max3A_1669 = arith.maximumf %max3A_1660, %get3A_1668 : vector<16xf32>
        %add3A_1670 = arith.constant 224 : i32
        %add3A_1671 = arith.addi %add3A_1670, %add3A_1166 : i32
        %get3A_1672 = arith.constant 0 : i32
        %get3A_1673 = arith.index_cast %get3A_1672 : i32 to index
        %get3A_1674 = arith.index_cast %add3A_1671 : i32 to index
        %get3A_1675 = arith.constant 48 : index
        %get3A_1676 = tpu.vector_load %arg7[%get3A_1673, %get3A_1674, %get3A_1675] {strides = array<i32>} : memref<2x512x64xf32, #tpu.memory_space<vmem>>, vector<1x1x16xf32>,
        %get3A_1677 = vector.shape_cast %get3A_1676 : vector<1x1x16xf32> to vector<16xf32>
        %max3A_1678 = arith.maximumf %max3A_1669, %get3A_1677 : vector<16xf32>
        %add3A_1679 = arith.constant 256 : i32
        %add3A_1680 = arith.addi %add3A_1679, %add3A_1166 : i32
        %get3A_1681 = arith.constant 0 : i32
        %get3A_1682 = arith.index_cast %get3A_1681 : i32 to index
        %get3A_1683 = arith.index_cast %add3A_1680 : i32 to index
        %get3A_1684 = arith.constant 48 : index
        %get3A_1685 = tpu.vector_load %arg7[%get3A_1682, %get3A_1683, %get3A_1684] {strides = array<i32>} : memref<2x512x64xf32, #tpu.memory_space<vmem>>, vector<1x1x16xf32>,
        %get3A_1686 = vector.shape_cast %get3A_1685 : vector<1x1x16xf32> to vector<16xf32>
        %max3A_1687 = arith.maximumf %max3A_1678, %get3A_1686 : vector<16xf32>
        %add3A_1688 = arith.constant 288 : i32
        %add3A_1689 = arith.addi %add3A_1688, %add3A_1166 : i32
        %get3A_1690 = arith.constant 0 : i32
        %get3A_1691 = arith.index_cast %get3A_1690 : i32 to index
        %get3A_1692 = arith.index_cast %add3A_1689 : i32 to index
        %get3A_1693 = arith.constant 48 : index
        %get3A_1694 = tpu.vector_load %arg7[%get3A_1691, %get3A_1692, %get3A_1693] {strides = array<i32>} : memref<2x512x64xf32, #tpu.memory_space<vmem>>, vector<1x1x16xf32>,
        %get3A_1695 = vector.shape_cast %get3A_1694 : vector<1x1x16xf32> to vector<16xf32>
        %max3A_1696 = arith.maximumf %max3A_1687, %get3A_1695 : vector<16xf32>
        %add3A_1697 = arith.constant 320 : i32
        %add3A_1698 = arith.addi %add3A_1697, %add3A_1166 : i32
        %get3A_1699 = arith.constant 0 : i32
        %get3A_1700 = arith.index_cast %get3A_1699 : i32 to index
        %get3A_1701 = arith.index_cast %add3A_1698 : i32 to index
        %get3A_1702 = arith.constant 48 : index
        %get3A_1703 = tpu.vector_load %arg7[%get3A_1700, %get3A_1701, %get3A_1702] {strides = array<i32>} : memref<2x512x64xf32, #tpu.memory_space<vmem>>, vector<1x1x16xf32>,
        %get3A_1704 = vector.shape_cast %get3A_1703 : vector<1x1x16xf32> to vector<16xf32>
        %max3A_1705 = arith.maximumf %max3A_1696, %get3A_1704 : vector<16xf32>
        %add3A_1706 = arith.constant 352 : i32
        %add3A_1707 = arith.addi %add3A_1706, %add3A_1166 : i32
        %get3A_1708 = arith.constant 0 : i32
        %get3A_1709 = arith.index_cast %get3A_1708 : i32 to index
        %get3A_1710 = arith.index_cast %add3A_1707 : i32 to index
        %get3A_1711 = arith.constant 48 : index
        %get3A_1712 = tpu.vector_load %arg7[%get3A_1709, %get3A_1710, %get3A_1711] {strides = array<i32>} : memref<2x512x64xf32, #tpu.memory_space<vmem>>, vector<1x1x16xf32>,
        %get3A_1713 = vector.shape_cast %get3A_1712 : vector<1x1x16xf32> to vector<16xf32>
        %max3A_1714 = arith.maximumf %max3A_1705, %get3A_1713 : vector<16xf32>
        %add3A_1715 = arith.constant 384 : i32
        %add3A_1716 = arith.addi %add3A_1715, %add3A_1166 : i32
        %get3A_1717 = arith.constant 0 : i32
        %get3A_1718 = arith.index_cast %get3A_1717 : i32 to index
        %get3A_1719 = arith.index_cast %add3A_1716 : i32 to index
        %get3A_1720 = arith.constant 48 : index
        %get3A_1721 = tpu.vector_load %arg7[%get3A_1718, %get3A_1719, %get3A_1720] {strides = array<i32>} : memref<2x512x64xf32, #tpu.memory_space<vmem>>, vector<1x1x16xf32>,
        %get3A_1722 = vector.shape_cast %get3A_1721 : vector<1x1x16xf32> to vector<16xf32>
        %max3A_1723 = arith.maximumf %max3A_1714, %get3A_1722 : vector<16xf32>
        %add3A_1724 = arith.constant 416 : i32
        %add3A_1725 = arith.addi %add3A_1724, %add3A_1166 : i32
        %get3A_1726 = arith.constant 0 : i32
        %get3A_1727 = arith.index_cast %get3A_1726 : i32 to index
        %get3A_1728 = arith.index_cast %add3A_1725 : i32 to index
        %get3A_1729 = arith.constant 48 : index
        %get3A_1730 = tpu.vector_load %arg7[%get3A_1727, %get3A_1728, %get3A_1729] {strides = array<i32>} : memref<2x512x64xf32, #tpu.memory_space<vmem>>, vector<1x1x16xf32>,
        %get3A_1731 = vector.shape_cast %get3A_1730 : vector<1x1x16xf32> to vector<16xf32>
        %max3A_1732 = arith.maximumf %max3A_1723, %get3A_1731 : vector<16xf32>
        %add3A_1733 = arith.constant 448 : i32
        %add3A_1734 = arith.addi %add3A_1733, %add3A_1166 : i32
        %get3A_1735 = arith.constant 0 : i32
        %get3A_1736 = arith.index_cast %get3A_1735 : i32 to index
        %get3A_1737 = arith.index_cast %add3A_1734 : i32 to index
        %get3A_1738 = arith.constant 48 : index
        %get3A_1739 = tpu.vector_load %arg7[%get3A_1736, %get3A_1737, %get3A_1738] {strides = array<i32>} : memref<2x512x64xf32, #tpu.memory_space<vmem>>, vector<1x1x16xf32>,
        %get3A_1740 = vector.shape_cast %get3A_1739 : vector<1x1x16xf32> to vector<16xf32>
        %max3A_1741 = arith.maximumf %max3A_1732, %get3A_1740 : vector<16xf32>
        %add3A_1742 = arith.constant 480 : i32
        %add3A_1743 = arith.addi %add3A_1742, %add3A_1166 : i32
        %get3A_1744 = arith.constant 0 : i32
        %get3A_1745 = arith.index_cast %get3A_1744 : i32 to index
        %get3A_1746 = arith.index_cast %add3A_1743 : i32 to index
        %get3A_1747 = arith.constant 48 : index
        %get3A_1748 = tpu.vector_load %arg7[%get3A_1745, %get3A_1746, %get3A_1747] {strides = array<i32>} : memref<2x512x64xf32, #tpu.memory_space<vmem>>, vector<1x1x16xf32>,
        %get3A_1749 = vector.shape_cast %get3A_1748 : vector<1x1x16xf32> to vector<16xf32>
        %max3A_1750 = arith.maximumf %max3A_1741, %get3A_1749 : vector<16xf32>
        %swap3A_1751 = arith.constant 0 : i32
        %swap3A_1752 = arith.index_cast %swap3A_1751 : i32 to index
        %swap3A_1753 = arith.index_cast %add3A_1166 : i32 to index
        %swap3A_1754 = arith.constant 48 : index
        %swap3A_1755 = tpu.vector_load %arg8[%swap3A_1752, %swap3A_1753, %swap3A_1754] {strides = array<i32>} : memref<2x32x64xf32, #tpu.memory_space<vmem>>, vector<1x1x16xf32>,
        %swap3A_1756 = vector.shape_cast %swap3A_1755 : vector<1x1x16xf32> to vector<16xf32>
        %swap3A_1757 = vector.shape_cast %max3A_1750 : vector<16xf32> to vector<1x1x16xf32>
        tpu.vector_store %arg8[%swap3A_1752, %swap3A_1753, %swap3A_1754], %swap3A_1757 {strides = array<i32>} : memref<2x32x64xf32, #tpu.memory_space<vmem>>, vector<1x1x16xf32>,
        %mul3A_1758 = arith.constant 2 : i32
        %mul3A_1759 = arith.muli %add3A_1162, %mul3A_1758 : i32
        %add3A_1760 = arith.constant 1 : i32
        %add3A_1761 = arith.addi %mul3A_1759, %add3A_1760 : i32
        %get3A_1762 = arith.constant 0 : i32
        %get3A_1763 = arith.index_cast %get3A_1762 : i32 to index
        %get3A_1764 = arith.index_cast %add3A_1761 : i32 to index
        %get3A_1765 = arith.constant 0 : index
        %get3A_1766 = tpu.vector_load %arg7[%get3A_1763, %get3A_1764, %get3A_1765] {strides = array<i32>} : memref<2x512x64xf32, #tpu.memory_space<vmem>>, vector<1x1x16xf32>,
        %get3A_1767 = vector.shape_cast %get3A_1766 : vector<1x1x16xf32> to vector<16xf32>
        %add3A_1768 = arith.constant 32 : i32
        %add3A_1769 = arith.addi %add3A_1768, %add3A_1761 : i32
        %get3A_1770 = arith.constant 0 : i32
        %get3A_1771 = arith.index_cast %get3A_1770 : i32 to index
        %get3A_1772 = arith.index_cast %add3A_1769 : i32 to index
        %get3A_1773 = arith.constant 0 : index
        %get3A_1774 = tpu.vector_load %arg7[%get3A_1771, %get3A_1772, %get3A_1773] {strides = array<i32>} : memref<2x512x64xf32, #tpu.memory_space<vmem>>, vector<1x1x16xf32>,
        %get3A_1775 = vector.shape_cast %get3A_1774 : vector<1x1x16xf32> to vector<16xf32>
        %max3A_1776 = arith.maximumf %get3A_1767, %get3A_1775 : vector<16xf32>
        %add3A_1777 = arith.constant 64 : i32
        %add3A_1778 = arith.addi %add3A_1777, %add3A_1761 : i32
        %get3A_1779 = arith.constant 0 : i32
        %get3A_1780 = arith.index_cast %get3A_1779 : i32 to index
        %get3A_1781 = arith.index_cast %add3A_1778 : i32 to index
        %get3A_1782 = arith.constant 0 : index
        %get3A_1783 = tpu.vector_load %arg7[%get3A_1780, %get3A_1781, %get3A_1782] {strides = array<i32>} : memref<2x512x64xf32, #tpu.memory_space<vmem>>, vector<1x1x16xf32>,
        %get3A_1784 = vector.shape_cast %get3A_1783 : vector<1x1x16xf32> to vector<16xf32>
        %max3A_1785 = arith.maximumf %max3A_1776, %get3A_1784 : vector<16xf32>
        %add3A_1786 = arith.constant 96 : i32
        %add3A_1787 = arith.addi %add3A_1786, %add3A_1761 : i32
        %get3A_1788 = arith.constant 0 : i32
        %get3A_1789 = arith.index_cast %get3A_1788 : i32 to index
        %get3A_1790 = arith.index_cast %add3A_1787 : i32 to index
        %get3A_1791 = arith.constant 0 : index
        %get3A_1792 = tpu.vector_load %arg7[%get3A_1789, %get3A_1790, %get3A_1791] {strides = array<i32>} : memref<2x512x64xf32, #tpu.memory_space<vmem>>, vector<1x1x16xf32>,
        %get3A_1793 = vector.shape_cast %get3A_1792 : vector<1x1x16xf32> to vector<16xf32>
        %max3A_1794 = arith.maximumf %max3A_1785, %get3A_1793 : vector<16xf32>
        %add3A_1795 = arith.constant 128 : i32
        %add3A_1796 = arith.addi %add3A_1795, %add3A_1761 : i32
        %get3A_1797 = arith.constant 0 : i32
        %get3A_1798 = arith.index_cast %get3A_1797 : i32 to index
        %get3A_1799 = arith.index_cast %add3A_1796 : i32 to index
        %get3A_1800 = arith.constant 0 : index
        %get3A_1801 = tpu.vector_load %arg7[%get3A_1798, %get3A_1799, %get3A_1800] {strides = array<i32>} : memref<2x512x64xf32, #tpu.memory_space<vmem>>, vector<1x1x16xf32>,
        %get3A_1802 = vector.shape_cast %get3A_1801 : vector<1x1x16xf32> to vector<16xf32>
        %max3A_1803 = arith.maximumf %max3A_1794, %get3A_1802 : vector<16xf32>
        %add3A_1804 = arith.constant 160 : i32
        %add3A_1805 = arith.addi %add3A_1804, %add3A_1761 : i32
        %get3A_1806 = arith.constant 0 : i32
        %get3A_1807 = arith.index_cast %get3A_1806 : i32 to index
        %get3A_1808 = arith.index_cast %add3A_1805 : i32 to index
        %get3A_1809 = arith.constant 0 : index
        %get3A_1810 = tpu.vector_load %arg7[%get3A_1807, %get3A_1808, %get3A_1809] {strides = array<i32>} : memref<2x512x64xf32, #tpu.memory_space<vmem>>, vector<1x1x16xf32>,
        %get3A_1811 = vector.shape_cast %get3A_1810 : vector<1x1x16xf32> to vector<16xf32>
        %max3A_1812 = arith.maximumf %max3A_1803, %get3A_1811 : vector<16xf32>
        %add3A_1813 = arith.constant 192 : i32
        %add3A_1814 = arith.addi %add3A_1813, %add3A_1761 : i32
        %get3A_1815 = arith.constant 0 : i32
        %get3A_1816 = arith.index_cast %get3A_1815 : i32 to index
        %get3A_1817 = arith.index_cast %add3A_1814 : i32 to index
        %get3A_1818 = arith.constant 0 : index
        %get3A_1819 = tpu.vector_load %arg7[%get3A_1816, %get3A_1817, %get3A_1818] {strides = array<i32>} : memref<2x512x64xf32, #tpu.memory_space<vmem>>, vector<1x1x16xf32>,
        %get3A_1820 = vector.shape_cast %get3A_1819 : vector<1x1x16xf32> to vector<16xf32>
        %max3A_1821 = arith.maximumf %max3A_1812, %get3A_1820 : vector<16xf32>
        %add3A_1822 = arith.constant 224 : i32
        %add3A_1823 = arith.addi %add3A_1822, %add3A_1761 : i32
        %get3A_1824 = arith.constant 0 : i32
        %get3A_1825 = arith.index_cast %get3A_1824 : i32 to index
        %get3A_1826 = arith.index_cast %add3A_1823 : i32 to index
        %get3A_1827 = arith.constant 0 : index
        %get3A_1828 = tpu.vector_load %arg7[%get3A_1825, %get3A_1826, %get3A_1827] {strides = array<i32>} : memref<2x512x64xf32, #tpu.memory_space<vmem>>, vector<1x1x16xf32>,
        %get3A_1829 = vector.shape_cast %get3A_1828 : vector<1x1x16xf32> to vector<16xf32>
        %max3A_1830 = arith.maximumf %max3A_1821, %get3A_1829 : vector<16xf32>
        %add3A_1831 = arith.constant 256 : i32
        %add3A_1832 = arith.addi %add3A_1831, %add3A_1761 : i32
        %get3A_1833 = arith.constant 0 : i32
        %get3A_1834 = arith.index_cast %get3A_1833 : i32 to index
        %get3A_1835 = arith.index_cast %add3A_1832 : i32 to index
        %get3A_1836 = arith.constant 0 : index
        %get3A_1837 = tpu.vector_load %arg7[%get3A_1834, %get3A_1835, %get3A_1836] {strides = array<i32>} : memref<2x512x64xf32, #tpu.memory_space<vmem>>, vector<1x1x16xf32>,
        %get3A_1838 = vector.shape_cast %get3A_1837 : vector<1x1x16xf32> to vector<16xf32>
        %max3A_1839 = arith.maximumf %max3A_1830, %get3A_1838 : vector<16xf32>
        %add3A_1840 = arith.constant 288 : i32
        %add3A_1841 = arith.addi %add3A_1840, %add3A_1761 : i32
        %get3A_1842 = arith.constant 0 : i32
        %get3A_1843 = arith.index_cast %get3A_1842 : i32 to index
        %get3A_1844 = arith.index_cast %add3A_1841 : i32 to index
        %get3A_1845 = arith.constant 0 : index
        %get3A_1846 = tpu.vector_load %arg7[%get3A_1843, %get3A_1844, %get3A_1845] {strides = array<i32>} : memref<2x512x64xf32, #tpu.memory_space<vmem>>, vector<1x1x16xf32>,
        %get3A_1847 = vector.shape_cast %get3A_1846 : vector<1x1x16xf32> to vector<16xf32>
        %max3A_1848 = arith.maximumf %max3A_1839, %get3A_1847 : vector<16xf32>
        %add3A_1849 = arith.constant 320 : i32
        %add3A_1850 = arith.addi %add3A_1849, %add3A_1761 : i32
        %get3A_1851 = arith.constant 0 : i32
        %get3A_1852 = arith.index_cast %get3A_1851 : i32 to index
        %get3A_1853 = arith.index_cast %add3A_1850 : i32 to index
        %get3A_1854 = arith.constant 0 : index
        %get3A_1855 = tpu.vector_load %arg7[%get3A_1852, %get3A_1853, %get3A_1854] {strides = array<i32>} : memref<2x512x64xf32, #tpu.memory_space<vmem>>, vector<1x1x16xf32>,
        %get3A_1856 = vector.shape_cast %get3A_1855 : vector<1x1x16xf32> to vector<16xf32>
        %max3A_1857 = arith.maximumf %max3A_1848, %get3A_1856 : vector<16xf32>
        %add3A_1858 = arith.constant 352 : i32
        %add3A_1859 = arith.addi %add3A_1858, %add3A_1761 : i32
        %get3A_1860 = arith.constant 0 : i32
        %get3A_1861 = arith.index_cast %get3A_1860 : i32 to index
        %get3A_1862 = arith.index_cast %add3A_1859 : i32 to index
        %get3A_1863 = arith.constant 0 : index
        %get3A_1864 = tpu.vector_load %arg7[%get3A_1861, %get3A_1862, %get3A_1863] {strides = array<i32>} : memref<2x512x64xf32, #tpu.memory_space<vmem>>, vector<1x1x16xf32>,
        %get3A_1865 = vector.shape_cast %get3A_1864 : vector<1x1x16xf32> to vector<16xf32>
        %max3A_1866 = arith.maximumf %max3A_1857, %get3A_1865 : vector<16xf32>
        %add3A_1867 = arith.constant 384 : i32
        %add3A_1868 = arith.addi %add3A_1867, %add3A_1761 : i32
        %get3A_1869 = arith.constant 0 : i32
        %get3A_1870 = arith.index_cast %get3A_1869 : i32 to index
        %get3A_1871 = arith.index_cast %add3A_1868 : i32 to index
        %get3A_1872 = arith.constant 0 : index
        %get3A_1873 = tpu.vector_load %arg7[%get3A_1870, %get3A_1871, %get3A_1872] {strides = array<i32>} : memref<2x512x64xf32, #tpu.memory_space<vmem>>, vector<1x1x16xf32>,
        %get3A_1874 = vector.shape_cast %get3A_1873 : vector<1x1x16xf32> to vector<16xf32>
        %max3A_1875 = arith.maximumf %max3A_1866, %get3A_1874 : vector<16xf32>
        %add3A_1876 = arith.constant 416 : i32
        %add3A_1877 = arith.addi %add3A_1876, %add3A_1761 : i32
        %get3A_1878 = arith.constant 0 : i32
        %get3A_1879 = arith.index_cast %get3A_1878 : i32 to index
        %get3A_1880 = arith.index_cast %add3A_1877 : i32 to index
        %get3A_1881 = arith.constant 0 : index
        %get3A_1882 = tpu.vector_load %arg7[%get3A_1879, %get3A_1880, %get3A_1881] {strides = array<i32>} : memref<2x512x64xf32, #tpu.memory_space<vmem>>, vector<1x1x16xf32>,
        %get3A_1883 = vector.shape_cast %get3A_1882 : vector<1x1x16xf32> to vector<16xf32>
        %max3A_1884 = arith.maximumf %max3A_1875, %get3A_1883 : vector<16xf32>
        %add3A_1885 = arith.constant 448 : i32
        %add3A_1886 = arith.addi %add3A_1885, %add3A_1761 : i32
        %get3A_1887 = arith.constant 0 : i32
        %get3A_1888 = arith.index_cast %get3A_1887 : i32 to index
        %get3A_1889 = arith.index_cast %add3A_1886 : i32 to index
        %get3A_1890 = arith.constant 0 : index
        %get3A_1891 = tpu.vector_load %arg7[%get3A_1888, %get3A_1889, %get3A_1890] {strides = array<i32>} : memref<2x512x64xf32, #tpu.memory_space<vmem>>, vector<1x1x16xf32>,
        %get3A_1892 = vector.shape_cast %get3A_1891 : vector<1x1x16xf32> to vector<16xf32>
        %max3A_1893 = arith.maximumf %max3A_1884, %get3A_1892 : vector<16xf32>
        %add3A_1894 = arith.constant 480 : i32
        %add3A_1895 = arith.addi %add3A_1894, %add3A_1761 : i32
        %get3A_1896 = arith.constant 0 : i32
        %get3A_1897 = arith.index_cast %get3A_1896 : i32 to index
        %get3A_1898 = arith.index_cast %add3A_1895 : i32 to index
        %get3A_1899 = arith.constant 0 : index
        %get3A_1900 = tpu.vector_load %arg7[%get3A_1897, %get3A_1898, %get3A_1899] {strides = array<i32>} : memref<2x512x64xf32, #tpu.memory_space<vmem>>, vector<1x1x16xf32>,
        %get3A_1901 = vector.shape_cast %get3A_1900 : vector<1x1x16xf32> to vector<16xf32>
        %max3A_1902 = arith.maximumf %max3A_1893, %get3A_1901 : vector<16xf32>
        %swap3A_1903 = arith.constant 0 : i32
        %swap3A_1904 = arith.index_cast %swap3A_1903 : i32 to index
        %swap3A_1905 = arith.index_cast %add3A_1761 : i32 to index
        %swap3A_1906 = arith.constant 0 : index
        %swap3A_1907 = tpu.vector_load %arg8[%swap3A_1904, %swap3A_1905, %swap3A_1906] {strides = array<i32>} : memref<2x32x64xf32, #tpu.memory_space<vmem>>, vector<1x1x16xf32>,
        %swap3A_1908 = vector.shape_cast %swap3A_1907 : vector<1x1x16xf32> to vector<16xf32>
        %swap3A_1909 = vector.shape_cast %max3A_1902 : vector<16xf32> to vector<1x1x16xf32>
        tpu.vector_store %arg8[%swap3A_1904, %swap3A_1905, %swap3A_1906], %swap3A_1909 {strides = array<i32>} : memref<2x32x64xf32, #tpu.memory_space<vmem>>, vector<1x1x16xf32>,
        %get3A_1910 = arith.constant 0 : i32
        %get3A_1911 = arith.index_cast %get3A_1910 : i32 to index
        %get3A_1912 = arith.index_cast %add3A_1761 : i32 to index
        %get3A_1913 = arith.constant 16 : index
        %get3A_1914 = tpu.vector_load %arg7[%get3A_1911, %get3A_1912, %get3A_1913] {strides = array<i32>} : memref<2x512x64xf32, #tpu.memory_space<vmem>>, vector<1x1x16xf32>,
        %get3A_1915 = vector.shape_cast %get3A_1914 : vector<1x1x16xf32> to vector<16xf32>
        %add3A_1916 = arith.constant 32 : i32
        %add3A_1917 = arith.addi %add3A_1916, %add3A_1761 : i32
        %get3A_1918 = arith.constant 0 : i32
        %get3A_1919 = arith.index_cast %get3A_1918 : i32 to index
        %get3A_1920 = arith.index_cast %add3A_1917 : i32 to index
        %get3A_1921 = arith.constant 16 : index
        %get3A_1922 = tpu.vector_load %arg7[%get3A_1919, %get3A_1920, %get3A_1921] {strides = array<i32>} : memref<2x512x64xf32, #tpu.memory_space<vmem>>, vector<1x1x16xf32>,
        %get3A_1923 = vector.shape_cast %get3A_1922 : vector<1x1x16xf32> to vector<16xf32>
        %max3A_1924 = arith.maximumf %get3A_1915, %get3A_1923 : vector<16xf32>
        %add3A_1925 = arith.constant 64 : i32
        %add3A_1926 = arith.addi %add3A_1925, %add3A_1761 : i32
        %get3A_1927 = arith.constant 0 : i32
        %get3A_1928 = arith.index_cast %get3A_1927 : i32 to index
        %get3A_1929 = arith.index_cast %add3A_1926 : i32 to index
        %get3A_1930 = arith.constant 16 : index
        %get3A_1931 = tpu.vector_load %arg7[%get3A_1928, %get3A_1929, %get3A_1930] {strides = array<i32>} : memref<2x512x64xf32, #tpu.memory_space<vmem>>, vector<1x1x16xf32>,
        %get3A_1932 = vector.shape_cast %get3A_1931 : vector<1x1x16xf32> to vector<16xf32>
        %max3A_1933 = arith.maximumf %max3A_1924, %get3A_1932 : vector<16xf32>
        %add3A_1934 = arith.constant 96 : i32
        %add3A_1935 = arith.addi %add3A_1934, %add3A_1761 : i32
        %get3A_1936 = arith.constant 0 : i32
        %get3A_1937 = arith.index_cast %get3A_1936 : i32 to index
        %get3A_1938 = arith.index_cast %add3A_1935 : i32 to index
        %get3A_1939 = arith.constant 16 : index
        %get3A_1940 = tpu.vector_load %arg7[%get3A_1937, %get3A_1938, %get3A_1939] {strides = array<i32>} : memref<2x512x64xf32, #tpu.memory_space<vmem>>, vector<1x1x16xf32>,
        %get3A_1941 = vector.shape_cast %get3A_1940 : vector<1x1x16xf32> to vector<16xf32>
        %max3A_1942 = arith.maximumf %max3A_1933, %get3A_1941 : vector<16xf32>
        %add3A_1943 = arith.constant 128 : i32
        %add3A_1944 = arith.addi %add3A_1943, %add3A_1761 : i32
        %get3A_1945 = arith.constant 0 : i32
        %get3A_1946 = arith.index_cast %get3A_1945 : i32 to index
        %get3A_1947 = arith.index_cast %add3A_1944 : i32 to index
        %get3A_1948 = arith.constant 16 : index
        %get3A_1949 = tpu.vector_load %arg7[%get3A_1946, %get3A_1947, %get3A_1948] {strides = array<i32>} : memref<2x512x64xf32, #tpu.memory_space<vmem>>, vector<1x1x16xf32>,
        %get3A_1950 = vector.shape_cast %get3A_1949 : vector<1x1x16xf32> to vector<16xf32>
        %max3A_1951 = arith.maximumf %max3A_1942, %get3A_1950 : vector<16xf32>
        %add3A_1952 = arith.constant 160 : i32
        %add3A_1953 = arith.addi %add3A_1952, %add3A_1761 : i32
        %get3A_1954 = arith.constant 0 : i32
        %get3A_1955 = arith.index_cast %get3A_1954 : i32 to index
        %get3A_1956 = arith.index_cast %add3A_1953 : i32 to index
        %get3A_1957 = arith.constant 16 : index
        %get3A_1958 = tpu.vector_load %arg7[%get3A_1955, %get3A_1956, %get3A_1957] {strides = array<i32>} : memref<2x512x64xf32, #tpu.memory_space<vmem>>, vector<1x1x16xf32>,
        %get3A_1959 = vector.shape_cast %get3A_1958 : vector<1x1x16xf32> to vector<16xf32>
        %max3A_1960 = arith.maximumf %max3A_1951, %get3A_1959 : vector<16xf32>
        %add3A_1961 = arith.constant 192 : i32
        %add3A_1962 = arith.addi %add3A_1961, %add3A_1761 : i32
        %get3A_1963 = arith.constant 0 : i32
        %get3A_1964 = arith.index_cast %get3A_1963 : i32 to index
        %get3A_1965 = arith.index_cast %add3A_1962 : i32 to index
        %get3A_1966 = arith.constant 16 : index
        %get3A_1967 = tpu.vector_load %arg7[%get3A_1964, %get3A_1965, %get3A_1966] {strides = array<i32>} : memref<2x512x64xf32, #tpu.memory_space<vmem>>, vector<1x1x16xf32>,
        %get3A_1968 = vector.shape_cast %get3A_1967 : vector<1x1x16xf32> to vector<16xf32>
        %max3A_1969 = arith.maximumf %max3A_1960, %get3A_1968 : vector<16xf32>
        %add3A_1970 = arith.constant 224 : i32
        %add3A_1971 = arith.addi %add3A_1970, %add3A_1761 : i32
        %get3A_1972 = arith.constant 0 : i32
        %get3A_1973 = arith.index_cast %get3A_1972 : i32 to index
        %get3A_1974 = arith.index_cast %add3A_1971 : i32 to index
        %get3A_1975 = arith.constant 16 : index
        %get3A_1976 = tpu.vector_load %arg7[%get3A_1973, %get3A_1974, %get3A_1975] {strides = array<i32>} : memref<2x512x64xf32, #tpu.memory_space<vmem>>, vector<1x1x16xf32>,
        %get3A_1977 = vector.shape_cast %get3A_1976 : vector<1x1x16xf32> to vector<16xf32>
        %max3A_1978 = arith.maximumf %max3A_1969, %get3A_1977 : vector<16xf32>
        %add3A_1979 = arith.constant 256 : i32
        %add3A_1980 = arith.addi %add3A_1979, %add3A_1761 : i32
        %get3A_1981 = arith.constant 0 : i32
        %get3A_1982 = arith.index_cast %get3A_1981 : i32 to index
        %get3A_1983 = arith.index_cast %add3A_1980 : i32 to index
        %get3A_1984 = arith.constant 16 : index
        %get3A_1985 = tpu.vector_load %arg7[%get3A_1982, %get3A_1983, %get3A_1984] {strides = array<i32>} : memref<2x512x64xf32, #tpu.memory_space<vmem>>, vector<1x1x16xf32>,
        %get3A_1986 = vector.shape_cast %get3A_1985 : vector<1x1x16xf32> to vector<16xf32>
        %max3A_1987 = arith.maximumf %max3A_1978, %get3A_1986 : vector<16xf32>
        %add3A_1988 = arith.constant 288 : i32
        %add3A_1989 = arith.addi %add3A_1988, %add3A_1761 : i32
        %get3A_1990 = arith.constant 0 : i32
        %get3A_1991 = arith.index_cast %get3A_1990 : i32 to index
        %get3A_1992 = arith.index_cast %add3A_1989 : i32 to index
        %get3A_1993 = arith.constant 16 : index
        %get3A_1994 = tpu.vector_load %arg7[%get3A_1991, %get3A_1992, %get3A_1993] {strides = array<i32>} : memref<2x512x64xf32, #tpu.memory_space<vmem>>, vector<1x1x16xf32>,
        %get3A_1995 = vector.shape_cast %get3A_1994 : vector<1x1x16xf32> to vector<16xf32>
        %max3A_1996 = arith.maximumf %max3A_1987, %get3A_1995 : vector<16xf32>
        %add3A_1997 = arith.constant 320 : i32
        %add3A_1998 = arith.addi %add3A_1997, %add3A_1761 : i32
        %get3A_1999 = arith.constant 0 : i32
        %get3A_2000 = arith.index_cast %get3A_1999 : i32 to index
        %get3A_2001 = arith.index_cast %add3A_1998 : i32 to index
        %get3A_2002 = arith.constant 16 : index
        %get3A_2003 = tpu.vector_load %arg7[%get3A_2000, %get3A_2001, %get3A_2002] {strides = array<i32>} : memref<2x512x64xf32, #tpu.memory_space<vmem>>, vector<1x1x16xf32>,
        %get3A_2004 = vector.shape_cast %get3A_2003 : vector<1x1x16xf32> to vector<16xf32>
        %max3A_2005 = arith.maximumf %max3A_1996, %get3A_2004 : vector<16xf32>
        %add3A_2006 = arith.constant 352 : i32
        %add3A_2007 = arith.addi %add3A_2006, %add3A_1761 : i32
        %get3A_2008 = arith.constant 0 : i32
        %get3A_2009 = arith.index_cast %get3A_2008 : i32 to index
        %get3A_2010 = arith.index_cast %add3A_2007 : i32 to index
        %get3A_2011 = arith.constant 16 : index
        %get3A_2012 = tpu.vector_load %arg7[%get3A_2009, %get3A_2010, %get3A_2011] {strides = array<i32>} : memref<2x512x64xf32, #tpu.memory_space<vmem>>, vector<1x1x16xf32>,
        %get3A_2013 = vector.shape_cast %get3A_2012 : vector<1x1x16xf32> to vector<16xf32>
        %max3A_2014 = arith.maximumf %max3A_2005, %get3A_2013 : vector<16xf32>
        %add3A_2015 = arith.constant 384 : i32
        %add3A_2016 = arith.addi %add3A_2015, %add3A_1761 : i32
        %get3A_2017 = arith.constant 0 : i32
        %get3A_2018 = arith.index_cast %get3A_2017 : i32 to index
        %get3A_2019 = arith.index_cast %add3A_2016 : i32 to index
        %get3A_2020 = arith.constant 16 : index
        %get3A_2021 = tpu.vector_load %arg7[%get3A_2018, %get3A_2019, %get3A_2020] {strides = array<i32>} : memref<2x512x64xf32, #tpu.memory_space<vmem>>, vector<1x1x16xf32>,
        %get3A_2022 = vector.shape_cast %get3A_2021 : vector<1x1x16xf32> to vector<16xf32>
        %max3A_2023 = arith.maximumf %max3A_2014, %get3A_2022 : vector<16xf32>
        %add3A_2024 = arith.constant 416 : i32
        %add3A_2025 = arith.addi %add3A_2024, %add3A_1761 : i32
        %get3A_2026 = arith.constant 0 : i32
        %get3A_2027 = arith.index_cast %get3A_2026 : i32 to index
        %get3A_2028 = arith.index_cast %add3A_2025 : i32 to index
        %get3A_2029 = arith.constant 16 : index
        %get3A_2030 = tpu.vector_load %arg7[%get3A_2027, %get3A_2028, %get3A_2029] {strides = array<i32>} : memref<2x512x64xf32, #tpu.memory_space<vmem>>, vector<1x1x16xf32>,
        %get3A_2031 = vector.shape_cast %get3A_2030 : vector<1x1x16xf32> to vector<16xf32>
        %max3A_2032 = arith.maximumf %max3A_2023, %get3A_2031 : vector<16xf32>
        %add3A_2033 = arith.constant 448 : i32
        %add3A_2034 = arith.addi %add3A_2033, %add3A_1761 : i32
        %get3A_2035 = arith.constant 0 : i32
        %get3A_2036 = arith.index_cast %get3A_2035 : i32 to index
        %get3A_2037 = arith.index_cast %add3A_2034 : i32 to index
        %get3A_2038 = arith.constant 16 : index
        %get3A_2039 = tpu.vector_load %arg7[%get3A_2036, %get3A_2037, %get3A_2038] {strides = array<i32>} : memref<2x512x64xf32, #tpu.memory_space<vmem>>, vector<1x1x16xf32>,
        %get3A_2040 = vector.shape_cast %get3A_2039 : vector<1x1x16xf32> to vector<16xf32>
        %max3A_2041 = arith.maximumf %max3A_2032, %get3A_2040 : vector<16xf32>
        %add3A_2042 = arith.constant 480 : i32
        %add3A_2043 = arith.addi %add3A_2042, %add3A_1761 : i32
        %get3A_2044 = arith.constant 0 : i32
        %get3A_2045 = arith.index_cast %get3A_2044 : i32 to index
        %get3A_2046 = arith.index_cast %add3A_2043 : i32 to index
        %get3A_2047 = arith.constant 16 : index
        %get3A_2048 = tpu.vector_load %arg7[%get3A_2045, %get3A_2046, %get3A_2047] {strides = array<i32>} : memref<2x512x64xf32, #tpu.memory_space<vmem>>, vector<1x1x16xf32>,
        %get3A_2049 = vector.shape_cast %get3A_2048 : vector<1x1x16xf32> to vector<16xf32>
        %max3A_2050 = arith.maximumf %max3A_2041, %get3A_2049 : vector<16xf32>
        %swap3A_2051 = arith.constant 0 : i32
        %swap3A_2052 = arith.index_cast %swap3A_2051 : i32 to index
        %swap3A_2053 = arith.index_cast %add3A_1761 : i32 to index
        %swap3A_2054 = arith.constant 16 : index
        %swap3A_2055 = tpu.vector_load %arg8[%swap3A_2052, %swap3A_2053, %swap3A_2054] {strides = array<i32>} : memref<2x32x64xf32, #tpu.memory_space<vmem>>, vector<1x1x16xf32>,
        %swap3A_2056 = vector.shape_cast %swap3A_2055 : vector<1x1x16xf32> to vector<16xf32>
        %swap3A_2057 = vector.shape_cast %max3A_2050 : vector<16xf32> to vector<1x1x16xf32>
        tpu.vector_store %arg8[%swap3A_2052, %swap3A_2053, %swap3A_2054], %swap3A_2057 {strides = array<i32>} : memref<2x32x64xf32, #tpu.memory_space<vmem>>, vector<1x1x16xf32>,
        %get3A_2058 = arith.constant 0 : i32
        %get3A_2059 = arith.index_cast %get3A_2058 : i32 to index
        %get3A_2060 = arith.index_cast %add3A_1761 : i32 to index
        %get3A_2061 = arith.constant 32 : index
        %get3A_2062 = tpu.vector_load %arg7[%get3A_2059, %get3A_2060, %get3A_2061] {strides = array<i32>} : memref<2x512x64xf32, #tpu.memory_space<vmem>>, vector<1x1x16xf32>,
        %get3A_2063 = vector.shape_cast %get3A_2062 : vector<1x1x16xf32> to vector<16xf32>
        %add3A_2064 = arith.constant 32 : i32
        %add3A_2065 = arith.addi %add3A_2064, %add3A_1761 : i32
        %get3A_2066 = arith.constant 0 : i32
        %get3A_2067 = arith.index_cast %get3A_2066 : i32 to index
        %get3A_2068 = arith.index_cast %add3A_2065 : i32 to index
        %get3A_2069 = arith.constant 32 : index
        %get3A_2070 = tpu.vector_load %arg7[%get3A_2067, %get3A_2068, %get3A_2069] {strides = array<i32>} : memref<2x512x64xf32, #tpu.memory_space<vmem>>, vector<1x1x16xf32>,
        %get3A_2071 = vector.shape_cast %get3A_2070 : vector<1x1x16xf32> to vector<16xf32>
        %max3A_2072 = arith.maximumf %get3A_2063, %get3A_2071 : vector<16xf32>
        %add3A_2073 = arith.constant 64 : i32
        %add3A_2074 = arith.addi %add3A_2073, %add3A_1761 : i32
        %get3A_2075 = arith.constant 0 : i32
        %get3A_2076 = arith.index_cast %get3A_2075 : i32 to index
        %get3A_2077 = arith.index_cast %add3A_2074 : i32 to index
        %get3A_2078 = arith.constant 32 : index
        %get3A_2079 = tpu.vector_load %arg7[%get3A_2076, %get3A_2077, %get3A_2078] {strides = array<i32>} : memref<2x512x64xf32, #tpu.memory_space<vmem>>, vector<1x1x16xf32>,
        %get3A_2080 = vector.shape_cast %get3A_2079 : vector<1x1x16xf32> to vector<16xf32>
        %max3A_2081 = arith.maximumf %max3A_2072, %get3A_2080 : vector<16xf32>
        %add3A_2082 = arith.constant 96 : i32
        %add3A_2083 = arith.addi %add3A_2082, %add3A_1761 : i32
        %get3A_2084 = arith.constant 0 : i32
        %get3A_2085 = arith.index_cast %get3A_2084 : i32 to index
        %get3A_2086 = arith.index_cast %add3A_2083 : i32 to index
        %get3A_2087 = arith.constant 32 : index
        %get3A_2088 = tpu.vector_load %arg7[%get3A_2085, %get3A_2086, %get3A_2087] {strides = array<i32>} : memref<2x512x64xf32, #tpu.memory_space<vmem>>, vector<1x1x16xf32>,
        %get3A_2089 = vector.shape_cast %get3A_2088 : vector<1x1x16xf32> to vector<16xf32>
        %max3A_2090 = arith.maximumf %max3A_2081, %get3A_2089 : vector<16xf32>
        %add3A_2091 = arith.constant 128 : i32
        %add3A_2092 = arith.addi %add3A_2091, %add3A_1761 : i32
        %get3A_2093 = arith.constant 0 : i32
        %get3A_2094 = arith.index_cast %get3A_2093 : i32 to index
        %get3A_2095 = arith.index_cast %add3A_2092 : i32 to index
        %get3A_2096 = arith.constant 32 : index
        %get3A_2097 = tpu.vector_load %arg7[%get3A_2094, %get3A_2095, %get3A_2096] {strides = array<i32>} : memref<2x512x64xf32, #tpu.memory_space<vmem>>, vector<1x1x16xf32>,
        %get3A_2098 = vector.shape_cast %get3A_2097 : vector<1x1x16xf32> to vector<16xf32>
        %max3A_2099 = arith.maximumf %max3A_2090, %get3A_2098 : vector<16xf32>
        %add3A_2100 = arith.constant 160 : i32
        %add3A_2101 = arith.addi %add3A_2100, %add3A_1761 : i32
        %get3A_2102 = arith.constant 0 : i32
        %get3A_2103 = arith.index_cast %get3A_2102 : i32 to index
        %get3A_2104 = arith.index_cast %add3A_2101 : i32 to index
        %get3A_2105 = arith.constant 32 : index
        %get3A_2106 = tpu.vector_load %arg7[%get3A_2103, %get3A_2104, %get3A_2105] {strides = array<i32>} : memref<2x512x64xf32, #tpu.memory_space<vmem>>, vector<1x1x16xf32>,
        %get3A_2107 = vector.shape_cast %get3A_2106 : vector<1x1x16xf32> to vector<16xf32>
        %max3A_2108 = arith.maximumf %max3A_2099, %get3A_2107 : vector<16xf32>
        %add3A_2109 = arith.constant 192 : i32
        %add3A_2110 = arith.addi %add3A_2109, %add3A_1761 : i32
        %get3A_2111 = arith.constant 0 : i32
        %get3A_2112 = arith.index_cast %get3A_2111 : i32 to index
        %get3A_2113 = arith.index_cast %add3A_2110 : i32 to index
        %get3A_2114 = arith.constant 32 : index
        %get3A_2115 = tpu.vector_load %arg7[%get3A_2112, %get3A_2113, %get3A_2114] {strides = array<i32>} : memref<2x512x64xf32, #tpu.memory_space<vmem>>, vector<1x1x16xf32>,
        %get3A_2116 = vector.shape_cast %get3A_2115 : vector<1x1x16xf32> to vector<16xf32>
        %max3A_2117 = arith.maximumf %max3A_2108, %get3A_2116 : vector<16xf32>
        %add3A_2118 = arith.constant 224 : i32
        %add3A_2119 = arith.addi %add3A_2118, %add3A_1761 : i32
        %get3A_2120 = arith.constant 0 : i32
        %get3A_2121 = arith.index_cast %get3A_2120 : i32 to index
        %get3A_2122 = arith.index_cast %add3A_2119 : i32 to index
        %get3A_2123 = arith.constant 32 : index
        %get3A_2124 = tpu.vector_load %arg7[%get3A_2121, %get3A_2122, %get3A_2123] {strides = array<i32>} : memref<2x512x64xf32, #tpu.memory_space<vmem>>, vector<1x1x16xf32>,
        %get3A_2125 = vector.shape_cast %get3A_2124 : vector<1x1x16xf32> to vector<16xf32>
        %max3A_2126 = arith.maximumf %max3A_2117, %get3A_2125 : vector<16xf32>
        %add3A_2127 = arith.constant 256 : i32
        %add3A_2128 = arith.addi %add3A_2127, %add3A_1761 : i32
        %get3A_2129 = arith.constant 0 : i32
        %get3A_2130 = arith.index_cast %get3A_2129 : i32 to index
        %get3A_2131 = arith.index_cast %add3A_2128 : i32 to index
        %get3A_2132 = arith.constant 32 : index
        %get3A_2133 = tpu.vector_load %arg7[%get3A_2130, %get3A_2131, %get3A_2132] {strides = array<i32>} : memref<2x512x64xf32, #tpu.memory_space<vmem>>, vector<1x1x16xf32>,
        %get3A_2134 = vector.shape_cast %get3A_2133 : vector<1x1x16xf32> to vector<16xf32>
        %max3A_2135 = arith.maximumf %max3A_2126, %get3A_2134 : vector<16xf32>
        %add3A_2136 = arith.constant 288 : i32
        %add3A_2137 = arith.addi %add3A_2136, %add3A_1761 : i32
        %get3A_2138 = arith.constant 0 : i32
        %get3A_2139 = arith.index_cast %get3A_2138 : i32 to index
        %get3A_2140 = arith.index_cast %add3A_2137 : i32 to index
        %get3A_2141 = arith.constant 32 : index
        %get3A_2142 = tpu.vector_load %arg7[%get3A_2139, %get3A_2140, %get3A_2141] {strides = array<i32>} : memref<2x512x64xf32, #tpu.memory_space<vmem>>, vector<1x1x16xf32>,
        %get3A_2143 = vector.shape_cast %get3A_2142 : vector<1x1x16xf32> to vector<16xf32>
        %max3A_2144 = arith.maximumf %max3A_2135, %get3A_2143 : vector<16xf32>
        %add3A_2145 = arith.constant 320 : i32
        %add3A_2146 = arith.addi %add3A_2145, %add3A_1761 : i32
        %get3A_2147 = arith.constant 0 : i32
        %get3A_2148 = arith.index_cast %get3A_2147 : i32 to index
        %get3A_2149 = arith.index_cast %add3A_2146 : i32 to index
        %get3A_2150 = arith.constant 32 : index
        %get3A_2151 = tpu.vector_load %arg7[%get3A_2148, %get3A_2149, %get3A_2150] {strides = array<i32>} : memref<2x512x64xf32, #tpu.memory_space<vmem>>, vector<1x1x16xf32>,
        %get3A_2152 = vector.shape_cast %get3A_2151 : vector<1x1x16xf32> to vector<16xf32>
        %max3A_2153 = arith.maximumf %max3A_2144, %get3A_2152 : vector<16xf32>
        %add3A_2154 = arith.constant 352 : i32
        %add3A_2155 = arith.addi %add3A_2154, %add3A_1761 : i32
        %get3A_2156 = arith.constant 0 : i32
        %get3A_2157 = arith.index_cast %get3A_2156 : i32 to index
        %get3A_2158 = arith.index_cast %add3A_2155 : i32 to index
        %get3A_2159 = arith.constant 32 : index
        %get3A_2160 = tpu.vector_load %arg7[%get3A_2157, %get3A_2158, %get3A_2159] {strides = array<i32>} : memref<2x512x64xf32, #tpu.memory_space<vmem>>, vector<1x1x16xf32>,
        %get3A_2161 = vector.shape_cast %get3A_2160 : vector<1x1x16xf32> to vector<16xf32>
        %max3A_2162 = arith.maximumf %max3A_2153, %get3A_2161 : vector<16xf32>
        %add3A_2163 = arith.constant 384 : i32
        %add3A_2164 = arith.addi %add3A_2163, %add3A_1761 : i32
        %get3A_2165 = arith.constant 0 : i32
        %get3A_2166 = arith.index_cast %get3A_2165 : i32 to index
        %get3A_2167 = arith.index_cast %add3A_2164 : i32 to index
        %get3A_2168 = arith.constant 32 : index
        %get3A_2169 = tpu.vector_load %arg7[%get3A_2166, %get3A_2167, %get3A_2168] {strides = array<i32>} : memref<2x512x64xf32, #tpu.memory_space<vmem>>, vector<1x1x16xf32>,
        %get3A_2170 = vector.shape_cast %get3A_2169 : vector<1x1x16xf32> to vector<16xf32>
        %max3A_2171 = arith.maximumf %max3A_2162, %get3A_2170 : vector<16xf32>
        %add3A_2172 = arith.constant 416 : i32
        %add3A_2173 = arith.addi %add3A_2172, %add3A_1761 : i32
        %get3A_2174 = arith.constant 0 : i32
        %get3A_2175 = arith.index_cast %get3A_2174 : i32 to index
        %get3A_2176 = arith.index_cast %add3A_2173 : i32 to index
        %get3A_2177 = arith.constant 32 : index
        %get3A_2178 = tpu.vector_load %arg7[%get3A_2175, %get3A_2176, %get3A_2177] {strides = array<i32>} : memref<2x512x64xf32, #tpu.memory_space<vmem>>, vector<1x1x16xf32>,
        %get3A_2179 = vector.shape_cast %get3A_2178 : vector<1x1x16xf32> to vector<16xf32>
        %max3A_2180 = arith.maximumf %max3A_2171, %get3A_2179 : vector<16xf32>
        %add3A_2181 = arith.constant 448 : i32
        %add3A_2182 = arith.addi %add3A_2181, %add3A_1761 : i32
        %get3A_2183 = arith.constant 0 : i32
        %get3A_2184 = arith.index_cast %get3A_2183 : i32 to index
        %get3A_2185 = arith.index_cast %add3A_2182 : i32 to index
        %get3A_2186 = arith.constant 32 : index
        %get3A_2187 = tpu.vector_load %arg7[%get3A_2184, %get3A_2185, %get3A_2186] {strides = array<i32>} : memref<2x512x64xf32, #tpu.memory_space<vmem>>, vector<1x1x16xf32>,
        %get3A_2188 = vector.shape_cast %get3A_2187 : vector<1x1x16xf32> to vector<16xf32>
        %max3A_2189 = arith.maximumf %max3A_2180, %get3A_2188 : vector<16xf32>
        %add3A_2190 = arith.constant 480 : i32
        %add3A_2191 = arith.addi %add3A_2190, %add3A_1761 : i32
        %get3A_2192 = arith.constant 0 : i32
        %get3A_2193 = arith.index_cast %get3A_2192 : i32 to index
        %get3A_2194 = arith.index_cast %add3A_2191 : i32 to index
        %get3A_2195 = arith.constant 32 : index
        %get3A_2196 = tpu.vector_load %arg7[%get3A_2193, %get3A_2194, %get3A_2195] {strides = array<i32>} : memref<2x512x64xf32, #tpu.memory_space<vmem>>, vector<1x1x16xf32>,
        %get3A_2197 = vector.shape_cast %get3A_2196 : vector<1x1x16xf32> to vector<16xf32>
        %max3A_2198 = arith.maximumf %max3A_2189, %get3A_2197 : vector<16xf32>
        %swap3A_2199 = arith.constant 0 : i32
        %swap3A_2200 = arith.index_cast %swap3A_2199 : i32 to index
        %swap3A_2201 = arith.index_cast %add3A_1761 : i32 to index
        %swap3A_2202 = arith.constant 32 : index
        %swap3A_2203 = tpu.vector_load %arg8[%swap3A_2200, %swap3A_2201, %swap3A_2202] {strides = array<i32>} : memref<2x32x64xf32, #tpu.memory_space<vmem>>, vector<1x1x16xf32>,
        %swap3A_2204 = vector.shape_cast %swap3A_2203 : vector<1x1x16xf32> to vector<16xf32>
        %swap3A_2205 = vector.shape_cast %max3A_2198 : vector<16xf32> to vector<1x1x16xf32>
        tpu.vector_store %arg8[%swap3A_2200, %swap3A_2201, %swap3A_2202], %swap3A_2205 {strides = array<i32>} : memref<2x32x64xf32, #tpu.memory_space<vmem>>, vector<1x1x16xf32>,
        %get3A_2206 = arith.constant 0 : i32
        %get3A_2207 = arith.index_cast %get3A_2206 : i32 to index
        %get3A_2208 = arith.index_cast %add3A_1761 : i32 to index
        %get3A_2209 = arith.constant 48 : index
        %get3A_2210 = tpu.vector_load %arg7[%get3A_2207, %get3A_2208, %get3A_2209] {strides = array<i32>} : memref<2x512x64xf32, #tpu.memory_space<vmem>>, vector<1x1x16xf32>,
        %get3A_2211 = vector.shape_cast %get3A_2210 : vector<1x1x16xf32> to vector<16xf32>
        %add3A_2212 = arith.constant 32 : i32
        %add3A_2213 = arith.addi %add3A_2212, %add3A_1761 : i32
        %get3A_2214 = arith.constant 0 : i32
        %get3A_2215 = arith.index_cast %get3A_2214 : i32 to index
        %get3A_2216 = arith.index_cast %add3A_2213 : i32 to index
        %get3A_2217 = arith.constant 48 : index
        %get3A_2218 = tpu.vector_load %arg7[%get3A_2215, %get3A_2216, %get3A_2217] {strides = array<i32>} : memref<2x512x64xf32, #tpu.memory_space<vmem>>, vector<1x1x16xf32>,
        %get3A_2219 = vector.shape_cast %get3A_2218 : vector<1x1x16xf32> to vector<16xf32>
        %max3A_2220 = arith.maximumf %get3A_2211, %get3A_2219 : vector<16xf32>
        %add3A_2221 = arith.constant 64 : i32
        %add3A_2222 = arith.addi %add3A_2221, %add3A_1761 : i32
        %get3A_2223 = arith.constant 0 : i32
        %get3A_2224 = arith.index_cast %get3A_2223 : i32 to index
        %get3A_2225 = arith.index_cast %add3A_2222 : i32 to index
        %get3A_2226 = arith.constant 48 : index
        %get3A_2227 = tpu.vector_load %arg7[%get3A_2224, %get3A_2225, %get3A_2226] {strides = array<i32>} : memref<2x512x64xf32, #tpu.memory_space<vmem>>, vector<1x1x16xf32>,
        %get3A_2228 = vector.shape_cast %get3A_2227 : vector<1x1x16xf32> to vector<16xf32>
        %max3A_2229 = arith.maximumf %max3A_2220, %get3A_2228 : vector<16xf32>
        %add3A_2230 = arith.constant 96 : i32
        %add3A_2231 = arith.addi %add3A_2230, %add3A_1761 : i32
        %get3A_2232 = arith.constant 0 : i32
        %get3A_2233 = arith.index_cast %get3A_2232 : i32 to index
        %get3A_2234 = arith.index_cast %add3A_2231 : i32 to index
        %get3A_2235 = arith.constant 48 : index
        %get3A_2236 = tpu.vector_load %arg7[%get3A_2233, %get3A_2234, %get3A_2235] {strides = array<i32>} : memref<2x512x64xf32, #tpu.memory_space<vmem>>, vector<1x1x16xf32>,
        %get3A_2237 = vector.shape_cast %get3A_2236 : vector<1x1x16xf32> to vector<16xf32>
        %max3A_2238 = arith.maximumf %max3A_2229, %get3A_2237 : vector<16xf32>
        %add3A_2239 = arith.constant 128 : i32
        %add3A_2240 = arith.addi %add3A_2239, %add3A_1761 : i32
        %get3A_2241 = arith.constant 0 : i32
        %get3A_2242 = arith.index_cast %get3A_2241 : i32 to index
        %get3A_2243 = arith.index_cast %add3A_2240 : i32 to index
        %get3A_2244 = arith.constant 48 : index
        %get3A_2245 = tpu.vector_load %arg7[%get3A_2242, %get3A_2243, %get3A_2244] {strides = array<i32>} : memref<2x512x64xf32, #tpu.memory_space<vmem>>, vector<1x1x16xf32>,
        %get3A_2246 = vector.shape_cast %get3A_2245 : vector<1x1x16xf32> to vector<16xf32>
        %max3A_2247 = arith.maximumf %max3A_2238, %get3A_2246 : vector<16xf32>
        %add3A_2248 = arith.constant 160 : i32
        %add3A_2249 = arith.addi %add3A_2248, %add3A_1761 : i32
        %get3A_2250 = arith.constant 0 : i32
        %get3A_2251 = arith.index_cast %get3A_2250 : i32 to index
        %get3A_2252 = arith.index_cast %add3A_2249 : i32 to index
        %get3A_2253 = arith.constant 48 : index
        %get3A_2254 = tpu.vector_load %arg7[%get3A_2251, %get3A_2252, %get3A_2253] {strides = array<i32>} : memref<2x512x64xf32, #tpu.memory_space<vmem>>, vector<1x1x16xf32>,
        %get3A_2255 = vector.shape_cast %get3A_2254 : vector<1x1x16xf32> to vector<16xf32>
        %max3A_2256 = arith.maximumf %max3A_2247, %get3A_2255 : vector<16xf32>
        %add3A_2257 = arith.constant 192 : i32
        %add3A_2258 = arith.addi %add3A_2257, %add3A_1761 : i32
        %get3A_2259 = arith.constant 0 : i32
        %get3A_2260 = arith.index_cast %get3A_2259 : i32 to index
        %get3A_2261 = arith.index_cast %add3A_2258 : i32 to index
        %get3A_2262 = arith.constant 48 : index
        %get3A_2263 = tpu.vector_load %arg7[%get3A_2260, %get3A_2261, %get3A_2262] {strides = array<i32>} : memref<2x512x64xf32, #tpu.memory_space<vmem>>, vector<1x1x16xf32>,
        %get3A_2264 = vector.shape_cast %get3A_2263 : vector<1x1x16xf32> to vector<16xf32>
        %max3A_2265 = arith.maximumf %max3A_2256, %get3A_2264 : vector<16xf32>
        %add3A_2266 = arith.constant 224 : i32
        %add3A_2267 = arith.addi %add3A_2266, %add3A_1761 : i32
        %get3A_2268 = arith.constant 0 : i32
        %get3A_2269 = arith.index_cast %get3A_2268 : i32 to index
        %get3A_2270 = arith.index_cast %add3A_2267 : i32 to index
        %get3A_2271 = arith.constant 48 : index
        %get3A_2272 = tpu.vector_load %arg7[%get3A_2269, %get3A_2270, %get3A_2271] {strides = array<i32>} : memref<2x512x64xf32, #tpu.memory_space<vmem>>, vector<1x1x16xf32>,
        %get3A_2273 = vector.shape_cast %get3A_2272 : vector<1x1x16xf32> to vector<16xf32>
        %max3A_2274 = arith.maximumf %max3A_2265, %get3A_2273 : vector<16xf32>
        %add3A_2275 = arith.constant 256 : i32
        %add3A_2276 = arith.addi %add3A_2275, %add3A_1761 : i32
        %get3A_2277 = arith.constant 0 : i32
        %get3A_2278 = arith.index_cast %get3A_2277 : i32 to index
        %get3A_2279 = arith.index_cast %add3A_2276 : i32 to index
        %get3A_2280 = arith.constant 48 : index
        %get3A_2281 = tpu.vector_load %arg7[%get3A_2278, %get3A_2279, %get3A_2280] {strides = array<i32>} : memref<2x512x64xf32, #tpu.memory_space<vmem>>, vector<1x1x16xf32>,
        %get3A_2282 = vector.shape_cast %get3A_2281 : vector<1x1x16xf32> to vector<16xf32>
        %max3A_2283 = arith.maximumf %max3A_2274, %get3A_2282 : vector<16xf32>
        %add3A_2284 = arith.constant 288 : i32
        %add3A_2285 = arith.addi %add3A_2284, %add3A_1761 : i32
        %get3A_2286 = arith.constant 0 : i32
        %get3A_2287 = arith.index_cast %get3A_2286 : i32 to index
        %get3A_2288 = arith.index_cast %add3A_2285 : i32 to index
        %get3A_2289 = arith.constant 48 : index
        %get3A_2290 = tpu.vector_load %arg7[%get3A_2287, %get3A_2288, %get3A_2289] {strides = array<i32>} : memref<2x512x64xf32, #tpu.memory_space<vmem>>, vector<1x1x16xf32>,
        %get3A_2291 = vector.shape_cast %get3A_2290 : vector<1x1x16xf32> to vector<16xf32>
        %max3A_2292 = arith.maximumf %max3A_2283, %get3A_2291 : vector<16xf32>
        %add3A_2293 = arith.constant 320 : i32
        %add3A_2294 = arith.addi %add3A_2293, %add3A_1761 : i32
        %get3A_2295 = arith.constant 0 : i32
        %get3A_2296 = arith.index_cast %get3A_2295 : i32 to index
        %get3A_2297 = arith.index_cast %add3A_2294 : i32 to index
        %get3A_2298 = arith.constant 48 : index
        %get3A_2299 = tpu.vector_load %arg7[%get3A_2296, %get3A_2297, %get3A_2298] {strides = array<i32>} : memref<2x512x64xf32, #tpu.memory_space<vmem>>, vector<1x1x16xf32>,
        %get3A_2300 = vector.shape_cast %get3A_2299 : vector<1x1x16xf32> to vector<16xf32>
        %max3A_2301 = arith.maximumf %max3A_2292, %get3A_2300 : vector<16xf32>
        %add3A_2302 = arith.constant 352 : i32
        %add3A_2303 = arith.addi %add3A_2302, %add3A_1761 : i32
        %get3A_2304 = arith.constant 0 : i32
        %get3A_2305 = arith.index_cast %get3A_2304 : i32 to index
        %get3A_2306 = arith.index_cast %add3A_2303 : i32 to index
        %get3A_2307 = arith.constant 48 : index
        %get3A_2308 = tpu.vector_load %arg7[%get3A_2305, %get3A_2306, %get3A_2307] {strides = array<i32>} : memref<2x512x64xf32, #tpu.memory_space<vmem>>, vector<1x1x16xf32>,
        %get3A_2309 = vector.shape_cast %get3A_2308 : vector<1x1x16xf32> to vector<16xf32>
        %max3A_2310 = arith.maximumf %max3A_2301, %get3A_2309 : vector<16xf32>
        %add3A_2311 = arith.constant 384 : i32
        %add3A_2312 = arith.addi %add3A_2311, %add3A_1761 : i32
        %get3A_2313 = arith.constant 0 : i32
        %get3A_2314 = arith.index_cast %get3A_2313 : i32 to index
        %get3A_2315 = arith.index_cast %add3A_2312 : i32 to index
        %get3A_2316 = arith.constant 48 : index
        %get3A_2317 = tpu.vector_load %arg7[%get3A_2314, %get3A_2315, %get3A_2316] {strides = array<i32>} : memref<2x512x64xf32, #tpu.memory_space<vmem>>, vector<1x1x16xf32>,
        %get3A_2318 = vector.shape_cast %get3A_2317 : vector<1x1x16xf32> to vector<16xf32>
        %max3A_2319 = arith.maximumf %max3A_2310, %get3A_2318 : vector<16xf32>
        %add3A_2320 = arith.constant 416 : i32
        %add3A_2321 = arith.addi %add3A_2320, %add3A_1761 : i32
        %get3A_2322 = arith.constant 0 : i32
        %get3A_2323 = arith.index_cast %get3A_2322 : i32 to index
        %get3A_2324 = arith.index_cast %add3A_2321 : i32 to index
        %get3A_2325 = arith.constant 48 : index
        %get3A_2326 = tpu.vector_load %arg7[%get3A_2323, %get3A_2324, %get3A_2325] {strides = array<i32>} : memref<2x512x64xf32, #tpu.memory_space<vmem>>, vector<1x1x16xf32>,
        %get3A_2327 = vector.shape_cast %get3A_2326 : vector<1x1x16xf32> to vector<16xf32>
        %max3A_2328 = arith.maximumf %max3A_2319, %get3A_2327 : vector<16xf32>
        %add3A_2329 = arith.constant 448 : i32
        %add3A_2330 = arith.addi %add3A_2329, %add3A_1761 : i32
        %get3A_2331 = arith.constant 0 : i32
        %get3A_2332 = arith.index_cast %get3A_2331 : i32 to index
        %get3A_2333 = arith.index_cast %add3A_2330 : i32 to index
        %get3A_2334 = arith.constant 48 : index
        %get3A_2335 = tpu.vector_load %arg7[%get3A_2332, %get3A_2333, %get3A_2334] {strides = array<i32>} : memref<2x512x64xf32, #tpu.memory_space<vmem>>, vector<1x1x16xf32>,
        %get3A_2336 = vector.shape_cast %get3A_2335 : vector<1x1x16xf32> to vector<16xf32>
        %max3A_2337 = arith.maximumf %max3A_2328, %get3A_2336 : vector<16xf32>
        %add3A_2338 = arith.constant 480 : i32
        %add3A_2339 = arith.addi %add3A_2338, %add3A_1761 : i32
        %get3A_2340 = arith.constant 0 : i32
        %get3A_2341 = arith.index_cast %get3A_2340 : i32 to index
        %get3A_2342 = arith.index_cast %add3A_2339 : i32 to index
        %get3A_2343 = arith.constant 48 : index
        %get3A_2344 = tpu.vector_load %arg7[%get3A_2341, %get3A_2342, %get3A_2343] {strides = array<i32>} : memref<2x512x64xf32, #tpu.memory_space<vmem>>, vector<1x1x16xf32>,
        %get3A_2345 = vector.shape_cast %get3A_2344 : vector<1x1x16xf32> to vector<16xf32>
        %max3A_2346 = arith.maximumf %max3A_2337, %get3A_2345 : vector<16xf32>
        %swap3A_2347 = arith.constant 0 : i32
        %swap3A_2348 = arith.index_cast %swap3A_2347 : i32 to index
        %swap3A_2349 = arith.index_cast %add3A_1761 : i32 to index
        %swap3A_2350 = arith.constant 48 : index
        %swap3A_2351 = tpu.vector_load %arg8[%swap3A_2348, %swap3A_2349, %swap3A_2350] {strides = array<i32>} : memref<2x32x64xf32, #tpu.memory_space<vmem>>, vector<1x1x16xf32>,
        %swap3A_2352 = vector.shape_cast %swap3A_2351 : vector<1x1x16xf32> to vector<16xf32>
        %swap3A_2353 = vector.shape_cast %max3A_2346 : vector<16xf32> to vector<1x1x16xf32>
        tpu.vector_store %arg8[%swap3A_2348, %swap3A_2349, %swap3A_2350], %swap3A_2353 {strides = array<i32>} : memref<2x32x64xf32, #tpu.memory_space<vmem>>, vector<1x1x16xf32>,
      }
      %scan3A_1094 = arith.constant 16 : i32
      %mul3A_1095 = arith.constant 32 : i32
      %mul3A_1096 = arith.muli %mul3A_589, %mul3A_1095 : i32
      %add3A_1097 = arith.addi %mul3A_2, %mul3A_1096 : i32
      %multiple_of3A_1098 = tpu.assume_multiple %add3A_1097, 32 : i32
      %dma_start3A_1099 = arith.constant 0 : i32
      %dma_start3A_1100 = arith.constant 0 : i32
      %dma_start3A_1101 = arith.constant 0 : i32
      %dma_start3A_1102 = tpu.memref_slice %arg8[%dma_start3A_1099, %dma_start3A_1100, %dma_start3A_1101] : memref<2x32x64xf32, #tpu.memory_space<vmem>> -> memref<1x32x64xf32, #tpu.memory_space<vmem>>
      %dma_start3A_1103 = tpu.memref_squeeze %dma_start3A_1102 : memref<1x32x64xf32, #tpu.memory_space<vmem>> -> memref<32x64xf32, #tpu.memory_space<vmem>>
      %dma_start3A_1104 = arith.constant 0 : i32
      %dma_start3A_1105 = tpu.memref_slice %arg4[%multiple_of3A_1098, %dma_start3A_1104] : memref<32768x64xf32, #tpu.memory_space<hbm>> -> memref<32x64xf32, #tpu.memory_space<hbm>>
      %dma_start3A_1106 = arith.constant 0 : i32
      %dma_start3A_1107 = tpu.memref_slice %arg4[%multiple_of3A_1098, %dma_start3A_1106] : memref<32768x64xf32, #tpu.memory_space<hbm>> -> memref<32x64xf32, #tpu.memory_space<hbm>>
      %dma_start3A_1108 = arith.constant 0 : i32
      %dma_start3A_1109 = arith.constant 0 : i32
      %dma_start3A_1110 = tpu.memref_slice %arg8[%dma_start3A_1099, %dma_start3A_1108, %dma_start3A_1109] : memref<2x32x64xf32, #tpu.memory_space<vmem>> -> memref<1x32x64xf32, #tpu.memory_space<vmem>>
      %dma_start3A_1111 = tpu.memref_squeeze %dma_start3A_1110 : memref<1x32x64xf32, #tpu.memory_space<vmem>> -> memref<32x64xf32, #tpu.memory_space<vmem>>
      tpu.enqueue_dma source(%dma_start3A_1111 : memref<32x64xf32, #tpu.memory_space<vmem>>) target(%dma_start3A_1107 : memref<32x64xf32, #tpu.memory_space<hbm>>) target_semaphore(%arg11 : memref<!tpu.dma_semaphore, #tpu.memory_space<semaphore_mem>>)
      %lt3A_1112 = arith.constant 15 : i32
      %lt3A_1113 = arith.cmpi slt, %add3A_587, %lt3A_1112 : i32
      %convert_element_type3A_1114 = arith.extui %lt3A_1113 : i1 to i32
      %cond3A_1115 = arith.constant 0 : i32
      %cond3A_1116 = arith.cmpi ne, %convert_element_type3A_1114, %cond3A_1115 : i32
      scf.if %cond3A_1116 {
        %add3A_1158 = arith.constant 2 : i32
        %add3A_1159 = arith.addi %mul3A_589, %add3A_1158 : i32
        %mul3A_1160 = arith.constant 32 : i32
        %mul3A_1161 = arith.muli %add3A_1159, %mul3A_1160 : i32
        %add3A_1162 = arith.addi %select_n3A_32, %mul3A_1161 : i32
        %multiple_of3A_1163 = tpu.assume_multiple %add3A_1162, 32 : i32
        %dma_wait3A_1164 = arith.constant 0 : i32
        %dma_wait3A_1165 = arith.constant 0 : i32
        %dma_wait3A_1166 = arith.constant 0 : i32
        %dma_wait3A_1167 = tpu.memref_slice %arg5[%dma_wait3A_1164, %dma_wait3A_1165, %dma_wait3A_1166] : memref<2x16x32xi32, #tpu.memory_space<vmem>> -> memref<1x16x32xi32, #tpu.memory_space<vmem>>
        %dma_wait3A_1168 = tpu.memref_squeeze %dma_wait3A_1167 : memref<1x16x32xi32, #tpu.memory_space<vmem>> -> memref<16x32xi32, #tpu.memory_space<vmem>>
        %dma_wait3A_1169 = arith.constant 0 : i32
        %dma_wait3A_1170 = tpu.memref_slice %arg3[%select_n3A, %dma_wait3A_1169, %multiple_of3A_1163] : memref<4x16x8192xi32, #tpu.memory_space<hbm>> -> memref<1x16x32xi32, #tpu.memory_space<hbm>>
        %dma_wait3A_1171 = tpu.memref_squeeze %dma_wait3A_1170 : memref<1x16x32xi32, #tpu.memory_space<hbm>> -> memref<16x32xi32, #tpu.memory_space<hbm>>
        %dma_wait3A_1172 = arith.constant 0 : i32
        %dma_wait3A_1173 = arith.constant 0 : i32
        %dma_wait3A_1174 = tpu.memref_slice %arg5[%dma_wait3A_1164, %dma_wait3A_1172, %dma_wait3A_1173] : memref<2x16x32xi32, #tpu.memory_space<vmem>> -> memref<1x16x32xi32, #tpu.memory_space<vmem>>
        %dma_wait3A_1175 = tpu.memref_squeeze %dma_wait3A_1174 : memref<1x16x32xi32, #tpu.memory_space<vmem>> -> memref<16x32xi32, #tpu.memory_space<vmem>>
        %dma_wait3A_1176 = arith.constant 0 : i32
        %dma_wait3A_1177 = tpu.memref_slice %arg3[%select_n3A, %dma_wait3A_1176, %multiple_of3A_1163] : memref<4x16x8192xi32, #tpu.memory_space<hbm>> -> memref<1x16x32xi32, #tpu.memory_space<hbm>>
        %dma_wait3A_1178 = tpu.memref_squeeze %dma_wait3A_1177 : memref<1x16x32xi32, #tpu.memory_space<hbm>> -> memref<16x32xi32, #tpu.memory_space<hbm>>
        tpu.wait_dma2 semaphore(%arg13 : memref<!tpu.dma_semaphore, #tpu.memory_space<semaphore_mem>>) src(%dma_wait3A_1178 : memref<16x32xi32, #tpu.memory_space<hbm>>) dst(%dma_wait3A_1175 : memref<16x32xi32, #tpu.memory_space<vmem>>)
        %get3A_1179 = arith.constant 0 : i32
        %get3A_1180 = arith.constant 0 : i32
        %get3A_1181 = arith.index_cast %get3A_1179 : i32 to index
        %get3A_1182 = arith.index_cast %get3A_1180 : i32 to index
        %get3A_1183 = arith.constant 0 : index
        %get3A_1184 = tpu.vector_load %arg5[%get3A_1181, %get3A_1182, %get3A_1183] {strides = array<i32>} : memref<2x16x32xi32, #tpu.memory_space<vmem>>, vector<1x1x16xi32>,
        %get3A_1185 = vector.shape_cast %get3A_1184 : vector<1x1x16xi32> to vector<16xi32>
        %add3A_1186 = arith.addi %get3A_1185, %add3A_37 : vector<16xi32>
        %swap3A_1187 = arith.constant 0 : i32
        %swap3A_1188 = arith.index_cast %swap3A_1187 : i32 to index
        %swap3A_1189 = arith.constant 0 : index
        %swap3A_1190 = tpu.vector_load %arg6[%swap3A_1188, %swap3A_1189] {strides = array<i32>} : memref<2x512xi32, #tpu.memory_space<vmem>>, vector<1x16xi32>,
        %swap3A_1191 = vector.shape_cast %swap3A_1190 : vector<1x16xi32> to vector<16xi32>
        %swap3A_1192 = vector.shape_cast %add3A_1186 : vector<16xi32> to vector<1x16xi32>
        tpu.vector_store %arg6[%swap3A_1188, %swap3A_1189], %swap3A_1192 {strides = array<i32>} : memref<2x512xi32, #tpu.memory_space<vmem>>, vector<1x16xi32>,
        %get3A_1193 = arith.constant 0 : i32
        %get3A_1194 = arith.constant 0 : i32
        %get3A_1195 = arith.index_cast %get3A_1193 : i32 to index
        %get3A_1196 = arith.index_cast %get3A_1194 : i32 to index
        %get3A_1197 = arith.constant 16 : index
        %get3A_1198 = tpu.vector_load %arg5[%get3A_1195, %get3A_1196, %get3A_1197] {strides = array<i32>} : memref<2x16x32xi32, #tpu.memory_space<vmem>>, vector<1x1x16xi32>,
        %get3A_1199 = vector.shape_cast %get3A_1198 : vector<1x1x16xi32> to vector<16xi32>
        %add3A_1200 = arith.addi %get3A_1199, %add3A_37 : vector<16xi32>
        %swap3A_1201 = arith.constant 0 : i32
        %swap3A_1202 = arith.index_cast %swap3A_1201 : i32 to index
        %swap3A_1203 = arith.constant 16 : index
        %swap3A_1204 = tpu.vector_load %arg6[%swap3A_1202, %swap3A_1203] {strides = array<i32>} : memref<2x512xi32, #tpu.memory_space<vmem>>, vector<1x16xi32>,
        %swap3A_1205 = vector.shape_cast %swap3A_1204 : vector<1x16xi32> to vector<16xi32>
        %swap3A_1206 = vector.shape_cast %add3A_1200 : vector<16xi32> to vector<1x16xi32>
        tpu.vector_store %arg6[%swap3A_1202, %swap3A_1203], %swap3A_1206 {strides = array<i32>} : memref<2x512xi32, #tpu.memory_space<vmem>>, vector<1x16xi32>,
        %get3A_1207 = arith.constant 0 : i32
        %get3A_1208 = arith.constant 1 : i32
        %get3A_1209 = arith.index_cast %get3A_1207 : i32 to index
        %get3A_1210 = arith.index_cast %get3A_1208 : i32 to index
        %get3A_1211 = arith.constant 0 : index
        %get3A_1212 = tpu.vector_load %arg5[%get3A_1209, %get3A_1210, %get3A_1211] {strides = array<i32>} : memref<2x16x32xi32, #tpu.memory_space<vmem>>, vector<1x1x16xi32>,
        %get3A_1213 = vector.shape_cast %get3A_1212 : vector<1x1x16xi32> to vector<16xi32>
        %add3A_1214 = arith.addi %get3A_1213, %add3A_37 : vector<16xi32>
        %swap3A_1215 = arith.constant 0 : i32
        %swap3A_1216 = arith.index_cast %swap3A_1215 : i32 to index
        %swap3A_1217 = arith.constant 32 : index
        %swap3A_1218 = tpu.vector_load %arg6[%swap3A_1216, %swap3A_1217] {strides = array<i32>} : memref<2x512xi32, #tpu.memory_space<vmem>>, vector<1x16xi32>,
        %swap3A_1219 = vector.shape_cast %swap3A_1218 : vector<1x16xi32> to vector<16xi32>
        %swap3A_1220 = vector.shape_cast %add3A_1214 : vector<16xi32> to vector<1x16xi32>
        tpu.vector_store %arg6[%swap3A_1216, %swap3A_1217], %swap3A_1220 {strides = array<i32>} : memref<2x512xi32, #tpu.memory_space<vmem>>, vector<1x16xi32>,
        %get3A_1221 = arith.constant 0 : i32
        %get3A_1222 = arith.constant 1 : i32
        %get3A_1223 = arith.index_cast %get3A_1221 : i32 to index
        %get3A_1224 = arith.index_cast %get3A_1222 : i32 to index
        %get3A_1225 = arith.constant 16 : index
        %get3A_1226 = tpu.vector_load %arg5[%get3A_1223, %get3A_1224, %get3A_1225] {strides = array<i32>} : memref<2x16x32xi32, #tpu.memory_space<vmem>>, vector<1x1x16xi32>,
        %get3A_1227 = vector.shape_cast %get3A_1226 : vector<1x1x16xi32> to vector<16xi32>
        %add3A_1228 = arith.addi %get3A_1227, %add3A_37 : vector<16xi32>
        %swap3A_1229 = arith.constant 0 : i32
        %swap3A_1230 = arith.index_cast %swap3A_1229 : i32 to index
        %swap3A_1231 = arith.constant 48 : index
        %swap3A_1232 = tpu.vector_load %arg6[%swap3A_1230, %swap3A_1231] {strides = array<i32>} : memref<2x512xi32, #tpu.memory_space<vmem>>, vector<1x16xi32>,
        %swap3A_1233 = vector.shape_cast %swap3A_1232 : vector<1x16xi32> to vector<16xi32>
        %swap3A_1234 = vector.shape_cast %add3A_1228 : vector<16xi32> to vector<1x16xi32>
        tpu.vector_store %arg6[%swap3A_1230, %swap3A_1231], %swap3A_1234 {strides = array<i32>} : memref<2x512xi32, #tpu.memory_space<vmem>>, vector<1x16xi32>,
        %get3A_1235 = arith.constant 0 : i32
        %get3A_1236 = arith.constant 2 : i32
        %get3A_1237 = arith.index_cast %get3A_1235 : i32 to index
        %get3A_1238 = arith.index_cast %get3A_1236 : i32 to index
        %get3A_1239 = arith.constant 0 : index
        %get3A_1240 = tpu.vector_load %arg5[%get3A_1237, %get3A_1238, %get3A_1239] {strides = array<i32>} : memref<2x16x32xi32, #tpu.memory_space<vmem>>, vector<1x1x16xi32>,
        %get3A_1241 = vector.shape_cast %get3A_1240 : vector<1x1x16xi32> to vector<16xi32>
        %add3A_1242 = arith.addi %get3A_1241, %add3A_37 : vector<16xi32>
        %swap3A_1243 = arith.constant 0 : i32
        %swap3A_1244 = arith.index_cast %swap3A_1243 : i32 to index
        %swap3A_1245 = arith.constant 64 : index
        %swap3A_1246 = tpu.vector_load %arg6[%swap3A_1244, %swap3A_1245] {strides = array<i32>} : memref<2x512xi32, #tpu.memory_space<vmem>>, vector<1x16xi32>,
        %swap3A_1247 = vector.shape_cast %swap3A_1246 : vector<1x16xi32> to vector<16xi32>
        %swap3A_1248 = vector.shape_cast %add3A_1242 : vector<16xi32> to vector<1x16xi32>
        tpu.vector_store %arg6[%swap3A_1244, %swap3A_1245], %swap3A_1248 {strides = array<i32>} : memref<2x512xi32, #tpu.memory_space<vmem>>, vector<1x16xi32>,
        %get3A_1249 = arith.constant 0 : i32
        %get3A_1250 = arith.constant 2 : i32
        %get3A_1251 = arith.index_cast %get3A_1249 : i32 to index
        %get3A_1252 = arith.index_cast %get3A_1250 : i32 to index
        %get3A_1253 = arith.constant 16 : index
        %get3A_1254 = tpu.vector_load %arg5[%get3A_1251, %get3A_1252, %get3A_1253] {strides = array<i32>} : memref<2x16x32xi32, #tpu.memory_space<vmem>>, vector<1x1x16xi32>,
        %get3A_1255 = vector.shape_cast %get3A_1254 : vector<1x1x16xi32> to vector<16xi32>
        %add3A_1256 = arith.addi %get3A_1255, %add3A_37 : vector<16xi32>
        %swap3A_1257 = arith.constant 0 : i32
        %swap3A_1258 = arith.index_cast %swap3A_1257 : i32 to index
        %swap3A_1259 = arith.constant 80 : index
        %swap3A_1260 = tpu.vector_load %arg6[%swap3A_1258, %swap3A_1259] {strides = array<i32>} : memref<2x512xi32, #tpu.memory_space<vmem>>, vector<1x16xi32>,
        %swap3A_1261 = vector.shape_cast %swap3A_1260 : vector<1x16xi32> to vector<16xi32>
        %swap3A_1262 = vector.shape_cast %add3A_1256 : vector<16xi32> to vector<1x16xi32>
        tpu.vector_store %arg6[%swap3A_1258, %swap3A_1259], %swap3A_1262 {strides = array<i32>} : memref<2x512xi32, #tpu.memory_space<vmem>>, vector<1x16xi32>,
        %get3A_1263 = arith.constant 0 : i32
        %get3A_1264 = arith.constant 3 : i32
        %get3A_1265 = arith.index_cast %get3A_1263 : i32 to index
        %get3A_1266 = arith.index_cast %get3A_1264 : i32 to index
        %get3A_1267 = arith.constant 0 : index
        %get3A_1268 = tpu.vector_load %arg5[%get3A_1265, %get3A_1266, %get3A_1267] {strides = array<i32>} : memref<2x16x32xi32, #tpu.memory_space<vmem>>, vector<1x1x16xi32>,
        %get3A_1269 = vector.shape_cast %get3A_1268 : vector<1x1x16xi32> to vector<16xi32>
        %add3A_1270 = arith.addi %get3A_1269, %add3A_37 : vector<16xi32>
        %swap3A_1271 = arith.constant 0 : i32
        %swap3A_1272 = arith.index_cast %swap3A_1271 : i32 to index
        %swap3A_1273 = arith.constant 96 : index
        %swap3A_1274 = tpu.vector_load %arg6[%swap3A_1272, %swap3A_1273] {strides = array<i32>} : memref<2x512xi32, #tpu.memory_space<vmem>>, vector<1x16xi32>,
        %swap3A_1275 = vector.shape_cast %swap3A_1274 : vector<1x16xi32> to vector<16xi32>
        %swap3A_1276 = vector.shape_cast %add3A_1270 : vector<16xi32> to vector<1x16xi32>
        tpu.vector_store %arg6[%swap3A_1272, %swap3A_1273], %swap3A_1276 {strides = array<i32>} : memref<2x512xi32, #tpu.memory_space<vmem>>, vector<1x16xi32>,
        %get3A_1277 = arith.constant 0 : i32
        %get3A_1278 = arith.constant 3 : i32
        %get3A_1279 = arith.index_cast %get3A_1277 : i32 to index
        %get3A_1280 = arith.index_cast %get3A_1278 : i32 to index
        %get3A_1281 = arith.constant 16 : index
        %get3A_1282 = tpu.vector_load %arg5[%get3A_1279, %get3A_1280, %get3A_1281] {strides = array<i32>} : memref<2x16x32xi32, #tpu.memory_space<vmem>>, vector<1x1x16xi32>,
        %get3A_1283 = vector.shape_cast %get3A_1282 : vector<1x1x16xi32> to vector<16xi32>
        %add3A_1284 = arith.addi %get3A_1283, %add3A_37 : vector<16xi32>
        %swap3A_1285 = arith.constant 0 : i32
        %swap3A_1286 = arith.index_cast %swap3A_1285 : i32 to index
        %swap3A_1287 = arith.constant 112 : index
        %swap3A_1288 = tpu.vector_load %arg6[%swap3A_1286, %swap3A_1287] {strides = array<i32>} : memref<2x512xi32, #tpu.memory_space<vmem>>, vector<1x16xi32>,
        %swap3A_1289 = vector.shape_cast %swap3A_1288 : vector<1x16xi32> to vector<16xi32>
        %swap3A_1290 = vector.shape_cast %add3A_1284 : vector<16xi32> to vector<1x16xi32>
        tpu.vector_store %arg6[%swap3A_1286, %swap3A_1287], %swap3A_1290 {strides = array<i32>} : memref<2x512xi32, #tpu.memory_space<vmem>>, vector<1x16xi32>,
        %get3A_1291 = arith.constant 0 : i32
        %get3A_1292 = arith.constant 4 : i32
        %get3A_1293 = arith.index_cast %get3A_1291 : i32 to index
        %get3A_1294 = arith.index_cast %get3A_1292 : i32 to index
        %get3A_1295 = arith.constant 0 : index
        %get3A_1296 = tpu.vector_load %arg5[%get3A_1293, %get3A_1294, %get3A_1295] {strides = array<i32>} : memref<2x16x32xi32, #tpu.memory_space<vmem>>, vector<1x1x16xi32>,
        %get3A_1297 = vector.shape_cast %get3A_1296 : vector<1x1x16xi32> to vector<16xi32>
        %add3A_1298 = arith.addi %get3A_1297, %add3A_37 : vector<16xi32>
        %swap3A_1299 = arith.constant 0 : i32
        %swap3A_1300 = arith.index_cast %swap3A_1299 : i32 to index
        %swap3A_1301 = arith.constant 128 : index
        %swap3A_1302 = tpu.vector_load %arg6[%swap3A_1300, %swap3A_1301] {strides = array<i32>} : memref<2x512xi32, #tpu.memory_space<vmem>>, vector<1x16xi32>,
        %swap3A_1303 = vector.shape_cast %swap3A_1302 : vector<1x16xi32> to vector<16xi32>
        %swap3A_1304 = vector.shape_cast %add3A_1298 : vector<16xi32> to vector<1x16xi32>
        tpu.vector_store %arg6[%swap3A_1300, %swap3A_1301], %swap3A_1304 {strides = array<i32>} : memref<2x512xi32, #tpu.memory_space<vmem>>, vector<1x16xi32>,
        %get3A_1305 = arith.constant 0 : i32
        %get3A_1306 = arith.constant 4 : i32
        %get3A_1307 = arith.index_cast %get3A_1305 : i32 to index
        %get3A_1308 = arith.index_cast %get3A_1306 : i32 to index
        %get3A_1309 = arith.constant 16 : index
        %get3A_1310 = tpu.vector_load %arg5[%get3A_1307, %get3A_1308, %get3A_1309] {strides = array<i32>} : memref<2x16x32xi32, #tpu.memory_space<vmem>>, vector<1x1x16xi32>,
        %get3A_1311 = vector.shape_cast %get3A_1310 : vector<1x1x16xi32> to vector<16xi32>
        %add3A_1312 = arith.addi %get3A_1311, %add3A_37 : vector<16xi32>
        %swap3A_1313 = arith.constant 0 : i32
        %swap3A_1314 = arith.index_cast %swap3A_1313 : i32 to index
        %swap3A_1315 = arith.constant 144 : index
        %swap3A_1316 = tpu.vector_load %arg6[%swap3A_1314, %swap3A_1315] {strides = array<i32>} : memref<2x512xi32, #tpu.memory_space<vmem>>, vector<1x16xi32>,
        %swap3A_1317 = vector.shape_cast %swap3A_1316 : vector<1x16xi32> to vector<16xi32>
        %swap3A_1318 = vector.shape_cast %add3A_1312 : vector<16xi32> to vector<1x16xi32>
        tpu.vector_store %arg6[%swap3A_1314, %swap3A_1315], %swap3A_1318 {strides = array<i32>} : memref<2x512xi32, #tpu.memory_space<vmem>>, vector<1x16xi32>,
        %get3A_1319 = arith.constant 0 : i32
        %get3A_1320 = arith.constant 5 : i32
        %get3A_1321 = arith.index_cast %get3A_1319 : i32 to index
        %get3A_1322 = arith.index_cast %get3A_1320 : i32 to index
        %get3A_1323 = arith.constant 0 : index
        %get3A_1324 = tpu.vector_load %arg5[%get3A_1321, %get3A_1322, %get3A_1323] {strides = array<i32>} : memref<2x16x32xi32, #tpu.memory_space<vmem>>, vector<1x1x16xi32>,
        %get3A_1325 = vector.shape_cast %get3A_1324 : vector<1x1x16xi32> to vector<16xi32>
        %add3A_1326 = arith.addi %get3A_1325, %add3A_37 : vector<16xi32>
        %swap3A_1327 = arith.constant 0 : i32
        %swap3A_1328 = arith.index_cast %swap3A_1327 : i32 to index
        %swap3A_1329 = arith.constant 160 : index
        %swap3A_1330 = tpu.vector_load %arg6[%swap3A_1328, %swap3A_1329] {strides = array<i32>} : memref<2x512xi32, #tpu.memory_space<vmem>>, vector<1x16xi32>,
        %swap3A_1331 = vector.shape_cast %swap3A_1330 : vector<1x16xi32> to vector<16xi32>
        %swap3A_1332 = vector.shape_cast %add3A_1326 : vector<16xi32> to vector<1x16xi32>
        tpu.vector_store %arg6[%swap3A_1328, %swap3A_1329], %swap3A_1332 {strides = array<i32>} : memref<2x512xi32, #tpu.memory_space<vmem>>, vector<1x16xi32>,
        %get3A_1333 = arith.constant 0 : i32
        %get3A_1334 = arith.constant 5 : i32
        %get3A_1335 = arith.index_cast %get3A_1333 : i32 to index
        %get3A_1336 = arith.index_cast %get3A_1334 : i32 to index
        %get3A_1337 = arith.constant 16 : index
        %get3A_1338 = tpu.vector_load %arg5[%get3A_1335, %get3A_1336, %get3A_1337] {strides = array<i32>} : memref<2x16x32xi32, #tpu.memory_space<vmem>>, vector<1x1x16xi32>,
        %get3A_1339 = vector.shape_cast %get3A_1338 : vector<1x1x16xi32> to vector<16xi32>
        %add3A_1340 = arith.addi %get3A_1339, %add3A_37 : vector<16xi32>
        %swap3A_1341 = arith.constant 0 : i32
        %swap3A_1342 = arith.index_cast %swap3A_1341 : i32 to index
        %swap3A_1343 = arith.constant 176 : index
        %swap3A_1344 = tpu.vector_load %arg6[%swap3A_1342, %swap3A_1343] {strides = array<i32>} : memref<2x512xi32, #tpu.memory_space<vmem>>, vector<1x16xi32>,
        %swap3A_1345 = vector.shape_cast %swap3A_1344 : vector<1x16xi32> to vector<16xi32>
        %swap3A_1346 = vector.shape_cast %add3A_1340 : vector<16xi32> to vector<1x16xi32>
        tpu.vector_store %arg6[%swap3A_1342, %swap3A_1343], %swap3A_1346 {strides = array<i32>} : memref<2x512xi32, #tpu.memory_space<vmem>>, vector<1x16xi32>,
        %get3A_1347 = arith.constant 0 : i32
        %get3A_1348 = arith.constant 6 : i32
        %get3A_1349 = arith.index_cast %get3A_1347 : i32 to index
        %get3A_1350 = arith.index_cast %get3A_1348 : i32 to index
        %get3A_1351 = arith.constant 0 : index
        %get3A_1352 = tpu.vector_load %arg5[%get3A_1349, %get3A_1350, %get3A_1351] {strides = array<i32>} : memref<2x16x32xi32, #tpu.memory_space<vmem>>, vector<1x1x16xi32>,
        %get3A_1353 = vector.shape_cast %get3A_1352 : vector<1x1x16xi32> to vector<16xi32>
        %add3A_1354 = arith.addi %get3A_1353, %add3A_37 : vector<16xi32>
        %swap3A_1355 = arith.constant 0 : i32
        %swap3A_1356 = arith.index_cast %swap3A_1355 : i32 to index
        %swap3A_1357 = arith.constant 192 : index
        %swap3A_1358 = tpu.vector_load %arg6[%swap3A_1356, %swap3A_1357] {strides = array<i32>} : memref<2x512xi32, #tpu.memory_space<vmem>>, vector<1x16xi32>,
        %swap3A_1359 = vector.shape_cast %swap3A_1358 : vector<1x16xi32> to vector<16xi32>
        %swap3A_1360 = vector.shape_cast %add3A_1354 : vector<16xi32> to vector<1x16xi32>
        tpu.vector_store %arg6[%swap3A_1356, %swap3A_1357], %swap3A_1360 {strides = array<i32>} : memref<2x512xi32, #tpu.memory_space<vmem>>, vector<1x16xi32>,
        %get3A_1361 = arith.constant 0 : i32
        %get3A_1362 = arith.constant 6 : i32
        %get3A_1363 = arith.index_cast %get3A_1361 : i32 to index
        %get3A_1364 = arith.index_cast %get3A_1362 : i32 to index
        %get3A_1365 = arith.constant 16 : index
        %get3A_1366 = tpu.vector_load %arg5[%get3A_1363, %get3A_1364, %get3A_1365] {strides = array<i32>} : memref<2x16x32xi32, #tpu.memory_space<vmem>>, vector<1x1x16xi32>,
        %get3A_1367 = vector.shape_cast %get3A_1366 : vector<1x1x16xi32> to vector<16xi32>
        %add3A_1368 = arith.addi %get3A_1367, %add3A_37 : vector<16xi32>
        %swap3A_1369 = arith.constant 0 : i32
        %swap3A_1370 = arith.index_cast %swap3A_1369 : i32 to index
        %swap3A_1371 = arith.constant 208 : index
        %swap3A_1372 = tpu.vector_load %arg6[%swap3A_1370, %swap3A_1371] {strides = array<i32>} : memref<2x512xi32, #tpu.memory_space<vmem>>, vector<1x16xi32>,
        %swap3A_1373 = vector.shape_cast %swap3A_1372 : vector<1x16xi32> to vector<16xi32>
        %swap3A_1374 = vector.shape_cast %add3A_1368 : vector<16xi32> to vector<1x16xi32>
        tpu.vector_store %arg6[%swap3A_1370, %swap3A_1371], %swap3A_1374 {strides = array<i32>} : memref<2x512xi32, #tpu.memory_space<vmem>>, vector<1x16xi32>,
        %get3A_1375 = arith.constant 0 : i32
        %get3A_1376 = arith.constant 7 : i32
        %get3A_1377 = arith.index_cast %get3A_1375 : i32 to index
        %get3A_1378 = arith.index_cast %get3A_1376 : i32 to index
        %get3A_1379 = arith.constant 0 : index
        %get3A_1380 = tpu.vector_load %arg5[%get3A_1377, %get3A_1378, %get3A_1379] {strides = array<i32>} : memref<2x16x32xi32, #tpu.memory_space<vmem>>, vector<1x1x16xi32>,
        %get3A_1381 = vector.shape_cast %get3A_1380 : vector<1x1x16xi32> to vector<16xi32>
        %add3A_1382 = arith.addi %get3A_1381, %add3A_37 : vector<16xi32>
        %swap3A_1383 = arith.constant 0 : i32
        %swap3A_1384 = arith.index_cast %swap3A_1383 : i32 to index
        %swap3A_1385 = arith.constant 224 : index
        %swap3A_1386 = tpu.vector_load %arg6[%swap3A_1384, %swap3A_1385] {strides = array<i32>} : memref<2x512xi32, #tpu.memory_space<vmem>>, vector<1x16xi32>,
        %swap3A_1387 = vector.shape_cast %swap3A_1386 : vector<1x16xi32> to vector<16xi32>
        %swap3A_1388 = vector.shape_cast %add3A_1382 : vector<16xi32> to vector<1x16xi32>
        tpu.vector_store %arg6[%swap3A_1384, %swap3A_1385], %swap3A_1388 {strides = array<i32>} : memref<2x512xi32, #tpu.memory_space<vmem>>, vector<1x16xi32>,
        %get3A_1389 = arith.constant 0 : i32
        %get3A_1390 = arith.constant 7 : i32
        %get3A_1391 = arith.index_cast %get3A_1389 : i32 to index
        %get3A_1392 = arith.index_cast %get3A_1390 : i32 to index
        %get3A_1393 = arith.constant 16 : index
        %get3A_1394 = tpu.vector_load %arg5[%get3A_1391, %get3A_1392, %get3A_1393] {strides = array<i32>} : memref<2x16x32xi32, #tpu.memory_space<vmem>>, vector<1x1x16xi32>,
        %get3A_1395 = vector.shape_cast %get3A_1394 : vector<1x1x16xi32> to vector<16xi32>
        %add3A_1396 = arith.addi %get3A_1395, %add3A_37 : vector<16xi32>
        %swap3A_1397 = arith.constant 0 : i32
        %swap3A_1398 = arith.index_cast %swap3A_1397 : i32 to index
        %swap3A_1399 = arith.constant 240 : index
        %swap3A_1400 = tpu.vector_load %arg6[%swap3A_1398, %swap3A_1399] {strides = array<i32>} : memref<2x512xi32, #tpu.memory_space<vmem>>, vector<1x16xi32>,
        %swap3A_1401 = vector.shape_cast %swap3A_1400 : vector<1x16xi32> to vector<16xi32>
        %swap3A_1402 = vector.shape_cast %add3A_1396 : vector<16xi32> to vector<1x16xi32>
        tpu.vector_store %arg6[%swap3A_1398, %swap3A_1399], %swap3A_1402 {strides = array<i32>} : memref<2x512xi32, #tpu.memory_space<vmem>>, vector<1x16xi32>,
        %get3A_1403 = arith.constant 0 : i32
        %get3A_1404 = arith.constant 8 : i32
        %get3A_1405 = arith.index_cast %get3A_1403 : i32 to index
        %get3A_1406 = arith.index_cast %get3A_1404 : i32 to index
        %get3A_1407 = arith.constant 0 : index
        %get3A_1408 = tpu.vector_load %arg5[%get3A_1405, %get3A_1406, %get3A_1407] {strides = array<i32>} : memref<2x16x32xi32, #tpu.memory_space<vmem>>, vector<1x1x16xi32>,
        %get3A_1409 = vector.shape_cast %get3A_1408 : vector<1x1x16xi32> to vector<16xi32>
        %add3A_1410 = arith.addi %get3A_1409, %add3A_37 : vector<16xi32>
        %swap3A_1411 = arith.constant 0 : i32
        %swap3A_1412 = arith.index_cast %swap3A_1411 : i32 to index
        %swap3A_1413 = arith.constant 256 : index
        %swap3A_1414 = tpu.vector_load %arg6[%swap3A_1412, %swap3A_1413] {strides = array<i32>} : memref<2x512xi32, #tpu.memory_space<vmem>>, vector<1x16xi32>,
        %swap3A_1415 = vector.shape_cast %swap3A_1414 : vector<1x16xi32> to vector<16xi32>
        %swap3A_1416 = vector.shape_cast %add3A_1410 : vector<16xi32> to vector<1x16xi32>
        tpu.vector_store %arg6[%swap3A_1412, %swap3A_1413], %swap3A_1416 {strides = array<i32>} : memref<2x512xi32, #tpu.memory_space<vmem>>, vector<1x16xi32>,
        %get3A_1417 = arith.constant 0 : i32
        %get3A_1418 = arith.constant 8 : i32
        %get3A_1419 = arith.index_cast %get3A_1417 : i32 to index
        %get3A_1420 = arith.index_cast %get3A_1418 : i32 to index
        %get3A_1421 = arith.constant 16 : index
        %get3A_1422 = tpu.vector_load %arg5[%get3A_1419, %get3A_1420, %get3A_1421] {strides = array<i32>} : memref<2x16x32xi32, #tpu.memory_space<vmem>>, vector<1x1x16xi32>,
        %get3A_1423 = vector.shape_cast %get3A_1422 : vector<1x1x16xi32> to vector<16xi32>
        %add3A_1424 = arith.addi %get3A_1423, %add3A_37 : vector<16xi32>
        %swap3A_1425 = arith.constant 0 : i32
        %swap3A_1426 = arith.index_cast %swap3A_1425 : i32 to index
        %swap3A_1427 = arith.constant 272 : index
        %swap3A_1428 = tpu.vector_load %arg6[%swap3A_1426, %swap3A_1427] {strides = array<i32>} : memref<2x512xi32, #tpu.memory_space<vmem>>, vector<1x16xi32>,
        %swap3A_1429 = vector.shape_cast %swap3A_1428 : vector<1x16xi32> to vector<16xi32>
        %swap3A_1430 = vector.shape_cast %add3A_1424 : vector<16xi32> to vector<1x16xi32>
        tpu.vector_store %arg6[%swap3A_1426, %swap3A_1427], %swap3A_1430 {strides = array<i32>} : memref<2x512xi32, #tpu.memory_space<vmem>>, vector<1x16xi32>,
        %get3A_1431 = arith.constant 0 : i32
        %get3A_1432 = arith.constant 9 : i32
        %get3A_1433 = arith.index_cast %get3A_1431 : i32 to index
        %get3A_1434 = arith.index_cast %get3A_1432 : i32 to index
        %get3A_1435 = arith.constant 0 : index
        %get3A_1436 = tpu.vector_load %arg5[%get3A_1433, %get3A_1434, %get3A_1435] {strides = array<i32>} : memref<2x16x32xi32, #tpu.memory_space<vmem>>, vector<1x1x16xi32>,
        %get3A_1437 = vector.shape_cast %get3A_1436 : vector<1x1x16xi32> to vector<16xi32>
        %add3A_1438 = arith.addi %get3A_1437, %add3A_37 : vector<16xi32>
        %swap3A_1439 = arith.constant 0 : i32
        %swap3A_1440 = arith.index_cast %swap3A_1439 : i32 to index
        %swap3A_1441 = arith.constant 288 : index
        %swap3A_1442 = tpu.vector_load %arg6[%swap3A_1440, %swap3A_1441] {strides = array<i32>} : memref<2x512xi32, #tpu.memory_space<vmem>>, vector<1x16xi32>,
        %swap3A_1443 = vector.shape_cast %swap3A_1442 : vector<1x16xi32> to vector<16xi32>
        %swap3A_1444 = vector.shape_cast %add3A_1438 : vector<16xi32> to vector<1x16xi32>
        tpu.vector_store %arg6[%swap3A_1440, %swap3A_1441], %swap3A_1444 {strides = array<i32>} : memref<2x512xi32, #tpu.memory_space<vmem>>, vector<1x16xi32>,
        %get3A_1445 = arith.constant 0 : i32
        %get3A_1446 = arith.constant 9 : i32
        %get3A_1447 = arith.index_cast %get3A_1445 : i32 to index
        %get3A_1448 = arith.index_cast %get3A_1446 : i32 to index
        %get3A_1449 = arith.constant 16 : index
        %get3A_1450 = tpu.vector_load %arg5[%get3A_1447, %get3A_1448, %get3A_1449] {strides = array<i32>} : memref<2x16x32xi32, #tpu.memory_space<vmem>>, vector<1x1x16xi32>,
        %get3A_1451 = vector.shape_cast %get3A_1450 : vector<1x1x16xi32> to vector<16xi32>
        %add3A_1452 = arith.addi %get3A_1451, %add3A_37 : vector<16xi32>
        %swap3A_1453 = arith.constant 0 : i32
        %swap3A_1454 = arith.index_cast %swap3A_1453 : i32 to index
        %swap3A_1455 = arith.constant 304 : index
        %swap3A_1456 = tpu.vector_load %arg6[%swap3A_1454, %swap3A_1455] {strides = array<i32>} : memref<2x512xi32, #tpu.memory_space<vmem>>, vector<1x16xi32>,
        %swap3A_1457 = vector.shape_cast %swap3A_1456 : vector<1x16xi32> to vector<16xi32>
        %swap3A_1458 = vector.shape_cast %add3A_1452 : vector<16xi32> to vector<1x16xi32>
        tpu.vector_store %arg6[%swap3A_1454, %swap3A_1455], %swap3A_1458 {strides = array<i32>} : memref<2x512xi32, #tpu.memory_space<vmem>>, vector<1x16xi32>,
        %get3A_1459 = arith.constant 0 : i32
        %get3A_1460 = arith.constant 10 : i32
        %get3A_1461 = arith.index_cast %get3A_1459 : i32 to index
        %get3A_1462 = arith.index_cast %get3A_1460 : i32 to index
        %get3A_1463 = arith.constant 0 : index
        %get3A_1464 = tpu.vector_load %arg5[%get3A_1461, %get3A_1462, %get3A_1463] {strides = array<i32>} : memref<2x16x32xi32, #tpu.memory_space<vmem>>, vector<1x1x16xi32>,
        %get3A_1465 = vector.shape_cast %get3A_1464 : vector<1x1x16xi32> to vector<16xi32>
        %add3A_1466 = arith.addi %get3A_1465, %add3A_37 : vector<16xi32>
        %swap3A_1467 = arith.constant 0 : i32
        %swap3A_1468 = arith.index_cast %swap3A_1467 : i32 to index
        %swap3A_1469 = arith.constant 320 : index
        %swap3A_1470 = tpu.vector_load %arg6[%swap3A_1468, %swap3A_1469] {strides = array<i32>} : memref<2x512xi32, #tpu.memory_space<vmem>>, vector<1x16xi32>,
        %swap3A_1471 = vector.shape_cast %swap3A_1470 : vector<1x16xi32> to vector<16xi32>
        %swap3A_1472 = vector.shape_cast %add3A_1466 : vector<16xi32> to vector<1x16xi32>
        tpu.vector_store %arg6[%swap3A_1468, %swap3A_1469], %swap3A_1472 {strides = array<i32>} : memref<2x512xi32, #tpu.memory_space<vmem>>, vector<1x16xi32>,
        %get3A_1473 = arith.constant 0 : i32
        %get3A_1474 = arith.constant 10 : i32
        %get3A_1475 = arith.index_cast %get3A_1473 : i32 to index
        %get3A_1476 = arith.index_cast %get3A_1474 : i32 to index
        %get3A_1477 = arith.constant 16 : index
        %get3A_1478 = tpu.vector_load %arg5[%get3A_1475, %get3A_1476, %get3A_1477] {strides = array<i32>} : memref<2x16x32xi32, #tpu.memory_space<vmem>>, vector<1x1x16xi32>,
        %get3A_1479 = vector.shape_cast %get3A_1478 : vector<1x1x16xi32> to vector<16xi32>
        %add3A_1480 = arith.addi %get3A_1479, %add3A_37 : vector<16xi32>
        %swap3A_1481 = arith.constant 0 : i32
        %swap3A_1482 = arith.index_cast %swap3A_1481 : i32 to index
        %swap3A_1483 = arith.constant 336 : index
        %swap3A_1484 = tpu.vector_load %arg6[%swap3A_1482, %swap3A_1483] {strides = array<i32>} : memref<2x512xi32, #tpu.memory_space<vmem>>, vector<1x16xi32>,
        %swap3A_1485 = vector.shape_cast %swap3A_1484 : vector<1x16xi32> to vector<16xi32>
        %swap3A_1486 = vector.shape_cast %add3A_1480 : vector<16xi32> to vector<1x16xi32>
        tpu.vector_store %arg6[%swap3A_1482, %swap3A_1483], %swap3A_1486 {strides = array<i32>} : memref<2x512xi32, #tpu.memory_space<vmem>>, vector<1x16xi32>,
        %get3A_1487 = arith.constant 0 : i32
        %get3A_1488 = arith.constant 11 : i32
        %get3A_1489 = arith.index_cast %get3A_1487 : i32 to index
        %get3A_1490 = arith.index_cast %get3A_1488 : i32 to index
        %get3A_1491 = arith.constant 0 : index
        %get3A_1492 = tpu.vector_load %arg5[%get3A_1489, %get3A_1490, %get3A_1491] {strides = array<i32>} : memref<2x16x32xi32, #tpu.memory_space<vmem>>, vector<1x1x16xi32>,
        %get3A_1493 = vector.shape_cast %get3A_1492 : vector<1x1x16xi32> to vector<16xi32>
        %add3A_1494 = arith.addi %get3A_1493, %add3A_37 : vector<16xi32>
        %swap3A_1495 = arith.constant 0 : i32
        %swap3A_1496 = arith.index_cast %swap3A_1495 : i32 to index
        %swap3A_1497 = arith.constant 352 : index
        %swap3A_1498 = tpu.vector_load %arg6[%swap3A_1496, %swap3A_1497] {strides = array<i32>} : memref<2x512xi32, #tpu.memory_space<vmem>>, vector<1x16xi32>,
        %swap3A_1499 = vector.shape_cast %swap3A_1498 : vector<1x16xi32> to vector<16xi32>
        %swap3A_1500 = vector.shape_cast %add3A_1494 : vector<16xi32> to vector<1x16xi32>
        tpu.vector_store %arg6[%swap3A_1496, %swap3A_1497], %swap3A_1500 {strides = array<i32>} : memref<2x512xi32, #tpu.memory_space<vmem>>, vector<1x16xi32>,
        %get3A_1501 = arith.constant 0 : i32
        %get3A_1502 = arith.constant 11 : i32
        %get3A_1503 = arith.index_cast %get3A_1501 : i32 to index
        %get3A_1504 = arith.index_cast %get3A_1502 : i32 to index
        %get3A_1505 = arith.constant 16 : index
        %get3A_1506 = tpu.vector_load %arg5[%get3A_1503, %get3A_1504, %get3A_1505] {strides = array<i32>} : memref<2x16x32xi32, #tpu.memory_space<vmem>>, vector<1x1x16xi32>,
        %get3A_1507 = vector.shape_cast %get3A_1506 : vector<1x1x16xi32> to vector<16xi32>
        %add3A_1508 = arith.addi %get3A_1507, %add3A_37 : vector<16xi32>
        %swap3A_1509 = arith.constant 0 : i32
        %swap3A_1510 = arith.index_cast %swap3A_1509 : i32 to index
        %swap3A_1511 = arith.constant 368 : index
        %swap3A_1512 = tpu.vector_load %arg6[%swap3A_1510, %swap3A_1511] {strides = array<i32>} : memref<2x512xi32, #tpu.memory_space<vmem>>, vector<1x16xi32>,
        %swap3A_1513 = vector.shape_cast %swap3A_1512 : vector<1x16xi32> to vector<16xi32>
        %swap3A_1514 = vector.shape_cast %add3A_1508 : vector<16xi32> to vector<1x16xi32>
        tpu.vector_store %arg6[%swap3A_1510, %swap3A_1511], %swap3A_1514 {strides = array<i32>} : memref<2x512xi32, #tpu.memory_space<vmem>>, vector<1x16xi32>,
        %get3A_1515 = arith.constant 0 : i32
        %get3A_1516 = arith.constant 12 : i32
        %get3A_1517 = arith.index_cast %get3A_1515 : i32 to index
        %get3A_1518 = arith.index_cast %get3A_1516 : i32 to index
        %get3A_1519 = arith.constant 0 : index
        %get3A_1520 = tpu.vector_load %arg5[%get3A_1517, %get3A_1518, %get3A_1519] {strides = array<i32>} : memref<2x16x32xi32, #tpu.memory_space<vmem>>, vector<1x1x16xi32>,
        %get3A_1521 = vector.shape_cast %get3A_1520 : vector<1x1x16xi32> to vector<16xi32>
        %add3A_1522 = arith.addi %get3A_1521, %add3A_37 : vector<16xi32>
        %swap3A_1523 = arith.constant 0 : i32
        %swap3A_1524 = arith.index_cast %swap3A_1523 : i32 to index
        %swap3A_1525 = arith.constant 384 : index
        %swap3A_1526 = tpu.vector_load %arg6[%swap3A_1524, %swap3A_1525] {strides = array<i32>} : memref<2x512xi32, #tpu.memory_space<vmem>>, vector<1x16xi32>,
        %swap3A_1527 = vector.shape_cast %swap3A_1526 : vector<1x16xi32> to vector<16xi32>
        %swap3A_1528 = vector.shape_cast %add3A_1522 : vector<16xi32> to vector<1x16xi32>
        tpu.vector_store %arg6[%swap3A_1524, %swap3A_1525], %swap3A_1528 {strides = array<i32>} : memref<2x512xi32, #tpu.memory_space<vmem>>, vector<1x16xi32>,
        %get3A_1529 = arith.constant 0 : i32
        %get3A_1530 = arith.constant 12 : i32
        %get3A_1531 = arith.index_cast %get3A_1529 : i32 to index
        %get3A_1532 = arith.index_cast %get3A_1530 : i32 to index
        %get3A_1533 = arith.constant 16 : index
        %get3A_1534 = tpu.vector_load %arg5[%get3A_1531, %get3A_1532, %get3A_1533] {strides = array<i32>} : memref<2x16x32xi32, #tpu.memory_space<vmem>>, vector<1x1x16xi32>,
        %get3A_1535 = vector.shape_cast %get3A_1534 : vector<1x1x16xi32> to vector<16xi32>
        %add3A_1536 = arith.addi %get3A_1535, %add3A_37 : vector<16xi32>
        %swap3A_1537 = arith.constant 0 : i32
        %swap3A_1538 = arith.index_cast %swap3A_1537 : i32 to index
        %swap3A_1539 = arith.constant 400 : index
        %swap3A_1540 = tpu.vector_load %arg6[%swap3A_1538, %swap3A_1539] {strides = array<i32>} : memref<2x512xi32, #tpu.memory_space<vmem>>, vector<1x16xi32>,
        %swap3A_1541 = vector.shape_cast %swap3A_1540 : vector<1x16xi32> to vector<16xi32>
        %swap3A_1542 = vector.shape_cast %add3A_1536 : vector<16xi32> to vector<1x16xi32>
        tpu.vector_store %arg6[%swap3A_1538, %swap3A_1539], %swap3A_1542 {strides = array<i32>} : memref<2x512xi32, #tpu.memory_space<vmem>>, vector<1x16xi32>,
        %get3A_1543 = arith.constant 0 : i32
        %get3A_1544 = arith.constant 13 : i32
        %get3A_1545 = arith.index_cast %get3A_1543 : i32 to index
        %get3A_1546 = arith.index_cast %get3A_1544 : i32 to index
        %get3A_1547 = arith.constant 0 : index
        %get3A_1548 = tpu.vector_load %arg5[%get3A_1545, %get3A_1546, %get3A_1547] {strides = array<i32>} : memref<2x16x32xi32, #tpu.memory_space<vmem>>, vector<1x1x16xi32>,
        %get3A_1549 = vector.shape_cast %get3A_1548 : vector<1x1x16xi32> to vector<16xi32>
        %add3A_1550 = arith.addi %get3A_1549, %add3A_37 : vector<16xi32>
        %swap3A_1551 = arith.constant 0 : i32
        %swap3A_1552 = arith.index_cast %swap3A_1551 : i32 to index
        %swap3A_1553 = arith.constant 416 : index
        %swap3A_1554 = tpu.vector_load %arg6[%swap3A_1552, %swap3A_1553] {strides = array<i32>} : memref<2x512xi32, #tpu.memory_space<vmem>>, vector<1x16xi32>,
        %swap3A_1555 = vector.shape_cast %swap3A_1554 : vector<1x16xi32> to vector<16xi32>
        %swap3A_1556 = vector.shape_cast %add3A_1550 : vector<16xi32> to vector<1x16xi32>
        tpu.vector_store %arg6[%swap3A_1552, %swap3A_1553], %swap3A_1556 {strides = array<i32>} : memref<2x512xi32, #tpu.memory_space<vmem>>, vector<1x16xi32>,
        %get3A_1557 = arith.constant 0 : i32
        %get3A_1558 = arith.constant 13 : i32
        %get3A_1559 = arith.index_cast %get3A_1557 : i32 to index
        %get3A_1560 = arith.index_cast %get3A_1558 : i32 to index
        %get3A_1561 = arith.constant 16 : index
        %get3A_1562 = tpu.vector_load %arg5[%get3A_1559, %get3A_1560, %get3A_1561] {strides = array<i32>} : memref<2x16x32xi32, #tpu.memory_space<vmem>>, vector<1x1x16xi32>,
        %get3A_1563 = vector.shape_cast %get3A_1562 : vector<1x1x16xi32> to vector<16xi32>
        %add3A_1564 = arith.addi %get3A_1563, %add3A_37 : vector<16xi32>
        %swap3A_1565 = arith.constant 0 : i32
        %swap3A_1566 = arith.index_cast %swap3A_1565 : i32 to index
        %swap3A_1567 = arith.constant 432 : index
        %swap3A_1568 = tpu.vector_load %arg6[%swap3A_1566, %swap3A_1567] {strides = array<i32>} : memref<2x512xi32, #tpu.memory_space<vmem>>, vector<1x16xi32>,
        %swap3A_1569 = vector.shape_cast %swap3A_1568 : vector<1x16xi32> to vector<16xi32>
        %swap3A_1570 = vector.shape_cast %add3A_1564 : vector<16xi32> to vector<1x16xi32>
        tpu.vector_store %arg6[%swap3A_1566, %swap3A_1567], %swap3A_1570 {strides = array<i32>} : memref<2x512xi32, #tpu.memory_space<vmem>>, vector<1x16xi32>,
        %get3A_1571 = arith.constant 0 : i32
        %get3A_1572 = arith.constant 14 : i32
        %get3A_1573 = arith.index_cast %get3A_1571 : i32 to index
        %get3A_1574 = arith.index_cast %get3A_1572 : i32 to index
        %get3A_1575 = arith.constant 0 : index
        %get3A_1576 = tpu.vector_load %arg5[%get3A_1573, %get3A_1574, %get3A_1575] {strides = array<i32>} : memref<2x16x32xi32, #tpu.memory_space<vmem>>, vector<1x1x16xi32>,
        %get3A_1577 = vector.shape_cast %get3A_1576 : vector<1x1x16xi32> to vector<16xi32>
        %add3A_1578 = arith.addi %get3A_1577, %add3A_37 : vector<16xi32>
        %swap3A_1579 = arith.constant 0 : i32
        %swap3A_1580 = arith.index_cast %swap3A_1579 : i32 to index
        %swap3A_1581 = arith.constant 448 : index
        %swap3A_1582 = tpu.vector_load %arg6[%swap3A_1580, %swap3A_1581] {strides = array<i32>} : memref<2x512xi32, #tpu.memory_space<vmem>>, vector<1x16xi32>,
        %swap3A_1583 = vector.shape_cast %swap3A_1582 : vector<1x16xi32> to vector<16xi32>
        %swap3A_1584 = vector.shape_cast %add3A_1578 : vector<16xi32> to vector<1x16xi32>
        tpu.vector_store %arg6[%swap3A_1580, %swap3A_1581], %swap3A_1584 {strides = array<i32>} : memref<2x512xi32, #tpu.memory_space<vmem>>, vector<1x16xi32>,
        %get3A_1585 = arith.constant 0 : i32
        %get3A_1586 = arith.constant 14 : i32
        %get3A_1587 = arith.index_cast %get3A_1585 : i32 to index
        %get3A_1588 = arith.index_cast %get3A_1586 : i32 to index
        %get3A_1589 = arith.constant 16 : index
        %get3A_1590 = tpu.vector_load %arg5[%get3A_1587, %get3A_1588, %get3A_1589] {strides = array<i32>} : memref<2x16x32xi32, #tpu.memory_space<vmem>>, vector<1x1x16xi32>,
        %get3A_1591 = vector.shape_cast %get3A_1590 : vector<1x1x16xi32> to vector<16xi32>
        %add3A_1592 = arith.addi %get3A_1591, %add3A_37 : vector<16xi32>
        %swap3A_1593 = arith.constant 0 : i32
        %swap3A_1594 = arith.index_cast %swap3A_1593 : i32 to index
        %swap3A_1595 = arith.constant 464 : index
        %swap3A_1596 = tpu.vector_load %arg6[%swap3A_1594, %swap3A_1595] {strides = array<i32>} : memref<2x512xi32, #tpu.memory_space<vmem>>, vector<1x16xi32>,
        %swap3A_1597 = vector.shape_cast %swap3A_1596 : vector<1x16xi32> to vector<16xi32>
        %swap3A_1598 = vector.shape_cast %add3A_1592 : vector<16xi32> to vector<1x16xi32>
        tpu.vector_store %arg6[%swap3A_1594, %swap3A_1595], %swap3A_1598 {strides = array<i32>} : memref<2x512xi32, #tpu.memory_space<vmem>>, vector<1x16xi32>,
        %get3A_1599 = arith.constant 0 : i32
        %get3A_1600 = arith.constant 15 : i32
        %get3A_1601 = arith.index_cast %get3A_1599 : i32 to index
        %get3A_1602 = arith.index_cast %get3A_1600 : i32 to index
        %get3A_1603 = arith.constant 0 : index
        %get3A_1604 = tpu.vector_load %arg5[%get3A_1601, %get3A_1602, %get3A_1603] {strides = array<i32>} : memref<2x16x32xi32, #tpu.memory_space<vmem>>, vector<1x1x16xi32>,
        %get3A_1605 = vector.shape_cast %get3A_1604 : vector<1x1x16xi32> to vector<16xi32>
        %add3A_1606 = arith.addi %get3A_1605, %add3A_37 : vector<16xi32>
        %swap3A_1607 = arith.constant 0 : i32
        %swap3A_1608 = arith.index_cast %swap3A_1607 : i32 to index
        %swap3A_1609 = arith.constant 480 : index
        %swap3A_1610 = tpu.vector_load %arg6[%swap3A_1608, %swap3A_1609] {strides = array<i32>} : memref<2x512xi32, #tpu.memory_space<vmem>>, vector<1x16xi32>,
        %swap3A_1611 = vector.shape_cast %swap3A_1610 : vector<1x16xi32> to vector<16xi32>
        %swap3A_1612 = vector.shape_cast %add3A_1606 : vector<16xi32> to vector<1x16xi32>
        tpu.vector_store %arg6[%swap3A_1608, %swap3A_1609], %swap3A_1612 {strides = array<i32>} : memref<2x512xi32, #tpu.memory_space<vmem>>, vector<1x16xi32>,
        %get3A_1613 = arith.constant 0 : i32
        %get3A_1614 = arith.constant 15 : i32
        %get3A_1615 = arith.index_cast %get3A_1613 : i32 to index
        %get3A_1616 = arith.index_cast %get3A_1614 : i32 to index
        %get3A_1617 = arith.constant 16 : index
        %get3A_1618 = tpu.vector_load %arg5[%get3A_1615, %get3A_1616, %get3A_1617] {strides = array<i32>} : memref<2x16x32xi32, #tpu.memory_space<vmem>>, vector<1x1x16xi32>,
        %get3A_1619 = vector.shape_cast %get3A_1618 : vector<1x1x16xi32> to vector<16xi32>
        %add3A_1620 = arith.addi %get3A_1619, %add3A_37 : vector<16xi32>
        %swap3A_1621 = arith.constant 0 : i32
        %swap3A_1622 = arith.index_cast %swap3A_1621 : i32 to index
        %swap3A_1623 = arith.constant 496 : index
        %swap3A_1624 = tpu.vector_load %arg6[%swap3A_1622, %swap3A_1623] {strides = array<i32>} : memref<2x512xi32, #tpu.memory_space<vmem>>, vector<1x16xi32>,
        %swap3A_1625 = vector.shape_cast %swap3A_1624 : vector<1x16xi32> to vector<16xi32>
        %swap3A_1626 = vector.shape_cast %add3A_1620 : vector<16xi32> to vector<1x16xi32>
        tpu.vector_store %arg6[%swap3A_1622, %swap3A_1623], %swap3A_1626 {strides = array<i32>} : memref<2x512xi32, #tpu.memory_space<vmem>>, vector<1x16xi32>,
        %dma_start3A_1627 = arith.constant 0 : i32
        %dma_start3A_1628 = arith.constant 0 : i32
        %dma_start3A_1629 = arith.constant 0 : i32
        %dma_start3A_1630 = arith.constant 0 : i32
        %dma_start3A_1631 = tpu.memref_slice %arg7[%dma_start3A_1628, %dma_start3A_1629, %dma_start3A_1630] : memref<2x512x64xf32, #tpu.memory_space<vmem>> -> memref<1x512x64xf32, #tpu.memory_space<vmem>>
        %dma_start3A_1632 = tpu.memref_squeeze %dma_start3A_1631 : memref<1x512x64xf32, #tpu.memory_space<vmem>> -> memref<512x64xf32, #tpu.memory_space<vmem>>
        %dma_start3A_1633 = arith.constant 0 : i32
        %dma_start3A_1634 = tpu.memref_slice %arg6[%dma_start3A_1627, %dma_start3A_1633] : memref<2x512xi32, #tpu.memory_space<vmem>> -> memref<1x512xi32, #tpu.memory_space<vmem>>
        %dma_start3A_1635 = tpu.memref_squeeze %dma_start3A_1634 : memref<1x512xi32, #tpu.memory_space<vmem>> -> memref<512xi32, #tpu.memory_space<vmem>>
        %dma_start3A_1636 = arith.constant 0 : i32
        %dma_start3A_1637 = arith.constant 0 : i32
        %dma_start3A_1638 = tpu.memref_slice %arg2[%dma_start3A_1636, %dma_start3A_1637] : memref<131072x64xf32, #tpu.memory_space<hbm>> -> memref<131072x64xf32, #tpu.memory_space<hbm>>
        tpu.enqueue_indirect_dma source(%dma_start3A_1638 : memref<131072x64xf32, #tpu.memory_space<hbm>>) target(%dma_start3A_1632 : memref<512x64xf32, #tpu.memory_space<vmem>>) offsets(%dma_start3A_1635 : memref<512xi32, #tpu.memory_space<vmem>>) semaphore(%arg9 : memref<!tpu.dma_semaphore, #tpu.memory_space<semaphore_mem>>)
        %add3A_1639 = arith.constant 3 : i32
        %add3A_1640 = arith.addi %mul3A_589, %add3A_1639 : i32
        %mul3A_1641 = arith.constant 32 : i32
        %mul3A_1642 = arith.muli %add3A_1640, %mul3A_1641 : i32
        %add3A_1643 = arith.addi %select_n3A_32, %mul3A_1642 : i32
        %multiple_of3A_1644 = tpu.assume_multiple %add3A_1643, 32 : i32
        %dma_start3A_1645 = arith.constant 1 : i32
        %dma_start3A_1646 = arith.constant 0 : i32
        %dma_start3A_1647 = arith.constant 0 : i32
        %dma_start3A_1648 = tpu.memref_slice %arg5[%dma_start3A_1645, %dma_start3A_1646, %dma_start3A_1647] : memref<2x16x32xi32, #tpu.memory_space<vmem>> -> memref<1x16x32xi32, #tpu.memory_space<vmem>>
        %dma_start3A_1649 = tpu.memref_squeeze %dma_start3A_1648 : memref<1x16x32xi32, #tpu.memory_space<vmem>> -> memref<16x32xi32, #tpu.memory_space<vmem>>
        %dma_start3A_1650 = arith.constant 0 : i32
        %dma_start3A_1651 = tpu.memref_slice %arg3[%select_n3A, %dma_start3A_1650, %multiple_of3A_1644] : memref<4x16x8192xi32, #tpu.memory_space<hbm>> -> memref<1x16x32xi32, #tpu.memory_space<hbm>>
        %dma_start3A_1652 = tpu.memref_squeeze %dma_start3A_1651 : memref<1x16x32xi32, #tpu.memory_space<hbm>> -> memref<16x32xi32, #tpu.memory_space<hbm>>
        %dma_start3A_1653 = arith.constant 0 : i32
        %dma_start3A_1654 = arith.constant 0 : i32
        %dma_start3A_1655 = tpu.memref_slice %arg5[%dma_start3A_1645, %dma_start3A_1653, %dma_start3A_1654] : memref<2x16x32xi32, #tpu.memory_space<vmem>> -> memref<1x16x32xi32, #tpu.memory_space<vmem>>
        %dma_start3A_1656 = tpu.memref_squeeze %dma_start3A_1655 : memref<1x16x32xi32, #tpu.memory_space<vmem>> -> memref<16x32xi32, #tpu.memory_space<vmem>>
        %dma_start3A_1657 = arith.constant 0 : i32
        %dma_start3A_1658 = tpu.memref_slice %arg3[%select_n3A, %dma_start3A_1657, %multiple_of3A_1644] : memref<4x16x8192xi32, #tpu.memory_space<hbm>> -> memref<1x16x32xi32, #tpu.memory_space<hbm>>
        %dma_start3A_1659 = tpu.memref_squeeze %dma_start3A_1658 : memref<1x16x32xi32, #tpu.memory_space<hbm>> -> memref<16x32xi32, #tpu.memory_space<hbm>>
        tpu.enqueue_dma source(%dma_start3A_1659 : memref<16x32xi32, #tpu.memory_space<hbm>>) target(%dma_start3A_1656 : memref<16x32xi32, #tpu.memory_space<vmem>>) target_semaphore(%arg14 : memref<!tpu.dma_semaphore, #tpu.memory_space<semaphore_mem>>)
      } else {
      }
      %dma_wait3A_1117 = arith.constant 1 : i32
      %dma_wait3A_1118 = arith.constant 1 : i32
      %dma_wait3A_1119 = arith.constant 0 : i32
      %dma_wait3A_1120 = arith.constant 0 : i32
      %dma_wait3A_1121 = tpu.memref_slice %arg7[%dma_wait3A_1118, %dma_wait3A_1119, %dma_wait3A_1120] : memref<2x512x64xf32, #tpu.memory_space<vmem>> -> memref<1x512x64xf32, #tpu.memory_space<vmem>>
      %dma_wait3A_1122 = tpu.memref_squeeze %dma_wait3A_1121 : memref<1x512x64xf32, #tpu.memory_space<vmem>> -> memref<512x64xf32, #tpu.memory_space<vmem>>
      %dma_wait3A_1123 = arith.constant 0 : i32
      %dma_wait3A_1124 = tpu.memref_slice %arg6[%dma_wait3A_1117, %dma_wait3A_1123] : memref<2x512xi32, #tpu.memory_space<vmem>> -> memref<1x512xi32, #tpu.memory_space<vmem>>
      %dma_wait3A_1125 = tpu.memref_squeeze %dma_wait3A_1124 : memref<1x512xi32, #tpu.memory_space<vmem>> -> memref<512xi32, #tpu.memory_space<vmem>>
      %dma_wait3A_1126 = arith.constant 0 : i32
      %dma_wait3A_1127 = arith.constant 0 : i32
      %dma_wait3A_1128 = tpu.memref_slice %arg2[%dma_wait3A_1126, %dma_wait3A_1127] : memref<131072x64xf32, #tpu.memory_space<hbm>> -> memref<131072x64xf32, #tpu.memory_space<hbm>>
      tpu.wait_indirect_dma semaphore(%arg10 : memref<!tpu.dma_semaphore, #tpu.memory_space<semaphore_mem>>) src(%dma_wait3A_1128 : memref<131072x64xf32, #tpu.memory_space<hbm>>) dst(%dma_wait3A_1122 : memref<512x64xf32, #tpu.memory_space<vmem>>)
      %gt3A_1129 = arith.constant 0 : i32
      %gt3A_1130 = arith.cmpi sgt, %add3A_587, %gt3A_1129 : i32
      %convert_element_type3A_1131 = arith.extui %gt3A_1130 : i1 to i32
      %cond3A_1132 = arith.constant 0 : i32
      %cond3A_1133 = arith.cmpi ne, %convert_element_type3A_1131, %cond3A_1132 : i32
      scf.if %cond3A_1133 {
        %sub3A_1158 = arith.constant 1 : i32
        %sub3A_1159 = arith.subi %mul3A_589, %sub3A_1158 : i32
        %mul3A_1160 = arith.constant 32 : i32
        %mul3A_1161 = arith.muli %sub3A_1159, %mul3A_1160 : i32
        %add3A_1162 = arith.addi %mul3A_2, %mul3A_1161 : i32
        %multiple_of3A_1163 = tpu.assume_multiple %add3A_1162, 32 : i32
        %dma_wait3A_1164 = arith.constant 1 : i32
        %dma_wait3A_1165 = arith.constant 0 : i32
        %dma_wait3A_1166 = arith.constant 0 : i32
        %dma_wait3A_1167 = tpu.memref_slice %arg8[%dma_wait3A_1164, %dma_wait3A_1165, %dma_wait3A_1166] : memref<2x32x64xf32, #tpu.memory_space<vmem>> -> memref<1x32x64xf32, #tpu.memory_space<vmem>>
        %dma_wait3A_1168 = tpu.memref_squeeze %dma_wait3A_1167 : memref<1x32x64xf32, #tpu.memory_space<vmem>> -> memref<32x64xf32, #tpu.memory_space<vmem>>
        %dma_wait3A_1169 = arith.constant 0 : i32
        %dma_wait3A_1170 = tpu.memref_slice %arg4[%multiple_of3A_1163, %dma_wait3A_1169] : memref<32768x64xf32, #tpu.memory_space<hbm>> -> memref<32x64xf32, #tpu.memory_space<hbm>>
        %dma_wait3A_1171 = arith.constant 0 : i32
        %dma_wait3A_1172 = tpu.memref_slice %arg4[%multiple_of3A_1163, %dma_wait3A_1171] : memref<32768x64xf32, #tpu.memory_space<hbm>> -> memref<32x64xf32, #tpu.memory_space<hbm>>
        %dma_wait3A_1173 = arith.constant 0 : i32
        %dma_wait3A_1174 = arith.constant 0 : i32
        %dma_wait3A_1175 = tpu.memref_slice %arg8[%dma_wait3A_1164, %dma_wait3A_1173, %dma_wait3A_1174] : memref<2x32x64xf32, #tpu.memory_space<vmem>> -> memref<1x32x64xf32, #tpu.memory_space<vmem>>
        %dma_wait3A_1176 = tpu.memref_squeeze %dma_wait3A_1175 : memref<1x32x64xf32, #tpu.memory_space<vmem>> -> memref<32x64xf32, #tpu.memory_space<vmem>>
        tpu.wait_dma2 semaphore(%arg12 : memref<!tpu.dma_semaphore, #tpu.memory_space<semaphore_mem>>) src(%dma_wait3A_1176 : memref<32x64xf32, #tpu.memory_space<vmem>>) dst(%dma_wait3A_1172 : memref<32x64xf32, #tpu.memory_space<hbm>>)
      } else {
      }
      %scan3A_1134 = arith.constant 0 : i32
      %scan3A_1135 = arith.constant 16 : i32
      %scan3A_1136 = arith.addi %scan3A_1134, %scan3A_1135 : i32
      %scan3A_1137 = arith.constant 1 : i32
      scf.for %scan3A_1158 = %scan3A_1134 to %scan3A_1136 step %scan3A_1137  : i32 {
        %mul3A_1159 = arith.constant 1 : i32
        %mul3A_1160 = arith.muli %scan3A_1158, %mul3A_1159 : i32
        %add3A_1161 = arith.constant 0 : i32
        %add3A_1162 = arith.addi %add3A_1161, %mul3A_1160 : i32
        %mul3A_1163 = arith.constant 2 : i32
        %mul3A_1164 = arith.muli %add3A_1162, %mul3A_1163 : i32
        %add3A_1165 = arith.constant 0 : i32
        %add3A_1166 = arith.addi %mul3A_1164, %add3A_1165 : i32
        %get3A_1167 = arith.constant 1 : i32
        %get3A_1168 = arith.index_cast %get3A_1167 : i32 to index
        %get3A_1169 = arith.index_cast %add3A_1166 : i32 to index
        %get3A_1170 = arith.constant 0 : index
        %get3A_1171 = tpu.vector_load %arg7[%get3A_1168, %get3A_1169, %get3A_1170] {strides = array<i32>} : memref<2x512x64xf32, #tpu.memory_space<vmem>>, vector<1x1x16xf32>,
        %get3A_1172 = vector.shape_cast %get3A_1171 : vector<1x1x16xf32> to vector<16xf32>
        %add3A_1173 = arith.constant 32 : i32
        %add3A_1174 = arith.addi %add3A_1173, %add3A_1166 : i32
        %get3A_1175 = arith.constant 1 : i32
        %get3A_1176 = arith.index_cast %get3A_1175 : i32 to index
        %get3A_1177 = arith.index_cast %add3A_1174 : i32 to index
        %get3A_1178 = arith.constant 0 : index
        %get3A_1179 = tpu.vector_load %arg7[%get3A_1176, %get3A_1177, %get3A_1178] {strides = array<i32>} : memref<2x512x64xf32, #tpu.memory_space<vmem>>, vector<1x1x16xf32>,
        %get3A_1180 = vector.shape_cast %get3A_1179 : vector<1x1x16xf32> to vector<16xf32>
        %max3A = arith.maximumf %get3A_1172, %get3A_1180 : vector<16xf32>
        %add3A_1181 = arith.constant 64 : i32
        %add3A_1182 = arith.addi %add3A_1181, %add3A_1166 : i32
        %get3A_1183 = arith.constant 1 : i32
        %get3A_1184 = arith.index_cast %get3A_1183 : i32 to index
        %get3A_1185 = arith.index_cast %add3A_1182 : i32 to index
        %get3A_1186 = arith.constant 0 : index
        %get3A_1187 = tpu.vector_load %arg7[%get3A_1184, %get3A_1185, %get3A_1186] {strides = array<i32>} : memref<2x512x64xf32, #tpu.memory_space<vmem>>, vector<1x1x16xf32>,
        %get3A_1188 = vector.shape_cast %get3A_1187 : vector<1x1x16xf32> to vector<16xf32>
        %max3A_1189 = arith.maximumf %max3A, %get3A_1188 : vector<16xf32>
        %add3A_1190 = arith.constant 96 : i32
        %add3A_1191 = arith.addi %add3A_1190, %add3A_1166 : i32
        %get3A_1192 = arith.constant 1 : i32
        %get3A_1193 = arith.index_cast %get3A_1192 : i32 to index
        %get3A_1194 = arith.index_cast %add3A_1191 : i32 to index
        %get3A_1195 = arith.constant 0 : index
        %get3A_1196 = tpu.vector_load %arg7[%get3A_1193, %get3A_1194, %get3A_1195] {strides = array<i32>} : memref<2x512x64xf32, #tpu.memory_space<vmem>>, vector<1x1x16xf32>,
        %get3A_1197 = vector.shape_cast %get3A_1196 : vector<1x1x16xf32> to vector<16xf32>
        %max3A_1198 = arith.maximumf %max3A_1189, %get3A_1197 : vector<16xf32>
        %add3A_1199 = arith.constant 128 : i32
        %add3A_1200 = arith.addi %add3A_1199, %add3A_1166 : i32
        %get3A_1201 = arith.constant 1 : i32
        %get3A_1202 = arith.index_cast %get3A_1201 : i32 to index
        %get3A_1203 = arith.index_cast %add3A_1200 : i32 to index
        %get3A_1204 = arith.constant 0 : index
        %get3A_1205 = tpu.vector_load %arg7[%get3A_1202, %get3A_1203, %get3A_1204] {strides = array<i32>} : memref<2x512x64xf32, #tpu.memory_space<vmem>>, vector<1x1x16xf32>,
        %get3A_1206 = vector.shape_cast %get3A_1205 : vector<1x1x16xf32> to vector<16xf32>
        %max3A_1207 = arith.maximumf %max3A_1198, %get3A_1206 : vector<16xf32>
        %add3A_1208 = arith.constant 160 : i32
        %add3A_1209 = arith.addi %add3A_1208, %add3A_1166 : i32
        %get3A_1210 = arith.constant 1 : i32
        %get3A_1211 = arith.index_cast %get3A_1210 : i32 to index
        %get3A_1212 = arith.index_cast %add3A_1209 : i32 to index
        %get3A_1213 = arith.constant 0 : index
        %get3A_1214 = tpu.vector_load %arg7[%get3A_1211, %get3A_1212, %get3A_1213] {strides = array<i32>} : memref<2x512x64xf32, #tpu.memory_space<vmem>>, vector<1x1x16xf32>,
        %get3A_1215 = vector.shape_cast %get3A_1214 : vector<1x1x16xf32> to vector<16xf32>
        %max3A_1216 = arith.maximumf %max3A_1207, %get3A_1215 : vector<16xf32>
        %add3A_1217 = arith.constant 192 : i32
        %add3A_1218 = arith.addi %add3A_1217, %add3A_1166 : i32
        %get3A_1219 = arith.constant 1 : i32
        %get3A_1220 = arith.index_cast %get3A_1219 : i32 to index
        %get3A_1221 = arith.index_cast %add3A_1218 : i32 to index
        %get3A_1222 = arith.constant 0 : index
        %get3A_1223 = tpu.vector_load %arg7[%get3A_1220, %get3A_1221, %get3A_1222] {strides = array<i32>} : memref<2x512x64xf32, #tpu.memory_space<vmem>>, vector<1x1x16xf32>,
        %get3A_1224 = vector.shape_cast %get3A_1223 : vector<1x1x16xf32> to vector<16xf32>
        %max3A_1225 = arith.maximumf %max3A_1216, %get3A_1224 : vector<16xf32>
        %add3A_1226 = arith.constant 224 : i32
        %add3A_1227 = arith.addi %add3A_1226, %add3A_1166 : i32
        %get3A_1228 = arith.constant 1 : i32
        %get3A_1229 = arith.index_cast %get3A_1228 : i32 to index
        %get3A_1230 = arith.index_cast %add3A_1227 : i32 to index
        %get3A_1231 = arith.constant 0 : index
        %get3A_1232 = tpu.vector_load %arg7[%get3A_1229, %get3A_1230, %get3A_1231] {strides = array<i32>} : memref<2x512x64xf32, #tpu.memory_space<vmem>>, vector<1x1x16xf32>,
        %get3A_1233 = vector.shape_cast %get3A_1232 : vector<1x1x16xf32> to vector<16xf32>
        %max3A_1234 = arith.maximumf %max3A_1225, %get3A_1233 : vector<16xf32>
        %add3A_1235 = arith.constant 256 : i32
        %add3A_1236 = arith.addi %add3A_1235, %add3A_1166 : i32
        %get3A_1237 = arith.constant 1 : i32
        %get3A_1238 = arith.index_cast %get3A_1237 : i32 to index
        %get3A_1239 = arith.index_cast %add3A_1236 : i32 to index
        %get3A_1240 = arith.constant 0 : index
        %get3A_1241 = tpu.vector_load %arg7[%get3A_1238, %get3A_1239, %get3A_1240] {strides = array<i32>} : memref<2x512x64xf32, #tpu.memory_space<vmem>>, vector<1x1x16xf32>,
        %get3A_1242 = vector.shape_cast %get3A_1241 : vector<1x1x16xf32> to vector<16xf32>
        %max3A_1243 = arith.maximumf %max3A_1234, %get3A_1242 : vector<16xf32>
        %add3A_1244 = arith.constant 288 : i32
        %add3A_1245 = arith.addi %add3A_1244, %add3A_1166 : i32
        %get3A_1246 = arith.constant 1 : i32
        %get3A_1247 = arith.index_cast %get3A_1246 : i32 to index
        %get3A_1248 = arith.index_cast %add3A_1245 : i32 to index
        %get3A_1249 = arith.constant 0 : index
        %get3A_1250 = tpu.vector_load %arg7[%get3A_1247, %get3A_1248, %get3A_1249] {strides = array<i32>} : memref<2x512x64xf32, #tpu.memory_space<vmem>>, vector<1x1x16xf32>,
        %get3A_1251 = vector.shape_cast %get3A_1250 : vector<1x1x16xf32> to vector<16xf32>
        %max3A_1252 = arith.maximumf %max3A_1243, %get3A_1251 : vector<16xf32>
        %add3A_1253 = arith.constant 320 : i32
        %add3A_1254 = arith.addi %add3A_1253, %add3A_1166 : i32
        %get3A_1255 = arith.constant 1 : i32
        %get3A_1256 = arith.index_cast %get3A_1255 : i32 to index
        %get3A_1257 = arith.index_cast %add3A_1254 : i32 to index
        %get3A_1258 = arith.constant 0 : index
        %get3A_1259 = tpu.vector_load %arg7[%get3A_1256, %get3A_1257, %get3A_1258] {strides = array<i32>} : memref<2x512x64xf32, #tpu.memory_space<vmem>>, vector<1x1x16xf32>,
        %get3A_1260 = vector.shape_cast %get3A_1259 : vector<1x1x16xf32> to vector<16xf32>
        %max3A_1261 = arith.maximumf %max3A_1252, %get3A_1260 : vector<16xf32>
        %add3A_1262 = arith.constant 352 : i32
        %add3A_1263 = arith.addi %add3A_1262, %add3A_1166 : i32
        %get3A_1264 = arith.constant 1 : i32
        %get3A_1265 = arith.index_cast %get3A_1264 : i32 to index
        %get3A_1266 = arith.index_cast %add3A_1263 : i32 to index
        %get3A_1267 = arith.constant 0 : index
        %get3A_1268 = tpu.vector_load %arg7[%get3A_1265, %get3A_1266, %get3A_1267] {strides = array<i32>} : memref<2x512x64xf32, #tpu.memory_space<vmem>>, vector<1x1x16xf32>,
        %get3A_1269 = vector.shape_cast %get3A_1268 : vector<1x1x16xf32> to vector<16xf32>
        %max3A_1270 = arith.maximumf %max3A_1261, %get3A_1269 : vector<16xf32>
        %add3A_1271 = arith.constant 384 : i32
        %add3A_1272 = arith.addi %add3A_1271, %add3A_1166 : i32
        %get3A_1273 = arith.constant 1 : i32
        %get3A_1274 = arith.index_cast %get3A_1273 : i32 to index
        %get3A_1275 = arith.index_cast %add3A_1272 : i32 to index
        %get3A_1276 = arith.constant 0 : index
        %get3A_1277 = tpu.vector_load %arg7[%get3A_1274, %get3A_1275, %get3A_1276] {strides = array<i32>} : memref<2x512x64xf32, #tpu.memory_space<vmem>>, vector<1x1x16xf32>,
        %get3A_1278 = vector.shape_cast %get3A_1277 : vector<1x1x16xf32> to vector<16xf32>
        %max3A_1279 = arith.maximumf %max3A_1270, %get3A_1278 : vector<16xf32>
        %add3A_1280 = arith.constant 416 : i32
        %add3A_1281 = arith.addi %add3A_1280, %add3A_1166 : i32
        %get3A_1282 = arith.constant 1 : i32
        %get3A_1283 = arith.index_cast %get3A_1282 : i32 to index
        %get3A_1284 = arith.index_cast %add3A_1281 : i32 to index
        %get3A_1285 = arith.constant 0 : index
        %get3A_1286 = tpu.vector_load %arg7[%get3A_1283, %get3A_1284, %get3A_1285] {strides = array<i32>} : memref<2x512x64xf32, #tpu.memory_space<vmem>>, vector<1x1x16xf32>,
        %get3A_1287 = vector.shape_cast %get3A_1286 : vector<1x1x16xf32> to vector<16xf32>
        %max3A_1288 = arith.maximumf %max3A_1279, %get3A_1287 : vector<16xf32>
        %add3A_1289 = arith.constant 448 : i32
        %add3A_1290 = arith.addi %add3A_1289, %add3A_1166 : i32
        %get3A_1291 = arith.constant 1 : i32
        %get3A_1292 = arith.index_cast %get3A_1291 : i32 to index
        %get3A_1293 = arith.index_cast %add3A_1290 : i32 to index
        %get3A_1294 = arith.constant 0 : index
        %get3A_1295 = tpu.vector_load %arg7[%get3A_1292, %get3A_1293, %get3A_1294] {strides = array<i32>} : memref<2x512x64xf32, #tpu.memory_space<vmem>>, vector<1x1x16xf32>,
        %get3A_1296 = vector.shape_cast %get3A_1295 : vector<1x1x16xf32> to vector<16xf32>
        %max3A_1297 = arith.maximumf %max3A_1288, %get3A_1296 : vector<16xf32>
        %add3A_1298 = arith.constant 480 : i32
        %add3A_1299 = arith.addi %add3A_1298, %add3A_1166 : i32
        %get3A_1300 = arith.constant 1 : i32
        %get3A_1301 = arith.index_cast %get3A_1300 : i32 to index
        %get3A_1302 = arith.index_cast %add3A_1299 : i32 to index
        %get3A_1303 = arith.constant 0 : index
        %get3A_1304 = tpu.vector_load %arg7[%get3A_1301, %get3A_1302, %get3A_1303] {strides = array<i32>} : memref<2x512x64xf32, #tpu.memory_space<vmem>>, vector<1x1x16xf32>,
        %get3A_1305 = vector.shape_cast %get3A_1304 : vector<1x1x16xf32> to vector<16xf32>
        %max3A_1306 = arith.maximumf %max3A_1297, %get3A_1305 : vector<16xf32>
        %swap3A_1307 = arith.constant 1 : i32
        %swap3A_1308 = arith.index_cast %swap3A_1307 : i32 to index
        %swap3A_1309 = arith.index_cast %add3A_1166 : i32 to index
        %swap3A_1310 = arith.constant 0 : index
        %swap3A_1311 = tpu.vector_load %arg8[%swap3A_1308, %swap3A_1309, %swap3A_1310] {strides = array<i32>} : memref<2x32x64xf32, #tpu.memory_space<vmem>>, vector<1x1x16xf32>,
        %swap3A_1312 = vector.shape_cast %swap3A_1311 : vector<1x1x16xf32> to vector<16xf32>
        %swap3A_1313 = vector.shape_cast %max3A_1306 : vector<16xf32> to vector<1x1x16xf32>
        tpu.vector_store %arg8[%swap3A_1308, %swap3A_1309, %swap3A_1310], %swap3A_1313 {strides = array<i32>} : memref<2x32x64xf32, #tpu.memory_space<vmem>>, vector<1x1x16xf32>,
        %get3A_1314 = arith.constant 1 : i32
        %get3A_1315 = arith.index_cast %get3A_1314 : i32 to index
        %get3A_1316 = arith.index_cast %add3A_1166 : i32 to index
        %get3A_1317 = arith.constant 16 : index
        %get3A_1318 = tpu.vector_load %arg7[%get3A_1315, %get3A_1316, %get3A_1317] {strides = array<i32>} : memref<2x512x64xf32, #tpu.memory_space<vmem>>, vector<1x1x16xf32>,
        %get3A_1319 = vector.shape_cast %get3A_1318 : vector<1x1x16xf32> to vector<16xf32>
        %add3A_1320 = arith.constant 32 : i32
        %add3A_1321 = arith.addi %add3A_1320, %add3A_1166 : i32
        %get3A_1322 = arith.constant 1 : i32
        %get3A_1323 = arith.index_cast %get3A_1322 : i32 to index
        %get3A_1324 = arith.index_cast %add3A_1321 : i32 to index
        %get3A_1325 = arith.constant 16 : index
        %get3A_1326 = tpu.vector_load %arg7[%get3A_1323, %get3A_1324, %get3A_1325] {strides = array<i32>} : memref<2x512x64xf32, #tpu.memory_space<vmem>>, vector<1x1x16xf32>,
        %get3A_1327 = vector.shape_cast %get3A_1326 : vector<1x1x16xf32> to vector<16xf32>
        %max3A_1328 = arith.maximumf %get3A_1319, %get3A_1327 : vector<16xf32>
        %add3A_1329 = arith.constant 64 : i32
        %add3A_1330 = arith.addi %add3A_1329, %add3A_1166 : i32
        %get3A_1331 = arith.constant 1 : i32
        %get3A_1332 = arith.index_cast %get3A_1331 : i32 to index
        %get3A_1333 = arith.index_cast %add3A_1330 : i32 to index
        %get3A_1334 = arith.constant 16 : index
        %get3A_1335 = tpu.vector_load %arg7[%get3A_1332, %get3A_1333, %get3A_1334] {strides = array<i32>} : memref<2x512x64xf32, #tpu.memory_space<vmem>>, vector<1x1x16xf32>,
        %get3A_1336 = vector.shape_cast %get3A_1335 : vector<1x1x16xf32> to vector<16xf32>
        %max3A_1337 = arith.maximumf %max3A_1328, %get3A_1336 : vector<16xf32>
        %add3A_1338 = arith.constant 96 : i32
        %add3A_1339 = arith.addi %add3A_1338, %add3A_1166 : i32
        %get3A_1340 = arith.constant 1 : i32
        %get3A_1341 = arith.index_cast %get3A_1340 : i32 to index
        %get3A_1342 = arith.index_cast %add3A_1339 : i32 to index
        %get3A_1343 = arith.constant 16 : index
        %get3A_1344 = tpu.vector_load %arg7[%get3A_1341, %get3A_1342, %get3A_1343] {strides = array<i32>} : memref<2x512x64xf32, #tpu.memory_space<vmem>>, vector<1x1x16xf32>,
        %get3A_1345 = vector.shape_cast %get3A_1344 : vector<1x1x16xf32> to vector<16xf32>
        %max3A_1346 = arith.maximumf %max3A_1337, %get3A_1345 : vector<16xf32>
        %add3A_1347 = arith.constant 128 : i32
        %add3A_1348 = arith.addi %add3A_1347, %add3A_1166 : i32
        %get3A_1349 = arith.constant 1 : i32
        %get3A_1350 = arith.index_cast %get3A_1349 : i32 to index
        %get3A_1351 = arith.index_cast %add3A_1348 : i32 to index
        %get3A_1352 = arith.constant 16 : index
        %get3A_1353 = tpu.vector_load %arg7[%get3A_1350, %get3A_1351, %get3A_1352] {strides = array<i32>} : memref<2x512x64xf32, #tpu.memory_space<vmem>>, vector<1x1x16xf32>,
        %get3A_1354 = vector.shape_cast %get3A_1353 : vector<1x1x16xf32> to vector<16xf32>
        %max3A_1355 = arith.maximumf %max3A_1346, %get3A_1354 : vector<16xf32>
        %add3A_1356 = arith.constant 160 : i32
        %add3A_1357 = arith.addi %add3A_1356, %add3A_1166 : i32
        %get3A_1358 = arith.constant 1 : i32
        %get3A_1359 = arith.index_cast %get3A_1358 : i32 to index
        %get3A_1360 = arith.index_cast %add3A_1357 : i32 to index
        %get3A_1361 = arith.constant 16 : index
        %get3A_1362 = tpu.vector_load %arg7[%get3A_1359, %get3A_1360, %get3A_1361] {strides = array<i32>} : memref<2x512x64xf32, #tpu.memory_space<vmem>>, vector<1x1x16xf32>,
        %get3A_1363 = vector.shape_cast %get3A_1362 : vector<1x1x16xf32> to vector<16xf32>
        %max3A_1364 = arith.maximumf %max3A_1355, %get3A_1363 : vector<16xf32>
        %add3A_1365 = arith.constant 192 : i32
        %add3A_1366 = arith.addi %add3A_1365, %add3A_1166 : i32
        %get3A_1367 = arith.constant 1 : i32
        %get3A_1368 = arith.index_cast %get3A_1367 : i32 to index
        %get3A_1369 = arith.index_cast %add3A_1366 : i32 to index
        %get3A_1370 = arith.constant 16 : index
        %get3A_1371 = tpu.vector_load %arg7[%get3A_1368, %get3A_1369, %get3A_1370] {strides = array<i32>} : memref<2x512x64xf32, #tpu.memory_space<vmem>>, vector<1x1x16xf32>,
        %get3A_1372 = vector.shape_cast %get3A_1371 : vector<1x1x16xf32> to vector<16xf32>
        %max3A_1373 = arith.maximumf %max3A_1364, %get3A_1372 : vector<16xf32>
        %add3A_1374 = arith.constant 224 : i32
        %add3A_1375 = arith.addi %add3A_1374, %add3A_1166 : i32
        %get3A_1376 = arith.constant 1 : i32
        %get3A_1377 = arith.index_cast %get3A_1376 : i32 to index
        %get3A_1378 = arith.index_cast %add3A_1375 : i32 to index
        %get3A_1379 = arith.constant 16 : index
        %get3A_1380 = tpu.vector_load %arg7[%get3A_1377, %get3A_1378, %get3A_1379] {strides = array<i32>} : memref<2x512x64xf32, #tpu.memory_space<vmem>>, vector<1x1x16xf32>,
        %get3A_1381 = vector.shape_cast %get3A_1380 : vector<1x1x16xf32> to vector<16xf32>
        %max3A_1382 = arith.maximumf %max3A_1373, %get3A_1381 : vector<16xf32>
        %add3A_1383 = arith.constant 256 : i32
        %add3A_1384 = arith.addi %add3A_1383, %add3A_1166 : i32
        %get3A_1385 = arith.constant 1 : i32
        %get3A_1386 = arith.index_cast %get3A_1385 : i32 to index
        %get3A_1387 = arith.index_cast %add3A_1384 : i32 to index
        %get3A_1388 = arith.constant 16 : index
        %get3A_1389 = tpu.vector_load %arg7[%get3A_1386, %get3A_1387, %get3A_1388] {strides = array<i32>} : memref<2x512x64xf32, #tpu.memory_space<vmem>>, vector<1x1x16xf32>,
        %get3A_1390 = vector.shape_cast %get3A_1389 : vector<1x1x16xf32> to vector<16xf32>
        %max3A_1391 = arith.maximumf %max3A_1382, %get3A_1390 : vector<16xf32>
        %add3A_1392 = arith.constant 288 : i32
        %add3A_1393 = arith.addi %add3A_1392, %add3A_1166 : i32
        %get3A_1394 = arith.constant 1 : i32
        %get3A_1395 = arith.index_cast %get3A_1394 : i32 to index
        %get3A_1396 = arith.index_cast %add3A_1393 : i32 to index
        %get3A_1397 = arith.constant 16 : index
        %get3A_1398 = tpu.vector_load %arg7[%get3A_1395, %get3A_1396, %get3A_1397] {strides = array<i32>} : memref<2x512x64xf32, #tpu.memory_space<vmem>>, vector<1x1x16xf32>,
        %get3A_1399 = vector.shape_cast %get3A_1398 : vector<1x1x16xf32> to vector<16xf32>
        %max3A_1400 = arith.maximumf %max3A_1391, %get3A_1399 : vector<16xf32>
        %add3A_1401 = arith.constant 320 : i32
        %add3A_1402 = arith.addi %add3A_1401, %add3A_1166 : i32
        %get3A_1403 = arith.constant 1 : i32
        %get3A_1404 = arith.index_cast %get3A_1403 : i32 to index
        %get3A_1405 = arith.index_cast %add3A_1402 : i32 to index
        %get3A_1406 = arith.constant 16 : index
        %get3A_1407 = tpu.vector_load %arg7[%get3A_1404, %get3A_1405, %get3A_1406] {strides = array<i32>} : memref<2x512x64xf32, #tpu.memory_space<vmem>>, vector<1x1x16xf32>,
        %get3A_1408 = vector.shape_cast %get3A_1407 : vector<1x1x16xf32> to vector<16xf32>
        %max3A_1409 = arith.maximumf %max3A_1400, %get3A_1408 : vector<16xf32>
        %add3A_1410 = arith.constant 352 : i32
        %add3A_1411 = arith.addi %add3A_1410, %add3A_1166 : i32
        %get3A_1412 = arith.constant 1 : i32
        %get3A_1413 = arith.index_cast %get3A_1412 : i32 to index
        %get3A_1414 = arith.index_cast %add3A_1411 : i32 to index
        %get3A_1415 = arith.constant 16 : index
        %get3A_1416 = tpu.vector_load %arg7[%get3A_1413, %get3A_1414, %get3A_1415] {strides = array<i32>} : memref<2x512x64xf32, #tpu.memory_space<vmem>>, vector<1x1x16xf32>,
        %get3A_1417 = vector.shape_cast %get3A_1416 : vector<1x1x16xf32> to vector<16xf32>
        %max3A_1418 = arith.maximumf %max3A_1409, %get3A_1417 : vector<16xf32>
        %add3A_1419 = arith.constant 384 : i32
        %add3A_1420 = arith.addi %add3A_1419, %add3A_1166 : i32
        %get3A_1421 = arith.constant 1 : i32
        %get3A_1422 = arith.index_cast %get3A_1421 : i32 to index
        %get3A_1423 = arith.index_cast %add3A_1420 : i32 to index
        %get3A_1424 = arith.constant 16 : index
        %get3A_1425 = tpu.vector_load %arg7[%get3A_1422, %get3A_1423, %get3A_1424] {strides = array<i32>} : memref<2x512x64xf32, #tpu.memory_space<vmem>>, vector<1x1x16xf32>,
        %get3A_1426 = vector.shape_cast %get3A_1425 : vector<1x1x16xf32> to vector<16xf32>
        %max3A_1427 = arith.maximumf %max3A_1418, %get3A_1426 : vector<16xf32>
        %add3A_1428 = arith.constant 416 : i32
        %add3A_1429 = arith.addi %add3A_1428, %add3A_1166 : i32
        %get3A_1430 = arith.constant 1 : i32
        %get3A_1431 = arith.index_cast %get3A_1430 : i32 to index
        %get3A_1432 = arith.index_cast %add3A_1429 : i32 to index
        %get3A_1433 = arith.constant 16 : index
        %get3A_1434 = tpu.vector_load %arg7[%get3A_1431, %get3A_1432, %get3A_1433] {strides = array<i32>} : memref<2x512x64xf32, #tpu.memory_space<vmem>>, vector<1x1x16xf32>,
        %get3A_1435 = vector.shape_cast %get3A_1434 : vector<1x1x16xf32> to vector<16xf32>
        %max3A_1436 = arith.maximumf %max3A_1427, %get3A_1435 : vector<16xf32>
        %add3A_1437 = arith.constant 448 : i32
        %add3A_1438 = arith.addi %add3A_1437, %add3A_1166 : i32
        %get3A_1439 = arith.constant 1 : i32
        %get3A_1440 = arith.index_cast %get3A_1439 : i32 to index
        %get3A_1441 = arith.index_cast %add3A_1438 : i32 to index
        %get3A_1442 = arith.constant 16 : index
        %get3A_1443 = tpu.vector_load %arg7[%get3A_1440, %get3A_1441, %get3A_1442] {strides = array<i32>} : memref<2x512x64xf32, #tpu.memory_space<vmem>>, vector<1x1x16xf32>,
        %get3A_1444 = vector.shape_cast %get3A_1443 : vector<1x1x16xf32> to vector<16xf32>
        %max3A_1445 = arith.maximumf %max3A_1436, %get3A_1444 : vector<16xf32>
        %add3A_1446 = arith.constant 480 : i32
        %add3A_1447 = arith.addi %add3A_1446, %add3A_1166 : i32
        %get3A_1448 = arith.constant 1 : i32
        %get3A_1449 = arith.index_cast %get3A_1448 : i32 to index
        %get3A_1450 = arith.index_cast %add3A_1447 : i32 to index
        %get3A_1451 = arith.constant 16 : index
        %get3A_1452 = tpu.vector_load %arg7[%get3A_1449, %get3A_1450, %get3A_1451] {strides = array<i32>} : memref<2x512x64xf32, #tpu.memory_space<vmem>>, vector<1x1x16xf32>,
        %get3A_1453 = vector.shape_cast %get3A_1452 : vector<1x1x16xf32> to vector<16xf32>
        %max3A_1454 = arith.maximumf %max3A_1445, %get3A_1453 : vector<16xf32>
        %swap3A_1455 = arith.constant 1 : i32
        %swap3A_1456 = arith.index_cast %swap3A_1455 : i32 to index
        %swap3A_1457 = arith.index_cast %add3A_1166 : i32 to index
        %swap3A_1458 = arith.constant 16 : index
        %swap3A_1459 = tpu.vector_load %arg8[%swap3A_1456, %swap3A_1457, %swap3A_1458] {strides = array<i32>} : memref<2x32x64xf32, #tpu.memory_space<vmem>>, vector<1x1x16xf32>,
        %swap3A_1460 = vector.shape_cast %swap3A_1459 : vector<1x1x16xf32> to vector<16xf32>
        %swap3A_1461 = vector.shape_cast %max3A_1454 : vector<16xf32> to vector<1x1x16xf32>
        tpu.vector_store %arg8[%swap3A_1456, %swap3A_1457, %swap3A_1458], %swap3A_1461 {strides = array<i32>} : memref<2x32x64xf32, #tpu.memory_space<vmem>>, vector<1x1x16xf32>,
        %get3A_1462 = arith.constant 1 : i32
        %get3A_1463 = arith.index_cast %get3A_1462 : i32 to index
        %get3A_1464 = arith.index_cast %add3A_1166 : i32 to index
        %get3A_1465 = arith.constant 32 : index
        %get3A_1466 = tpu.vector_load %arg7[%get3A_1463, %get3A_1464, %get3A_1465] {strides = array<i32>} : memref<2x512x64xf32, #tpu.memory_space<vmem>>, vector<1x1x16xf32>,
        %get3A_1467 = vector.shape_cast %get3A_1466 : vector<1x1x16xf32> to vector<16xf32>
        %add3A_1468 = arith.constant 32 : i32
        %add3A_1469 = arith.addi %add3A_1468, %add3A_1166 : i32
        %get3A_1470 = arith.constant 1 : i32
        %get3A_1471 = arith.index_cast %get3A_1470 : i32 to index
        %get3A_1472 = arith.index_cast %add3A_1469 : i32 to index
        %get3A_1473 = arith.constant 32 : index
        %get3A_1474 = tpu.vector_load %arg7[%get3A_1471, %get3A_1472, %get3A_1473] {strides = array<i32>} : memref<2x512x64xf32, #tpu.memory_space<vmem>>, vector<1x1x16xf32>,
        %get3A_1475 = vector.shape_cast %get3A_1474 : vector<1x1x16xf32> to vector<16xf32>
        %max3A_1476 = arith.maximumf %get3A_1467, %get3A_1475 : vector<16xf32>
        %add3A_1477 = arith.constant 64 : i32
        %add3A_1478 = arith.addi %add3A_1477, %add3A_1166 : i32
        %get3A_1479 = arith.constant 1 : i32
        %get3A_1480 = arith.index_cast %get3A_1479 : i32 to index
        %get3A_1481 = arith.index_cast %add3A_1478 : i32 to index
        %get3A_1482 = arith.constant 32 : index
        %get3A_1483 = tpu.vector_load %arg7[%get3A_1480, %get3A_1481, %get3A_1482] {strides = array<i32>} : memref<2x512x64xf32, #tpu.memory_space<vmem>>, vector<1x1x16xf32>,
        %get3A_1484 = vector.shape_cast %get3A_1483 : vector<1x1x16xf32> to vector<16xf32>
        %max3A_1485 = arith.maximumf %max3A_1476, %get3A_1484 : vector<16xf32>
        %add3A_1486 = arith.constant 96 : i32
        %add3A_1487 = arith.addi %add3A_1486, %add3A_1166 : i32
        %get3A_1488 = arith.constant 1 : i32
        %get3A_1489 = arith.index_cast %get3A_1488 : i32 to index
        %get3A_1490 = arith.index_cast %add3A_1487 : i32 to index
        %get3A_1491 = arith.constant 32 : index
        %get3A_1492 = tpu.vector_load %arg7[%get3A_1489, %get3A_1490, %get3A_1491] {strides = array<i32>} : memref<2x512x64xf32, #tpu.memory_space<vmem>>, vector<1x1x16xf32>,
        %get3A_1493 = vector.shape_cast %get3A_1492 : vector<1x1x16xf32> to vector<16xf32>
        %max3A_1494 = arith.maximumf %max3A_1485, %get3A_1493 : vector<16xf32>
        %add3A_1495 = arith.constant 128 : i32
        %add3A_1496 = arith.addi %add3A_1495, %add3A_1166 : i32
        %get3A_1497 = arith.constant 1 : i32
        %get3A_1498 = arith.index_cast %get3A_1497 : i32 to index
        %get3A_1499 = arith.index_cast %add3A_1496 : i32 to index
        %get3A_1500 = arith.constant 32 : index
        %get3A_1501 = tpu.vector_load %arg7[%get3A_1498, %get3A_1499, %get3A_1500] {strides = array<i32>} : memref<2x512x64xf32, #tpu.memory_space<vmem>>, vector<1x1x16xf32>,
        %get3A_1502 = vector.shape_cast %get3A_1501 : vector<1x1x16xf32> to vector<16xf32>
        %max3A_1503 = arith.maximumf %max3A_1494, %get3A_1502 : vector<16xf32>
        %add3A_1504 = arith.constant 160 : i32
        %add3A_1505 = arith.addi %add3A_1504, %add3A_1166 : i32
        %get3A_1506 = arith.constant 1 : i32
        %get3A_1507 = arith.index_cast %get3A_1506 : i32 to index
        %get3A_1508 = arith.index_cast %add3A_1505 : i32 to index
        %get3A_1509 = arith.constant 32 : index
        %get3A_1510 = tpu.vector_load %arg7[%get3A_1507, %get3A_1508, %get3A_1509] {strides = array<i32>} : memref<2x512x64xf32, #tpu.memory_space<vmem>>, vector<1x1x16xf32>,
        %get3A_1511 = vector.shape_cast %get3A_1510 : vector<1x1x16xf32> to vector<16xf32>
        %max3A_1512 = arith.maximumf %max3A_1503, %get3A_1511 : vector<16xf32>
        %add3A_1513 = arith.constant 192 : i32
        %add3A_1514 = arith.addi %add3A_1513, %add3A_1166 : i32
        %get3A_1515 = arith.constant 1 : i32
        %get3A_1516 = arith.index_cast %get3A_1515 : i32 to index
        %get3A_1517 = arith.index_cast %add3A_1514 : i32 to index
        %get3A_1518 = arith.constant 32 : index
        %get3A_1519 = tpu.vector_load %arg7[%get3A_1516, %get3A_1517, %get3A_1518] {strides = array<i32>} : memref<2x512x64xf32, #tpu.memory_space<vmem>>, vector<1x1x16xf32>,
        %get3A_1520 = vector.shape_cast %get3A_1519 : vector<1x1x16xf32> to vector<16xf32>
        %max3A_1521 = arith.maximumf %max3A_1512, %get3A_1520 : vector<16xf32>
        %add3A_1522 = arith.constant 224 : i32
        %add3A_1523 = arith.addi %add3A_1522, %add3A_1166 : i32
        %get3A_1524 = arith.constant 1 : i32
        %get3A_1525 = arith.index_cast %get3A_1524 : i32 to index
        %get3A_1526 = arith.index_cast %add3A_1523 : i32 to index
        %get3A_1527 = arith.constant 32 : index
        %get3A_1528 = tpu.vector_load %arg7[%get3A_1525, %get3A_1526, %get3A_1527] {strides = array<i32>} : memref<2x512x64xf32, #tpu.memory_space<vmem>>, vector<1x1x16xf32>,
        %get3A_1529 = vector.shape_cast %get3A_1528 : vector<1x1x16xf32> to vector<16xf32>
        %max3A_1530 = arith.maximumf %max3A_1521, %get3A_1529 : vector<16xf32>
        %add3A_1531 = arith.constant 256 : i32
        %add3A_1532 = arith.addi %add3A_1531, %add3A_1166 : i32
        %get3A_1533 = arith.constant 1 : i32
        %get3A_1534 = arith.index_cast %get3A_1533 : i32 to index
        %get3A_1535 = arith.index_cast %add3A_1532 : i32 to index
        %get3A_1536 = arith.constant 32 : index
        %get3A_1537 = tpu.vector_load %arg7[%get3A_1534, %get3A_1535, %get3A_1536] {strides = array<i32>} : memref<2x512x64xf32, #tpu.memory_space<vmem>>, vector<1x1x16xf32>,
        %get3A_1538 = vector.shape_cast %get3A_1537 : vector<1x1x16xf32> to vector<16xf32>
        %max3A_1539 = arith.maximumf %max3A_1530, %get3A_1538 : vector<16xf32>
        %add3A_1540 = arith.constant 288 : i32
        %add3A_1541 = arith.addi %add3A_1540, %add3A_1166 : i32
        %get3A_1542 = arith.constant 1 : i32
        %get3A_1543 = arith.index_cast %get3A_1542 : i32 to index
        %get3A_1544 = arith.index_cast %add3A_1541 : i32 to index
        %get3A_1545 = arith.constant 32 : index
        %get3A_1546 = tpu.vector_load %arg7[%get3A_1543, %get3A_1544, %get3A_1545] {strides = array<i32>} : memref<2x512x64xf32, #tpu.memory_space<vmem>>, vector<1x1x16xf32>,
        %get3A_1547 = vector.shape_cast %get3A_1546 : vector<1x1x16xf32> to vector<16xf32>
        %max3A_1548 = arith.maximumf %max3A_1539, %get3A_1547 : vector<16xf32>
        %add3A_1549 = arith.constant 320 : i32
        %add3A_1550 = arith.addi %add3A_1549, %add3A_1166 : i32
        %get3A_1551 = arith.constant 1 : i32
        %get3A_1552 = arith.index_cast %get3A_1551 : i32 to index
        %get3A_1553 = arith.index_cast %add3A_1550 : i32 to index
        %get3A_1554 = arith.constant 32 : index
        %get3A_1555 = tpu.vector_load %arg7[%get3A_1552, %get3A_1553, %get3A_1554] {strides = array<i32>} : memref<2x512x64xf32, #tpu.memory_space<vmem>>, vector<1x1x16xf32>,
        %get3A_1556 = vector.shape_cast %get3A_1555 : vector<1x1x16xf32> to vector<16xf32>
        %max3A_1557 = arith.maximumf %max3A_1548, %get3A_1556 : vector<16xf32>
        %add3A_1558 = arith.constant 352 : i32
        %add3A_1559 = arith.addi %add3A_1558, %add3A_1166 : i32
        %get3A_1560 = arith.constant 1 : i32
        %get3A_1561 = arith.index_cast %get3A_1560 : i32 to index
        %get3A_1562 = arith.index_cast %add3A_1559 : i32 to index
        %get3A_1563 = arith.constant 32 : index
        %get3A_1564 = tpu.vector_load %arg7[%get3A_1561, %get3A_1562, %get3A_1563] {strides = array<i32>} : memref<2x512x64xf32, #tpu.memory_space<vmem>>, vector<1x1x16xf32>,
        %get3A_1565 = vector.shape_cast %get3A_1564 : vector<1x1x16xf32> to vector<16xf32>
        %max3A_1566 = arith.maximumf %max3A_1557, %get3A_1565 : vector<16xf32>
        %add3A_1567 = arith.constant 384 : i32
        %add3A_1568 = arith.addi %add3A_1567, %add3A_1166 : i32
        %get3A_1569 = arith.constant 1 : i32
        %get3A_1570 = arith.index_cast %get3A_1569 : i32 to index
        %get3A_1571 = arith.index_cast %add3A_1568 : i32 to index
        %get3A_1572 = arith.constant 32 : index
        %get3A_1573 = tpu.vector_load %arg7[%get3A_1570, %get3A_1571, %get3A_1572] {strides = array<i32>} : memref<2x512x64xf32, #tpu.memory_space<vmem>>, vector<1x1x16xf32>,
        %get3A_1574 = vector.shape_cast %get3A_1573 : vector<1x1x16xf32> to vector<16xf32>
        %max3A_1575 = arith.maximumf %max3A_1566, %get3A_1574 : vector<16xf32>
        %add3A_1576 = arith.constant 416 : i32
        %add3A_1577 = arith.addi %add3A_1576, %add3A_1166 : i32
        %get3A_1578 = arith.constant 1 : i32
        %get3A_1579 = arith.index_cast %get3A_1578 : i32 to index
        %get3A_1580 = arith.index_cast %add3A_1577 : i32 to index
        %get3A_1581 = arith.constant 32 : index
        %get3A_1582 = tpu.vector_load %arg7[%get3A_1579, %get3A_1580, %get3A_1581] {strides = array<i32>} : memref<2x512x64xf32, #tpu.memory_space<vmem>>, vector<1x1x16xf32>,
        %get3A_1583 = vector.shape_cast %get3A_1582 : vector<1x1x16xf32> to vector<16xf32>
        %max3A_1584 = arith.maximumf %max3A_1575, %get3A_1583 : vector<16xf32>
        %add3A_1585 = arith.constant 448 : i32
        %add3A_1586 = arith.addi %add3A_1585, %add3A_1166 : i32
        %get3A_1587 = arith.constant 1 : i32
        %get3A_1588 = arith.index_cast %get3A_1587 : i32 to index
        %get3A_1589 = arith.index_cast %add3A_1586 : i32 to index
        %get3A_1590 = arith.constant 32 : index
        %get3A_1591 = tpu.vector_load %arg7[%get3A_1588, %get3A_1589, %get3A_1590] {strides = array<i32>} : memref<2x512x64xf32, #tpu.memory_space<vmem>>, vector<1x1x16xf32>,
        %get3A_1592 = vector.shape_cast %get3A_1591 : vector<1x1x16xf32> to vector<16xf32>
        %max3A_1593 = arith.maximumf %max3A_1584, %get3A_1592 : vector<16xf32>
        %add3A_1594 = arith.constant 480 : i32
        %add3A_1595 = arith.addi %add3A_1594, %add3A_1166 : i32
        %get3A_1596 = arith.constant 1 : i32
        %get3A_1597 = arith.index_cast %get3A_1596 : i32 to index
        %get3A_1598 = arith.index_cast %add3A_1595 : i32 to index
        %get3A_1599 = arith.constant 32 : index
        %get3A_1600 = tpu.vector_load %arg7[%get3A_1597, %get3A_1598, %get3A_1599] {strides = array<i32>} : memref<2x512x64xf32, #tpu.memory_space<vmem>>, vector<1x1x16xf32>,
        %get3A_1601 = vector.shape_cast %get3A_1600 : vector<1x1x16xf32> to vector<16xf32>
        %max3A_1602 = arith.maximumf %max3A_1593, %get3A_1601 : vector<16xf32>
        %swap3A_1603 = arith.constant 1 : i32
        %swap3A_1604 = arith.index_cast %swap3A_1603 : i32 to index
        %swap3A_1605 = arith.index_cast %add3A_1166 : i32 to index
        %swap3A_1606 = arith.constant 32 : index
        %swap3A_1607 = tpu.vector_load %arg8[%swap3A_1604, %swap3A_1605, %swap3A_1606] {strides = array<i32>} : memref<2x32x64xf32, #tpu.memory_space<vmem>>, vector<1x1x16xf32>,
        %swap3A_1608 = vector.shape_cast %swap3A_1607 : vector<1x1x16xf32> to vector<16xf32>
        %swap3A_1609 = vector.shape_cast %max3A_1602 : vector<16xf32> to vector<1x1x16xf32>
        tpu.vector_store %arg8[%swap3A_1604, %swap3A_1605, %swap3A_1606], %swap3A_1609 {strides = array<i32>} : memref<2x32x64xf32, #tpu.memory_space<vmem>>, vector<1x1x16xf32>,
        %get3A_1610 = arith.constant 1 : i32
        %get3A_1611 = arith.index_cast %get3A_1610 : i32 to index
        %get3A_1612 = arith.index_cast %add3A_1166 : i32 to index
        %get3A_1613 = arith.constant 48 : index
        %get3A_1614 = tpu.vector_load %arg7[%get3A_1611, %get3A_1612, %get3A_1613] {strides = array<i32>} : memref<2x512x64xf32, #tpu.memory_space<vmem>>, vector<1x1x16xf32>,
        %get3A_1615 = vector.shape_cast %get3A_1614 : vector<1x1x16xf32> to vector<16xf32>
        %add3A_1616 = arith.constant 32 : i32
        %add3A_1617 = arith.addi %add3A_1616, %add3A_1166 : i32
        %get3A_1618 = arith.constant 1 : i32
        %get3A_1619 = arith.index_cast %get3A_1618 : i32 to index
        %get3A_1620 = arith.index_cast %add3A_1617 : i32 to index
        %get3A_1621 = arith.constant 48 : index
        %get3A_1622 = tpu.vector_load %arg7[%get3A_1619, %get3A_1620, %get3A_1621] {strides = array<i32>} : memref<2x512x64xf32, #tpu.memory_space<vmem>>, vector<1x1x16xf32>,
        %get3A_1623 = vector.shape_cast %get3A_1622 : vector<1x1x16xf32> to vector<16xf32>
        %max3A_1624 = arith.maximumf %get3A_1615, %get3A_1623 : vector<16xf32>
        %add3A_1625 = arith.constant 64 : i32
        %add3A_1626 = arith.addi %add3A_1625, %add3A_1166 : i32
        %get3A_1627 = arith.constant 1 : i32
        %get3A_1628 = arith.index_cast %get3A_1627 : i32 to index
        %get3A_1629 = arith.index_cast %add3A_1626 : i32 to index
        %get3A_1630 = arith.constant 48 : index
        %get3A_1631 = tpu.vector_load %arg7[%get3A_1628, %get3A_1629, %get3A_1630] {strides = array<i32>} : memref<2x512x64xf32, #tpu.memory_space<vmem>>, vector<1x1x16xf32>,
        %get3A_1632 = vector.shape_cast %get3A_1631 : vector<1x1x16xf32> to vector<16xf32>
        %max3A_1633 = arith.maximumf %max3A_1624, %get3A_1632 : vector<16xf32>
        %add3A_1634 = arith.constant 96 : i32
        %add3A_1635 = arith.addi %add3A_1634, %add3A_1166 : i32
        %get3A_1636 = arith.constant 1 : i32
        %get3A_1637 = arith.index_cast %get3A_1636 : i32 to index
        %get3A_1638 = arith.index_cast %add3A_1635 : i32 to index
        %get3A_1639 = arith.constant 48 : index
        %get3A_1640 = tpu.vector_load %arg7[%get3A_1637, %get3A_1638, %get3A_1639] {strides = array<i32>} : memref<2x512x64xf32, #tpu.memory_space<vmem>>, vector<1x1x16xf32>,
        %get3A_1641 = vector.shape_cast %get3A_1640 : vector<1x1x16xf32> to vector<16xf32>
        %max3A_1642 = arith.maximumf %max3A_1633, %get3A_1641 : vector<16xf32>
        %add3A_1643 = arith.constant 128 : i32
        %add3A_1644 = arith.addi %add3A_1643, %add3A_1166 : i32
        %get3A_1645 = arith.constant 1 : i32
        %get3A_1646 = arith.index_cast %get3A_1645 : i32 to index
        %get3A_1647 = arith.index_cast %add3A_1644 : i32 to index
        %get3A_1648 = arith.constant 48 : index
        %get3A_1649 = tpu.vector_load %arg7[%get3A_1646, %get3A_1647, %get3A_1648] {strides = array<i32>} : memref<2x512x64xf32, #tpu.memory_space<vmem>>, vector<1x1x16xf32>,
        %get3A_1650 = vector.shape_cast %get3A_1649 : vector<1x1x16xf32> to vector<16xf32>
        %max3A_1651 = arith.maximumf %max3A_1642, %get3A_1650 : vector<16xf32>
        %add3A_1652 = arith.constant 160 : i32
        %add3A_1653 = arith.addi %add3A_1652, %add3A_1166 : i32
        %get3A_1654 = arith.constant 1 : i32
        %get3A_1655 = arith.index_cast %get3A_1654 : i32 to index
        %get3A_1656 = arith.index_cast %add3A_1653 : i32 to index
        %get3A_1657 = arith.constant 48 : index
        %get3A_1658 = tpu.vector_load %arg7[%get3A_1655, %get3A_1656, %get3A_1657] {strides = array<i32>} : memref<2x512x64xf32, #tpu.memory_space<vmem>>, vector<1x1x16xf32>,
        %get3A_1659 = vector.shape_cast %get3A_1658 : vector<1x1x16xf32> to vector<16xf32>
        %max3A_1660 = arith.maximumf %max3A_1651, %get3A_1659 : vector<16xf32>
        %add3A_1661 = arith.constant 192 : i32
        %add3A_1662 = arith.addi %add3A_1661, %add3A_1166 : i32
        %get3A_1663 = arith.constant 1 : i32
        %get3A_1664 = arith.index_cast %get3A_1663 : i32 to index
        %get3A_1665 = arith.index_cast %add3A_1662 : i32 to index
        %get3A_1666 = arith.constant 48 : index
        %get3A_1667 = tpu.vector_load %arg7[%get3A_1664, %get3A_1665, %get3A_1666] {strides = array<i32>} : memref<2x512x64xf32, #tpu.memory_space<vmem>>, vector<1x1x16xf32>,
        %get3A_1668 = vector.shape_cast %get3A_1667 : vector<1x1x16xf32> to vector<16xf32>
        %max3A_1669 = arith.maximumf %max3A_1660, %get3A_1668 : vector<16xf32>
        %add3A_1670 = arith.constant 224 : i32
        %add3A_1671 = arith.addi %add3A_1670, %add3A_1166 : i32
        %get3A_1672 = arith.constant 1 : i32
        %get3A_1673 = arith.index_cast %get3A_1672 : i32 to index
        %get3A_1674 = arith.index_cast %add3A_1671 : i32 to index
        %get3A_1675 = arith.constant 48 : index
        %get3A_1676 = tpu.vector_load %arg7[%get3A_1673, %get3A_1674, %get3A_1675] {strides = array<i32>} : memref<2x512x64xf32, #tpu.memory_space<vmem>>, vector<1x1x16xf32>,
        %get3A_1677 = vector.shape_cast %get3A_1676 : vector<1x1x16xf32> to vector<16xf32>
        %max3A_1678 = arith.maximumf %max3A_1669, %get3A_1677 : vector<16xf32>
        %add3A_1679 = arith.constant 256 : i32
        %add3A_1680 = arith.addi %add3A_1679, %add3A_1166 : i32
        %get3A_1681 = arith.constant 1 : i32
        %get3A_1682 = arith.index_cast %get3A_1681 : i32 to index
        %get3A_1683 = arith.index_cast %add3A_1680 : i32 to index
        %get3A_1684 = arith.constant 48 : index
        %get3A_1685 = tpu.vector_load %arg7[%get3A_1682, %get3A_1683, %get3A_1684] {strides = array<i32>} : memref<2x512x64xf32, #tpu.memory_space<vmem>>, vector<1x1x16xf32>,
        %get3A_1686 = vector.shape_cast %get3A_1685 : vector<1x1x16xf32> to vector<16xf32>
        %max3A_1687 = arith.maximumf %max3A_1678, %get3A_1686 : vector<16xf32>
        %add3A_1688 = arith.constant 288 : i32
        %add3A_1689 = arith.addi %add3A_1688, %add3A_1166 : i32
        %get3A_1690 = arith.constant 1 : i32
        %get3A_1691 = arith.index_cast %get3A_1690 : i32 to index
        %get3A_1692 = arith.index_cast %add3A_1689 : i32 to index
        %get3A_1693 = arith.constant 48 : index
        %get3A_1694 = tpu.vector_load %arg7[%get3A_1691, %get3A_1692, %get3A_1693] {strides = array<i32>} : memref<2x512x64xf32, #tpu.memory_space<vmem>>, vector<1x1x16xf32>,
        %get3A_1695 = vector.shape_cast %get3A_1694 : vector<1x1x16xf32> to vector<16xf32>
        %max3A_1696 = arith.maximumf %max3A_1687, %get3A_1695 : vector<16xf32>
        %add3A_1697 = arith.constant 320 : i32
        %add3A_1698 = arith.addi %add3A_1697, %add3A_1166 : i32
        %get3A_1699 = arith.constant 1 : i32
        %get3A_1700 = arith.index_cast %get3A_1699 : i32 to index
        %get3A_1701 = arith.index_cast %add3A_1698 : i32 to index
        %get3A_1702 = arith.constant 48 : index
        %get3A_1703 = tpu.vector_load %arg7[%get3A_1700, %get3A_1701, %get3A_1702] {strides = array<i32>} : memref<2x512x64xf32, #tpu.memory_space<vmem>>, vector<1x1x16xf32>,
        %get3A_1704 = vector.shape_cast %get3A_1703 : vector<1x1x16xf32> to vector<16xf32>
        %max3A_1705 = arith.maximumf %max3A_1696, %get3A_1704 : vector<16xf32>
        %add3A_1706 = arith.constant 352 : i32
        %add3A_1707 = arith.addi %add3A_1706, %add3A_1166 : i32
        %get3A_1708 = arith.constant 1 : i32
        %get3A_1709 = arith.index_cast %get3A_1708 : i32 to index
        %get3A_1710 = arith.index_cast %add3A_1707 : i32 to index
        %get3A_1711 = arith.constant 48 : index
        %get3A_1712 = tpu.vector_load %arg7[%get3A_1709, %get3A_1710, %get3A_1711] {strides = array<i32>} : memref<2x512x64xf32, #tpu.memory_space<vmem>>, vector<1x1x16xf32>,
        %get3A_1713 = vector.shape_cast %get3A_1712 : vector<1x1x16xf32> to vector<16xf32>
        %max3A_1714 = arith.maximumf %max3A_1705, %get3A_1713 : vector<16xf32>
        %add3A_1715 = arith.constant 384 : i32
        %add3A_1716 = arith.addi %add3A_1715, %add3A_1166 : i32
        %get3A_1717 = arith.constant 1 : i32
        %get3A_1718 = arith.index_cast %get3A_1717 : i32 to index
        %get3A_1719 = arith.index_cast %add3A_1716 : i32 to index
        %get3A_1720 = arith.constant 48 : index
        %get3A_1721 = tpu.vector_load %arg7[%get3A_1718, %get3A_1719, %get3A_1720] {strides = array<i32>} : memref<2x512x64xf32, #tpu.memory_space<vmem>>, vector<1x1x16xf32>,
        %get3A_1722 = vector.shape_cast %get3A_1721 : vector<1x1x16xf32> to vector<16xf32>
        %max3A_1723 = arith.maximumf %max3A_1714, %get3A_1722 : vector<16xf32>
        %add3A_1724 = arith.constant 416 : i32
        %add3A_1725 = arith.addi %add3A_1724, %add3A_1166 : i32
        %get3A_1726 = arith.constant 1 : i32
        %get3A_1727 = arith.index_cast %get3A_1726 : i32 to index
        %get3A_1728 = arith.index_cast %add3A_1725 : i32 to index
        %get3A_1729 = arith.constant 48 : index
        %get3A_1730 = tpu.vector_load %arg7[%get3A_1727, %get3A_1728, %get3A_1729] {strides = array<i32>} : memref<2x512x64xf32, #tpu.memory_space<vmem>>, vector<1x1x16xf32>,
        %get3A_1731 = vector.shape_cast %get3A_1730 : vector<1x1x16xf32> to vector<16xf32>
        %max3A_1732 = arith.maximumf %max3A_1723, %get3A_1731 : vector<16xf32>
        %add3A_1733 = arith.constant 448 : i32
        %add3A_1734 = arith.addi %add3A_1733, %add3A_1166 : i32
        %get3A_1735 = arith.constant 1 : i32
        %get3A_1736 = arith.index_cast %get3A_1735 : i32 to index
        %get3A_1737 = arith.index_cast %add3A_1734 : i32 to index
        %get3A_1738 = arith.constant 48 : index
        %get3A_1739 = tpu.vector_load %arg7[%get3A_1736, %get3A_1737, %get3A_1738] {strides = array<i32>} : memref<2x512x64xf32, #tpu.memory_space<vmem>>, vector<1x1x16xf32>,
        %get3A_1740 = vector.shape_cast %get3A_1739 : vector<1x1x16xf32> to vector<16xf32>
        %max3A_1741 = arith.maximumf %max3A_1732, %get3A_1740 : vector<16xf32>
        %add3A_1742 = arith.constant 480 : i32
        %add3A_1743 = arith.addi %add3A_1742, %add3A_1166 : i32
        %get3A_1744 = arith.constant 1 : i32
        %get3A_1745 = arith.index_cast %get3A_1744 : i32 to index
        %get3A_1746 = arith.index_cast %add3A_1743 : i32 to index
        %get3A_1747 = arith.constant 48 : index
        %get3A_1748 = tpu.vector_load %arg7[%get3A_1745, %get3A_1746, %get3A_1747] {strides = array<i32>} : memref<2x512x64xf32, #tpu.memory_space<vmem>>, vector<1x1x16xf32>,
        %get3A_1749 = vector.shape_cast %get3A_1748 : vector<1x1x16xf32> to vector<16xf32>
        %max3A_1750 = arith.maximumf %max3A_1741, %get3A_1749 : vector<16xf32>
        %swap3A_1751 = arith.constant 1 : i32
        %swap3A_1752 = arith.index_cast %swap3A_1751 : i32 to index
        %swap3A_1753 = arith.index_cast %add3A_1166 : i32 to index
        %swap3A_1754 = arith.constant 48 : index
        %swap3A_1755 = tpu.vector_load %arg8[%swap3A_1752, %swap3A_1753, %swap3A_1754] {strides = array<i32>} : memref<2x32x64xf32, #tpu.memory_space<vmem>>, vector<1x1x16xf32>,
        %swap3A_1756 = vector.shape_cast %swap3A_1755 : vector<1x1x16xf32> to vector<16xf32>
        %swap3A_1757 = vector.shape_cast %max3A_1750 : vector<16xf32> to vector<1x1x16xf32>
        tpu.vector_store %arg8[%swap3A_1752, %swap3A_1753, %swap3A_1754], %swap3A_1757 {strides = array<i32>} : memref<2x32x64xf32, #tpu.memory_space<vmem>>, vector<1x1x16xf32>,
        %mul3A_1758 = arith.constant 2 : i32
        %mul3A_1759 = arith.muli %add3A_1162, %mul3A_1758 : i32
        %add3A_1760 = arith.constant 1 : i32
        %add3A_1761 = arith.addi %mul3A_1759, %add3A_1760 : i32
        %get3A_1762 = arith.constant 1 : i32
        %get3A_1763 = arith.index_cast %get3A_1762 : i32 to index
        %get3A_1764 = arith.index_cast %add3A_1761 : i32 to index
        %get3A_1765 = arith.constant 0 : index
        %get3A_1766 = tpu.vector_load %arg7[%get3A_1763, %get3A_1764, %get3A_1765] {strides = array<i32>} : memref<2x512x64xf32, #tpu.memory_space<vmem>>, vector<1x1x16xf32>,
        %get3A_1767 = vector.shape_cast %get3A_1766 : vector<1x1x16xf32> to vector<16xf32>
        %add3A_1768 = arith.constant 32 : i32
        %add3A_1769 = arith.addi %add3A_1768, %add3A_1761 : i32
        %get3A_1770 = arith.constant 1 : i32
        %get3A_1771 = arith.index_cast %get3A_1770 : i32 to index
        %get3A_1772 = arith.index_cast %add3A_1769 : i32 to index
        %get3A_1773 = arith.constant 0 : index
        %get3A_1774 = tpu.vector_load %arg7[%get3A_1771, %get3A_1772, %get3A_1773] {strides = array<i32>} : memref<2x512x64xf32, #tpu.memory_space<vmem>>, vector<1x1x16xf32>,
        %get3A_1775 = vector.shape_cast %get3A_1774 : vector<1x1x16xf32> to vector<16xf32>
        %max3A_1776 = arith.maximumf %get3A_1767, %get3A_1775 : vector<16xf32>
        %add3A_1777 = arith.constant 64 : i32
        %add3A_1778 = arith.addi %add3A_1777, %add3A_1761 : i32
        %get3A_1779 = arith.constant 1 : i32
        %get3A_1780 = arith.index_cast %get3A_1779 : i32 to index
        %get3A_1781 = arith.index_cast %add3A_1778 : i32 to index
        %get3A_1782 = arith.constant 0 : index
        %get3A_1783 = tpu.vector_load %arg7[%get3A_1780, %get3A_1781, %get3A_1782] {strides = array<i32>} : memref<2x512x64xf32, #tpu.memory_space<vmem>>, vector<1x1x16xf32>,
        %get3A_1784 = vector.shape_cast %get3A_1783 : vector<1x1x16xf32> to vector<16xf32>
        %max3A_1785 = arith.maximumf %max3A_1776, %get3A_1784 : vector<16xf32>
        %add3A_1786 = arith.constant 96 : i32
        %add3A_1787 = arith.addi %add3A_1786, %add3A_1761 : i32
        %get3A_1788 = arith.constant 1 : i32
        %get3A_1789 = arith.index_cast %get3A_1788 : i32 to index
        %get3A_1790 = arith.index_cast %add3A_1787 : i32 to index
        %get3A_1791 = arith.constant 0 : index
        %get3A_1792 = tpu.vector_load %arg7[%get3A_1789, %get3A_1790, %get3A_1791] {strides = array<i32>} : memref<2x512x64xf32, #tpu.memory_space<vmem>>, vector<1x1x16xf32>,
        %get3A_1793 = vector.shape_cast %get3A_1792 : vector<1x1x16xf32> to vector<16xf32>
        %max3A_1794 = arith.maximumf %max3A_1785, %get3A_1793 : vector<16xf32>
        %add3A_1795 = arith.constant 128 : i32
        %add3A_1796 = arith.addi %add3A_1795, %add3A_1761 : i32
        %get3A_1797 = arith.constant 1 : i32
        %get3A_1798 = arith.index_cast %get3A_1797 : i32 to index
        %get3A_1799 = arith.index_cast %add3A_1796 : i32 to index
        %get3A_1800 = arith.constant 0 : index
        %get3A_1801 = tpu.vector_load %arg7[%get3A_1798, %get3A_1799, %get3A_1800] {strides = array<i32>} : memref<2x512x64xf32, #tpu.memory_space<vmem>>, vector<1x1x16xf32>,
        %get3A_1802 = vector.shape_cast %get3A_1801 : vector<1x1x16xf32> to vector<16xf32>
        %max3A_1803 = arith.maximumf %max3A_1794, %get3A_1802 : vector<16xf32>
        %add3A_1804 = arith.constant 160 : i32
        %add3A_1805 = arith.addi %add3A_1804, %add3A_1761 : i32
        %get3A_1806 = arith.constant 1 : i32
        %get3A_1807 = arith.index_cast %get3A_1806 : i32 to index
        %get3A_1808 = arith.index_cast %add3A_1805 : i32 to index
        %get3A_1809 = arith.constant 0 : index
        %get3A_1810 = tpu.vector_load %arg7[%get3A_1807, %get3A_1808, %get3A_1809] {strides = array<i32>} : memref<2x512x64xf32, #tpu.memory_space<vmem>>, vector<1x1x16xf32>,
        %get3A_1811 = vector.shape_cast %get3A_1810 : vector<1x1x16xf32> to vector<16xf32>
        %max3A_1812 = arith.maximumf %max3A_1803, %get3A_1811 : vector<16xf32>
        %add3A_1813 = arith.constant 192 : i32
        %add3A_1814 = arith.addi %add3A_1813, %add3A_1761 : i32
        %get3A_1815 = arith.constant 1 : i32
        %get3A_1816 = arith.index_cast %get3A_1815 : i32 to index
        %get3A_1817 = arith.index_cast %add3A_1814 : i32 to index
        %get3A_1818 = arith.constant 0 : index
        %get3A_1819 = tpu.vector_load %arg7[%get3A_1816, %get3A_1817, %get3A_1818] {strides = array<i32>} : memref<2x512x64xf32, #tpu.memory_space<vmem>>, vector<1x1x16xf32>,
        %get3A_1820 = vector.shape_cast %get3A_1819 : vector<1x1x16xf32> to vector<16xf32>
        %max3A_1821 = arith.maximumf %max3A_1812, %get3A_1820 : vector<16xf32>
        %add3A_1822 = arith.constant 224 : i32
        %add3A_1823 = arith.addi %add3A_1822, %add3A_1761 : i32
        %get3A_1824 = arith.constant 1 : i32
        %get3A_1825 = arith.index_cast %get3A_1824 : i32 to index
        %get3A_1826 = arith.index_cast %add3A_1823 : i32 to index
        %get3A_1827 = arith.constant 0 : index
        %get3A_1828 = tpu.vector_load %arg7[%get3A_1825, %get3A_1826, %get3A_1827] {strides = array<i32>} : memref<2x512x64xf32, #tpu.memory_space<vmem>>, vector<1x1x16xf32>,
        %get3A_1829 = vector.shape_cast %get3A_1828 : vector<1x1x16xf32> to vector<16xf32>
        %max3A_1830 = arith.maximumf %max3A_1821, %get3A_1829 : vector<16xf32>
        %add3A_1831 = arith.constant 256 : i32
        %add3A_1832 = arith.addi %add3A_1831, %add3A_1761 : i32
        %get3A_1833 = arith.constant 1 : i32
        %get3A_1834 = arith.index_cast %get3A_1833 : i32 to index
        %get3A_1835 = arith.index_cast %add3A_1832 : i32 to index
        %get3A_1836 = arith.constant 0 : index
        %get3A_1837 = tpu.vector_load %arg7[%get3A_1834, %get3A_1835, %get3A_1836] {strides = array<i32>} : memref<2x512x64xf32, #tpu.memory_space<vmem>>, vector<1x1x16xf32>,
        %get3A_1838 = vector.shape_cast %get3A_1837 : vector<1x1x16xf32> to vector<16xf32>
        %max3A_1839 = arith.maximumf %max3A_1830, %get3A_1838 : vector<16xf32>
        %add3A_1840 = arith.constant 288 : i32
        %add3A_1841 = arith.addi %add3A_1840, %add3A_1761 : i32
        %get3A_1842 = arith.constant 1 : i32
        %get3A_1843 = arith.index_cast %get3A_1842 : i32 to index
        %get3A_1844 = arith.index_cast %add3A_1841 : i32 to index
        %get3A_1845 = arith.constant 0 : index
        %get3A_1846 = tpu.vector_load %arg7[%get3A_1843, %get3A_1844, %get3A_1845] {strides = array<i32>} : memref<2x512x64xf32, #tpu.memory_space<vmem>>, vector<1x1x16xf32>,
        %get3A_1847 = vector.shape_cast %get3A_1846 : vector<1x1x16xf32> to vector<16xf32>
        %max3A_1848 = arith.maximumf %max3A_1839, %get3A_1847 : vector<16xf32>
        %add3A_1849 = arith.constant 320 : i32
        %add3A_1850 = arith.addi %add3A_1849, %add3A_1761 : i32
        %get3A_1851 = arith.constant 1 : i32
        %get3A_1852 = arith.index_cast %get3A_1851 : i32 to index
        %get3A_1853 = arith.index_cast %add3A_1850 : i32 to index
        %get3A_1854 = arith.constant 0 : index
        %get3A_1855 = tpu.vector_load %arg7[%get3A_1852, %get3A_1853, %get3A_1854] {strides = array<i32>} : memref<2x512x64xf32, #tpu.memory_space<vmem>>, vector<1x1x16xf32>,
        %get3A_1856 = vector.shape_cast %get3A_1855 : vector<1x1x16xf32> to vector<16xf32>
        %max3A_1857 = arith.maximumf %max3A_1848, %get3A_1856 : vector<16xf32>
        %add3A_1858 = arith.constant 352 : i32
        %add3A_1859 = arith.addi %add3A_1858, %add3A_1761 : i32
        %get3A_1860 = arith.constant 1 : i32
        %get3A_1861 = arith.index_cast %get3A_1860 : i32 to index
        %get3A_1862 = arith.index_cast %add3A_1859 : i32 to index
        %get3A_1863 = arith.constant 0 : index
        %get3A_1864 = tpu.vector_load %arg7[%get3A_1861, %get3A_1862, %get3A_1863] {strides = array<i32>} : memref<2x512x64xf32, #tpu.memory_space<vmem>>, vector<1x1x16xf32>,
        %get3A_1865 = vector.shape_cast %get3A_1864 : vector<1x1x16xf32> to vector<16xf32>
        %max3A_1866 = arith.maximumf %max3A_1857, %get3A_1865 : vector<16xf32>
        %add3A_1867 = arith.constant 384 : i32
        %add3A_1868 = arith.addi %add3A_1867, %add3A_1761 : i32
        %get3A_1869 = arith.constant 1 : i32
        %get3A_1870 = arith.index_cast %get3A_1869 : i32 to index
        %get3A_1871 = arith.index_cast %add3A_1868 : i32 to index
        %get3A_1872 = arith.constant 0 : index
        %get3A_1873 = tpu.vector_load %arg7[%get3A_1870, %get3A_1871, %get3A_1872] {strides = array<i32>} : memref<2x512x64xf32, #tpu.memory_space<vmem>>, vector<1x1x16xf32>,
        %get3A_1874 = vector.shape_cast %get3A_1873 : vector<1x1x16xf32> to vector<16xf32>
        %max3A_1875 = arith.maximumf %max3A_1866, %get3A_1874 : vector<16xf32>
        %add3A_1876 = arith.constant 416 : i32
        %add3A_1877 = arith.addi %add3A_1876, %add3A_1761 : i32
        %get3A_1878 = arith.constant 1 : i32
        %get3A_1879 = arith.index_cast %get3A_1878 : i32 to index
        %get3A_1880 = arith.index_cast %add3A_1877 : i32 to index
        %get3A_1881 = arith.constant 0 : index
        %get3A_1882 = tpu.vector_load %arg7[%get3A_1879, %get3A_1880, %get3A_1881] {strides = array<i32>} : memref<2x512x64xf32, #tpu.memory_space<vmem>>, vector<1x1x16xf32>,
        %get3A_1883 = vector.shape_cast %get3A_1882 : vector<1x1x16xf32> to vector<16xf32>
        %max3A_1884 = arith.maximumf %max3A_1875, %get3A_1883 : vector<16xf32>
        %add3A_1885 = arith.constant 448 : i32
        %add3A_1886 = arith.addi %add3A_1885, %add3A_1761 : i32
        %get3A_1887 = arith.constant 1 : i32
        %get3A_1888 = arith.index_cast %get3A_1887 : i32 to index
        %get3A_1889 = arith.index_cast %add3A_1886 : i32 to index
        %get3A_1890 = arith.constant 0 : index
        %get3A_1891 = tpu.vector_load %arg7[%get3A_1888, %get3A_1889, %get3A_1890] {strides = array<i32>} : memref<2x512x64xf32, #tpu.memory_space<vmem>>, vector<1x1x16xf32>,
        %get3A_1892 = vector.shape_cast %get3A_1891 : vector<1x1x16xf32> to vector<16xf32>
        %max3A_1893 = arith.maximumf %max3A_1884, %get3A_1892 : vector<16xf32>
        %add3A_1894 = arith.constant 480 : i32
        %add3A_1895 = arith.addi %add3A_1894, %add3A_1761 : i32
        %get3A_1896 = arith.constant 1 : i32
        %get3A_1897 = arith.index_cast %get3A_1896 : i32 to index
        %get3A_1898 = arith.index_cast %add3A_1895 : i32 to index
        %get3A_1899 = arith.constant 0 : index
        %get3A_1900 = tpu.vector_load %arg7[%get3A_1897, %get3A_1898, %get3A_1899] {strides = array<i32>} : memref<2x512x64xf32, #tpu.memory_space<vmem>>, vector<1x1x16xf32>,
        %get3A_1901 = vector.shape_cast %get3A_1900 : vector<1x1x16xf32> to vector<16xf32>
        %max3A_1902 = arith.maximumf %max3A_1893, %get3A_1901 : vector<16xf32>
        %swap3A_1903 = arith.constant 1 : i32
        %swap3A_1904 = arith.index_cast %swap3A_1903 : i32 to index
        %swap3A_1905 = arith.index_cast %add3A_1761 : i32 to index
        %swap3A_1906 = arith.constant 0 : index
        %swap3A_1907 = tpu.vector_load %arg8[%swap3A_1904, %swap3A_1905, %swap3A_1906] {strides = array<i32>} : memref<2x32x64xf32, #tpu.memory_space<vmem>>, vector<1x1x16xf32>,
        %swap3A_1908 = vector.shape_cast %swap3A_1907 : vector<1x1x16xf32> to vector<16xf32>
        %swap3A_1909 = vector.shape_cast %max3A_1902 : vector<16xf32> to vector<1x1x16xf32>
        tpu.vector_store %arg8[%swap3A_1904, %swap3A_1905, %swap3A_1906], %swap3A_1909 {strides = array<i32>} : memref<2x32x64xf32, #tpu.memory_space<vmem>>, vector<1x1x16xf32>,
        %get3A_1910 = arith.constant 1 : i32
        %get3A_1911 = arith.index_cast %get3A_1910 : i32 to index
        %get3A_1912 = arith.index_cast %add3A_1761 : i32 to index
        %get3A_1913 = arith.constant 16 : index
        %get3A_1914 = tpu.vector_load %arg7[%get3A_1911, %get3A_1912, %get3A_1913] {strides = array<i32>} : memref<2x512x64xf32, #tpu.memory_space<vmem>>, vector<1x1x16xf32>,
        %get3A_1915 = vector.shape_cast %get3A_1914 : vector<1x1x16xf32> to vector<16xf32>
        %add3A_1916 = arith.constant 32 : i32
        %add3A_1917 = arith.addi %add3A_1916, %add3A_1761 : i32
        %get3A_1918 = arith.constant 1 : i32
        %get3A_1919 = arith.index_cast %get3A_1918 : i32 to index
        %get3A_1920 = arith.index_cast %add3A_1917 : i32 to index
        %get3A_1921 = arith.constant 16 : index
        %get3A_1922 = tpu.vector_load %arg7[%get3A_1919, %get3A_1920, %get3A_1921] {strides = array<i32>} : memref<2x512x64xf32, #tpu.memory_space<vmem>>, vector<1x1x16xf32>,
        %get3A_1923 = vector.shape_cast %get3A_1922 : vector<1x1x16xf32> to vector<16xf32>
        %max3A_1924 = arith.maximumf %get3A_1915, %get3A_1923 : vector<16xf32>
        %add3A_1925 = arith.constant 64 : i32
        %add3A_1926 = arith.addi %add3A_1925, %add3A_1761 : i32
        %get3A_1927 = arith.constant 1 : i32
        %get3A_1928 = arith.index_cast %get3A_1927 : i32 to index
        %get3A_1929 = arith.index_cast %add3A_1926 : i32 to index
        %get3A_1930 = arith.constant 16 : index
        %get3A_1931 = tpu.vector_load %arg7[%get3A_1928, %get3A_1929, %get3A_1930] {strides = array<i32>} : memref<2x512x64xf32, #tpu.memory_space<vmem>>, vector<1x1x16xf32>,
        %get3A_1932 = vector.shape_cast %get3A_1931 : vector<1x1x16xf32> to vector<16xf32>
        %max3A_1933 = arith.maximumf %max3A_1924, %get3A_1932 : vector<16xf32>
        %add3A_1934 = arith.constant 96 : i32
        %add3A_1935 = arith.addi %add3A_1934, %add3A_1761 : i32
        %get3A_1936 = arith.constant 1 : i32
        %get3A_1937 = arith.index_cast %get3A_1936 : i32 to index
        %get3A_1938 = arith.index_cast %add3A_1935 : i32 to index
        %get3A_1939 = arith.constant 16 : index
        %get3A_1940 = tpu.vector_load %arg7[%get3A_1937, %get3A_1938, %get3A_1939] {strides = array<i32>} : memref<2x512x64xf32, #tpu.memory_space<vmem>>, vector<1x1x16xf32>,
        %get3A_1941 = vector.shape_cast %get3A_1940 : vector<1x1x16xf32> to vector<16xf32>
        %max3A_1942 = arith.maximumf %max3A_1933, %get3A_1941 : vector<16xf32>
        %add3A_1943 = arith.constant 128 : i32
        %add3A_1944 = arith.addi %add3A_1943, %add3A_1761 : i32
        %get3A_1945 = arith.constant 1 : i32
        %get3A_1946 = arith.index_cast %get3A_1945 : i32 to index
        %get3A_1947 = arith.index_cast %add3A_1944 : i32 to index
        %get3A_1948 = arith.constant 16 : index
        %get3A_1949 = tpu.vector_load %arg7[%get3A_1946, %get3A_1947, %get3A_1948] {strides = array<i32>} : memref<2x512x64xf32, #tpu.memory_space<vmem>>, vector<1x1x16xf32>,
        %get3A_1950 = vector.shape_cast %get3A_1949 : vector<1x1x16xf32> to vector<16xf32>
        %max3A_1951 = arith.maximumf %max3A_1942, %get3A_1950 : vector<16xf32>
        %add3A_1952 = arith.constant 160 : i32
        %add3A_1953 = arith.addi %add3A_1952, %add3A_1761 : i32
        %get3A_1954 = arith.constant 1 : i32
        %get3A_1955 = arith.index_cast %get3A_1954 : i32 to index
        %get3A_1956 = arith.index_cast %add3A_1953 : i32 to index
        %get3A_1957 = arith.constant 16 : index
        %get3A_1958 = tpu.vector_load %arg7[%get3A_1955, %get3A_1956, %get3A_1957] {strides = array<i32>} : memref<2x512x64xf32, #tpu.memory_space<vmem>>, vector<1x1x16xf32>,
        %get3A_1959 = vector.shape_cast %get3A_1958 : vector<1x1x16xf32> to vector<16xf32>
        %max3A_1960 = arith.maximumf %max3A_1951, %get3A_1959 : vector<16xf32>
        %add3A_1961 = arith.constant 192 : i32
        %add3A_1962 = arith.addi %add3A_1961, %add3A_1761 : i32
        %get3A_1963 = arith.constant 1 : i32
        %get3A_1964 = arith.index_cast %get3A_1963 : i32 to index
        %get3A_1965 = arith.index_cast %add3A_1962 : i32 to index
        %get3A_1966 = arith.constant 16 : index
        %get3A_1967 = tpu.vector_load %arg7[%get3A_1964, %get3A_1965, %get3A_1966] {strides = array<i32>} : memref<2x512x64xf32, #tpu.memory_space<vmem>>, vector<1x1x16xf32>,
        %get3A_1968 = vector.shape_cast %get3A_1967 : vector<1x1x16xf32> to vector<16xf32>
        %max3A_1969 = arith.maximumf %max3A_1960, %get3A_1968 : vector<16xf32>
        %add3A_1970 = arith.constant 224 : i32
        %add3A_1971 = arith.addi %add3A_1970, %add3A_1761 : i32
        %get3A_1972 = arith.constant 1 : i32
        %get3A_1973 = arith.index_cast %get3A_1972 : i32 to index
        %get3A_1974 = arith.index_cast %add3A_1971 : i32 to index
        %get3A_1975 = arith.constant 16 : index
        %get3A_1976 = tpu.vector_load %arg7[%get3A_1973, %get3A_1974, %get3A_1975] {strides = array<i32>} : memref<2x512x64xf32, #tpu.memory_space<vmem>>, vector<1x1x16xf32>,
        %get3A_1977 = vector.shape_cast %get3A_1976 : vector<1x1x16xf32> to vector<16xf32>
        %max3A_1978 = arith.maximumf %max3A_1969, %get3A_1977 : vector<16xf32>
        %add3A_1979 = arith.constant 256 : i32
        %add3A_1980 = arith.addi %add3A_1979, %add3A_1761 : i32
        %get3A_1981 = arith.constant 1 : i32
        %get3A_1982 = arith.index_cast %get3A_1981 : i32 to index
        %get3A_1983 = arith.index_cast %add3A_1980 : i32 to index
        %get3A_1984 = arith.constant 16 : index
        %get3A_1985 = tpu.vector_load %arg7[%get3A_1982, %get3A_1983, %get3A_1984] {strides = array<i32>} : memref<2x512x64xf32, #tpu.memory_space<vmem>>, vector<1x1x16xf32>,
        %get3A_1986 = vector.shape_cast %get3A_1985 : vector<1x1x16xf32> to vector<16xf32>
        %max3A_1987 = arith.maximumf %max3A_1978, %get3A_1986 : vector<16xf32>
        %add3A_1988 = arith.constant 288 : i32
        %add3A_1989 = arith.addi %add3A_1988, %add3A_1761 : i32
        %get3A_1990 = arith.constant 1 : i32
        %get3A_1991 = arith.index_cast %get3A_1990 : i32 to index
        %get3A_1992 = arith.index_cast %add3A_1989 : i32 to index
        %get3A_1993 = arith.constant 16 : index
        %get3A_1994 = tpu.vector_load %arg7[%get3A_1991, %get3A_1992, %get3A_1993] {strides = array<i32>} : memref<2x512x64xf32, #tpu.memory_space<vmem>>, vector<1x1x16xf32>,
        %get3A_1995 = vector.shape_cast %get3A_1994 : vector<1x1x16xf32> to vector<16xf32>
        %max3A_1996 = arith.maximumf %max3A_1987, %get3A_1995 : vector<16xf32>
        %add3A_1997 = arith.constant 320 : i32
        %add3A_1998 = arith.addi %add3A_1997, %add3A_1761 : i32
        %get3A_1999 = arith.constant 1 : i32
        %get3A_2000 = arith.index_cast %get3A_1999 : i32 to index
        %get3A_2001 = arith.index_cast %add3A_1998 : i32 to index
        %get3A_2002 = arith.constant 16 : index
        %get3A_2003 = tpu.vector_load %arg7[%get3A_2000, %get3A_2001, %get3A_2002] {strides = array<i32>} : memref<2x512x64xf32, #tpu.memory_space<vmem>>, vector<1x1x16xf32>,
        %get3A_2004 = vector.shape_cast %get3A_2003 : vector<1x1x16xf32> to vector<16xf32>
        %max3A_2005 = arith.maximumf %max3A_1996, %get3A_2004 : vector<16xf32>
        %add3A_2006 = arith.constant 352 : i32
        %add3A_2007 = arith.addi %add3A_2006, %add3A_1761 : i32
        %get3A_2008 = arith.constant 1 : i32
        %get3A_2009 = arith.index_cast %get3A_2008 : i32 to index
        %get3A_2010 = arith.index_cast %add3A_2007 : i32 to index
        %get3A_2011 = arith.constant 16 : index
        %get3A_2012 = tpu.vector_load %arg7[%get3A_2009, %get3A_2010, %get3A_2011] {strides = array<i32>} : memref<2x512x64xf32, #tpu.memory_space<vmem>>, vector<1x1x16xf32>,
        %get3A_2013 = vector.shape_cast %get3A_2012 : vector<1x1x16xf32> to vector<16xf32>
        %max3A_2014 = arith.maximumf %max3A_2005, %get3A_2013 : vector<16xf32>
        %add3A_2015 = arith.constant 384 : i32
        %add3A_2016 = arith.addi %add3A_2015, %add3A_1761 : i32
        %get3A_2017 = arith.constant 1 : i32
        %get3A_2018 = arith.index_cast %get3A_2017 : i32 to index
        %get3A_2019 = arith.index_cast %add3A_2016 : i32 to index
        %get3A_2020 = arith.constant 16 : index
        %get3A_2021 = tpu.vector_load %arg7[%get3A_2018, %get3A_2019, %get3A_2020] {strides = array<i32>} : memref<2x512x64xf32, #tpu.memory_space<vmem>>, vector<1x1x16xf32>,
        %get3A_2022 = vector.shape_cast %get3A_2021 : vector<1x1x16xf32> to vector<16xf32>
        %max3A_2023 = arith.maximumf %max3A_2014, %get3A_2022 : vector<16xf32>
        %add3A_2024 = arith.constant 416 : i32
        %add3A_2025 = arith.addi %add3A_2024, %add3A_1761 : i32
        %get3A_2026 = arith.constant 1 : i32
        %get3A_2027 = arith.index_cast %get3A_2026 : i32 to index
        %get3A_2028 = arith.index_cast %add3A_2025 : i32 to index
        %get3A_2029 = arith.constant 16 : index
        %get3A_2030 = tpu.vector_load %arg7[%get3A_2027, %get3A_2028, %get3A_2029] {strides = array<i32>} : memref<2x512x64xf32, #tpu.memory_space<vmem>>, vector<1x1x16xf32>,
        %get3A_2031 = vector.shape_cast %get3A_2030 : vector<1x1x16xf32> to vector<16xf32>
        %max3A_2032 = arith.maximumf %max3A_2023, %get3A_2031 : vector<16xf32>
        %add3A_2033 = arith.constant 448 : i32
        %add3A_2034 = arith.addi %add3A_2033, %add3A_1761 : i32
        %get3A_2035 = arith.constant 1 : i32
        %get3A_2036 = arith.index_cast %get3A_2035 : i32 to index
        %get3A_2037 = arith.index_cast %add3A_2034 : i32 to index
        %get3A_2038 = arith.constant 16 : index
        %get3A_2039 = tpu.vector_load %arg7[%get3A_2036, %get3A_2037, %get3A_2038] {strides = array<i32>} : memref<2x512x64xf32, #tpu.memory_space<vmem>>, vector<1x1x16xf32>,
        %get3A_2040 = vector.shape_cast %get3A_2039 : vector<1x1x16xf32> to vector<16xf32>
        %max3A_2041 = arith.maximumf %max3A_2032, %get3A_2040 : vector<16xf32>
        %add3A_2042 = arith.constant 480 : i32
        %add3A_2043 = arith.addi %add3A_2042, %add3A_1761 : i32
        %get3A_2044 = arith.constant 1 : i32
        %get3A_2045 = arith.index_cast %get3A_2044 : i32 to index
        %get3A_2046 = arith.index_cast %add3A_2043 : i32 to index
        %get3A_2047 = arith.constant 16 : index
        %get3A_2048 = tpu.vector_load %arg7[%get3A_2045, %get3A_2046, %get3A_2047] {strides = array<i32>} : memref<2x512x64xf32, #tpu.memory_space<vmem>>, vector<1x1x16xf32>,
        %get3A_2049 = vector.shape_cast %get3A_2048 : vector<1x1x16xf32> to vector<16xf32>
        %max3A_2050 = arith.maximumf %max3A_2041, %get3A_2049 : vector<16xf32>
        %swap3A_2051 = arith.constant 1 : i32
        %swap3A_2052 = arith.index_cast %swap3A_2051 : i32 to index
        %swap3A_2053 = arith.index_cast %add3A_1761 : i32 to index
        %swap3A_2054 = arith.constant 16 : index
        %swap3A_2055 = tpu.vector_load %arg8[%swap3A_2052, %swap3A_2053, %swap3A_2054] {strides = array<i32>} : memref<2x32x64xf32, #tpu.memory_space<vmem>>, vector<1x1x16xf32>,
        %swap3A_2056 = vector.shape_cast %swap3A_2055 : vector<1x1x16xf32> to vector<16xf32>
        %swap3A_2057 = vector.shape_cast %max3A_2050 : vector<16xf32> to vector<1x1x16xf32>
        tpu.vector_store %arg8[%swap3A_2052, %swap3A_2053, %swap3A_2054], %swap3A_2057 {strides = array<i32>} : memref<2x32x64xf32, #tpu.memory_space<vmem>>, vector<1x1x16xf32>,
        %get3A_2058 = arith.constant 1 : i32
        %get3A_2059 = arith.index_cast %get3A_2058 : i32 to index
        %get3A_2060 = arith.index_cast %add3A_1761 : i32 to index
        %get3A_2061 = arith.constant 32 : index
        %get3A_2062 = tpu.vector_load %arg7[%get3A_2059, %get3A_2060, %get3A_2061] {strides = array<i32>} : memref<2x512x64xf32, #tpu.memory_space<vmem>>, vector<1x1x16xf32>,
        %get3A_2063 = vector.shape_cast %get3A_2062 : vector<1x1x16xf32> to vector<16xf32>
        %add3A_2064 = arith.constant 32 : i32
        %add3A_2065 = arith.addi %add3A_2064, %add3A_1761 : i32
        %get3A_2066 = arith.constant 1 : i32
        %get3A_2067 = arith.index_cast %get3A_2066 : i32 to index
        %get3A_2068 = arith.index_cast %add3A_2065 : i32 to index
        %get3A_2069 = arith.constant 32 : index
        %get3A_2070 = tpu.vector_load %arg7[%get3A_2067, %get3A_2068, %get3A_2069] {strides = array<i32>} : memref<2x512x64xf32, #tpu.memory_space<vmem>>, vector<1x1x16xf32>,
        %get3A_2071 = vector.shape_cast %get3A_2070 : vector<1x1x16xf32> to vector<16xf32>
        %max3A_2072 = arith.maximumf %get3A_2063, %get3A_2071 : vector<16xf32>
        %add3A_2073 = arith.constant 64 : i32
        %add3A_2074 = arith.addi %add3A_2073, %add3A_1761 : i32
        %get3A_2075 = arith.constant 1 : i32
        %get3A_2076 = arith.index_cast %get3A_2075 : i32 to index
        %get3A_2077 = arith.index_cast %add3A_2074 : i32 to index
        %get3A_2078 = arith.constant 32 : index
        %get3A_2079 = tpu.vector_load %arg7[%get3A_2076, %get3A_2077, %get3A_2078] {strides = array<i32>} : memref<2x512x64xf32, #tpu.memory_space<vmem>>, vector<1x1x16xf32>,
        %get3A_2080 = vector.shape_cast %get3A_2079 : vector<1x1x16xf32> to vector<16xf32>
        %max3A_2081 = arith.maximumf %max3A_2072, %get3A_2080 : vector<16xf32>
        %add3A_2082 = arith.constant 96 : i32
        %add3A_2083 = arith.addi %add3A_2082, %add3A_1761 : i32
        %get3A_2084 = arith.constant 1 : i32
        %get3A_2085 = arith.index_cast %get3A_2084 : i32 to index
        %get3A_2086 = arith.index_cast %add3A_2083 : i32 to index
        %get3A_2087 = arith.constant 32 : index
        %get3A_2088 = tpu.vector_load %arg7[%get3A_2085, %get3A_2086, %get3A_2087] {strides = array<i32>} : memref<2x512x64xf32, #tpu.memory_space<vmem>>, vector<1x1x16xf32>,
        %get3A_2089 = vector.shape_cast %get3A_2088 : vector<1x1x16xf32> to vector<16xf32>
        %max3A_2090 = arith.maximumf %max3A_2081, %get3A_2089 : vector<16xf32>
        %add3A_2091 = arith.constant 128 : i32
        %add3A_2092 = arith.addi %add3A_2091, %add3A_1761 : i32
        %get3A_2093 = arith.constant 1 : i32
        %get3A_2094 = arith.index_cast %get3A_2093 : i32 to index
        %get3A_2095 = arith.index_cast %add3A_2092 : i32 to index
        %get3A_2096 = arith.constant 32 : index
        %get3A_2097 = tpu.vector_load %arg7[%get3A_2094, %get3A_2095, %get3A_2096] {strides = array<i32>} : memref<2x512x64xf32, #tpu.memory_space<vmem>>, vector<1x1x16xf32>,
        %get3A_2098 = vector.shape_cast %get3A_2097 : vector<1x1x16xf32> to vector<16xf32>
        %max3A_2099 = arith.maximumf %max3A_2090, %get3A_2098 : vector<16xf32>
        %add3A_2100 = arith.constant 160 : i32
        %add3A_2101 = arith.addi %add3A_2100, %add3A_1761 : i32
        %get3A_2102 = arith.constant 1 : i32
        %get3A_2103 = arith.index_cast %get3A_2102 : i32 to index
        %get3A_2104 = arith.index_cast %add3A_2101 : i32 to index
        %get3A_2105 = arith.constant 32 : index
        %get3A_2106 = tpu.vector_load %arg7[%get3A_2103, %get3A_2104, %get3A_2105] {strides = array<i32>} : memref<2x512x64xf32, #tpu.memory_space<vmem>>, vector<1x1x16xf32>,
        %get3A_2107 = vector.shape_cast %get3A_2106 : vector<1x1x16xf32> to vector<16xf32>
        %max3A_2108 = arith.maximumf %max3A_2099, %get3A_2107 : vector<16xf32>
        %add3A_2109 = arith.constant 192 : i32
        %add3A_2110 = arith.addi %add3A_2109, %add3A_1761 : i32
        %get3A_2111 = arith.constant 1 : i32
        %get3A_2112 = arith.index_cast %get3A_2111 : i32 to index
        %get3A_2113 = arith.index_cast %add3A_2110 : i32 to index
        %get3A_2114 = arith.constant 32 : index
        %get3A_2115 = tpu.vector_load %arg7[%get3A_2112, %get3A_2113, %get3A_2114] {strides = array<i32>} : memref<2x512x64xf32, #tpu.memory_space<vmem>>, vector<1x1x16xf32>,
        %get3A_2116 = vector.shape_cast %get3A_2115 : vector<1x1x16xf32> to vector<16xf32>
        %max3A_2117 = arith.maximumf %max3A_2108, %get3A_2116 : vector<16xf32>
        %add3A_2118 = arith.constant 224 : i32
        %add3A_2119 = arith.addi %add3A_2118, %add3A_1761 : i32
        %get3A_2120 = arith.constant 1 : i32
        %get3A_2121 = arith.index_cast %get3A_2120 : i32 to index
        %get3A_2122 = arith.index_cast %add3A_2119 : i32 to index
        %get3A_2123 = arith.constant 32 : index
        %get3A_2124 = tpu.vector_load %arg7[%get3A_2121, %get3A_2122, %get3A_2123] {strides = array<i32>} : memref<2x512x64xf32, #tpu.memory_space<vmem>>, vector<1x1x16xf32>,
        %get3A_2125 = vector.shape_cast %get3A_2124 : vector<1x1x16xf32> to vector<16xf32>
        %max3A_2126 = arith.maximumf %max3A_2117, %get3A_2125 : vector<16xf32>
        %add3A_2127 = arith.constant 256 : i32
        %add3A_2128 = arith.addi %add3A_2127, %add3A_1761 : i32
        %get3A_2129 = arith.constant 1 : i32
        %get3A_2130 = arith.index_cast %get3A_2129 : i32 to index
        %get3A_2131 = arith.index_cast %add3A_2128 : i32 to index
        %get3A_2132 = arith.constant 32 : index
        %get3A_2133 = tpu.vector_load %arg7[%get3A_2130, %get3A_2131, %get3A_2132] {strides = array<i32>} : memref<2x512x64xf32, #tpu.memory_space<vmem>>, vector<1x1x16xf32>,
        %get3A_2134 = vector.shape_cast %get3A_2133 : vector<1x1x16xf32> to vector<16xf32>
        %max3A_2135 = arith.maximumf %max3A_2126, %get3A_2134 : vector<16xf32>
        %add3A_2136 = arith.constant 288 : i32
        %add3A_2137 = arith.addi %add3A_2136, %add3A_1761 : i32
        %get3A_2138 = arith.constant 1 : i32
        %get3A_2139 = arith.index_cast %get3A_2138 : i32 to index
        %get3A_2140 = arith.index_cast %add3A_2137 : i32 to index
        %get3A_2141 = arith.constant 32 : index
        %get3A_2142 = tpu.vector_load %arg7[%get3A_2139, %get3A_2140, %get3A_2141] {strides = array<i32>} : memref<2x512x64xf32, #tpu.memory_space<vmem>>, vector<1x1x16xf32>,
        %get3A_2143 = vector.shape_cast %get3A_2142 : vector<1x1x16xf32> to vector<16xf32>
        %max3A_2144 = arith.maximumf %max3A_2135, %get3A_2143 : vector<16xf32>
        %add3A_2145 = arith.constant 320 : i32
        %add3A_2146 = arith.addi %add3A_2145, %add3A_1761 : i32
        %get3A_2147 = arith.constant 1 : i32
        %get3A_2148 = arith.index_cast %get3A_2147 : i32 to index
        %get3A_2149 = arith.index_cast %add3A_2146 : i32 to index
        %get3A_2150 = arith.constant 32 : index
        %get3A_2151 = tpu.vector_load %arg7[%get3A_2148, %get3A_2149, %get3A_2150] {strides = array<i32>} : memref<2x512x64xf32, #tpu.memory_space<vmem>>, vector<1x1x16xf32>,
        %get3A_2152 = vector.shape_cast %get3A_2151 : vector<1x1x16xf32> to vector<16xf32>
        %max3A_2153 = arith.maximumf %max3A_2144, %get3A_2152 : vector<16xf32>
        %add3A_2154 = arith.constant 352 : i32
        %add3A_2155 = arith.addi %add3A_2154, %add3A_1761 : i32
        %get3A_2156 = arith.constant 1 : i32
        %get3A_2157 = arith.index_cast %get3A_2156 : i32 to index
        %get3A_2158 = arith.index_cast %add3A_2155 : i32 to index
        %get3A_2159 = arith.constant 32 : index
        %get3A_2160 = tpu.vector_load %arg7[%get3A_2157, %get3A_2158, %get3A_2159] {strides = array<i32>} : memref<2x512x64xf32, #tpu.memory_space<vmem>>, vector<1x1x16xf32>,
        %get3A_2161 = vector.shape_cast %get3A_2160 : vector<1x1x16xf32> to vector<16xf32>
        %max3A_2162 = arith.maximumf %max3A_2153, %get3A_2161 : vector<16xf32>
        %add3A_2163 = arith.constant 384 : i32
        %add3A_2164 = arith.addi %add3A_2163, %add3A_1761 : i32
        %get3A_2165 = arith.constant 1 : i32
        %get3A_2166 = arith.index_cast %get3A_2165 : i32 to index
        %get3A_2167 = arith.index_cast %add3A_2164 : i32 to index
        %get3A_2168 = arith.constant 32 : index
        %get3A_2169 = tpu.vector_load %arg7[%get3A_2166, %get3A_2167, %get3A_2168] {strides = array<i32>} : memref<2x512x64xf32, #tpu.memory_space<vmem>>, vector<1x1x16xf32>,
        %get3A_2170 = vector.shape_cast %get3A_2169 : vector<1x1x16xf32> to vector<16xf32>
        %max3A_2171 = arith.maximumf %max3A_2162, %get3A_2170 : vector<16xf32>
        %add3A_2172 = arith.constant 416 : i32
        %add3A_2173 = arith.addi %add3A_2172, %add3A_1761 : i32
        %get3A_2174 = arith.constant 1 : i32
        %get3A_2175 = arith.index_cast %get3A_2174 : i32 to index
        %get3A_2176 = arith.index_cast %add3A_2173 : i32 to index
        %get3A_2177 = arith.constant 32 : index
        %get3A_2178 = tpu.vector_load %arg7[%get3A_2175, %get3A_2176, %get3A_2177] {strides = array<i32>} : memref<2x512x64xf32, #tpu.memory_space<vmem>>, vector<1x1x16xf32>,
        %get3A_2179 = vector.shape_cast %get3A_2178 : vector<1x1x16xf32> to vector<16xf32>
        %max3A_2180 = arith.maximumf %max3A_2171, %get3A_2179 : vector<16xf32>
        %add3A_2181 = arith.constant 448 : i32
        %add3A_2182 = arith.addi %add3A_2181, %add3A_1761 : i32
        %get3A_2183 = arith.constant 1 : i32
        %get3A_2184 = arith.index_cast %get3A_2183 : i32 to index
        %get3A_2185 = arith.index_cast %add3A_2182 : i32 to index
        %get3A_2186 = arith.constant 32 : index
        %get3A_2187 = tpu.vector_load %arg7[%get3A_2184, %get3A_2185, %get3A_2186] {strides = array<i32>} : memref<2x512x64xf32, #tpu.memory_space<vmem>>, vector<1x1x16xf32>,
        %get3A_2188 = vector.shape_cast %get3A_2187 : vector<1x1x16xf32> to vector<16xf32>
        %max3A_2189 = arith.maximumf %max3A_2180, %get3A_2188 : vector<16xf32>
        %add3A_2190 = arith.constant 480 : i32
        %add3A_2191 = arith.addi %add3A_2190, %add3A_1761 : i32
        %get3A_2192 = arith.constant 1 : i32
        %get3A_2193 = arith.index_cast %get3A_2192 : i32 to index
        %get3A_2194 = arith.index_cast %add3A_2191 : i32 to index
        %get3A_2195 = arith.constant 32 : index
        %get3A_2196 = tpu.vector_load %arg7[%get3A_2193, %get3A_2194, %get3A_2195] {strides = array<i32>} : memref<2x512x64xf32, #tpu.memory_space<vmem>>, vector<1x1x16xf32>,
        %get3A_2197 = vector.shape_cast %get3A_2196 : vector<1x1x16xf32> to vector<16xf32>
        %max3A_2198 = arith.maximumf %max3A_2189, %get3A_2197 : vector<16xf32>
        %swap3A_2199 = arith.constant 1 : i32
        %swap3A_2200 = arith.index_cast %swap3A_2199 : i32 to index
        %swap3A_2201 = arith.index_cast %add3A_1761 : i32 to index
        %swap3A_2202 = arith.constant 32 : index
        %swap3A_2203 = tpu.vector_load %arg8[%swap3A_2200, %swap3A_2201, %swap3A_2202] {strides = array<i32>} : memref<2x32x64xf32, #tpu.memory_space<vmem>>, vector<1x1x16xf32>,
        %swap3A_2204 = vector.shape_cast %swap3A_2203 : vector<1x1x16xf32> to vector<16xf32>
        %swap3A_2205 = vector.shape_cast %max3A_2198 : vector<16xf32> to vector<1x1x16xf32>
        tpu.vector_store %arg8[%swap3A_2200, %swap3A_2201, %swap3A_2202], %swap3A_2205 {strides = array<i32>} : memref<2x32x64xf32, #tpu.memory_space<vmem>>, vector<1x1x16xf32>,
        %get3A_2206 = arith.constant 1 : i32
        %get3A_2207 = arith.index_cast %get3A_2206 : i32 to index
        %get3A_2208 = arith.index_cast %add3A_1761 : i32 to index
        %get3A_2209 = arith.constant 48 : index
        %get3A_2210 = tpu.vector_load %arg7[%get3A_2207, %get3A_2208, %get3A_2209] {strides = array<i32>} : memref<2x512x64xf32, #tpu.memory_space<vmem>>, vector<1x1x16xf32>,
        %get3A_2211 = vector.shape_cast %get3A_2210 : vector<1x1x16xf32> to vector<16xf32>
        %add3A_2212 = arith.constant 32 : i32
        %add3A_2213 = arith.addi %add3A_2212, %add3A_1761 : i32
        %get3A_2214 = arith.constant 1 : i32
        %get3A_2215 = arith.index_cast %get3A_2214 : i32 to index
        %get3A_2216 = arith.index_cast %add3A_2213 : i32 to index
        %get3A_2217 = arith.constant 48 : index
        %get3A_2218 = tpu.vector_load %arg7[%get3A_2215, %get3A_2216, %get3A_2217] {strides = array<i32>} : memref<2x512x64xf32, #tpu.memory_space<vmem>>, vector<1x1x16xf32>,
        %get3A_2219 = vector.shape_cast %get3A_2218 : vector<1x1x16xf32> to vector<16xf32>
        %max3A_2220 = arith.maximumf %get3A_2211, %get3A_2219 : vector<16xf32>
        %add3A_2221 = arith.constant 64 : i32
        %add3A_2222 = arith.addi %add3A_2221, %add3A_1761 : i32
        %get3A_2223 = arith.constant 1 : i32
        %get3A_2224 = arith.index_cast %get3A_2223 : i32 to index
        %get3A_2225 = arith.index_cast %add3A_2222 : i32 to index
        %get3A_2226 = arith.constant 48 : index
        %get3A_2227 = tpu.vector_load %arg7[%get3A_2224, %get3A_2225, %get3A_2226] {strides = array<i32>} : memref<2x512x64xf32, #tpu.memory_space<vmem>>, vector<1x1x16xf32>,
        %get3A_2228 = vector.shape_cast %get3A_2227 : vector<1x1x16xf32> to vector<16xf32>
        %max3A_2229 = arith.maximumf %max3A_2220, %get3A_2228 : vector<16xf32>
        %add3A_2230 = arith.constant 96 : i32
        %add3A_2231 = arith.addi %add3A_2230, %add3A_1761 : i32
        %get3A_2232 = arith.constant 1 : i32
        %get3A_2233 = arith.index_cast %get3A_2232 : i32 to index
        %get3A_2234 = arith.index_cast %add3A_2231 : i32 to index
        %get3A_2235 = arith.constant 48 : index
        %get3A_2236 = tpu.vector_load %arg7[%get3A_2233, %get3A_2234, %get3A_2235] {strides = array<i32>} : memref<2x512x64xf32, #tpu.memory_space<vmem>>, vector<1x1x16xf32>,
        %get3A_2237 = vector.shape_cast %get3A_2236 : vector<1x1x16xf32> to vector<16xf32>
        %max3A_2238 = arith.maximumf %max3A_2229, %get3A_2237 : vector<16xf32>
        %add3A_2239 = arith.constant 128 : i32
        %add3A_2240 = arith.addi %add3A_2239, %add3A_1761 : i32
        %get3A_2241 = arith.constant 1 : i32
        %get3A_2242 = arith.index_cast %get3A_2241 : i32 to index
        %get3A_2243 = arith.index_cast %add3A_2240 : i32 to index
        %get3A_2244 = arith.constant 48 : index
        %get3A_2245 = tpu.vector_load %arg7[%get3A_2242, %get3A_2243, %get3A_2244] {strides = array<i32>} : memref<2x512x64xf32, #tpu.memory_space<vmem>>, vector<1x1x16xf32>,
        %get3A_2246 = vector.shape_cast %get3A_2245 : vector<1x1x16xf32> to vector<16xf32>
        %max3A_2247 = arith.maximumf %max3A_2238, %get3A_2246 : vector<16xf32>
        %add3A_2248 = arith.constant 160 : i32
        %add3A_2249 = arith.addi %add3A_2248, %add3A_1761 : i32
        %get3A_2250 = arith.constant 1 : i32
        %get3A_2251 = arith.index_cast %get3A_2250 : i32 to index
        %get3A_2252 = arith.index_cast %add3A_2249 : i32 to index
        %get3A_2253 = arith.constant 48 : index
        %get3A_2254 = tpu.vector_load %arg7[%get3A_2251, %get3A_2252, %get3A_2253] {strides = array<i32>} : memref<2x512x64xf32, #tpu.memory_space<vmem>>, vector<1x1x16xf32>,
        %get3A_2255 = vector.shape_cast %get3A_2254 : vector<1x1x16xf32> to vector<16xf32>
        %max3A_2256 = arith.maximumf %max3A_2247, %get3A_2255 : vector<16xf32>
        %add3A_2257 = arith.constant 192 : i32
        %add3A_2258 = arith.addi %add3A_2257, %add3A_1761 : i32
        %get3A_2259 = arith.constant 1 : i32
        %get3A_2260 = arith.index_cast %get3A_2259 : i32 to index
        %get3A_2261 = arith.index_cast %add3A_2258 : i32 to index
        %get3A_2262 = arith.constant 48 : index
        %get3A_2263 = tpu.vector_load %arg7[%get3A_2260, %get3A_2261, %get3A_2262] {strides = array<i32>} : memref<2x512x64xf32, #tpu.memory_space<vmem>>, vector<1x1x16xf32>,
        %get3A_2264 = vector.shape_cast %get3A_2263 : vector<1x1x16xf32> to vector<16xf32>
        %max3A_2265 = arith.maximumf %max3A_2256, %get3A_2264 : vector<16xf32>
        %add3A_2266 = arith.constant 224 : i32
        %add3A_2267 = arith.addi %add3A_2266, %add3A_1761 : i32
        %get3A_2268 = arith.constant 1 : i32
        %get3A_2269 = arith.index_cast %get3A_2268 : i32 to index
        %get3A_2270 = arith.index_cast %add3A_2267 : i32 to index
        %get3A_2271 = arith.constant 48 : index
        %get3A_2272 = tpu.vector_load %arg7[%get3A_2269, %get3A_2270, %get3A_2271] {strides = array<i32>} : memref<2x512x64xf32, #tpu.memory_space<vmem>>, vector<1x1x16xf32>,
        %get3A_2273 = vector.shape_cast %get3A_2272 : vector<1x1x16xf32> to vector<16xf32>
        %max3A_2274 = arith.maximumf %max3A_2265, %get3A_2273 : vector<16xf32>
        %add3A_2275 = arith.constant 256 : i32
        %add3A_2276 = arith.addi %add3A_2275, %add3A_1761 : i32
        %get3A_2277 = arith.constant 1 : i32
        %get3A_2278 = arith.index_cast %get3A_2277 : i32 to index
        %get3A_2279 = arith.index_cast %add3A_2276 : i32 to index
        %get3A_2280 = arith.constant 48 : index
        %get3A_2281 = tpu.vector_load %arg7[%get3A_2278, %get3A_2279, %get3A_2280] {strides = array<i32>} : memref<2x512x64xf32, #tpu.memory_space<vmem>>, vector<1x1x16xf32>,
        %get3A_2282 = vector.shape_cast %get3A_2281 : vector<1x1x16xf32> to vector<16xf32>
        %max3A_2283 = arith.maximumf %max3A_2274, %get3A_2282 : vector<16xf32>
        %add3A_2284 = arith.constant 288 : i32
        %add3A_2285 = arith.addi %add3A_2284, %add3A_1761 : i32
        %get3A_2286 = arith.constant 1 : i32
        %get3A_2287 = arith.index_cast %get3A_2286 : i32 to index
        %get3A_2288 = arith.index_cast %add3A_2285 : i32 to index
        %get3A_2289 = arith.constant 48 : index
        %get3A_2290 = tpu.vector_load %arg7[%get3A_2287, %get3A_2288, %get3A_2289] {strides = array<i32>} : memref<2x512x64xf32, #tpu.memory_space<vmem>>, vector<1x1x16xf32>,
        %get3A_2291 = vector.shape_cast %get3A_2290 : vector<1x1x16xf32> to vector<16xf32>
        %max3A_2292 = arith.maximumf %max3A_2283, %get3A_2291 : vector<16xf32>
        %add3A_2293 = arith.constant 320 : i32
        %add3A_2294 = arith.addi %add3A_2293, %add3A_1761 : i32
        %get3A_2295 = arith.constant 1 : i32
        %get3A_2296 = arith.index_cast %get3A_2295 : i32 to index
        %get3A_2297 = arith.index_cast %add3A_2294 : i32 to index
        %get3A_2298 = arith.constant 48 : index
        %get3A_2299 = tpu.vector_load %arg7[%get3A_2296, %get3A_2297, %get3A_2298] {strides = array<i32>} : memref<2x512x64xf32, #tpu.memory_space<vmem>>, vector<1x1x16xf32>,
        %get3A_2300 = vector.shape_cast %get3A_2299 : vector<1x1x16xf32> to vector<16xf32>
        %max3A_2301 = arith.maximumf %max3A_2292, %get3A_2300 : vector<16xf32>
        %add3A_2302 = arith.constant 352 : i32
        %add3A_2303 = arith.addi %add3A_2302, %add3A_1761 : i32
        %get3A_2304 = arith.constant 1 : i32
        %get3A_2305 = arith.index_cast %get3A_2304 : i32 to index
        %get3A_2306 = arith.index_cast %add3A_2303 : i32 to index
        %get3A_2307 = arith.constant 48 : index
        %get3A_2308 = tpu.vector_load %arg7[%get3A_2305, %get3A_2306, %get3A_2307] {strides = array<i32>} : memref<2x512x64xf32, #tpu.memory_space<vmem>>, vector<1x1x16xf32>,
        %get3A_2309 = vector.shape_cast %get3A_2308 : vector<1x1x16xf32> to vector<16xf32>
        %max3A_2310 = arith.maximumf %max3A_2301, %get3A_2309 : vector<16xf32>
        %add3A_2311 = arith.constant 384 : i32
        %add3A_2312 = arith.addi %add3A_2311, %add3A_1761 : i32
        %get3A_2313 = arith.constant 1 : i32
        %get3A_2314 = arith.index_cast %get3A_2313 : i32 to index
        %get3A_2315 = arith.index_cast %add3A_2312 : i32 to index
        %get3A_2316 = arith.constant 48 : index
        %get3A_2317 = tpu.vector_load %arg7[%get3A_2314, %get3A_2315, %get3A_2316] {strides = array<i32>} : memref<2x512x64xf32, #tpu.memory_space<vmem>>, vector<1x1x16xf32>,
        %get3A_2318 = vector.shape_cast %get3A_2317 : vector<1x1x16xf32> to vector<16xf32>
        %max3A_2319 = arith.maximumf %max3A_2310, %get3A_2318 : vector<16xf32>
        %add3A_2320 = arith.constant 416 : i32
        %add3A_2321 = arith.addi %add3A_2320, %add3A_1761 : i32
        %get3A_2322 = arith.constant 1 : i32
        %get3A_2323 = arith.index_cast %get3A_2322 : i32 to index
        %get3A_2324 = arith.index_cast %add3A_2321 : i32 to index
        %get3A_2325 = arith.constant 48 : index
        %get3A_2326 = tpu.vector_load %arg7[%get3A_2323, %get3A_2324, %get3A_2325] {strides = array<i32>} : memref<2x512x64xf32, #tpu.memory_space<vmem>>, vector<1x1x16xf32>,
        %get3A_2327 = vector.shape_cast %get3A_2326 : vector<1x1x16xf32> to vector<16xf32>
        %max3A_2328 = arith.maximumf %max3A_2319, %get3A_2327 : vector<16xf32>
        %add3A_2329 = arith.constant 448 : i32
        %add3A_2330 = arith.addi %add3A_2329, %add3A_1761 : i32
        %get3A_2331 = arith.constant 1 : i32
        %get3A_2332 = arith.index_cast %get3A_2331 : i32 to index
        %get3A_2333 = arith.index_cast %add3A_2330 : i32 to index
        %get3A_2334 = arith.constant 48 : index
        %get3A_2335 = tpu.vector_load %arg7[%get3A_2332, %get3A_2333, %get3A_2334] {strides = array<i32>} : memref<2x512x64xf32, #tpu.memory_space<vmem>>, vector<1x1x16xf32>,
        %get3A_2336 = vector.shape_cast %get3A_2335 : vector<1x1x16xf32> to vector<16xf32>
        %max3A_2337 = arith.maximumf %max3A_2328, %get3A_2336 : vector<16xf32>
        %add3A_2338 = arith.constant 480 : i32
        %add3A_2339 = arith.addi %add3A_2338, %add3A_1761 : i32
        %get3A_2340 = arith.constant 1 : i32
        %get3A_2341 = arith.index_cast %get3A_2340 : i32 to index
        %get3A_2342 = arith.index_cast %add3A_2339 : i32 to index
        %get3A_2343 = arith.constant 48 : index
        %get3A_2344 = tpu.vector_load %arg7[%get3A_2341, %get3A_2342, %get3A_2343] {strides = array<i32>} : memref<2x512x64xf32, #tpu.memory_space<vmem>>, vector<1x1x16xf32>,
        %get3A_2345 = vector.shape_cast %get3A_2344 : vector<1x1x16xf32> to vector<16xf32>
        %max3A_2346 = arith.maximumf %max3A_2337, %get3A_2345 : vector<16xf32>
        %swap3A_2347 = arith.constant 1 : i32
        %swap3A_2348 = arith.index_cast %swap3A_2347 : i32 to index
        %swap3A_2349 = arith.index_cast %add3A_1761 : i32 to index
        %swap3A_2350 = arith.constant 48 : index
        %swap3A_2351 = tpu.vector_load %arg8[%swap3A_2348, %swap3A_2349, %swap3A_2350] {strides = array<i32>} : memref<2x32x64xf32, #tpu.memory_space<vmem>>, vector<1x1x16xf32>,
        %swap3A_2352 = vector.shape_cast %swap3A_2351 : vector<1x1x16xf32> to vector<16xf32>
        %swap3A_2353 = vector.shape_cast %max3A_2346 : vector<16xf32> to vector<1x1x16xf32>
        tpu.vector_store %arg8[%swap3A_2348, %swap3A_2349, %swap3A_2350], %swap3A_2353 {strides = array<i32>} : memref<2x32x64xf32, #tpu.memory_space<vmem>>, vector<1x1x16xf32>,
      }
      %scan3A_1138 = arith.constant 16 : i32
      %add3A_1139 = arith.constant 1 : i32
      %add3A_1140 = arith.addi %mul3A_589, %add3A_1139 : i32
      %mul3A_1141 = arith.constant 32 : i32
      %mul3A_1142 = arith.muli %add3A_1140, %mul3A_1141 : i32
      %add3A_1143 = arith.addi %mul3A_2, %mul3A_1142 : i32
      %multiple_of3A_1144 = tpu.assume_multiple %add3A_1143, 32 : i32
      %dma_start3A_1145 = arith.constant 1 : i32
      %dma_start3A_1146 = arith.constant 0 : i32
      %dma_start3A_1147 = arith.constant 0 : i32
      %dma_start3A_1148 = tpu.memref_slice %arg8[%dma_start3A_1145, %dma_start3A_1146, %dma_start3A_1147] : memref<2x32x64xf32, #tpu.memory_space<vmem>> -> memref<1x32x64xf32, #tpu.memory_space<vmem>>
      %dma_start3A_1149 = tpu.memref_squeeze %dma_start3A_1148 : memref<1x32x64xf32, #tpu.memory_space<vmem>> -> memref<32x64xf32, #tpu.memory_space<vmem>>
      %dma_start3A_1150 = arith.constant 0 : i32
      %dma_start3A_1151 = tpu.memref_slice %arg4[%multiple_of3A_1144, %dma_start3A_1150] : memref<32768x64xf32, #tpu.memory_space<hbm>> -> memref<32x64xf32, #tpu.memory_space<hbm>>
      %dma_start3A_1152 = arith.constant 0 : i32
      %dma_start3A_1153 = tpu.memref_slice %arg4[%multiple_of3A_1144, %dma_start3A_1152] : memref<32768x64xf32, #tpu.memory_space<hbm>> -> memref<32x64xf32, #tpu.memory_space<hbm>>
      %dma_start3A_1154 = arith.constant 0 : i32
      %dma_start3A_1155 = arith.constant 0 : i32
      %dma_start3A_1156 = tpu.memref_slice %arg8[%dma_start3A_1145, %dma_start3A_1154, %dma_start3A_1155] : memref<2x32x64xf32, #tpu.memory_space<vmem>> -> memref<1x32x64xf32, #tpu.memory_space<vmem>>
      %dma_start3A_1157 = tpu.memref_squeeze %dma_start3A_1156 : memref<1x32x64xf32, #tpu.memory_space<vmem>> -> memref<32x64xf32, #tpu.memory_space<vmem>>
      tpu.enqueue_dma source(%dma_start3A_1157 : memref<32x64xf32, #tpu.memory_space<vmem>>) target(%dma_start3A_1153 : memref<32x64xf32, #tpu.memory_space<hbm>>) target_semaphore(%arg12 : memref<!tpu.dma_semaphore, #tpu.memory_space<semaphore_mem>>)
    }
    %scan3A_550 = arith.constant 16 : i32
    %add3A_551 = arith.constant 960 : i32
    %add3A_552 = arith.addi %mul3A_2, %add3A_551 : i32
    %multiple_of3A_553 = tpu.assume_multiple %add3A_552, 32 : i32
    %dma_wait3A_554 = arith.constant 0 : i32
    %dma_wait3A_555 = arith.constant 0 : i32
    %dma_wait3A_556 = arith.constant 0 : i32
    %dma_wait3A_557 = tpu.memref_slice %arg8[%dma_wait3A_554, %dma_wait3A_555, %dma_wait3A_556] : memref<2x32x64xf32, #tpu.memory_space<vmem>> -> memref<1x32x64xf32, #tpu.memory_space<vmem>>
    %dma_wait3A_558 = tpu.memref_squeeze %dma_wait3A_557 : memref<1x32x64xf32, #tpu.memory_space<vmem>> -> memref<32x64xf32, #tpu.memory_space<vmem>>
    %dma_wait3A_559 = arith.constant 0 : i32
    %dma_wait3A_560 = tpu.memref_slice %arg4[%multiple_of3A_553, %dma_wait3A_559] : memref<32768x64xf32, #tpu.memory_space<hbm>> -> memref<32x64xf32, #tpu.memory_space<hbm>>
    %dma_wait3A_561 = arith.constant 0 : i32
    %dma_wait3A_562 = tpu.memref_slice %arg4[%multiple_of3A_553, %dma_wait3A_561] : memref<32768x64xf32, #tpu.memory_space<hbm>> -> memref<32x64xf32, #tpu.memory_space<hbm>>
    %dma_wait3A_563 = arith.constant 0 : i32
    %dma_wait3A_564 = arith.constant 0 : i32
    %dma_wait3A_565 = tpu.memref_slice %arg8[%dma_wait3A_554, %dma_wait3A_563, %dma_wait3A_564] : memref<2x32x64xf32, #tpu.memory_space<vmem>> -> memref<1x32x64xf32, #tpu.memory_space<vmem>>
    %dma_wait3A_566 = tpu.memref_squeeze %dma_wait3A_565 : memref<1x32x64xf32, #tpu.memory_space<vmem>> -> memref<32x64xf32, #tpu.memory_space<vmem>>
    tpu.wait_dma2 semaphore(%arg11 : memref<!tpu.dma_semaphore, #tpu.memory_space<semaphore_mem>>) src(%dma_wait3A_566 : memref<32x64xf32, #tpu.memory_space<vmem>>) dst(%dma_wait3A_562 : memref<32x64xf32, #tpu.memory_space<hbm>>)
    %add3A_567 = arith.constant 992 : i32
    %add3A_568 = arith.addi %mul3A_2, %add3A_567 : i32
    %multiple_of3A_569 = tpu.assume_multiple %add3A_568, 32 : i32
    %dma_wait3A_570 = arith.constant 1 : i32
    %dma_wait3A_571 = arith.constant 0 : i32
    %dma_wait3A_572 = arith.constant 0 : i32
    %dma_wait3A_573 = tpu.memref_slice %arg8[%dma_wait3A_570, %dma_wait3A_571, %dma_wait3A_572] : memref<2x32x64xf32, #tpu.memory_space<vmem>> -> memref<1x32x64xf32, #tpu.memory_space<vmem>>
    %dma_wait3A_574 = tpu.memref_squeeze %dma_wait3A_573 : memref<1x32x64xf32, #tpu.memory_space<vmem>> -> memref<32x64xf32, #tpu.memory_space<vmem>>
    %dma_wait3A_575 = arith.constant 0 : i32
    %dma_wait3A_576 = tpu.memref_slice %arg4[%multiple_of3A_569, %dma_wait3A_575] : memref<32768x64xf32, #tpu.memory_space<hbm>> -> memref<32x64xf32, #tpu.memory_space<hbm>>
    %dma_wait3A_577 = arith.constant 0 : i32
    %dma_wait3A_578 = tpu.memref_slice %arg4[%multiple_of3A_569, %dma_wait3A_577] : memref<32768x64xf32, #tpu.memory_space<hbm>> -> memref<32x64xf32, #tpu.memory_space<hbm>>
    %dma_wait3A_579 = arith.constant 0 : i32
    %dma_wait3A_580 = arith.constant 0 : i32
    %dma_wait3A_581 = tpu.memref_slice %arg8[%dma_wait3A_570, %dma_wait3A_579, %dma_wait3A_580] : memref<2x32x64xf32, #tpu.memory_space<vmem>> -> memref<1x32x64xf32, #tpu.memory_space<vmem>>
    %dma_wait3A_582 = tpu.memref_squeeze %dma_wait3A_581 : memref<1x32x64xf32, #tpu.memory_space<vmem>> -> memref<32x64xf32, #tpu.memory_space<vmem>>
    tpu.wait_dma2 semaphore(%arg12 : memref<!tpu.dma_semaphore, #tpu.memory_space<semaphore_mem>>) src(%dma_wait3A_582 : memref<32x64xf32, #tpu.memory_space<vmem>>) dst(%dma_wait3A_578 : memref<32x64xf32, #tpu.memory_space<hbm>>)
    return
  }
}

</mosaic_0001>

<sc_bundles>
// kernel: kernel.3.cloned.1.call-start
scs
__scs_entry_jumppad:
0x0: {  	(pc) =	sbr.rel $0x88, $3  }
0x1: {  	(tag) =	ssettag $0x0;
	lr =	simm.s32 $0x1  }
0x2: {  	[smem:$0x3F9E] =	sst lr;
	_ =	strace $0xD0000000  }
0x3: {  	_ = 	snop  }
0x4: {  	_ = 	snop  }
0x5: {  	_ = 	snop  }
0x6: {  	_ = 	snop  }
0x7: {  	_ = 	snop  }
__scs_overlays_trampoline_lowered:
0x8: {  	[smem:$0x3FAD] =	sst s0  }
0x9: {  	[smem:$0x3FAE] =	sst s1  }
0xa: {  	[smem:$0x3FAF] =	sst s2  }
0xb: {  	[smem:$0x3FB0] =	sst s3  }
0xc: {  	[smem:$0x3FB1] =	sst s4  }
0xd: {  	[smem:$0x3FB2] =	sst s5  }
0xe: {  	[smem:$0x3FB3] =	sst s6  }
0xf: {  	[smem:$0x3FB4] =	sst s7  }
0x10: {  	[smem:$0x3FB5] =	sst s8  }
0x11: {  	[smem:$0x3FB6] =	sst s9;
	s0 =	simm.s32 @!p0 $0x0  }
0x12: {  	s1 =	sld [smem:$0x3F9C];
	s0 =	simm.s32 @p0 $0x1  }
0x13: {  	[smem:$0x3FB7] =	sst s0;
	s0 =	simm.s32 @!p1 $0x0  }
0x14: {  	s2 =	sld [smem:$0x3F9B];
	s0 =	simm.s32 @p1 $0x1  }
0x15: {  	[smem:$0x3FB8] =	sst s0;
	s0 =	simm.s32 @!p2 $0x0  }
0x16: {  	s3 =	sld [smem:$0x3FDB];
	s0 =	simm.s32 @p2 $0x1  }
0x17: {  	s4 =	simm.s32 $0x1BF5;
	[smem:$0x3FBA] =	sst s0  }
0x18: {  	s0 =	sld [smem:$0x3F9D];
	_ =	swait.ge [sflag:s4], $0x0  }
0x19: {  	s7 =	sld [smem:$0x3F9E]  }
0x1a: {  	s8 =	sadd.s32 $0xFFFFE003, lr  }
0x1b: {  	s9 =	sadd.s32 $0xFFFFFEF7, lr;
	s5 =	simm.s32 $0xFFFFFFFF;
	p2 =	slt.u32 s8, $0xFFFFF086  }
0x1c: {  	p1 =	slt.u32 s9, $0xF7A;
	s5 =	simm.s32 @!p2 $0x0  }
0x1d: {  	s5 =	simm.s32 @p1 $0x1;
	p0 =	seq.s32 s7, s2  }
0x1e: {  	s7 =	smul.u32 @!p0 $0xF7A, s2;
	p2 =	seq.s32 @!p0 s5, $0x0  }
0x1f: {  	s9 =	smul.u32 $0xF7A, s1;
	s8 =	simm.s32 @!p0 $0x1BF5;
	p2 =	por !p2, p0  }
0x20: {  	[sflag:s8] =	ssyncset.s32 @!p0 $0xFFFFF086;
	s6 =	sadd.s32 @!p0 s3, s7;
	s7 =	simm.s32 @!p0 $0x108  }
0x21: {  	s3 =	sadd.s32 s3, s9;
	s6 =	sadd.s32 @!p0 $0x88, s6;
	s7 =	simm.s32 @p2 $0x1082  }
0x22: {  	[simem:s7], [sflag:s8] =	dma.local @!p0 [hbm:s6], $0xF7A  }
0x23: {  	s9 =	sor.u32 $0xD0000000, s2;
	s6 =	simm.s32 $0x108;
	_ =	swait.ge @!p0 [sflag:s8], $0x0  }
0x24: {  	s3 =	sadd.s32 $0x88, s3;
	s6 =	simm.s32 @!p1 $0x1082;
	[sflag:s4] =	ssyncset.s32 $0xFFFFF086  }
0x25: {  	[simem:s6], [sflag:s4] =	dma.local [hbm:s3], $0xF7A  }
0x26: {  	[smem:$0x3F9E] =	sst s1;
	(tag) =	ssettag s2;
	_ =	strace s9  }
0x27: {  	s1 =	sld [smem:$0x3FAE]  }
0x28: {  	s2 =	sld [smem:$0x3FAF]  }
0x29: {  	s4 =	sld [smem:$0x3FB1]  }
0x2a: {  	p0 =	seq.s32 s5, $0x0;
	s5 =	sld [smem:$0x3FB2]  }
0x2b: {  	s6 =	sld [smem:$0x3FB3]  }
0x2c: {  	s7 =	sld [smem:$0x3FB4]  }
0x2d: {  	s3 =	simm.s32 $0x108;
	s8 =	sld [smem:$0x3FB5]  }
0x2e: {  	s3 =	simm.s32 @!p0 $0x1082;
	s9 =	sld [smem:$0x3FB6]  }
0x2f: {  	lr =	sadd.s32 s0, s3;
	s0 =	sld [smem:$0x3FAD]  }
0x30: {  	s3 =	sld [smem:$0x3FB0]  }
0x31: {  	[smem:$0x3FB9] =	sst s10  }
0x32: {  	s10 =	sld [smem:$0x3FB7];
	_ =	sdelay $0x3  }
0x33: {  	p0 =	seq.s32 s10, $0x1;
	s10 =	sld [smem:$0x3FB9];
	_ =	sdelay $0x3  }
0x34: {  	[smem:$0x3FB9] =	sst s10  }
0x35: {  	s10 =	sld [smem:$0x3FB8];
	_ =	sdelay $0x3  }
0x36: {  	p1 =	seq.s32 s10, $0x1;
	s10 =	sld [smem:$0x3FB9];
	_ =	sdelay $0x3  }
0x37: {  	[smem:$0x3FB9] =	sst s10  }
0x38: {  	s10 =	sld [smem:$0x3FBA]  }
0x39: {  	_ = 	snop;
	(pc) =	sbr.ind lr, $3  }
0x3a: {  	_ = 	snop  }
0x3b: {  	_ = 	snop  }
0x3c: {  	p2 =	seq.s32 s10, $0x1;
	s10 =	sld [smem:$0x3FB9]  }
0x3d: {  	_ =	shalt  }
0x3e: {  	_ =	shalt  }
0x3f: {  	_ =	shalt  }
0x40: {  	_ =	shalt  }
0x41: {  	_ =	shalt  }
0x42: {  	_ =	shalt  }
0x43: {  	_ =	shalt  }
0x44: {  	_ =	shalt  }
0x45: {  	_ =	shalt  }
0x46: {  	_ =	shalt  }
0x47: {  	_ =	shalt  }
0x48: {  	_ =	shalt  }
0x49: {  	_ =	shalt  }
0x4a: {  	_ =	shalt  }
0x4b: {  	_ =	shalt  }
0x4c: {  	_ =	shalt  }
0x4d: {  	_ =	shalt  }
0x4e: {  	_ =	shalt  }
0x4f: {  	_ =	shalt  }
0x50: {  	_ =	shalt  }
0x51: {  	_ =	shalt  }
0x52: {  	_ =	shalt  }
0x53: {  	_ =	shalt  }
0x54: {  	_ =	shalt  }
0x55: {  	_ =	shalt  }
0x56: {  	_ =	shalt  }
0x57: {  	_ =	shalt  }
0x58: {  	_ =	shalt  }
0x59: {  	_ =	shalt  }
0x5a: {  	_ =	shalt  }
0x5b: {  	_ =	shalt  }
0x5c: {  	_ =	shalt  }
0x5d: {  	_ =	shalt  }
0x5e: {  	_ =	shalt  }
0x5f: {  	_ =	shalt  }
0x60: {  	_ =	shalt  }
0x61: {  	_ =	shalt  }
0x62: {  	_ =	shalt  }
0x63: {  	_ =	shalt  }
0x64: {  	_ =	shalt  }
0x65: {  	_ =	shalt  }
0x66: {  	_ =	shalt  }
0x67: {  	_ =	shalt  }
0x68: {  	_ =	shalt  }
0x69: {  	_ =	shalt  }
0x6a: {  	_ =	shalt  }
0x6b: {  	_ =	shalt  }
0x6c: {  	_ =	shalt  }
0x6d: {  	_ =	shalt  }
0x6e: {  	_ =	shalt  }
0x6f: {  	_ =	shalt  }
0x70: {  	_ =	shalt  }
0x71: {  	_ =	shalt  }
0x72: {  	_ =	shalt  }
0x73: {  	_ =	shalt  }
0x74: {  	_ =	shalt  }
0x75: {  	_ =	shalt  }
0x76: {  	_ =	shalt  }
0x77: {  	_ =	shalt  }
0x78: {  	_ =	shalt  }
0x79: {  	_ =	shalt  }
0x7a: {  	_ =	shalt  }
0x7b: {  	_ =	shalt  }
0x7c: {  	_ =	shalt  }
0x7d: {  	_ =	shalt  }
0x7e: {  	_ =	shalt  }
0x7f: {  	_ =	shalt  }
0x80: {  	_ =	shalt  }
0x81: {  	_ =	shalt  }
0x82: {  	_ =	shalt  }
0x83: {  	_ =	shalt  }
0x84: {  	_ =	shalt  }
0x85: {  	_ =	shalt  }
0x86: {  	_ =	shalt  }
0x87: {  	_ =	shalt  }
.Lfunc_end0:
.L_simem_size_0:
called_computation.1_lowered:
.L_overlay_start_0:
0x88: {  	s2 =	sld [smem:$0x3FD9]  }
0x89: {  	s3 =	sld [smem:$0x3FFE];
	_ =	sdelay $0x1  }
0x8a: {  	s1 =	srdreg.scid  }
0x8b: {  	s0 =	sand.u32 $0x1, s1  }
0x8c: {  	s14 =	sshll.u32 s0, $0xA;
	s2 =	sadd.s32 s3, s2  }
0x8d: {  	s2 =	sadd.s32 s2, s14  }
0x8e: {  	[smem:$0x3FC5] =	sst s2  }
0x8f: {  	_ = 	snop  }
0x90: {  	s2 =	sld [smem:$0x3FD0];
	_ =	sdelay $0x2  }
0x91: {  	s15 =	simm.s32 $0xA;
	s4 =	simm.s32 $0x10  }
0x92: {  	[smem:s4], [sflag:s15] =	dma.local [hbm:s2], $0x1  }
0x93: {  	_ =	swait.eq [sflag:s15], $0x1  }
0x94: {  	[sflag:s15] =	ssyncset.done $0x0  }
0x95: {  	s16 =	sld [smem:$0x10];
	[sflag:s15] =	ssyncadd.s32 $0xFFFFFFFF  }
0x96: {  	s17 =	sld [smem:$0x12];
	(tm) =	ssettm $0x1  }
0x97: {  	s18 =	sld [smem:$0x3FFB];
	_ =	sdelay $0x3  }
0x98: {  	_ =	strace s18  }
0x99: {  	s4 =	sld [smem:$0x3FFC];
	_ =	sdelay $0x3  }
0x9a: {  	_ =	strace s4  }
0x9b: {  	s4 =	sld [smem:$0x3FFD];
	_ =	sdelay $0x3  }
0x9c: {  	_ =	strace s4  }
0x9d: {  	_ =	strace $0x8FFFFFFF  }
0x9e: {  	s19 =	sld [smem:$0x3FDB];
	_ =	sdelay $0x1  }
0x9f: {  	s5 =	simm.s32 $_scs_section_size  }
0xa0: {  	s6 =	simm.s32 $_size__tile_overlayer_lowered;
	s7 =	simm.s32 $_tile_overlayer_lowered  }
0xa1: {  	s22 =	simm.s32 $0x1BFF;
	s21 =	sshll.u32 s7, $0x1;
	s4 =	sadd.s32 s5, s19  }
0xa2: {  	s8 =	simm.s32 $0x0;
	s20 =	sshll.u32 s6, $0x1;
	s6 =	sadd.s32 s21, s4  }
0xa3: {  	[timem:s8], [sflag:s22] =	dma.local [hbm:s6], s20  }
0xa4: {  	_ =	swait.ge [sflag:s22], s20  }
0xa5: {  	s5 =	ssub.s32 $0x0, s20;
	[sflag:s22] =	ssyncset.done $0x0  }
0xa6: {  	[sflag:s22] =	ssyncadd.s32 s5;
	_ =	sdelay $0x1  }
0xa7: {  	s23 =	simm.s32 $0x1B8B  }
0xa8: {  	_ =	swait.ge [sflag:s23], $0x1  }
0xa9: {  	[sflag:s23] =	ssyncset.done $0x0  }
0xaa: {  	s25 =	simm.s32 $0x1B8E;
	s24 =	sld [smem:$0x3FFE];
	[sflag:s23] =	ssyncadd.s32 $0xFFFFFFFF  }
0xab: {  	s26 =	simm.s32 $execute0_lowered;
	[smem:$0x3FD2] =	sst s25  }
0xac: {  	s6 =	sshll.u32 s26, $0x1;
	_ =	strace $0x80000049;
	[dreg:$0x1] =	wrdreg $0xFFFFFFFF  }
0xad: {  	s28 =	simm.s32 $_size_execute0_lowered;
	s4 =	sadd.s32 s4, s6;
	[dreg:$0x0] =	wrdreg $0x0  }
0xae: {  	s6 =	sshll.u32 s28, $0x1;
	[dreg:$0x2] =	wrdreg s4  }
0xaf: {  	[dreg:$0x3] =	wrdreg s6  }
0xb0: {  	[dreg:$0x4] =	wrdreg $0xC0  }
0xb1: {  	_ =	task [dreg:s8], $0x5FFFF  }
0xb2: {  	[dreg:$0x1] =	wrdreg $0xFFFFFFFF  }
0xb3: {  	[dreg:$0x0] =	wrdreg $0x60  }
0xb4: {  	[dreg:$0x2] =	wrdreg s24  }
0xb5: {  	[dreg:$0x3] =	wrdreg s17  }
0xb6: {  	[dreg:$0x4] =	wrdreg s16  }
0xb7: {  	[dreg:$0x5] =	wrdreg $0x9  }
0xb8: {  	_ =	task.clear_ibuf [dreg:s8], $0x6FFFF;
	_ =	strace $0x90000049  }
0xb9: {  	s29 =	simm.s32 $0x9;
	_ =	strace $0x8000004B  }
0xba: {  	_ =	swait.ge [sflag:s29], $0x1  }
0xbb: {  	[sflag:s29] =	ssyncadd.s32 $0xFFFFFFFF  }
0xbc: {  	_ =	strace $0x9000004B  }
0xbd: {  	_ =	sfence  }
0xbe: {  	s30 =	sld [smem:$0x0];
	_ =	sdelay $0x2  }
0xbf: {  	s31 =	sshll.u32 s1, $0xD;
	s1 =	sshrl.u32 s1, $0x2  }
0xc0: {  	s3 =	sand.u32 $0x4000, s31;
	s1 =	sadd.s32 s1, s30  }
0xc1: {  	s0 =	sor.u32 s3, s0;
	s1 =	sshll.u32 s1, $0x11  }
0xc2: {  	s0 =	sor.u32 s1, s0  }
0xc3: {  	s0 =	sadd.s32 $0x8F2B, s0  }
0xc4: {  	[sflag:s0] =	ssyncadd.remote.s32 $0x1  }
0xc5: {  	_ =	sfence.sel $0xFFFF  }
0xc6: {  	[dreg:$0x0] =	wrdreg $0xFFFFFFFF;
	(pc) =	sbr.abs _section_cstart, $3  }
0xc7: {  	[dreg:$0x1] =	wrdreg $0xFFFFFFFF  }
0xc8: {  	_ =	task.clear_ibuf [dreg:s8], $0x2FFFF;
	_ =	strace $0x9FFFFFFF  }
0xc9: {  	(tm) =	ssettm $0x7FFFFFFF  }
tec
execute0_lowered:
.L_overlay_start_1:
0x0: {  	(tag) =	ssettag $0x1  }
0x1: {  	s0 =	rddreg [dreg:$0x0]  }
0x2: {  	s2 =	rddreg [dreg:$0x1]  }
0x3: {  	s3 =	rddreg [dreg:$0x2]  }
0x4: {  	s1 =	srdreg.scid;
	s7 =	stileid.u32  }
0x5: {  	s4 =	simm.s32 $0x0;
	s13 =	simm.s32 $0x20;
	s14 =	simm.s32 $0x2000  }
0x6: {  	s15 =	simm.s32 $0x200;
	s16 =	simm.s32 $0x5;
	s17 =	simm.s32 $0x400  }
0x7: {  	s18 =	simm.s32 $0x800;
	s19 =	simm.s32 $0x6;
	s20 =	simm.s32 $0x600  }
0x8: {  	s21 =	simm.s32 $0x8800;
	s22 =	simm.s32 $0x1;
	s23 =	simm.s32 $0x10800  }
0x9: {  	s24 =	simm.s32 $0x2;
	s28 =	simm.s32 $0x3;
	s29 =	simm.s32 $0x0  }
0xa: {  	s1 =	sand.u32 $0x1, s1;
	s5 =	sshll.u32 s7, $0xB;
	[smem:$0x7FF] =	sst s4  }
0xb: {  	s7 =	sshrl.u32 s7, $0x2;
	s6 =	sshll.u32 s1, $0xA;
	s1 =	ssub.s32 $0x2, s1  }
0xc: {  	s8 =	sshll.u32 s7, $0x11;
	_ =	strace $0x8000004A;
	s5 =	sor.u32 s6, s5  }
0xd: {  	s12 =	sshll.u32 s7, $0xF;
	s9 =	sshrl.u32 s1, $0x1;
	s6 =	sand.u32 $0x1C00, s5  }
0xe: {  	s25 =	ssub.s32 s1, s9;
	s30 =	sshll.u32 s5, $0x3;
	s8 =	sor.u32 s8, s6  }
0xf: {  	s6 =	sadd.s32 $0x200C00, s0;
	s10 =	sadd.s32 s3, s30;
	s26 =	sshrl.u32 s8, $0x3  }
0x10: {  	s0 =	smax.u32 s25, $0x1;
	s25 =	simm.s32 $0x4;
	s7 =	sadd.s32 s2, s26  }
0x11: {  	s9 =	sor.u32 $0x40, s8;
	[dreg:$0x5] =	wrdreg s0;
	s31 =	sadd.s32 $0x4, s7  }
0x12: {  	v0 =	vmov s12;
	s11 =	sor.u32 $0x60, s8;
	s26 =	simm.s32 $0x11000;
	[dreg:$0x4] =	wrdreg s31  }
.LBB2_1:
0x13: {  	[tilespmem:s4], [sflag:$0x5] =	stream.strided.gather [hbm4b:s7+s13], $0x200, s14, s13, $0x38;
	[tilespmem:$0x11800] =	vst v63  }
0x14: {  	s0 =	rddreg [dreg:$0x4]  }
0x15: {  	[tilespmem:s15], [sflag:$0x6] =	stream.strided.gather [hbm4b:s0+s13], $0x200, s14, s13, $0x38;
	[tilespmem:$0x11800] =	vst v63  }
0x16: {  	_ =	swait.ge [sflag:s16], $0x200  }
0x17: {  	[sflag:s16] =	ssyncset.done $0x0  }
0x18: {  	[sflag:s16] =	ssyncadd.s32 $0xFFFFFE00  }
0x19: {  	v1 =	vld [tilespmem:$0x0]  }
0x1a: {  	v2 =	vld [tilespmem:$0x10]  }
0x1b: {  	v3 =	vld [tilespmem:$0x20]  }
0x1c: {  	v4 =	vld [tilespmem:$0x30]  }
0x1d: {  	v5 =	vld [tilespmem:$0x40]  }
0x1e: {  	v6 =	vld [tilespmem:$0x50];
	v1 =	vadd.s32 v0, v1  }
0x1f: {  	[tilespmem:$0x400] =	vst v1;
	v1 =	vadd.s32 v0, v2;
	v2 =	vld [tilespmem:$0x60]  }
0x20: {  	[tilespmem:$0x410] =	vst v1;
	v1 =	vadd.s32 v0, v3;
	v3 =	vld [tilespmem:$0x70]  }
0x21: {  	v49 =	vld [tilespmem:$0x80];
	[tilespmem:$0x420] =	vst v1;
	v1 =	vadd.s32 v0, v4  }
0x22: {  	v50 =	vld [tilespmem:$0x90];
	[tilespmem:$0x430] =	vst v1;
	v1 =	vadd.s32 v0, v5  }
0x23: {  	v51 =	vld [tilespmem:$0xA0];
	[tilespmem:$0x440] =	vst v1;
	v1 =	vadd.s32 v0, v6  }
0x24: {  	[tilespmem:$0x450] =	vst v1;
	v1 =	vadd.s32 v0, v2;
	v2 =	vld [tilespmem:$0xB0]  }
0x25: {  	[tilespmem:$0x460] =	vst v1;
	v1 =	vadd.s32 v0, v3;
	v3 =	vld [tilespmem:$0xC0]  }
0x26: {  	v52 =	vld [tilespmem:$0xD0];
	[tilespmem:$0x470] =	vst v1;
	v1 =	vadd.s32 v0, v49  }
0x27: {  	v53 =	vld [tilespmem:$0xE0];
	[tilespmem:$0x480] =	vst v1;
	v1 =	vadd.s32 v0, v50  }
0x28: {  	v54 =	vld [tilespmem:$0xF0];
	[tilespmem:$0x490] =	vst v1;
	v1 =	vadd.s32 v0, v51  }
0x29: {  	[tilespmem:$0x4A0] =	vst v1;
	v1 =	vadd.s32 v0, v2;
	v2 =	vld [tilespmem:$0x100]  }
0x2a: {  	[tilespmem:$0x4B0] =	vst v1;
	v1 =	vadd.s32 v0, v3;
	v3 =	vld [tilespmem:$0x110]  }
0x2b: {  	v55 =	vld [tilespmem:$0x120];
	[tilespmem:$0x4C0] =	vst v1;
	v1 =	vadd.s32 v0, v52  }
0x2c: {  	v56 =	vld [tilespmem:$0x130];
	[tilespmem:$0x4D0] =	vst v1;
	v1 =	vadd.s32 v0, v53  }
0x2d: {  	v57 =	vld [tilespmem:$0x140];
	[tilespmem:$0x4E0] =	vst v1;
	v1 =	vadd.s32 v0, v54  }
0x2e: {  	[tilespmem:$0x4F0] =	vst v1;
	v1 =	vadd.s32 v0, v2;
	v2 =	vld [tilespmem:$0x150]  }
0x2f: {  	[tilespmem:$0x500] =	vst v1;
	v1 =	vadd.s32 v0, v3;
	v3 =	vld [tilespmem:$0x160]  }
0x30: {  	v58 =	vld [tilespmem:$0x170];
	[tilespmem:$0x510] =	vst v1;
	v1 =	vadd.s32 v0, v55  }
0x31: {  	v59 =	vld [tilespmem:$0x180];
	[tilespmem:$0x520] =	vst v1;
	v1 =	vadd.s32 v0, v56  }
0x32: {  	v60 =	vld [tilespmem:$0x190];
	[tilespmem:$0x530] =	vst v1;
	v1 =	vadd.s32 v0, v57  }
0x33: {  	[tilespmem:$0x540] =	vst v1;
	v1 =	vadd.s32 v0, v2;
	v2 =	vld [tilespmem:$0x1A0]  }
0x34: {  	[tilespmem:$0x550] =	vst v1;
	v1 =	vadd.s32 v0, v3;
	v3 =	vld [tilespmem:$0x1B0]  }
0x35: {  	v61 =	vld [tilespmem:$0x1C0];
	[tilespmem:$0x560] =	vst v1;
	v1 =	vadd.s32 v0, v58  }
0x36: {  	v62 =	vld [tilespmem:$0x1D0];
	[tilespmem:$0x570] =	vst v1;
	v1 =	vadd.s32 v0, v59  }
0x37: {  	v63 =	vld [tilespmem:$0x1E0];
	[tilespmem:$0x580] =	vst v1;
	v1 =	vadd.s32 v0, v60  }
0x38: {  	[tilespmem:$0x590] =	vst v1;
	v1 =	vadd.s32 v0, v2;
	v2 =	vld [tilespmem:$0x1F0]  }
0x39: {  	[tilespmem:$0x5A0] =	vst v1;
	v1 =	vadd.s32 v0, v3  }
0x3a: {  	[tilespmem:$0x5B0] =	vst v1;
	v1 =	vadd.s32 v0, v61  }
0x3b: {  	[tilespmem:$0x5C0] =	vst v1;
	v1 =	vadd.s32 v0, v62  }
0x3c: {  	[tilespmem:$0x5D0] =	vst v1;
	v1 =	vadd.s32 v0, v63  }
0x3d: {  	[tilespmem:$0x5E0] =	vst v1;
	v1 =	vadd.s32 v0, v2  }
0x3e: {  	s30 =	simm.s32 $0x0;
	[tilespmem:$0x5F0] =	vst v1  }
0x3f: {  	[tilespmem:s18], [sflag:$0x1] =	stream.indirect.gather [hbm4b:s6+s15], $0x40, s17, s15, $0xb8;
	[tilespmem:$0x11800] =	vst v63  }
.LBB2_2:
0x40: {  	_ =	swait.ge [sflag:s19], $0x200  }
0x41: {  	[sflag:s19] =	ssyncset.done $0x0  }
0x42: {  	[sflag:s19] =	ssyncadd.s32 $0xFFFFFE00  }
0x43: {  	v1 =	vld [tilespmem:$0x200]  }
0x44: {  	v2 =	vld [tilespmem:$0x210]  }
0x45: {  	v3 =	vld [tilespmem:$0x220]  }
0x46: {  	v4 =	vld [tilespmem:$0x230]  }
0x47: {  	v5 =	vld [tilespmem:$0x240]  }
0x48: {  	v6 =	vld [tilespmem:$0x250];
	v1 =	vadd.s32 v0, v1  }
0x49: {  	[tilespmem:$0x600] =	vst v1;
	v1 =	vadd.s32 v0, v2;
	v2 =	vld [tilespmem:$0x260]  }
0x4a: {  	[tilespmem:$0x610] =	vst v1;
	v1 =	vadd.s32 v0, v3;
	v3 =	vld [tilespmem:$0x270]  }
0x4b: {  	[tilespmem:$0x620] =	vst v1;
	v1 =	vadd.s32 v0, v4;
	v4 =	vld [tilespmem:$0x280]  }
0x4c: {  	[tilespmem:$0x630] =	vst v1;
	v1 =	vadd.s32 v0, v5;
	v5 =	vld [tilespmem:$0x290]  }
0x4d: {  	[tilespmem:$0x640] =	vst v1;
	v1 =	vadd.s32 v0, v6;
	v6 =	vld [tilespmem:$0x2A0]  }
0x4e: {  	[tilespmem:$0x650] =	vst v1;
	v1 =	vadd.s32 v0, v2;
	v2 =	vld [tilespmem:$0x2B0]  }
0x4f: {  	[tilespmem:$0x660] =	vst v1;
	v1 =	vadd.s32 v0, v3;
	v3 =	vld [tilespmem:$0x2C0]  }
0x50: {  	[tilespmem:$0x670] =	vst v1;
	v1 =	vadd.s32 v0, v4;
	v4 =	vld [tilespmem:$0x2D0]  }
0x51: {  	[tilespmem:$0x680] =	vst v1;
	v1 =	vadd.s32 v0, v5;
	v5 =	vld [tilespmem:$0x2E0]  }
0x52: {  	[tilespmem:$0x690] =	vst v1;
	v1 =	vadd.s32 v0, v6;
	v6 =	vld [tilespmem:$0x2F0]  }
0x53: {  	[tilespmem:$0x6A0] =	vst v1;
	v1 =	vadd.s32 v0, v2;
	v2 =	vld [tilespmem:$0x300]  }
0x54: {  	[tilespmem:$0x6B0] =	vst v1;
	v1 =	vadd.s32 v0, v3;
	v3 =	vld [tilespmem:$0x310]  }
0x55: {  	[tilespmem:$0x6C0] =	vst v1;
	v1 =	vadd.s32 v0, v4;
	v4 =	vld [tilespmem:$0x320]  }
0x56: {  	[tilespmem:$0x6D0] =	vst v1;
	v1 =	vadd.s32 v0, v5;
	v5 =	vld [tilespmem:$0x330]  }
0x57: {  	[tilespmem:$0x6E0] =	vst v1;
	v1 =	vadd.s32 v0, v6;
	v6 =	vld [tilespmem:$0x340]  }
0x58: {  	[tilespmem:$0x6F0] =	vst v1;
	v1 =	vadd.s32 v0, v2;
	v2 =	vld [tilespmem:$0x350]  }
0x59: {  	[tilespmem:$0x700] =	vst v1;
	v1 =	vadd.s32 v0, v3;
	v3 =	vld [tilespmem:$0x360]  }
0x5a: {  	[tilespmem:$0x710] =	vst v1;
	v1 =	vadd.s32 v0, v4;
	v4 =	vld [tilespmem:$0x370]  }
0x5b: {  	[tilespmem:$0x720] =	vst v1;
	v1 =	vadd.s32 v0, v5;
	v5 =	vld [tilespmem:$0x380]  }
0x5c: {  	[tilespmem:$0x730] =	vst v1;
	v1 =	vadd.s32 v0, v6;
	v6 =	vld [tilespmem:$0x390]  }
0x5d: {  	[tilespmem:$0x740] =	vst v1;
	v1 =	vadd.s32 v0, v2;
	v2 =	vld [tilespmem:$0x3A0]  }
0x5e: {  	[tilespmem:$0x750] =	vst v1;
	v1 =	vadd.s32 v0, v3;
	v3 =	vld [tilespmem:$0x3B0]  }
0x5f: {  	[tilespmem:$0x760] =	vst v1;
	v1 =	vadd.s32 v0, v4;
	v4 =	vld [tilespmem:$0x3C0]  }
0x60: {  	[tilespmem:$0x770] =	vst v1;
	v1 =	vadd.s32 v0, v5;
	v5 =	vld [tilespmem:$0x3D0]  }
0x61: {  	[tilespmem:$0x780] =	vst v1;
	v1 =	vadd.s32 v0, v6;
	v6 =	vld [tilespmem:$0x3E0]  }
0x62: {  	[tilespmem:$0x790] =	vst v1;
	v1 =	vadd.s32 v0, v2;
	v2 =	vld [tilespmem:$0x3F0]  }
0x63: {  	[tilespmem:$0x7A0] =	vst v1;
	v1 =	vadd.s32 v0, v3  }
0x64: {  	[tilespmem:$0x7B0] =	vst v1;
	v1 =	vadd.s32 v0, v4  }
0x65: {  	[tilespmem:$0x7C0] =	vst v1;
	v1 =	vadd.s32 v0, v5  }
0x66: {  	s0 =	sshll.u32 s30, $0x6;
	p0 =	seq.s32 s30, $0xF;
	[tilespmem:$0x7D0] =	vst v1;
	v1 =	vadd.s32 v0, v6  }
0x67: {  	s1 =	sadd.s32 @!p0 s0, s9;
	[tilespmem:$0x7E0] =	vst v1;
	v1 =	vadd.s32 v0, v2  }
0x68: {  	s8 =	simm.s32 @!p0 $0x20;
	s1 =	sshrl.u32 @!p0 s1, $0x3;
	[tilespmem:$0x7F0] =	vst v1  }
0x69: {  	[tilespmem:s21], [sflag:$0x2] =	stream.indirect.gather [hbm4b:s6+s15], $0x40, s20, s15, $0xb8;
	[tilespmem:$0x11800] =	vst v63  }
0x6a: {  	s12 =	simm.s32 @!p0 $0x2000;
	s31 =	simm.s32 @!p0 $0x0;
	s1 =	sadd.s32 @!p0 s2, s1  }
0x6b: {  	[tilespmem:s31], [sflag:$0x5] =	stream.strided.gather @!p0 [hbm4b:s1+s8], $0x200, s12, s8, $0x38;
	[tilespmem:$0x11800] =	vst v63  }
0x6c: {  	_ =	swait.ge [sflag:s22], $0x8000  }
0x6d: {  	p0 =	seq.s32 s30, $0x0;
	[sflag:s22] =	ssyncset.done $0x0  }
0x6e: {  	s1 =	simm.s32 @!p0 $0x3;
	[sflag:s22] =	ssyncadd.s32 $0xFFFF8000  }
0x6f: {  	_ =	swait.ge @!p0 [sflag:s1], $0x800  }
0x70: {  	[sflag:s1] =	ssyncset.done @!p0 $0x0  }
0x71: {  	[sflag:s1] =	ssyncadd.s32 @!p0 $0xFFFFF800;
	s1 =	simm.s32 $0x0  }
0x72: {  	v1 =	vld [tilespmem:s1+$0x870]  }
0x73: {  	v2 =	vld [tilespmem:s1+$0x1070]  }
0x74: {  	v3 =	vld [tilespmem:s1+$0x1870]  }
0x75: {  	v4 =	vld [tilespmem:s1+$0x2070]  }
0x76: {  	v5 =	vld [tilespmem:s1+$0x2870]  }
0x77: {  	v6 =	vld [tilespmem:s1+$0x3070]  }
0x78: {  	v7 =	vld [tilespmem:s1+$0x3870]  }
0x79: {  	v8 =	vld [tilespmem:s1+$0x1030]  }
0x7a: {  	v9 =	vld [tilespmem:s1+$0x840]  }
0x7b: {  	v10 =	vld [tilespmem:s1+$0x1040]  }
0x7c: {  	v11 =	vld [tilespmem:s1+$0x850]  }
0x7d: {  	v12 =	vld [tilespmem:s1+$0x1050]  }
0x7e: {  	v13 =	vld [tilespmem:s1+$0x860]  }
0x7f: {  	v14 =	vld [tilespmem:s1+$0x1060]  }
0x80: {  	v15 =	vld [tilespmem:s1+$0x1800]  }
0x81: {  	v16 =	vld [tilespmem:s1+$0x1810]  }
0x82: {  	v17 =	vld [tilespmem:s1+$0x1820]  }
0x83: {  	v18 =	vld [tilespmem:s1+$0x1830]  }
0x84: {  	v19 =	vld [tilespmem:s1+$0x1840]  }
0x85: {  	v20 =	vld [tilespmem:s1+$0x1850]  }
0x86: {  	v21 =	vld [tilespmem:s1+$0x1860]  }
0x87: {  	v22 =	vld [tilespmem:s1+$0x2000]  }
0x88: {  	v23 =	vld [tilespmem:s1+$0x2010]  }
0x89: {  	v24 =	vld [tilespmem:s1+$0x2020]  }
0x8a: {  	v25 =	vld [tilespmem:s1+$0x2030]  }
0x8b: {  	v26 =	vld [tilespmem:s1+$0x2040]  }
0x8c: {  	v27 =	vld [tilespmem:s1+$0x2050]  }
0x8d: {  	v28 =	vld [tilespmem:s1+$0x2060]  }
0x8e: {  	v29 =	vld [tilespmem:s1+$0x2800]  }
0x8f: {  	v30 =	vld [tilespmem:s1+$0x2810]  }
0x90: {  	v31 =	vld [tilespmem:s1+$0x2820]  }
0x91: {  	v32 =	vld [tilespmem:s1+$0x2830]  }
0x92: {  	v33 =	vld [tilespmem:s1+$0x2840]  }
0x93: {  	v34 =	vld [tilespmem:s1+$0x2850]  }
0x94: {  	v35 =	vld [tilespmem:s1+$0x2860]  }
0x95: {  	v36 =	vld [tilespmem:s1+$0x3000]  }
0x96: {  	v37 =	vld [tilespmem:s1+$0x3010]  }
0x97: {  	v38 =	vld [tilespmem:s1+$0x3020]  }
0x98: {  	v39 =	vld [tilespmem:s1+$0x3030]  }
0x99: {  	v40 =	vld [tilespmem:s1+$0x3040]  }
0x9a: {  	v41 =	vld [tilespmem:s1+$0x3050]  }
0x9b: {  	v61 =	vld [tilespmem:s1+$0x4840]  }
0x9c: {  	v42 =	vld [tilespmem:s1+$0x3060]  }
0x9d: {  	v43 =	vld [tilespmem:s1+$0x3800]  }
0x9e: {  	v44 =	vld [tilespmem:s1+$0x3810]  }
0x9f: {  	v45 =	vld [tilespmem:s1+$0x3820]  }
0xa0: {  	[tilespmem:$0x1FED0] =	vst v61;
	v61 =	vld [tilespmem:s1+$0x5000]  }
0xa1: {  	v46 =	vld [tilespmem:s1+$0x3830]  }
0xa2: {  	v47 =	vld [tilespmem:s1+$0x3840]  }
0xa3: {  	v48 =	vld [tilespmem:s1+$0x3850]  }
0xa4: {  	v49 =	vld [tilespmem:s1+$0x3860]  }
0xa5: {  	[tilespmem:$0x1FEE0] =	vst v61;
	v61 =	vld [tilespmem:s1+$0x5010]  }
0xa6: {  	v50 =	vld [tilespmem:s1+$0x4000]  }
0xa7: {  	v51 =	vld [tilespmem:s1+$0x4010]  }
0xa8: {  	v52 =	vld [tilespmem:s1+$0x4020]  }
0xa9: {  	v53 =	vld [tilespmem:s1+$0x4030]  }
0xaa: {  	[tilespmem:$0x1FEF0] =	vst v61;
	v61 =	vld [tilespmem:s1+$0x5020]  }
0xab: {  	v54 =	vld [tilespmem:s1+$0x4040]  }
0xac: {  	v55 =	vld [tilespmem:s1+$0x4050]  }
0xad: {  	v56 =	vld [tilespmem:s1+$0x4060]  }
0xae: {  	v57 =	vld [tilespmem:s1+$0x4800]  }
0xaf: {  	[tilespmem:$0x1FF00] =	vst v61;
	v61 =	vld [tilespmem:s1+$0x5030]  }
0xb0: {  	v58 =	vld [tilespmem:s1+$0x4810]  }
0xb1: {  	v59 =	vld [tilespmem:s1+$0x4820]  }
0xb2: {  	v60 =	vld [tilespmem:s1+$0x4830]  }
0xb3: {  	v62 =	vld [tilespmem:s1+$0x4850]  }
0xb4: {  	[tilespmem:$0x1FF10] =	vst v61;
	v61 =	vld [tilespmem:s1+$0x5040]  }
0xb5: {  	v63 =	vld [tilespmem:s1+$0x4860]  }
0xb6: {  	v1 =	vmax.f32 v1, v2;
	v2 =	vld [tilespmem:s1+$0x4070]  }
0xb7: {  	v1 =	vmax.f32 v1, v3;
	v3 =	vld [tilespmem:s1+$0x4870]  }
0xb8: {  	v1 =	vmax.f32 v1, v4;
	v4 =	vld [tilespmem:s1+$0x5070]  }
0xb9: {  	[tilespmem:$0x1FF20] =	vst v61;
	v61 =	vld [tilespmem:s1+$0x5050]  }
0xba: {  	v1 =	vmax.f32 v1, v5;
	v5 =	vld [tilespmem:s1+$0x5870]  }
0xbb: {  	v1 =	vmax.f32 v1, v6;
	v6 =	vld [tilespmem:s1+$0x6070]  }
0xbc: {  	v1 =	vmax.f32 v1, v7;
	v7 =	vld [tilespmem:s1+$0x6870]  }
0xbd: {  	v1 =	vmax.f32 v1, v2;
	v2 =	vld [tilespmem:s1+$0x7070]  }
0xbe: {  	[tilespmem:$0x1FF30] =	vst v61;
	v61 =	vld [tilespmem:s1+$0x5060]  }
0xbf: {  	v1 =	vmax.f32 v1, v3;
	v3 =	vld [tilespmem:s1+$0x7870]  }
0xc0: {  	v1 =	vmax.f32 v1, v4;
	v4 =	vld [tilespmem:s1+$0x8070]  }
0xc1: {  	v1 =	vmax.f32 v1, v5;
	v5 =	vld [tilespmem:s1+$0x800]  }
0xc2: {  	v1 =	vmax.f32 v1, v6;
	v6 =	vld [tilespmem:s1+$0x1000]  }
0xc3: {  	[tilespmem:$0x1FF40] =	vst v61;
	v61 =	vld [tilespmem:s1+$0x5800]  }
0xc4: {  	v1 =	vmax.f32 v1, v7;
	v7 =	vld [tilespmem:s1+$0x810]  }
0xc5: {  	v1 =	vmax.f32 v1, v2;
	v2 =	vld [tilespmem:s1+$0x1010]  }
0xc6: {  	v1 =	vmax.f32 v1, v3;
	v3 =	vld [tilespmem:s1+$0x820]  }
0xc7: {  	v1 =	vmax.f32 v1, v4;
	v4 =	vld [tilespmem:s1+$0x1020]  }
0xc8: {  	[tilespmem:$0x1FF50] =	vst v61;
	v61 =	vld [tilespmem:s1+$0x5810]  }
0xc9: {  	[tilespmem:s1+$0x10870] =	vst v1;
	v1 =	vld [tilespmem:s1+$0x830]  }
0xca: {  	v5 =	vmax.f32 v5, v6;
	v6 =	vld [tilespmem:s1+$0x6040]  }
0xcb: {  	v5 =	vmax.f32 v5, v15;
	v15 =	vld [tilespmem:s1+$0x6840]  }
0xcc: {  	v2 =	vmax.f32 v7, v2;
	v7 =	vld [tilespmem:s1+$0x6050]  }
0xcd: {  	[tilespmem:$0x1FF60] =	vst v61;
	v61 =	vld [tilespmem:s1+$0x5820]  }
0xce: {  	v5 =	vmax.f32 v5, v22;
	v22 =	vld [tilespmem:s1+$0x7040]  }
0xcf: {  	v2 =	vmax.f32 v2, v16;
	v16 =	vld [tilespmem:s1+$0x6850]  }
0xd0: {  	v3 =	vmax.f32 v3, v4;
	v4 =	vmax.f32 v9, v10;
	v10 =	vld [tilespmem:s1+$0x6060]  }
0xd1: {  	v9 =	vmax.f32 v13, v14;
	v13 =	vld [tilespmem:s1+$0x6820]  }
0xd2: {  	[tilespmem:$0x1FF70] =	vst v61;
	v61 =	vld [tilespmem:s1+$0x5830]  }
0xd3: {  	v14 =	vld [tilespmem:s1+$0x6830]  }
0xd4: {  	v5 =	vmax.f32 v5, v29;
	v2 =	vmax.f32 v2, v23;
	v23 =	vld [tilespmem:s1+$0x7050]  }
0xd5: {  	v5 =	vmax.f32 v5, v36;
	v36 =	vld [tilespmem:$0x1FED0]  }
0xd6: {  	v1 =	vmax.f32 v1, v8;
	v8 =	vmax.f32 v11, v12;
	v11 =	vld [tilespmem:s1+$0x6800]  }
0xd7: {  	[tilespmem:$0x1FF80] =	vst v61;
	v61 =	vld [tilespmem:s1+$0x5840]  }
0xd8: {  	v12 =	vld [tilespmem:s1+$0x6810]  }
0xd9: {  	v3 =	vmax.f32 v3, v17;
	v17 =	vld [tilespmem:s1+$0x6860]  }
0xda: {  	v4 =	vmax.f32 v4, v19;
	v19 =	vld [tilespmem:s1+$0x7010]  }
0xdb: {  	v9 =	vmax.f32 v9, v21;
	v21 =	vld [tilespmem:s1+$0x7030]  }
0xdc: {  	[tilespmem:$0x1FF90] =	vst v61;
	v61 =	vld [tilespmem:s1+$0x5850]  }
0xdd: {  	v1 =	vmax.f32 v1, v18;
	v18 =	vld [tilespmem:s1+$0x7000]  }
0xde: {  	v8 =	vmax.f32 v8, v20;
	v20 =	vld [tilespmem:s1+$0x7020]  }
0xdf: {  	v2 =	vmax.f32 v2, v30;
	v3 =	vmax.f32 v3, v24;
	v24 =	vld [tilespmem:s1+$0x7060]  }
0xe0: {  	v2 =	vmax.f32 v2, v37;
	v37 =	vld [tilespmem:s1+$0x7810]  }
0xe1: {  	v5 =	vmax.f32 v5, v43;
	[tilespmem:$0x1FFA0] =	vst v61;
	v61 =	vld [tilespmem:s1+$0x5860]  }
0xe2: {  	v5 =	vmax.f32 v5, v50;
	v1 =	vmax.f32 v1, v25;
	v25 =	vld [tilespmem:s1+$0x7800]  }
0xe3: {  	v4 =	vmax.f32 v4, v26;
	v3 =	vmax.f32 v3, v31;
	v5 =	vmax.f32 v5, v57;
	v57 =	vld [tilespmem:s1+$0x7860]  }
0xe4: {  	v4 =	vmax.f32 v4, v33;
	v3 =	vmax.f32 v3, v38;
	v38 =	vld [tilespmem:$0x1FEE0]  }
0xe5: {  	v9 =	vmax.f32 v9, v28;
	v4 =	vmax.f32 v4, v40;
	v40 =	vld [tilespmem:$0x1FF00]  }
0xe6: {  	v9 =	vmax.f32 v9, v35;
	[tilespmem:$0x1FFB0] =	vst v61;
	v61 =	vld [tilespmem:s1+$0x6000]  }
0xe7: {  	v8 =	vmax.f32 v8, v27;
	v1 =	vmax.f32 v1, v32;
	v9 =	vmax.f32 v9, v42;
	v42 =	vld [tilespmem:$0x1FF10]  }
0xe8: {  	v8 =	vmax.f32 v8, v34;
	v1 =	vmax.f32 v1, v39;
	v39 =	vld [tilespmem:$0x1FEF0]  }
0xe9: {  	v8 =	vmax.f32 v8, v41;
	v41 =	vld [tilespmem:s1+$0x7820]  }
0xea: {  	v43 =	vld [tilespmem:$0x1FF20]  }
0xeb: {  	[tilespmem:$0x1FFC0] =	vst v61;
	v61 =	vld [tilespmem:s1+$0x6010]  }
0xec: {  	v2 =	vmax.f32 v2, v44;
	v44 =	vld [tilespmem:$0x1FF30]  }
0xed: {  	v1 =	vmax.f32 v1, v46;
	v46 =	vld [tilespmem:$0x1FF40]  }
0xee: {  	v4 =	vmax.f32 v4, v47;
	v47 =	vld [tilespmem:$0x1FF50]  }
0xef: {  	v8 =	vmax.f32 v8, v48;
	v48 =	vld [tilespmem:$0x1FF60]  }
0xf0: {  	[tilespmem:$0x1FFD0] =	vst v61;
	v61 =	vld [tilespmem:s1+$0x6020]  }
0xf1: {  	v50 =	vld [tilespmem:$0x1FF70]  }
0xf2: {  	v2 =	vmax.f32 v2, v51;
	v3 =	vmax.f32 v3, v45;
	v51 =	vld [tilespmem:$0x1FF80]  }
0xf3: {  	v9 =	vmax.f32 v9, v49;
	v2 =	vmax.f32 v2, v58;
	v3 =	vmax.f32 v3, v52;
	v52 =	vld [tilespmem:$0x1FF90]  }
0xf4: {  	v4 =	vmax.f32 v4, v54;
	v9 =	vmax.f32 v9, v56;
	v1 =	vmax.f32 v1, v53;
	v54 =	vld [tilespmem:$0x1FFA0]  }
0xf5: {  	v8 =	vmax.f32 v8, v55;
	v3 =	vmax.f32 v3, v59;
	v4 =	vmax.f32 v4, v36;
	[tilespmem:$0x1FFE0] =	vst v61;
	v61 =	vld [tilespmem:s1+$0x6030]  }
0xf6: {  	v9 =	vmax.f32 v9, v63;
	v1 =	vmax.f32 v1, v60;
	v8 =	vmax.f32 v8, v62;
	v55 =	vld [tilespmem:$0x1FFB0]  }
0xf7: {  	v5 =	vmax.f32 v5, v38;
	v3 =	vmax.f32 v3, v40;
	v1 =	vmax.f32 v1, v42;
	v56 =	vld [tilespmem:$0x1FFC0]  }
0xf8: {  	v2 =	vmax.f32 v2, v39;
	v4 =	vmax.f32 v4, v43;
	v8 =	vmax.f32 v8, v44;
	v58 =	vld [tilespmem:$0x1FFD0]  }
0xf9: {  	v45 =	vld [tilespmem:s1+$0x7830];
	v9 =	vmax.f32 v9, v46;
	v5 =	vmax.f32 v5, v47;
	v4 =	vmax.f32 v4, v52  }
0xfa: {  	v2 =	vmax.f32 v2, v48;
	v3 =	vmax.f32 v3, v50;
	v4 =	vmax.f32 v4, v6;
	v59 =	vld [tilespmem:$0x1FFE0];
	[tilespmem:$0x1FFF0] =	vst v61  }
0xfb: {  	v1 =	vmax.f32 v1, v51;
	v4 =	vmax.f32 v4, v15;
	v8 =	vmax.f32 v8, v54;
	v60 =	vld [tilespmem:$0x1FFF0]  }
0xfc: {  	v49 =	vld [tilespmem:s1+$0x7840];
	v4 =	vmax.f32 v4, v22;
	v6 =	vmax.f32 v8, v7;
	v5 =	vmax.f32 v5, v56  }
0xfd: {  	v9 =	vmax.f32 v9, v55;
	v5 =	vmax.f32 v5, v11;
	v2 =	vmax.f32 v2, v58;
	v61 =	vld [tilespmem:s1+$0x8000]  }
0xfe: {  	v53 =	vld [tilespmem:s1+$0x7850];
	v7 =	vmax.f32 v9, v10;
	v8 =	vmax.f32 v2, v12;
	v2 =	vmax.f32 v5, v18  }
0xff: {  	v10 =	vld [tilespmem:s1+$0x8010];
	v5 =	vmax.f32 v6, v16;
	v6 =	vmax.f32 v7, v17;
	v7 =	vmax.f32 v2, v25  }
0x100: {  	v11 =	vld [tilespmem:s1+$0x8020];
	v8 =	vmax.f32 v8, v19;
	v3 =	vmax.f32 v3, v59;
	v1 =	vmax.f32 v1, v60  }
0x101: {  	v5 =	vmax.f32 v5, v23;
	v3 =	vmax.f32 v3, v13;
	v9 =	vmax.f32 v1, v14;
	v1 =	vld [tilespmem:s1+$0x8030]  }
0x102: {  	v2 =	vld [tilespmem:s1+$0x8040];
	v63 =	vmax.f32 v6, v24;
	v62 =	vmax.f32 v3, v20;
	v7 =	vmax.f32 v7, v61  }
0x103: {  	v3 =	vld [tilespmem:s1+$0x8050];
	v12 =	vmax.f32 v62, v41;
	[tilespmem:s1+$0x10800] =	vst v7;
	v7 =	vmax.f32 v8, v37;
	v8 =	vmax.f32 v4, v49  }
0x104: {  	s12 =	simm.s32 $0x80;
	v6 =	vld [tilespmem:s1+$0x8060];
	v10 =	vmax.f32 v7, v10;
	v7 =	vmax.f32 v5, v53;
	v9 =	vmax.f32 v9, v21  }
0x105: {  	s31 =	sor.u32 $0x20, s0;
	s8 =	simm.s32 $0x400;
	v4 =	vld [tilespmem:s12+$0x870];
	v5 =	vmax.f32 v63, v57;
	[tilespmem:s1+$0x10810] =	vst v10;
	v10 =	vmax.f32 v12, v11;
	v9 =	vmax.f32 v9, v45  }
.LBB2_3:
0x106: {  	p1 =	sne.s32 s8, $0x1E00;
	v11 =	vld [tilespmem:s12+$0x1070];
	[tilespmem:s1+$0x10820] =	vst v10;
	v1 =	vmax.f32 v9, v1  }
0x107: {  	v9 =	vld [tilespmem:s12+$0x1870];
	[tilespmem:s1+$0x10830] =	vst v1;
	v1 =	vmax.f32 v8, v2  }
0x108: {  	v2 =	vld [tilespmem:s12+$0x2070];
	[tilespmem:s1+$0x10840] =	vst v1;
	v1 =	vmax.f32 v7, v3  }
0x109: {  	v3 =	vld [tilespmem:s12+$0x2870];
	[tilespmem:s1+$0x10850] =	vst v1;
	v1 =	vmax.f32 v5, v6  }
0x10a: {  	v5 =	vld [tilespmem:s12+$0x3070];
	[tilespmem:s1+$0x10860] =	vst v1;
	s1 =	smov.u32 s12  }
0x10b: {  	v1 =	vmax.f32 v4, v11;
	v4 =	vld [tilespmem:s1+$0x3870]  }
0x10c: {  	v1 =	vmax.f32 v1, v9;
	v6 =	vld [tilespmem:s1+$0x4070]  }
0x10d: {  	v1 =	vmax.f32 v1, v2;
	v2 =	vld [tilespmem:s1+$0x4870]  }
0x10e: {  	v1 =	vmax.f32 v1, v3;
	v3 =	vld [tilespmem:s1+$0x5070]  }
0x10f: {  	v1 =	vmax.f32 v1, v5;
	v5 =	vld [tilespmem:s1+$0x5870]  }
0x110: {  	v1 =	vmax.f32 v1, v4;
	v4 =	vld [tilespmem:s1+$0x6070]  }
0x111: {  	v1 =	vmax.f32 v1, v6;
	v6 =	vld [tilespmem:s1+$0x6870]  }
0x112: {  	v1 =	vmax.f32 v1, v2;
	v2 =	vld [tilespmem:s1+$0x7070]  }
0x113: {  	v1 =	vmax.f32 v1, v3;
	v3 =	vld [tilespmem:s1+$0x7870]  }
0x114: {  	v1 =	vmax.f32 v1, v5;
	v5 =	vld [tilespmem:s1+$0x8070]  }
0x115: {  	v7 =	vld [tilespmem:s1+$0x800];
	v1 =	vmax.f32 v1, v4  }
0x116: {  	v4 =	vld [tilespmem:s1+$0x1000];
	v1 =	vmax.f32 v1, v6  }
0x117: {  	v6 =	vld [tilespmem:s1+$0x810];
	v1 =	vmax.f32 v1, v2  }
0x118: {  	v2 =	vld [tilespmem:s1+$0x1010];
	v1 =	vmax.f32 v1, v3  }
0x119: {  	v3 =	vld [tilespmem:s1+$0x820];
	v1 =	vmax.f32 v1, v5  }
0x11a: {  	v5 =	vld [tilespmem:s1+$0x1020];
	[tilespmem:s1+$0x10870] =	vst v1  }
0x11b: {  	v1 =	vmax.f32 v7, v4;
	v4 =	vld [tilespmem:s1+$0x830]  }
0x11c: {  	v7 =	vld [tilespmem:s1+$0x1030]  }
0x11d: {  	v2 =	vmax.f32 v6, v2;
	v6 =	vld [tilespmem:s1+$0x840]  }
0x11e: {  	v8 =	vld [tilespmem:s1+$0x1040]  }
0x11f: {  	v3 =	vmax.f32 v3, v5;
	v5 =	vld [tilespmem:s1+$0x850]  }
0x120: {  	v9 =	vld [tilespmem:s1+$0x1050]  }
0x121: {  	v4 =	vmax.f32 v4, v7;
	v7 =	vld [tilespmem:s1+$0x860]  }
0x122: {  	v10 =	vld [tilespmem:s1+$0x1060]  }
0x123: {  	v11 =	vld [tilespmem:s1+$0x1800];
	v6 =	vmax.f32 v6, v8  }
0x124: {  	v8 =	vld [tilespmem:s1+$0x1810]  }
0x125: {  	v12 =	vld [tilespmem:s1+$0x1820];
	v5 =	vmax.f32 v5, v9  }
0x126: {  	v9 =	vld [tilespmem:s1+$0x1830]  }
0x127: {  	v13 =	vld [tilespmem:s1+$0x1840];
	v7 =	vmax.f32 v7, v10  }
0x128: {  	v1 =	vmax.f32 v1, v11;
	v10 =	vld [tilespmem:s1+$0x1850]  }
0x129: {  	v2 =	vmax.f32 v2, v8;
	v8 =	vld [tilespmem:s1+$0x1860]  }
0x12a: {  	v11 =	vld [tilespmem:s1+$0x2000];
	v3 =	vmax.f32 v3, v12  }
0x12b: {  	v12 =	vld [tilespmem:s1+$0x2010];
	v4 =	vmax.f32 v4, v9  }
0x12c: {  	v9 =	vld [tilespmem:s1+$0x2020];
	v6 =	vmax.f32 v6, v13  }
0x12d: {  	v13 =	vld [tilespmem:s1+$0x2030];
	v5 =	vmax.f32 v5, v10  }
0x12e: {  	v10 =	vld [tilespmem:s1+$0x2040];
	v7 =	vmax.f32 v7, v8  }
0x12f: {  	v1 =	vmax.f32 v1, v11;
	v8 =	vld [tilespmem:s1+$0x2050]  }
0x130: {  	v2 =	vmax.f32 v2, v12;
	v11 =	vld [tilespmem:s1+$0x2060]  }
0x131: {  	v12 =	vld [tilespmem:s1+$0x2800];
	v3 =	vmax.f32 v3, v9  }
0x132: {  	v9 =	vld [tilespmem:s1+$0x2810];
	v4 =	vmax.f32 v4, v13  }
0x133: {  	v13 =	vld [tilespmem:s1+$0x2820];
	v6 =	vmax.f32 v6, v10  }
0x134: {  	v10 =	vld [tilespmem:s1+$0x2830];
	v5 =	vmax.f32 v5, v8  }
0x135: {  	v8 =	vld [tilespmem:s1+$0x2840];
	v7 =	vmax.f32 v7, v11  }
0x136: {  	v1 =	vmax.f32 v1, v12;
	v11 =	vld [tilespmem:s1+$0x2850]  }
0x137: {  	v2 =	vmax.f32 v2, v9;
	v9 =	vld [tilespmem:s1+$0x2860]  }
0x138: {  	v12 =	vld [tilespmem:s1+$0x3000];
	v3 =	vmax.f32 v3, v13  }
0x139: {  	v13 =	vld [tilespmem:s1+$0x3010];
	v4 =	vmax.f32 v4, v10  }
0x13a: {  	v10 =	vld [tilespmem:s1+$0x3020];
	v6 =	vmax.f32 v6, v8  }
0x13b: {  	v8 =	vld [tilespmem:s1+$0x3030];
	v5 =	vmax.f32 v5, v11  }
0x13c: {  	v11 =	vld [tilespmem:s1+$0x3040];
	v7 =	vmax.f32 v7, v9  }
0x13d: {  	v1 =	vmax.f32 v1, v12;
	v9 =	vld [tilespmem:s1+$0x3050]  }
0x13e: {  	v2 =	vmax.f32 v2, v13;
	v12 =	vld [tilespmem:s1+$0x3060]  }
0x13f: {  	v13 =	vld [tilespmem:s1+$0x3800];
	v3 =	vmax.f32 v3, v10  }
0x140: {  	v10 =	vld [tilespmem:s1+$0x3810];
	v4 =	vmax.f32 v4, v8  }
0x141: {  	v8 =	vld [tilespmem:s1+$0x3820];
	v6 =	vmax.f32 v6, v11  }
0x142: {  	v11 =	vld [tilespmem:s1+$0x3830];
	v5 =	vmax.f32 v5, v9  }
0x143: {  	v9 =	vld [tilespmem:s1+$0x3840];
	v7 =	vmax.f32 v7, v12  }
0x144: {  	v1 =	vmax.f32 v1, v13;
	v12 =	vld [tilespmem:s1+$0x3850]  }
0x145: {  	v2 =	vmax.f32 v2, v10;
	v10 =	vld [tilespmem:s1+$0x3860]  }
0x146: {  	v13 =	vld [tilespmem:s1+$0x4000];
	v3 =	vmax.f32 v3, v8  }
0x147: {  	v8 =	vld [tilespmem:s1+$0x4010];
	v4 =	vmax.f32 v4, v11  }
0x148: {  	v11 =	vld [tilespmem:s1+$0x4020];
	v6 =	vmax.f32 v6, v9  }
0x149: {  	v9 =	vld [tilespmem:s1+$0x4030];
	v5 =	vmax.f32 v5, v12  }
0x14a: {  	v12 =	vld [tilespmem:s1+$0x4040];
	v7 =	vmax.f32 v7, v10  }
0x14b: {  	v1 =	vmax.f32 v1, v13;
	v10 =	vld [tilespmem:s1+$0x4050]  }
0x14c: {  	v2 =	vmax.f32 v2, v8;
	v8 =	vld [tilespmem:s1+$0x4060]  }
0x14d: {  	v13 =	vld [tilespmem:s1+$0x4800];
	v3 =	vmax.f32 v3, v11  }
0x14e: {  	v11 =	vld [tilespmem:s1+$0x4810];
	v4 =	vmax.f32 v4, v9  }
0x14f: {  	v9 =	vld [tilespmem:s1+$0x4820];
	v6 =	vmax.f32 v6, v12  }
0x150: {  	v12 =	vld [tilespmem:s1+$0x4830];
	v5 =	vmax.f32 v5, v10  }
0x151: {  	v10 =	vld [tilespmem:s1+$0x4840];
	v7 =	vmax.f32 v7, v8  }
0x152: {  	v1 =	vmax.f32 v1, v13;
	v8 =	vld [tilespmem:s1+$0x4850]  }
0x153: {  	v2 =	vmax.f32 v2, v11;
	v11 =	vld [tilespmem:s1+$0x4860]  }
0x154: {  	v13 =	vld [tilespmem:s1+$0x5000];
	v3 =	vmax.f32 v3, v9  }
0x155: {  	v9 =	vld [tilespmem:s1+$0x5010];
	v4 =	vmax.f32 v4, v12  }
0x156: {  	v12 =	vld [tilespmem:s1+$0x5020];
	v6 =	vmax.f32 v6, v10  }
0x157: {  	v10 =	vld [tilespmem:s1+$0x5030];
	v5 =	vmax.f32 v5, v8  }
0x158: {  	v8 =	vld [tilespmem:s1+$0x5040];
	v7 =	vmax.f32 v7, v11  }
0x159: {  	v1 =	vmax.f32 v1, v13;
	v11 =	vld [tilespmem:s1+$0x5050]  }
0x15a: {  	v2 =	vmax.f32 v2, v9;
	v9 =	vld [tilespmem:s1+$0x5060]  }
0x15b: {  	v13 =	vld [tilespmem:s1+$0x5800];
	v3 =	vmax.f32 v3, v12  }
0x15c: {  	v12 =	vld [tilespmem:s1+$0x5810];
	v4 =	vmax.f32 v4, v10  }
0x15d: {  	v10 =	vld [tilespmem:s1+$0x5820];
	v6 =	vmax.f32 v6, v8  }
0x15e: {  	v8 =	vld [tilespmem:s1+$0x5830];
	v5 =	vmax.f32 v5, v11  }
0x15f: {  	v11 =	vld [tilespmem:s1+$0x5840];
	v7 =	vmax.f32 v7, v9  }
0x160: {  	v1 =	vmax.f32 v1, v13;
	v9 =	vld [tilespmem:s1+$0x5850]  }
0x161: {  	v2 =	vmax.f32 v2, v12;
	v12 =	vld [tilespmem:s1+$0x5860]  }
0x162: {  	v13 =	vld [tilespmem:s1+$0x6000];
	v3 =	vmax.f32 v3, v10  }
0x163: {  	v10 =	vld [tilespmem:s1+$0x6010];
	v4 =	vmax.f32 v4, v8  }
0x164: {  	v8 =	vld [tilespmem:s1+$0x6020];
	v6 =	vmax.f32 v6, v11  }
0x165: {  	v11 =	vld [tilespmem:s1+$0x6030];
	v5 =	vmax.f32 v5, v9  }
0x166: {  	v9 =	vld [tilespmem:s1+$0x6040];
	v7 =	vmax.f32 v7, v12  }
0x167: {  	v1 =	vmax.f32 v1, v13;
	v12 =	vld [tilespmem:s1+$0x6050]  }
0x168: {  	v2 =	vmax.f32 v2, v10;
	v10 =	vld [tilespmem:s1+$0x6060]  }
0x169: {  	v13 =	vld [tilespmem:s1+$0x6800];
	v3 =	vmax.f32 v3, v8  }
0x16a: {  	v8 =	vld [tilespmem:s1+$0x6810];
	v4 =	vmax.f32 v4, v11  }
0x16b: {  	v11 =	vld [tilespmem:s1+$0x6820];
	v6 =	vmax.f32 v6, v9  }
0x16c: {  	v9 =	vld [tilespmem:s1+$0x6830];
	v5 =	vmax.f32 v5, v12  }
0x16d: {  	v12 =	vld [tilespmem:s1+$0x6840];
	v7 =	vmax.f32 v7, v10  }
0x16e: {  	v1 =	vmax.f32 v1, v13;
	v10 =	vld [tilespmem:s1+$0x6850]  }
0x16f: {  	v2 =	vmax.f32 v2, v8;
	v8 =	vld [tilespmem:s1+$0x6860]  }
0x170: {  	v13 =	vld [tilespmem:s1+$0x7000];
	v3 =	vmax.f32 v3, v11  }
0x171: {  	v11 =	vld [tilespmem:s1+$0x7010];
	v4 =	vmax.f32 v4, v9  }
0x172: {  	v9 =	vld [tilespmem:s1+$0x7020];
	v6 =	vmax.f32 v6, v12  }
0x173: {  	v12 =	vld [tilespmem:s1+$0x7030];
	v5 =	vmax.f32 v5, v10  }
0x174: {  	v10 =	vld [tilespmem:s1+$0x7040];
	v7 =	vmax.f32 v7, v8  }
0x175: {  	v1 =	vmax.f32 v1, v13;
	v8 =	vld [tilespmem:s1+$0x7050]  }
0x176: {  	v2 =	vmax.f32 v2, v11;
	v11 =	vld [tilespmem:s1+$0x7060]  }
0x177: {  	v13 =	vld [tilespmem:s1+$0x7800];
	v3 =	vmax.f32 v3, v9  }
0x178: {  	v9 =	vld [tilespmem:s1+$0x7810];
	v4 =	vmax.f32 v4, v12  }
0x179: {  	v12 =	vld [tilespmem:s1+$0x7820];
	v6 =	vmax.f32 v6, v10  }
0x17a: {  	v10 =	vld [tilespmem:s1+$0x7830];
	v5 =	vmax.f32 v5, v8  }
0x17b: {  	v8 =	vld [tilespmem:s1+$0x7840];
	v11 =	vmax.f32 v7, v11  }
0x17c: {  	v13 =	vmax.f32 v1, v13;
	v7 =	vld [tilespmem:s1+$0x7850]  }
0x17d: {  	v14 =	vmax.f32 v2, v9;
	v15 =	vld [tilespmem:s1+$0x7860]  }
0x17e: {  	v16 =	vld [tilespmem:s1+$0x8000];
	v12 =	vmax.f32 v3, v12  }
0x17f: {  	v17 =	vld [tilespmem:s1+$0x8010];
	v9 =	vmax.f32 v4, v10  }
0x180: {  	v10 =	vld [tilespmem:s1+$0x8020];
	v8 =	vmax.f32 v6, v8  }
.Ltmp0:
0x181: {  	v1 =	vld [tilespmem:s1+$0x8030];
	v7 =	vmax.f32 v5, v7;
	(pc) =	sbr.rel @p1 .LBB2_3-.Ltmp0, $4  }
0x182: {  	v2 =	vld [tilespmem:s1+$0x8040];
	v5 =	vmax.f32 v11, v15  }
0x183: {  	v4 =	vmax.f32 v13, v16;
	v3 =	vld [tilespmem:s1+$0x8050]  }
0x184: {  	s12 =	sshra.s32 s8, $0x2;
	[tilespmem:s1+$0x10800] =	vst v4;
	v11 =	vmax.f32 v14, v17;
	v6 =	vld [tilespmem:s1+$0x8060]  }
0x185: {  	s8 =	sadd.s32 $0x200, s8;
	v4 =	vld [tilespmem:s12+$0x870];
	[tilespmem:s1+$0x10810] =	vst v11;
	v10 =	vmax.f32 v12, v10  }
0x186: {  	v11 =	vld [tilespmem:s12+$0x1070];
	[tilespmem:s1+$0x10820] =	vst v10;
	v1 =	vmax.f32 v9, v1  }
0x187: {  	v53 =	vld [tilespmem:s12+$0x1870];
	[tilespmem:s1+$0x10830] =	vst v1;
	v1 =	vmax.f32 v8, v2  }
0x188: {  	v2 =	vld [tilespmem:s12+$0x2070];
	[tilespmem:s1+$0x10840] =	vst v1;
	v1 =	vmax.f32 v7, v3  }
0x189: {  	v3 =	vld [tilespmem:s12+$0x2870];
	[tilespmem:s1+$0x10850] =	vst v1;
	v1 =	vmax.f32 v5, v6  }
0x18a: {  	v54 =	vld [tilespmem:s12+$0x3070];
	[tilespmem:s1+$0x10860] =	vst v1  }
0x18b: {  	v1 =	vld [tilespmem:s12+$0x3870]  }
0x18c: {  	v55 =	vld [tilespmem:s12+$0x4070]  }
0x18d: {  	v56 =	vld [tilespmem:s12+$0x4870]  }
0x18e: {  	v57 =	vld [tilespmem:s12+$0x5070]  }
0x18f: {  	v58 =	vld [tilespmem:s12+$0x6070]  }
0x190: {  	v59 =	vld [tilespmem:s12+$0x7070]  }
0x191: {  	v60 =	vld [tilespmem:s12+$0x7870]  }
0x192: {  	v61 =	vld [tilespmem:s12+$0x8070]  }
0x193: {  	v5 =	vld [tilespmem:s12+$0x1000]  }
0x194: {  	v6 =	vld [tilespmem:s12+$0x1010]  }
0x195: {  	v7 =	vld [tilespmem:s12+$0x820]  }
0x196: {  	v8 =	vld [tilespmem:s12+$0x1030]  }
0x197: {  	v9 =	vld [tilespmem:s12+$0x840]  }
0x198: {  	v10 =	vld [tilespmem:s12+$0x1040]  }
0x199: {  	v4 =	vmax.f32 v4, v11;
	v11 =	vld [tilespmem:s12+$0x850]  }
0x19a: {  	v12 =	vld [tilespmem:s12+$0x1050]  }
0x19b: {  	v13 =	vld [tilespmem:s12+$0x860]  }
0x19c: {  	v14 =	vld [tilespmem:s12+$0x1060]  }
0x19d: {  	v15 =	vld [tilespmem:s12+$0x1800]  }
0x19e: {  	v16 =	vld [tilespmem:s12+$0x1810]  }
0x19f: {  	v17 =	vld [tilespmem:s12+$0x1820]  }
0x1a0: {  	v62 =	vld [tilespmem:s12+$0x4850]  }
0x1a1: {  	v18 =	vld [tilespmem:s12+$0x1830]  }
0x1a2: {  	v19 =	vld [tilespmem:s12+$0x1840]  }
0x1a3: {  	v20 =	vld [tilespmem:s12+$0x1850]  }
0x1a4: {  	v21 =	vld [tilespmem:s12+$0x1860]  }
0x1a5: {  	[tilespmem:$0x1FD90] =	vst v62;
	v62 =	vld [tilespmem:s12+$0x5000]  }
0x1a6: {  	v22 =	vld [tilespmem:s12+$0x2000]  }
0x1a7: {  	v23 =	vld [tilespmem:s12+$0x2010]  }
0x1a8: {  	v24 =	vld [tilespmem:s12+$0x2020]  }
0x1a9: {  	v25 =	vld [tilespmem:s12+$0x2030]  }
0x1aa: {  	[tilespmem:$0x1FDA0] =	vst v62;
	v62 =	vld [tilespmem:s12+$0x5010]  }
0x1ab: {  	v26 =	vld [tilespmem:s12+$0x2040]  }
0x1ac: {  	v27 =	vld [tilespmem:s12+$0x2050]  }
0x1ad: {  	v28 =	vld [tilespmem:s12+$0x2060]  }
0x1ae: {  	v29 =	vld [tilespmem:s12+$0x2800]  }
0x1af: {  	[tilespmem:$0x1FDB0] =	vst v62;
	v62 =	vld [tilespmem:s12+$0x5020]  }
0x1b0: {  	v30 =	vld [tilespmem:s12+$0x2810]  }
0x1b1: {  	v31 =	vld [tilespmem:s12+$0x2820]  }
0x1b2: {  	v32 =	vld [tilespmem:s12+$0x2830]  }
0x1b3: {  	v33 =	vld [tilespmem:s12+$0x2840]  }
0x1b4: {  	[tilespmem:$0x1FDC0] =	vst v62;
	v62 =	vld [tilespmem:s12+$0x5030]  }
0x1b5: {  	v34 =	vld [tilespmem:s12+$0x2850]  }
0x1b6: {  	v35 =	vld [tilespmem:s12+$0x2860]  }
0x1b7: {  	v36 =	vld [tilespmem:s12+$0x3000]  }
0x1b8: {  	v37 =	vld [tilespmem:s12+$0x3010]  }
0x1b9: {  	[tilespmem:$0x1FDD0] =	vst v62;
	v62 =	vld [tilespmem:s12+$0x5040]  }
0x1ba: {  	v38 =	vld [tilespmem:s12+$0x3020]  }
0x1bb: {  	v39 =	vld [tilespmem:s12+$0x3030]  }
0x1bc: {  	v40 =	vld [tilespmem:s12+$0x3040]  }
0x1bd: {  	v41 =	vld [tilespmem:s12+$0x3050]  }
0x1be: {  	[tilespmem:$0x1FDE0] =	vst v62;
	v62 =	vld [tilespmem:s12+$0x5050]  }
0x1bf: {  	v42 =	vld [tilespmem:s12+$0x3060]  }
0x1c0: {  	v43 =	vld [tilespmem:s12+$0x3800]  }
0x1c1: {  	v44 =	vld [tilespmem:s12+$0x3810]  }
0x1c2: {  	v45 =	vld [tilespmem:s12+$0x3820]  }
0x1c3: {  	[tilespmem:$0x1FDF0] =	vst v62;
	v62 =	vld [tilespmem:s12+$0x5060]  }
0x1c4: {  	v46 =	vld [tilespmem:s12+$0x3830]  }
0x1c5: {  	v47 =	vld [tilespmem:s12+$0x3840]  }
0x1c6: {  	v48 =	vld [tilespmem:s12+$0x3850]  }
0x1c7: {  	v49 =	vld [tilespmem:s12+$0x3860]  }
0x1c8: {  	[tilespmem:$0x1FE00] =	vst v62;
	v62 =	vld [tilespmem:s12+$0x5800]  }
0x1c9: {  	v50 =	vld [tilespmem:s12+$0x4000]  }
0x1ca: {  	v51 =	vld [tilespmem:s12+$0x4010]  }
0x1cb: {  	v52 =	vld [tilespmem:s12+$0x4020]  }
0x1cc: {  	v63 =	vld [tilespmem:s12+$0x4860]  }
0x1cd: {  	[tilespmem:$0x1FE10] =	vst v62;
	v62 =	vld [tilespmem:s12+$0x5810]  }
0x1ce: {  	v4 =	vmax.f32 v4, v53;
	v53 =	vld [tilespmem:s12+$0x4030]  }
0x1cf: {  	v2 =	vmax.f32 v4, v2;
	v4 =	vld [tilespmem:s12+$0x1020]  }
0x1d0: {  	v2 =	vmax.f32 v2, v3;
	v3 =	vld [tilespmem:s12+$0x5870]  }
0x1d1: {  	v2 =	vmax.f32 v2, v54;
	v54 =	vld [tilespmem:s12+$0x4040]  }
0x1d2: {  	[tilespmem:$0x1FE20] =	vst v62;
	v62 =	vld [tilespmem:s12+$0x5820]  }
0x1d3: {  	v1 =	vmax.f32 v2, v1;
	v2 =	vld [tilespmem:s12+$0x6870]  }
0x1d4: {  	v12 =	vmax.f32 v11, v12;
	v11 =	vld [tilespmem:s12+$0x6810]  }
0x1d5: {  	v14 =	vmax.f32 v13, v14;
	v13 =	vld [tilespmem:s12+$0x6830]  }
0x1d6: {  	v1 =	vmax.f32 v1, v55;
	v55 =	vld [tilespmem:s12+$0x4050]  }
0x1d7: {  	[tilespmem:$0x1FE30] =	vst v62;
	v62 =	vld [tilespmem:s12+$0x5830]  }
0x1d8: {  	v1 =	vmax.f32 v1, v56;
	v56 =	vld [tilespmem:s12+$0x4060]  }
0x1d9: {  	v4 =	vmax.f32 v7, v4;
	v7 =	vmax.f32 v12, v20;
	v12 =	vld [tilespmem:s12+$0x6820]  }
0x1da: {  	v20 =	vld [tilespmem:s12+$0x7030]  }
0x1db: {  	v1 =	vmax.f32 v1, v57;
	v57 =	vld [tilespmem:s12+$0x4800]  }
0x1dc: {  	[tilespmem:$0x1FE40] =	vst v62;
	v62 =	vld [tilespmem:s12+$0x5840]  }
0x1dd: {  	v4 =	vmax.f32 v4, v17;
	v17 =	vld [tilespmem:s12+$0x7000]  }
0x1de: {  	v1 =	vmax.f32 v1, v3;
	v3 =	vld [tilespmem:s12+$0x800]  }
0x1df: {  	v4 =	vmax.f32 v4, v24;
	v24 =	vld [tilespmem:s12+$0x7800]  }
0x1e0: {  	v7 =	vmax.f32 v7, v27;
	v1 =	vmax.f32 v1, v58;
	v58 =	vld [tilespmem:s12+$0x4810]  }
0x1e1: {  	v7 =	vmax.f32 v7, v34;
	[tilespmem:$0x1FE50] =	vst v62;
	v62 =	vld [tilespmem:s12+$0x5850]  }
0x1e2: {  	v7 =	vmax.f32 v7, v41;
	v1 =	vmax.f32 v1, v2;
	v2 =	vld [tilespmem:s12+$0x810]  }
0x1e3: {  	v7 =	vmax.f32 v7, v48;
	v48 =	vld [tilespmem:s12+$0x7860]  }
0x1e4: {  	v4 =	vmax.f32 v4, v31;
	v1 =	vmax.f32 v1, v59;
	v59 =	vld [tilespmem:s12+$0x4820]  }
0x1e5: {  	v4 =	vmax.f32 v4, v38;
	v1 =	vmax.f32 v1, v60;
	v60 =	vld [tilespmem:s12+$0x4830]  }
0x1e6: {  	v4 =	vmax.f32 v4, v45;
	[tilespmem:$0x1FE60] =	vst v62;
	v62 =	vld [tilespmem:s12+$0x5860]  }
0x1e7: {  	v4 =	vmax.f32 v4, v52;
	v52 =	vld [tilespmem:s12+$0x8000]  }
0x1e8: {  	v1 =	vmax.f32 v1, v61;
	v61 =	vld [tilespmem:s12+$0x4840]  }
0x1e9: {  	v3 =	vmax.f32 v3, v5;
	v5 =	vld [tilespmem:s12+$0x6050]  }
0x1ea: {  	[tilespmem:s12+$0x10870] =	vst v1;
	v1 =	vld [tilespmem:s12+$0x830]  }
0x1eb: {  	[tilespmem:$0x1FE70] =	vst v62;
	v62 =	vld [tilespmem:s12+$0x6000]  }
0x1ec: {  	v3 =	vmax.f32 v3, v15;
	v15 =	vld [tilespmem:s12+$0x6850]  }
0x1ed: {  	v2 =	vmax.f32 v2, v6;
	v3 =	vmax.f32 v3, v22;
	v22 =	vld [tilespmem:s12+$0x7050]  }
0x1ee: {  	v2 =	vmax.f32 v2, v16;
	v16 =	vld [tilespmem:s12+$0x6860]  }
0x1ef: {  	v4 =	vmax.f32 v4, v59;
	v59 =	vld [tilespmem:s12+$0x8030]  }
0x1f0: {  	[tilespmem:$0x1FE80] =	vst v62;
	v62 =	vld [tilespmem:s12+$0x6010]  }
0x1f1: {  	v3 =	vmax.f32 v3, v29;
	v2 =	vmax.f32 v2, v23;
	v23 =	vld [tilespmem:s12+$0x7060]  }
0x1f2: {  	v3 =	vmax.f32 v3, v36;
	v36 =	vld [tilespmem:s12+$0x7830]  }
0x1f3: {  	v1 =	vmax.f32 v1, v8;
	v8 =	vld [tilespmem:s12+$0x6060]  }
0x1f4: {  	v1 =	vmax.f32 v1, v18;
	v18 =	vld [tilespmem:s12+$0x7010]  }
0x1f5: {  	[tilespmem:$0x1FE90] =	vst v62;
	v62 =	vld [tilespmem:s12+$0x6020]  }
0x1f6: {  	v34 =	vld [tilespmem:$0x1FDC0]  }
0x1f7: {  	v2 =	vmax.f32 v2, v30;
	v1 =	vmax.f32 v1, v25;
	v25 =	vld [tilespmem:s12+$0x7810]  }
0x1f8: {  	v2 =	vmax.f32 v2, v37;
	v37 =	vld [tilespmem:$0x1FDE0]  }
0x1f9: {  	v38 =	vld [tilespmem:$0x1FDF0]  }
0x1fa: {  	v1 =	vmax.f32 v1, v32;
	[tilespmem:$0x1FEA0] =	vst v62;
	v62 =	vld [tilespmem:s12+$0x6030]  }
0x1fb: {  	v1 =	vmax.f32 v1, v39;
	v39 =	vld [tilespmem:$0x1FE00]  }
0x1fc: {  	v41 =	vld [tilespmem:$0x1FE10]  }
0x1fd: {  	v3 =	vmax.f32 v3, v43;
	v43 =	vld [tilespmem:$0x1FE30]  }
0x1fe: {  	v45 =	vld [tilespmem:$0x1FE40]  }
0x1ff: {  	[tilespmem:$0x1FEB0] =	vst v62;
	v62 =	vld [tilespmem:s12+$0x6040]  }
0x200: {  	v1 =	vmax.f32 v1, v46;
	v46 =	vld [tilespmem:$0x1FE50]  }
0x201: {  	v3 =	vmax.f32 v3, v50;
	v2 =	vmax.f32 v2, v44;
	v50 =	vld [tilespmem:$0x1FE80]  }
0x202: {  	v2 =	vmax.f32 v2, v51;
	v51 =	vld [tilespmem:$0x1FE90]  }
0x203: {  	v1 =	vmax.f32 v1, v53;
	v53 =	vld [tilespmem:$0x1FEA0]  }
0x204: {  	[tilespmem:$0x1FEC0] =	vst v62;
	v62 =	vmax.f32 v9, v10;
	v10 =	vld [tilespmem:s12+$0x6800]  }
0x205: {  	v9 =	vmax.f32 v14, v21;
	v14 =	vld [tilespmem:s12+$0x6840]  }
0x206: {  	v7 =	vmax.f32 v7, v55;
	v21 =	vld [tilespmem:s12+$0x7040]  }
0x207: {  	v3 =	vmax.f32 v3, v57;
	v2 =	vmax.f32 v2, v58;
	v6 =	vmax.f32 v62, v19;
	v19 =	vld [tilespmem:s12+$0x7020]  }
0x208: {  	v4 =	vmax.f32 v4, v34;
	v9 =	vmax.f32 v9, v28;
	v62 =	vld [tilespmem:$0x1FDA0];
	v6 =	vmax.f32 v6, v26  }
0x209: {  	v1 =	vmax.f32 v1, v60;
	v9 =	vmax.f32 v9, v35;
	v35 =	vld [tilespmem:$0x1FDD0];
	v6 =	vmax.f32 v6, v33  }
0x20a: {  	v4 =	vmax.f32 v4, v43;
	v9 =	vmax.f32 v9, v42;
	v33 =	vld [tilespmem:$0x1FDB0];
	v6 =	vmax.f32 v6, v40  }
0x20b: {  	v4 =	vmax.f32 v4, v53;
	v42 =	vld [tilespmem:$0x1FE20];
	v9 =	vmax.f32 v9, v49;
	v6 =	vmax.f32 v6, v47  }
0x20c: {  	v4 =	vmax.f32 v4, v12;
	v49 =	vld [tilespmem:$0x1FE70];
	v9 =	vmax.f32 v9, v56;
	v6 =	vmax.f32 v6, v54  }
0x20d: {  	v55 =	vld [tilespmem:$0x1FEC0];
	v9 =	vmax.f32 v9, v63;
	v3 =	vmax.f32 v3, v62;
	v4 =	vmax.f32 v4, v19  }
0x20e: {  	v54 =	vld [tilespmem:$0x1FEB0];
	v6 =	vmax.f32 v6, v61;
	v1 =	vmax.f32 v1, v35;
	v9 =	vmax.f32 v9, v39  }
0x20f: {  	v61 =	vld [tilespmem:$0x1FD90];
	v3 =	vmax.f32 v3, v41;
	v2 =	vmax.f32 v2, v33;
	v6 =	vmax.f32 v6, v37  }
0x210: {  	v40 =	vld [tilespmem:s12+$0x7840];
	v1 =	vmax.f32 v1, v45;
	v3 =	vmax.f32 v3, v50;
	v2 =	vmax.f32 v2, v42  }
0x211: {  	v47 =	vld [tilespmem:$0x1FE60];
	v6 =	vmax.f32 v6, v46;
	v9 =	vmax.f32 v9, v49;
	v3 =	vmax.f32 v3, v10  }
0x212: {  	v63 =	vld [tilespmem:s12+$0x7820];
	v2 =	vmax.f32 v2, v51;
	v6 =	vmax.f32 v6, v55;
	v57 =	vmax.f32 v9, v8  }
0x213: {  	v56 =	vld [tilespmem:s12+$0x8010];
	v3 =	vmax.f32 v3, v17;
	v1 =	vmax.f32 v1, v54;
	v2 =	vmax.f32 v2, v11  }
0x214: {  	v58 =	vld [tilespmem:s12+$0x8020];
	v6 =	vmax.f32 v6, v14;
	v3 =	vmax.f32 v3, v24;
	v7 =	vmax.f32 v7, v61  }
0x215: {  	v44 =	vld [tilespmem:s12+$0x7850];
	v1 =	vmax.f32 v1, v13;
	v2 =	vmax.f32 v2, v18;
	v3 =	vmax.f32 v3, v52  }
0x216: {  	v60 =	vld [tilespmem:s12+$0x8040];
	v6 =	vmax.f32 v6, v21;
	v7 =	vmax.f32 v7, v38;
	v2 =	vmax.f32 v2, v25  }
0x217: {  	v61 =	vld [tilespmem:s12+$0x8050];
	[tilespmem:s12+$0x10800] =	vst v3;
	v1 =	vmax.f32 v1, v20;
	v3 =	vmax.f32 v4, v63;
	v7 =	vmax.f32 v7, v47  }
0x218: {  	v62 =	vld [tilespmem:s12+$0x8060];
	v63 =	vmax.f32 v6, v40;
	v2 =	vmax.f32 v2, v56;
	v5 =	vmax.f32 v7, v5  }
0x219: {  	v1 =	vmax.f32 v1, v36;
	[tilespmem:s12+$0x10810] =	vst v2;
	v2 =	vmax.f32 v3, v58;
	v5 =	vmax.f32 v5, v15  }
0x21a: {  	p1 =	sne.s32 s30, $0xF;
	v7 =	vmax.f32 v57, v16;
	v1 =	vmax.f32 v1, v59;
	[tilespmem:s12+$0x10820] =	vst v2;
	v3 =	vmax.f32 v5, v22  }
.Ltmp1:
0x21b: {  	v2 =	vmax.f32 v7, v23;
	[tilespmem:s12+$0x10830] =	vst v1;
	v1 =	vmax.f32 v63, v60;
	v3 =	vmax.f32 v3, v44;
	(pc) =	sbr.rel @p1 .LBB2_6-.Ltmp1, $4  }
0x21c: {  	v2 =	vmax.f32 v2, v48;
	[tilespmem:s12+$0x10840] =	vst v1;
	v1 =	vmax.f32 v3, v61  }
0x21d: {  	s8 =	sshll.u32 s30, $0x9;
	[tilespmem:s12+$0x10850] =	vst v1;
	v1 =	vmax.f32 v2, v62  }
0x21e: {  	s1 =	sadd.s32 s8, s10;
	[tilespmem:s12+$0x10860] =	vst v1  }
0x21f: {  	[hbm4b:s1+s4] =	stream.linear.scatter [tilespmem:s23], [sflag:$0x3], $0x800, $0x38;
	[tilespmem:$0x11800] =	vst v63  }
.Ltmp2:
0x220: {  	(pc) =	sbr.rel .LBB2_7-.Ltmp2, $4  }
0x221: {  	_ = 	snop  }
0x222: {  	_ =	swait.ge [sflag:s24], $0x8000  }
0x223: {  	[sflag:s24] =	ssyncset.done $0x0  }
0x224: {  	[sflag:s24] =	ssyncadd.s32 $0xFFFF8000  }
.LBB2_6:
0x225: {  	_ =	swait.ge [sflag:s16], $0x200  }
0x226: {  	[sflag:s16] =	ssyncset.done $0x0  }
0x227: {  	[sflag:s16] =	ssyncadd.s32 $0xFFFFFE00  }
0x228: {  	v1 =	vld [tilespmem:$0x0]  }
0x229: {  	v2 =	vld [tilespmem:$0x10]  }
0x22a: {  	v3 =	vld [tilespmem:$0x20]  }
0x22b: {  	v4 =	vld [tilespmem:$0x30]  }
0x22c: {  	v5 =	vld [tilespmem:$0x40]  }
0x22d: {  	v6 =	vld [tilespmem:$0x50];
	v1 =	vadd.s32 v0, v1  }
0x22e: {  	[tilespmem:$0x400] =	vst v1;
	v1 =	vadd.s32 v0, v2;
	v2 =	vld [tilespmem:$0x60]  }
0x22f: {  	[tilespmem:$0x410] =	vst v1;
	v1 =	vadd.s32 v0, v3;
	v3 =	vld [tilespmem:$0x70]  }
0x230: {  	v49 =	vld [tilespmem:$0x80];
	[tilespmem:$0x420] =	vst v1;
	v1 =	vadd.s32 v0, v4  }
0x231: {  	v50 =	vld [tilespmem:$0x90];
	[tilespmem:$0x430] =	vst v1;
	v1 =	vadd.s32 v0, v5  }
0x232: {  	v51 =	vld [tilespmem:$0xA0];
	[tilespmem:$0x440] =	vst v1;
	v1 =	vadd.s32 v0, v6  }
0x233: {  	[tilespmem:$0x450] =	vst v1;
	v1 =	vadd.s32 v0, v2;
	v2 =	vld [tilespmem:$0xB0]  }
0x234: {  	[tilespmem:$0x460] =	vst v1;
	v1 =	vadd.s32 v0, v3;
	v3 =	vld [tilespmem:$0xC0]  }
0x235: {  	v52 =	vld [tilespmem:$0xD0];
	[tilespmem:$0x470] =	vst v1;
	v1 =	vadd.s32 v0, v49  }
0x236: {  	v53 =	vld [tilespmem:$0xE0];
	[tilespmem:$0x480] =	vst v1;
	v1 =	vadd.s32 v0, v50  }
0x237: {  	v54 =	vld [tilespmem:$0xF0];
	[tilespmem:$0x490] =	vst v1;
	v1 =	vadd.s32 v0, v51  }
0x238: {  	[tilespmem:$0x4A0] =	vst v1;
	v1 =	vadd.s32 v0, v2;
	v2 =	vld [tilespmem:$0x100]  }
0x239: {  	[tilespmem:$0x4B0] =	vst v1;
	v1 =	vadd.s32 v0, v3;
	v3 =	vld [tilespmem:$0x110]  }
0x23a: {  	v55 =	vld [tilespmem:$0x120];
	[tilespmem:$0x4C0] =	vst v1;
	v1 =	vadd.s32 v0, v52  }
0x23b: {  	v56 =	vld [tilespmem:$0x130];
	[tilespmem:$0x4D0] =	vst v1;
	v1 =	vadd.s32 v0, v53  }
0x23c: {  	v57 =	vld [tilespmem:$0x140];
	[tilespmem:$0x4E0] =	vst v1;
	v1 =	vadd.s32 v0, v54  }
0x23d: {  	[tilespmem:$0x4F0] =	vst v1;
	v1 =	vadd.s32 v0, v2;
	v2 =	vld [tilespmem:$0x150]  }
0x23e: {  	[tilespmem:$0x500] =	vst v1;
	v1 =	vadd.s32 v0, v3;
	v3 =	vld [tilespmem:$0x160]  }
0x23f: {  	v58 =	vld [tilespmem:$0x170];
	[tilespmem:$0x510] =	vst v1;
	v1 =	vadd.s32 v0, v55  }
0x240: {  	v59 =	vld [tilespmem:$0x180];
	[tilespmem:$0x520] =	vst v1;
	v1 =	vadd.s32 v0, v56  }
0x241: {  	v60 =	vld [tilespmem:$0x190];
	[tilespmem:$0x530] =	vst v1;
	v1 =	vadd.s32 v0, v57  }
0x242: {  	[tilespmem:$0x540] =	vst v1;
	v1 =	vadd.s32 v0, v2;
	v2 =	vld [tilespmem:$0x1A0]  }
0x243: {  	[tilespmem:$0x550] =	vst v1;
	v1 =	vadd.s32 v0, v3;
	v3 =	vld [tilespmem:$0x1B0]  }
0x244: {  	v61 =	vld [tilespmem:$0x1C0];
	[tilespmem:$0x560] =	vst v1;
	v1 =	vadd.s32 v0, v58  }
0x245: {  	v62 =	vld [tilespmem:$0x1D0];
	[tilespmem:$0x570] =	vst v1;
	v1 =	vadd.s32 v0, v59  }
0x246: {  	v63 =	vld [tilespmem:$0x1E0];
	[tilespmem:$0x580] =	vst v1;
	v1 =	vadd.s32 v0, v60  }
0x247: {  	[tilespmem:$0x590] =	vst v1;
	v1 =	vadd.s32 v0, v2;
	v2 =	vld [tilespmem:$0x1F0]  }
0x248: {  	[tilespmem:$0x5A0] =	vst v1;
	v1 =	vadd.s32 v0, v3  }
0x249: {  	[tilespmem:$0x5B0] =	vst v1;
	v1 =	vadd.s32 v0, v61  }
0x24a: {  	[tilespmem:$0x5C0] =	vst v1;
	v1 =	vadd.s32 v0, v62  }
0x24b: {  	[tilespmem:$0x5D0] =	vst v1;
	v1 =	vadd.s32 v0, v63  }
0x24c: {  	s0 =	sadd.s32 s0, s11;
	[tilespmem:$0x5E0] =	vst v1;
	v1 =	vadd.s32 v0, v2  }
0x24d: {  	s0 =	sshrl.u32 s0, $0x3;
	[tilespmem:$0x5F0] =	vst v1  }
0x24e: {  	[tilespmem:s18], [sflag:$0x1] =	stream.indirect.gather [hbm4b:s6+s15], $0x40, s17, s15, $0xb8;
	[tilespmem:$0x11800] =	vst v63  }
.Ltmp3:
0x24f: {  	s0 =	sadd.s32 s2, s0;
	(pc) =	sbr.rel @p0 .LBB2_8-.Ltmp3, $4  }
0x250: {  	[tilespmem:s15], [sflag:$0x6] =	stream.strided.gather [hbm4b:s0+s13], $0x200, s14, s13, $0x38;
	[tilespmem:$0x11800] =	vst v63  }
0x251: {  	_ =	swait.ge [sflag:s24], $0x8000  }
0x252: {  	[sflag:s24] =	ssyncset.done $0x0  }
0x253: {  	[sflag:s24] =	ssyncadd.s32 $0xFFFF8000  }
.LBB2_7:
0x254: {  	_ =	swait.ge [sflag:s25], $0x800  }
0x255: {  	[sflag:s25] =	ssyncset.done $0x0  }
0x256: {  	[sflag:s25] =	ssyncadd.s32 $0xFFFFF800  }
.LBB2_8:
0x257: {  	s0 =	simm.s32 $0x0  }
0x258: {  	v1 =	vld [tilespmem:s0+$0x8870]  }
0x259: {  	v2 =	vld [tilespmem:s0+$0x9070]  }
0x25a: {  	v3 =	vld [tilespmem:s0+$0x9870]  }
0x25b: {  	v4 =	vld [tilespmem:s0+$0xA070]  }
0x25c: {  	v5 =	vld [tilespmem:s0+$0xA870]  }
0x25d: {  	v6 =	vld [tilespmem:s0+$0xB070]  }
0x25e: {  	v7 =	vld [tilespmem:s0+$0xB870]  }
0x25f: {  	v8 =	vld [tilespmem:s0+$0x9030]  }
0x260: {  	v9 =	vld [tilespmem:s0+$0x8840]  }
0x261: {  	v10 =	vld [tilespmem:s0+$0x9040]  }
0x262: {  	v11 =	vld [tilespmem:s0+$0x8850]  }
0x263: {  	v12 =	vld [tilespmem:s0+$0x9050]  }
0x264: {  	v13 =	vld [tilespmem:s0+$0x8860]  }
0x265: {  	v14 =	vld [tilespmem:s0+$0x9060]  }
0x266: {  	v15 =	vld [tilespmem:s0+$0x9800]  }
0x267: {  	v16 =	vld [tilespmem:s0+$0x9810]  }
0x268: {  	v17 =	vld [tilespmem:s0+$0x9820]  }
0x269: {  	v18 =	vld [tilespmem:s0+$0x9830]  }
0x26a: {  	v19 =	vld [tilespmem:s0+$0x9840]  }
0x26b: {  	v20 =	vld [tilespmem:s0+$0x9850]  }
0x26c: {  	v21 =	vld [tilespmem:s0+$0x9860]  }
0x26d: {  	v22 =	vld [tilespmem:s0+$0xA000]  }
0x26e: {  	v23 =	vld [tilespmem:s0+$0xA010]  }
0x26f: {  	v24 =	vld [tilespmem:s0+$0xA020]  }
0x270: {  	v25 =	vld [tilespmem:s0+$0xA030]  }
0x271: {  	v26 =	vld [tilespmem:s0+$0xA040]  }
0x272: {  	v27 =	vld [tilespmem:s0+$0xA050]  }
0x273: {  	v28 =	vld [tilespmem:s0+$0xA060]  }
0x274: {  	v29 =	vld [tilespmem:s0+$0xA800]  }
0x275: {  	v30 =	vld [tilespmem:s0+$0xA810]  }
0x276: {  	v31 =	vld [tilespmem:s0+$0xA820]  }
0x277: {  	v32 =	vld [tilespmem:s0+$0xA830]  }
0x278: {  	v33 =	vld [tilespmem:s0+$0xA840]  }
0x279: {  	v34 =	vld [tilespmem:s0+$0xA850]  }
0x27a: {  	v35 =	vld [tilespmem:s0+$0xA860]  }
0x27b: {  	v36 =	vld [tilespmem:s0+$0xB000]  }
0x27c: {  	v37 =	vld [tilespmem:s0+$0xB010]  }
0x27d: {  	v38 =	vld [tilespmem:s0+$0xB020]  }
0x27e: {  	v39 =	vld [tilespmem:s0+$0xB030]  }
0x27f: {  	v40 =	vld [tilespmem:s0+$0xB040]  }
0x280: {  	v41 =	vld [tilespmem:s0+$0xB050]  }
0x281: {  	v61 =	vld [tilespmem:s0+$0xC840]  }
0x282: {  	v42 =	vld [tilespmem:s0+$0xB060]  }
0x283: {  	v43 =	vld [tilespmem:s0+$0xB800]  }
0x284: {  	v44 =	vld [tilespmem:s0+$0xB810]  }
0x285: {  	v45 =	vld [tilespmem:s0+$0xB820]  }
0x286: {  	[tilespmem:$0x1FC60] =	vst v61;
	v61 =	vld [tilespmem:s0+$0xD000]  }
0x287: {  	v46 =	vld [tilespmem:s0+$0xB830]  }
0x288: {  	v47 =	vld [tilespmem:s0+$0xB840]  }
0x289: {  	v48 =	vld [tilespmem:s0+$0xB850]  }
0x28a: {  	v49 =	vld [tilespmem:s0+$0xB860]  }
0x28b: {  	[tilespmem:$0x1FC70] =	vst v61;
	v61 =	vld [tilespmem:s0+$0xD010]  }
0x28c: {  	v50 =	vld [tilespmem:s0+$0xC000]  }
0x28d: {  	v51 =	vld [tilespmem:s0+$0xC010]  }
0x28e: {  	v52 =	vld [tilespmem:s0+$0xC020]  }
0x28f: {  	v53 =	vld [tilespmem:s0+$0xC030]  }
0x290: {  	[tilespmem:$0x1FC80] =	vst v61;
	v61 =	vld [tilespmem:s0+$0xD020]  }
0x291: {  	v54 =	vld [tilespmem:s0+$0xC040]  }
0x292: {  	v55 =	vld [tilespmem:s0+$0xC050]  }
0x293: {  	v56 =	vld [tilespmem:s0+$0xC060]  }
0x294: {  	v57 =	vld [tilespmem:s0+$0xC800]  }
0x295: {  	[tilespmem:$0x1FC90] =	vst v61;
	v61 =	vld [tilespmem:s0+$0xD030]  }
0x296: {  	v58 =	vld [tilespmem:s0+$0xC810]  }
0x297: {  	v59 =	vld [tilespmem:s0+$0xC820]  }
0x298: {  	v60 =	vld [tilespmem:s0+$0xC830]  }
0x299: {  	v62 =	vld [tilespmem:s0+$0xC850]  }
0x29a: {  	[tilespmem:$0x1FCA0] =	vst v61;
	v61 =	vld [tilespmem:s0+$0xD040]  }
0x29b: {  	v63 =	vld [tilespmem:s0+$0xC860]  }
0x29c: {  	v1 =	vmax.f32 v1, v2;
	v2 =	vld [tilespmem:s0+$0xC070]  }
0x29d: {  	v1 =	vmax.f32 v1, v3;
	v3 =	vld [tilespmem:s0+$0xC870]  }
0x29e: {  	v1 =	vmax.f32 v1, v4;
	v4 =	vld [tilespmem:s0+$0xD070]  }
0x29f: {  	[tilespmem:$0x1FCB0] =	vst v61;
	v61 =	vld [tilespmem:s0+$0xD050]  }
0x2a0: {  	v1 =	vmax.f32 v1, v5;
	v5 =	vld [tilespmem:s0+$0xD870]  }
0x2a1: {  	v1 =	vmax.f32 v1, v6;
	v6 =	vld [tilespmem:s0+$0xE070]  }
0x2a2: {  	v1 =	vmax.f32 v1, v7;
	v7 =	vld [tilespmem:s0+$0xE870]  }
0x2a3: {  	v1 =	vmax.f32 v1, v2;
	v2 =	vld [tilespmem:s0+$0xF070]  }
0x2a4: {  	[tilespmem:$0x1FCC0] =	vst v61;
	v61 =	vld [tilespmem:s0+$0xD060]  }
0x2a5: {  	v1 =	vmax.f32 v1, v3;
	v3 =	vld [tilespmem:s0+$0xF870]  }
0x2a6: {  	v1 =	vmax.f32 v1, v4;
	v4 =	vld [tilespmem:s0+$0x10070]  }
0x2a7: {  	v1 =	vmax.f32 v1, v5;
	v5 =	vld [tilespmem:s0+$0x8800]  }
0x2a8: {  	v1 =	vmax.f32 v1, v6;
	v6 =	vld [tilespmem:s0+$0x9000]  }
0x2a9: {  	[tilespmem:$0x1FCD0] =	vst v61;
	v61 =	vld [tilespmem:s0+$0xD800]  }
0x2aa: {  	v1 =	vmax.f32 v1, v7;
	v7 =	vld [tilespmem:s0+$0x8810]  }
0x2ab: {  	v1 =	vmax.f32 v1, v2;
	v2 =	vld [tilespmem:s0+$0x9010]  }
0x2ac: {  	v1 =	vmax.f32 v1, v3;
	v3 =	vld [tilespmem:s0+$0x8820]  }
0x2ad: {  	v1 =	vmax.f32 v1, v4;
	v4 =	vld [tilespmem:s0+$0x9020]  }
0x2ae: {  	[tilespmem:$0x1FCE0] =	vst v61;
	v61 =	vld [tilespmem:s0+$0xD810]  }
0x2af: {  	[tilespmem:s0+$0x11070] =	vst v1;
	v1 =	vld [tilespmem:s0+$0x8830]  }
0x2b0: {  	v5 =	vmax.f32 v5, v6;
	v6 =	vld [tilespmem:s0+$0xE040]  }
0x2b1: {  	v5 =	vmax.f32 v5, v15;
	v15 =	vld [tilespmem:s0+$0xE840]  }
0x2b2: {  	v2 =	vmax.f32 v7, v2;
	v7 =	vld [tilespmem:s0+$0xE050]  }
0x2b3: {  	[tilespmem:$0x1FCF0] =	vst v61;
	v61 =	vld [tilespmem:s0+$0xD820]  }
0x2b4: {  	v5 =	vmax.f32 v5, v22;
	v22 =	vld [tilespmem:s0+$0xF040]  }
0x2b5: {  	v2 =	vmax.f32 v2, v16;
	v16 =	vld [tilespmem:s0+$0xE850]  }
0x2b6: {  	v3 =	vmax.f32 v3, v4;
	v4 =	vmax.f32 v9, v10;
	v10 =	vld [tilespmem:s0+$0xE060]  }
0x2b7: {  	v9 =	vmax.f32 v13, v14;
	v13 =	vld [tilespmem:s0+$0xE820]  }
0x2b8: {  	[tilespmem:$0x1FD00] =	vst v61;
	v61 =	vld [tilespmem:s0+$0xD830]  }
0x2b9: {  	v14 =	vld [tilespmem:s0+$0xE830]  }
0x2ba: {  	v5 =	vmax.f32 v5, v29;
	v2 =	vmax.f32 v2, v23;
	v23 =	vld [tilespmem:s0+$0xF050]  }
0x2bb: {  	v5 =	vmax.f32 v5, v36;
	v36 =	vld [tilespmem:$0x1FC60]  }
0x2bc: {  	v1 =	vmax.f32 v1, v8;
	v8 =	vmax.f32 v11, v12;
	v11 =	vld [tilespmem:s0+$0xE800]  }
0x2bd: {  	[tilespmem:$0x1FD10] =	vst v61;
	v61 =	vld [tilespmem:s0+$0xD840]  }
0x2be: {  	v12 =	vld [tilespmem:s0+$0xE810]  }
0x2bf: {  	v3 =	vmax.f32 v3, v17;
	v17 =	vld [tilespmem:s0+$0xE860]  }
0x2c0: {  	v4 =	vmax.f32 v4, v19;
	v19 =	vld [tilespmem:s0+$0xF010]  }
0x2c1: {  	v9 =	vmax.f32 v9, v21;
	v21 =	vld [tilespmem:s0+$0xF030]  }
0x2c2: {  	[tilespmem:$0x1FD20] =	vst v61;
	v61 =	vld [tilespmem:s0+$0xD850]  }
0x2c3: {  	v1 =	vmax.f32 v1, v18;
	v18 =	vld [tilespmem:s0+$0xF000]  }
0x2c4: {  	v8 =	vmax.f32 v8, v20;
	v20 =	vld [tilespmem:s0+$0xF020]  }
0x2c5: {  	v2 =	vmax.f32 v2, v30;
	v3 =	vmax.f32 v3, v24;
	v24 =	vld [tilespmem:s0+$0xF060]  }
0x2c6: {  	v2 =	vmax.f32 v2, v37;
	v37 =	vld [tilespmem:s0+$0xF810]  }
0x2c7: {  	v5 =	vmax.f32 v5, v43;
	[tilespmem:$0x1FD30] =	vst v61;
	v61 =	vld [tilespmem:s0+$0xD860]  }
0x2c8: {  	v5 =	vmax.f32 v5, v50;
	v1 =	vmax.f32 v1, v25;
	v25 =	vld [tilespmem:s0+$0xF800]  }
0x2c9: {  	v4 =	vmax.f32 v4, v26;
	v3 =	vmax.f32 v3, v31;
	v5 =	vmax.f32 v5, v57;
	v57 =	vld [tilespmem:s0+$0xF860]  }
0x2ca: {  	v4 =	vmax.f32 v4, v33;
	v3 =	vmax.f32 v3, v38;
	v38 =	vld [tilespmem:$0x1FC70]  }
0x2cb: {  	v9 =	vmax.f32 v9, v28;
	v4 =	vmax.f32 v4, v40;
	v40 =	vld [tilespmem:$0x1FC90]  }
0x2cc: {  	v9 =	vmax.f32 v9, v35;
	[tilespmem:$0x1FD40] =	vst v61;
	v61 =	vld [tilespmem:s0+$0xE000]  }
0x2cd: {  	v8 =	vmax.f32 v8, v27;
	v1 =	vmax.f32 v1, v32;
	v9 =	vmax.f32 v9, v42;
	v42 =	vld [tilespmem:$0x1FCA0]  }
0x2ce: {  	v8 =	vmax.f32 v8, v34;
	v1 =	vmax.f32 v1, v39;
	v39 =	vld [tilespmem:$0x1FC80]  }
0x2cf: {  	v8 =	vmax.f32 v8, v41;
	v41 =	vld [tilespmem:s0+$0xF820]  }
0x2d0: {  	v43 =	vld [tilespmem:$0x1FCB0]  }
0x2d1: {  	[tilespmem:$0x1FD50] =	vst v61;
	v61 =	vld [tilespmem:s0+$0xE010]  }
0x2d2: {  	v2 =	vmax.f32 v2, v44;
	v44 =	vld [tilespmem:$0x1FCC0]  }
0x2d3: {  	v1 =	vmax.f32 v1, v46;
	v46 =	vld [tilespmem:$0x1FCD0]  }
0x2d4: {  	v4 =	vmax.f32 v4, v47;
	v47 =	vld [tilespmem:$0x1FCE0]  }
0x2d5: {  	v8 =	vmax.f32 v8, v48;
	v48 =	vld [tilespmem:$0x1FCF0]  }
0x2d6: {  	[tilespmem:$0x1FD60] =	vst v61;
	v61 =	vld [tilespmem:s0+$0xE020]  }
0x2d7: {  	v50 =	vld [tilespmem:$0x1FD00]  }
0x2d8: {  	v2 =	vmax.f32 v2, v51;
	v3 =	vmax.f32 v3, v45;
	v51 =	vld [tilespmem:$0x1FD10]  }
0x2d9: {  	v9 =	vmax.f32 v9, v49;
	v2 =	vmax.f32 v2, v58;
	v3 =	vmax.f32 v3, v52;
	v52 =	vld [tilespmem:$0x1FD20]  }
0x2da: {  	v4 =	vmax.f32 v4, v54;
	v9 =	vmax.f32 v9, v56;
	v1 =	vmax.f32 v1, v53;
	v54 =	vld [tilespmem:$0x1FD30]  }
0x2db: {  	v8 =	vmax.f32 v8, v55;
	v3 =	vmax.f32 v3, v59;
	v4 =	vmax.f32 v4, v36;
	[tilespmem:$0x1FD70] =	vst v61;
	v61 =	vld [tilespmem:s0+$0xE030]  }
0x2dc: {  	v9 =	vmax.f32 v9, v63;
	v1 =	vmax.f32 v1, v60;
	v8 =	vmax.f32 v8, v62;
	v55 =	vld [tilespmem:$0x1FD40]  }
0x2dd: {  	v5 =	vmax.f32 v5, v38;
	v3 =	vmax.f32 v3, v40;
	v1 =	vmax.f32 v1, v42;
	v56 =	vld [tilespmem:$0x1FD50]  }
0x2de: {  	v2 =	vmax.f32 v2, v39;
	v4 =	vmax.f32 v4, v43;
	v8 =	vmax.f32 v8, v44;
	v58 =	vld [tilespmem:$0x1FD60]  }
0x2df: {  	v45 =	vld [tilespmem:s0+$0xF830];
	v9 =	vmax.f32 v9, v46;
	v5 =	vmax.f32 v5, v47;
	v4 =	vmax.f32 v4, v52  }
0x2e0: {  	v2 =	vmax.f32 v2, v48;
	v3 =	vmax.f32 v3, v50;
	v4 =	vmax.f32 v4, v6;
	v59 =	vld [tilespmem:$0x1FD70];
	[tilespmem:$0x1FD80] =	vst v61  }
0x2e1: {  	v1 =	vmax.f32 v1, v51;
	v4 =	vmax.f32 v4, v15;
	v8 =	vmax.f32 v8, v54;
	v60 =	vld [tilespmem:$0x1FD80]  }
0x2e2: {  	v49 =	vld [tilespmem:s0+$0xF840];
	v4 =	vmax.f32 v4, v22;
	v6 =	vmax.f32 v8, v7;
	v5 =	vmax.f32 v5, v56  }
0x2e3: {  	v9 =	vmax.f32 v9, v55;
	v5 =	vmax.f32 v5, v11;
	v2 =	vmax.f32 v2, v58;
	v61 =	vld [tilespmem:s0+$0x10000]  }
0x2e4: {  	v53 =	vld [tilespmem:s0+$0xF850];
	v7 =	vmax.f32 v9, v10;
	v8 =	vmax.f32 v2, v12;
	v2 =	vmax.f32 v5, v18  }
0x2e5: {  	v10 =	vld [tilespmem:s0+$0x10010];
	v5 =	vmax.f32 v6, v16;
	v6 =	vmax.f32 v7, v17;
	v7 =	vmax.f32 v2, v25  }
0x2e6: {  	v11 =	vld [tilespmem:s0+$0x10020];
	v8 =	vmax.f32 v8, v19;
	v3 =	vmax.f32 v3, v59;
	v1 =	vmax.f32 v1, v60  }
0x2e7: {  	v5 =	vmax.f32 v5, v23;
	v3 =	vmax.f32 v3, v13;
	v9 =	vmax.f32 v1, v14;
	v1 =	vld [tilespmem:s0+$0x10030]  }
0x2e8: {  	v2 =	vld [tilespmem:s0+$0x10040];
	v63 =	vmax.f32 v6, v24;
	v62 =	vmax.f32 v3, v20;
	v7 =	vmax.f32 v7, v61  }
0x2e9: {  	v3 =	vld [tilespmem:s0+$0x10050];
	v12 =	vmax.f32 v62, v41;
	[tilespmem:s0+$0x11000] =	vst v7;
	v7 =	vmax.f32 v8, v37;
	v8 =	vmax.f32 v4, v49  }
0x2ea: {  	s8 =	simm.s32 $0x80;
	v6 =	vld [tilespmem:s0+$0x10060];
	v10 =	vmax.f32 v7, v10;
	v7 =	vmax.f32 v5, v53;
	v9 =	vmax.f32 v9, v21  }
0x2eb: {  	s1 =	simm.s32 $0x400;
	v4 =	vld [tilespmem:s8+$0x8870];
	v5 =	vmax.f32 v63, v57;
	[tilespmem:s0+$0x11010] =	vst v10;
	v10 =	vmax.f32 v12, v11;
	v9 =	vmax.f32 v9, v45  }
.LBB2_9:
0x2ec: {  	p0 =	sne.s32 s1, $0x1E00;
	v11 =	vld [tilespmem:s8+$0x9070];
	[tilespmem:s0+$0x11020] =	vst v10;
	v1 =	vmax.f32 v9, v1  }
0x2ed: {  	v9 =	vld [tilespmem:s8+$0x9870];
	[tilespmem:s0+$0x11030] =	vst v1;
	v1 =	vmax.f32 v8, v2  }
0x2ee: {  	v2 =	vld [tilespmem:s8+$0xA070];
	[tilespmem:s0+$0x11040] =	vst v1;
	v1 =	vmax.f32 v7, v3  }
0x2ef: {  	v3 =	vld [tilespmem:s8+$0xA870];
	[tilespmem:s0+$0x11050] =	vst v1;
	v1 =	vmax.f32 v5, v6  }
0x2f0: {  	v5 =	vld [tilespmem:s8+$0xB070];
	[tilespmem:s0+$0x11060] =	vst v1;
	s0 =	smov.u32 s8  }
0x2f1: {  	v1 =	vmax.f32 v4, v11;
	v4 =	vld [tilespmem:s0+$0xB870]  }
0x2f2: {  	v1 =	vmax.f32 v1, v9;
	v6 =	vld [tilespmem:s0+$0xC070]  }
0x2f3: {  	v1 =	vmax.f32 v1, v2;
	v2 =	vld [tilespmem:s0+$0xC870]  }
0x2f4: {  	v1 =	vmax.f32 v1, v3;
	v3 =	vld [tilespmem:s0+$0xD070]  }
0x2f5: {  	v1 =	vmax.f32 v1, v5;
	v5 =	vld [tilespmem:s0+$0xD870]  }
0x2f6: {  	v1 =	vmax.f32 v1, v4;
	v4 =	vld [tilespmem:s0+$0xE070]  }
0x2f7: {  	v1 =	vmax.f32 v1, v6;
	v6 =	vld [tilespmem:s0+$0xE870]  }
0x2f8: {  	v1 =	vmax.f32 v1, v2;
	v2 =	vld [tilespmem:s0+$0xF070]  }
0x2f9: {  	v1 =	vmax.f32 v1, v3;
	v3 =	vld [tilespmem:s0+$0xF870]  }
0x2fa: {  	v1 =	vmax.f32 v1, v5;
	v5 =	vld [tilespmem:s0+$0x10070]  }
0x2fb: {  	v7 =	vld [tilespmem:s0+$0x8800];
	v1 =	vmax.f32 v1, v4  }
0x2fc: {  	v4 =	vld [tilespmem:s0+$0x9000];
	v1 =	vmax.f32 v1, v6  }
0x2fd: {  	v6 =	vld [tilespmem:s0+$0x8810];
	v1 =	vmax.f32 v1, v2  }
0x2fe: {  	v2 =	vld [tilespmem:s0+$0x9010];
	v1 =	vmax.f32 v1, v3  }
0x2ff: {  	v3 =	vld [tilespmem:s0+$0x8820];
	v1 =	vmax.f32 v1, v5  }
0x300: {  	v5 =	vld [tilespmem:s0+$0x9020];
	[tilespmem:s0+$0x11070] =	vst v1  }
0x301: {  	v1 =	vmax.f32 v7, v4;
	v4 =	vld [tilespmem:s0+$0x8830]  }
0x302: {  	v7 =	vld [tilespmem:s0+$0x9030]  }
0x303: {  	v2 =	vmax.f32 v6, v2;
	v6 =	vld [tilespmem:s0+$0x8840]  }
0x304: {  	v8 =	vld [tilespmem:s0+$0x9040]  }
0x305: {  	v3 =	vmax.f32 v3, v5;
	v5 =	vld [tilespmem:s0+$0x8850]  }
0x306: {  	v9 =	vld [tilespmem:s0+$0x9050]  }
0x307: {  	v4 =	vmax.f32 v4, v7;
	v7 =	vld [tilespmem:s0+$0x8860]  }
0x308: {  	v10 =	vld [tilespmem:s0+$0x9060]  }
0x309: {  	v11 =	vld [tilespmem:s0+$0x9800];
	v6 =	vmax.f32 v6, v8  }
0x30a: {  	v8 =	vld [tilespmem:s0+$0x9810]  }
0x30b: {  	v12 =	vld [tilespmem:s0+$0x9820];
	v5 =	vmax.f32 v5, v9  }
0x30c: {  	v9 =	vld [tilespmem:s0+$0x9830]  }
0x30d: {  	v13 =	vld [tilespmem:s0+$0x9840];
	v7 =	vmax.f32 v7, v10  }
0x30e: {  	v1 =	vmax.f32 v1, v11;
	v10 =	vld [tilespmem:s0+$0x9850]  }
0x30f: {  	v2 =	vmax.f32 v2, v8;
	v8 =	vld [tilespmem:s0+$0x9860]  }
0x310: {  	v11 =	vld [tilespmem:s0+$0xA000];
	v3 =	vmax.f32 v3, v12  }
0x311: {  	v12 =	vld [tilespmem:s0+$0xA010];
	v4 =	vmax.f32 v4, v9  }
0x312: {  	v9 =	vld [tilespmem:s0+$0xA020];
	v6 =	vmax.f32 v6, v13  }
0x313: {  	v13 =	vld [tilespmem:s0+$0xA030];
	v5 =	vmax.f32 v5, v10  }
0x314: {  	v10 =	vld [tilespmem:s0+$0xA040];
	v7 =	vmax.f32 v7, v8  }
0x315: {  	v1 =	vmax.f32 v1, v11;
	v8 =	vld [tilespmem:s0+$0xA050]  }
0x316: {  	v2 =	vmax.f32 v2, v12;
	v11 =	vld [tilespmem:s0+$0xA060]  }
0x317: {  	v12 =	vld [tilespmem:s0+$0xA800];
	v3 =	vmax.f32 v3, v9  }
0x318: {  	v9 =	vld [tilespmem:s0+$0xA810];
	v4 =	vmax.f32 v4, v13  }
0x319: {  	v13 =	vld [tilespmem:s0+$0xA820];
	v6 =	vmax.f32 v6, v10  }
0x31a: {  	v10 =	vld [tilespmem:s0+$0xA830];
	v5 =	vmax.f32 v5, v8  }
0x31b: {  	v8 =	vld [tilespmem:s0+$0xA840];
	v7 =	vmax.f32 v7, v11  }
0x31c: {  	v1 =	vmax.f32 v1, v12;
	v11 =	vld [tilespmem:s0+$0xA850]  }
0x31d: {  	v2 =	vmax.f32 v2, v9;
	v9 =	vld [tilespmem:s0+$0xA860]  }
0x31e: {  	v12 =	vld [tilespmem:s0+$0xB000];
	v3 =	vmax.f32 v3, v13  }
0x31f: {  	v13 =	vld [tilespmem:s0+$0xB010];
	v4 =	vmax.f32 v4, v10  }
0x320: {  	v10 =	vld [tilespmem:s0+$0xB020];
	v6 =	vmax.f32 v6, v8  }
0x321: {  	v8 =	vld [tilespmem:s0+$0xB030];
	v5 =	vmax.f32 v5, v11  }
0x322: {  	v11 =	vld [tilespmem:s0+$0xB040];
	v7 =	vmax.f32 v7, v9  }
0x323: {  	v1 =	vmax.f32 v1, v12;
	v9 =	vld [tilespmem:s0+$0xB050]  }
0x324: {  	v2 =	vmax.f32 v2, v13;
	v12 =	vld [tilespmem:s0+$0xB060]  }
0x325: {  	v13 =	vld [tilespmem:s0+$0xB800];
	v3 =	vmax.f32 v3, v10  }
0x326: {  	v10 =	vld [tilespmem:s0+$0xB810];
	v4 =	vmax.f32 v4, v8  }
0x327: {  	v8 =	vld [tilespmem:s0+$0xB820];
	v6 =	vmax.f32 v6, v11  }
0x328: {  	v11 =	vld [tilespmem:s0+$0xB830];
	v5 =	vmax.f32 v5, v9  }
0x329: {  	v9 =	vld [tilespmem:s0+$0xB840];
	v7 =	vmax.f32 v7, v12  }
0x32a: {  	v1 =	vmax.f32 v1, v13;
	v12 =	vld [tilespmem:s0+$0xB850]  }
0x32b: {  	v2 =	vmax.f32 v2, v10;
	v10 =	vld [tilespmem:s0+$0xB860]  }
0x32c: {  	v13 =	vld [tilespmem:s0+$0xC000];
	v3 =	vmax.f32 v3, v8  }
0x32d: {  	v8 =	vld [tilespmem:s0+$0xC010];
	v4 =	vmax.f32 v4, v11  }
0x32e: {  	v11 =	vld [tilespmem:s0+$0xC020];
	v6 =	vmax.f32 v6, v9  }
0x32f: {  	v9 =	vld [tilespmem:s0+$0xC030];
	v5 =	vmax.f32 v5, v12  }
0x330: {  	v12 =	vld [tilespmem:s0+$0xC040];
	v7 =	vmax.f32 v7, v10  }
0x331: {  	v1 =	vmax.f32 v1, v13;
	v10 =	vld [tilespmem:s0+$0xC050]  }
0x332: {  	v2 =	vmax.f32 v2, v8;
	v8 =	vld [tilespmem:s0+$0xC060]  }
0x333: {  	v13 =	vld [tilespmem:s0+$0xC800];
	v3 =	vmax.f32 v3, v11  }
0x334: {  	v11 =	vld [tilespmem:s0+$0xC810];
	v4 =	vmax.f32 v4, v9  }
0x335: {  	v9 =	vld [tilespmem:s0+$0xC820];
	v6 =	vmax.f32 v6, v12  }
0x336: {  	v12 =	vld [tilespmem:s0+$0xC830];
	v5 =	vmax.f32 v5, v10  }
0x337: {  	v10 =	vld [tilespmem:s0+$0xC840];
	v7 =	vmax.f32 v7, v8  }
0x338: {  	v1 =	vmax.f32 v1, v13;
	v8 =	vld [tilespmem:s0+$0xC850]  }
0x339: {  	v2 =	vmax.f32 v2, v11;
	v11 =	vld [tilespmem:s0+$0xC860]  }
0x33a: {  	v13 =	vld [tilespmem:s0+$0xD000];
	v3 =	vmax.f32 v3, v9  }
0x33b: {  	v9 =	vld [tilespmem:s0+$0xD010];
	v4 =	vmax.f32 v4, v12  }
0x33c: {  	v12 =	vld [tilespmem:s0+$0xD020];
	v6 =	vmax.f32 v6, v10  }
0x33d: {  	v10 =	vld [tilespmem:s0+$0xD030];
	v5 =	vmax.f32 v5, v8  }
0x33e: {  	v8 =	vld [tilespmem:s0+$0xD040];
	v7 =	vmax.f32 v7, v11  }
0x33f: {  	v1 =	vmax.f32 v1, v13;
	v11 =	vld [tilespmem:s0+$0xD050]  }
0x340: {  	v2 =	vmax.f32 v2, v9;
	v9 =	vld [tilespmem:s0+$0xD060]  }
0x341: {  	v13 =	vld [tilespmem:s0+$0xD800];
	v3 =	vmax.f32 v3, v12  }
0x342: {  	v12 =	vld [tilespmem:s0+$0xD810];
	v4 =	vmax.f32 v4, v10  }
0x343: {  	v10 =	vld [tilespmem:s0+$0xD820];
	v6 =	vmax.f32 v6, v8  }
0x344: {  	v8 =	vld [tilespmem:s0+$0xD830];
	v5 =	vmax.f32 v5, v11  }
0x345: {  	v11 =	vld [tilespmem:s0+$0xD840];
	v7 =	vmax.f32 v7, v9  }
0x346: {  	v1 =	vmax.f32 v1, v13;
	v9 =	vld [tilespmem:s0+$0xD850]  }
0x347: {  	v2 =	vmax.f32 v2, v12;
	v12 =	vld [tilespmem:s0+$0xD860]  }
0x348: {  	v13 =	vld [tilespmem:s0+$0xE000];
	v3 =	vmax.f32 v3, v10  }
0x349: {  	v10 =	vld [tilespmem:s0+$0xE010];
	v4 =	vmax.f32 v4, v8  }
0x34a: {  	v8 =	vld [tilespmem:s0+$0xE020];
	v6 =	vmax.f32 v6, v11  }
0x34b: {  	v11 =	vld [tilespmem:s0+$0xE030];
	v5 =	vmax.f32 v5, v9  }
0x34c: {  	v9 =	vld [tilespmem:s0+$0xE040];
	v7 =	vmax.f32 v7, v12  }
0x34d: {  	v1 =	vmax.f32 v1, v13;
	v12 =	vld [tilespmem:s0+$0xE050]  }
0x34e: {  	v2 =	vmax.f32 v2, v10;
	v10 =	vld [tilespmem:s0+$0xE060]  }
0x34f: {  	v13 =	vld [tilespmem:s0+$0xE800];
	v3 =	vmax.f32 v3, v8  }
0x350: {  	v8 =	vld [tilespmem:s0+$0xE810];
	v4 =	vmax.f32 v4, v11  }
0x351: {  	v11 =	vld [tilespmem:s0+$0xE820];
	v6 =	vmax.f32 v6, v9  }
0x352: {  	v9 =	vld [tilespmem:s0+$0xE830];
	v5 =	vmax.f32 v5, v12  }
0x353: {  	v12 =	vld [tilespmem:s0+$0xE840];
	v7 =	vmax.f32 v7, v10  }
0x354: {  	v1 =	vmax.f32 v1, v13;
	v10 =	vld [tilespmem:s0+$0xE850]  }
0x355: {  	v2 =	vmax.f32 v2, v8;
	v8 =	vld [tilespmem:s0+$0xE860]  }
0x356: {  	v13 =	vld [tilespmem:s0+$0xF000];
	v3 =	vmax.f32 v3, v11  }
0x357: {  	v11 =	vld [tilespmem:s0+$0xF010];
	v4 =	vmax.f32 v4, v9  }
0x358: {  	v9 =	vld [tilespmem:s0+$0xF020];
	v6 =	vmax.f32 v6, v12  }
0x359: {  	v12 =	vld [tilespmem:s0+$0xF030];
	v5 =	vmax.f32 v5, v10  }
0x35a: {  	v10 =	vld [tilespmem:s0+$0xF040];
	v7 =	vmax.f32 v7, v8  }
0x35b: {  	v1 =	vmax.f32 v1, v13;
	v8 =	vld [tilespmem:s0+$0xF050]  }
0x35c: {  	v2 =	vmax.f32 v2, v11;
	v11 =	vld [tilespmem:s0+$0xF060]  }
0x35d: {  	v13 =	vld [tilespmem:s0+$0xF800];
	v3 =	vmax.f32 v3, v9  }
0x35e: {  	v9 =	vld [tilespmem:s0+$0xF810];
	v4 =	vmax.f32 v4, v12  }
0x35f: {  	v12 =	vld [tilespmem:s0+$0xF820];
	v6 =	vmax.f32 v6, v10  }
0x360: {  	v10 =	vld [tilespmem:s0+$0xF830];
	v5 =	vmax.f32 v5, v8  }
0x361: {  	v8 =	vld [tilespmem:s0+$0xF840];
	v11 =	vmax.f32 v7, v11  }
0x362: {  	v13 =	vmax.f32 v1, v13;
	v7 =	vld [tilespmem:s0+$0xF850]  }
0x363: {  	v14 =	vmax.f32 v2, v9;
	v15 =	vld [tilespmem:s0+$0xF860]  }
0x364: {  	v16 =	vld [tilespmem:s0+$0x10000];
	v12 =	vmax.f32 v3, v12  }
0x365: {  	v17 =	vld [tilespmem:s0+$0x10010];
	v9 =	vmax.f32 v4, v10  }
0x366: {  	v10 =	vld [tilespmem:s0+$0x10020];
	v8 =	vmax.f32 v6, v8  }
.Ltmp4:
0x367: {  	v1 =	vld [tilespmem:s0+$0x10030];
	v7 =	vmax.f32 v5, v7;
	(pc) =	sbr.rel @p0 .LBB2_9-.Ltmp4, $4  }
0x368: {  	v2 =	vld [tilespmem:s0+$0x10040];
	v5 =	vmax.f32 v11, v15  }
0x369: {  	v4 =	vmax.f32 v13, v16;
	v3 =	vld [tilespmem:s0+$0x10050]  }
0x36a: {  	s8 =	sshra.s32 s1, $0x2;
	[tilespmem:s0+$0x11000] =	vst v4;
	v11 =	vmax.f32 v14, v17;
	v6 =	vld [tilespmem:s0+$0x10060]  }
0x36b: {  	s1 =	sadd.s32 $0x200, s1;
	v4 =	vld [tilespmem:s8+$0x8870];
	[tilespmem:s0+$0x11010] =	vst v11;
	v10 =	vmax.f32 v12, v10  }
0x36c: {  	v11 =	vld [tilespmem:s8+$0x9070];
	[tilespmem:s0+$0x11020] =	vst v10;
	v1 =	vmax.f32 v9, v1  }
0x36d: {  	v53 =	vld [tilespmem:s8+$0x9870];
	[tilespmem:s0+$0x11030] =	vst v1;
	v1 =	vmax.f32 v8, v2  }
0x36e: {  	v2 =	vld [tilespmem:s8+$0xA070];
	[tilespmem:s0+$0x11040] =	vst v1;
	v1 =	vmax.f32 v7, v3  }
0x36f: {  	v3 =	vld [tilespmem:s8+$0xA870];
	[tilespmem:s0+$0x11050] =	vst v1;
	v1 =	vmax.f32 v5, v6  }
0x370: {  	v54 =	vld [tilespmem:s8+$0xB070];
	[tilespmem:s0+$0x11060] =	vst v1  }
0x371: {  	v1 =	vld [tilespmem:s8+$0xB870]  }
0x372: {  	v55 =	vld [tilespmem:s8+$0xC070]  }
0x373: {  	v56 =	vld [tilespmem:s8+$0xC870]  }
0x374: {  	v57 =	vld [tilespmem:s8+$0xD070]  }
0x375: {  	v58 =	vld [tilespmem:s8+$0xE070]  }
0x376: {  	v59 =	vld [tilespmem:s8+$0xF070]  }
0x377: {  	v60 =	vld [tilespmem:s8+$0xF870]  }
0x378: {  	v61 =	vld [tilespmem:s8+$0x10070]  }
0x379: {  	v5 =	vld [tilespmem:s8+$0x9000]  }
0x37a: {  	v6 =	vld [tilespmem:s8+$0x9010]  }
0x37b: {  	v7 =	vld [tilespmem:s8+$0x8820]  }
0x37c: {  	v8 =	vld [tilespmem:s8+$0x9030]  }
0x37d: {  	v9 =	vld [tilespmem:s8+$0x8840]  }
0x37e: {  	v10 =	vld [tilespmem:s8+$0x9040]  }
0x37f: {  	v4 =	vmax.f32 v4, v11;
	v11 =	vld [tilespmem:s8+$0x8850]  }
0x380: {  	v12 =	vld [tilespmem:s8+$0x9050]  }
0x381: {  	v13 =	vld [tilespmem:s8+$0x8860]  }
0x382: {  	v14 =	vld [tilespmem:s8+$0x9060]  }
0x383: {  	v15 =	vld [tilespmem:s8+$0x9800]  }
0x384: {  	v16 =	vld [tilespmem:s8+$0x9810]  }
0x385: {  	v17 =	vld [tilespmem:s8+$0x9820]  }
0x386: {  	v62 =	vld [tilespmem:s8+$0xC850]  }
0x387: {  	v18 =	vld [tilespmem:s8+$0x9830]  }
0x388: {  	v19 =	vld [tilespmem:s8+$0x9840]  }
0x389: {  	v20 =	vld [tilespmem:s8+$0x9850]  }
0x38a: {  	v21 =	vld [tilespmem:s8+$0x9860]  }
0x38b: {  	[tilespmem:$0x1FB20] =	vst v62;
	v62 =	vld [tilespmem:s8+$0xD000]  }
0x38c: {  	v22 =	vld [tilespmem:s8+$0xA000]  }
0x38d: {  	v23 =	vld [tilespmem:s8+$0xA010]  }
0x38e: {  	v24 =	vld [tilespmem:s8+$0xA020]  }
0x38f: {  	v25 =	vld [tilespmem:s8+$0xA030]  }
0x390: {  	[tilespmem:$0x1FB30] =	vst v62;
	v62 =	vld [tilespmem:s8+$0xD010]  }
0x391: {  	v26 =	vld [tilespmem:s8+$0xA040]  }
0x392: {  	v27 =	vld [tilespmem:s8+$0xA050]  }
0x393: {  	v28 =	vld [tilespmem:s8+$0xA060]  }
0x394: {  	v29 =	vld [tilespmem:s8+$0xA800]  }
0x395: {  	[tilespmem:$0x1FB40] =	vst v62;
	v62 =	vld [tilespmem:s8+$0xD020]  }
0x396: {  	v30 =	vld [tilespmem:s8+$0xA810]  }
0x397: {  	v31 =	vld [tilespmem:s8+$0xA820]  }
0x398: {  	v32 =	vld [tilespmem:s8+$0xA830]  }
0x399: {  	v33 =	vld [tilespmem:s8+$0xA840]  }
0x39a: {  	[tilespmem:$0x1FB50] =	vst v62;
	v62 =	vld [tilespmem:s8+$0xD030]  }
0x39b: {  	v34 =	vld [tilespmem:s8+$0xA850]  }
0x39c: {  	v35 =	vld [tilespmem:s8+$0xA860]  }
0x39d: {  	v36 =	vld [tilespmem:s8+$0xB000]  }
0x39e: {  	v37 =	vld [tilespmem:s8+$0xB010]  }
0x39f: {  	[tilespmem:$0x1FB60] =	vst v62;
	v62 =	vld [tilespmem:s8+$0xD040]  }
0x3a0: {  	v38 =	vld [tilespmem:s8+$0xB020]  }
0x3a1: {  	v39 =	vld [tilespmem:s8+$0xB030]  }
0x3a2: {  	v40 =	vld [tilespmem:s8+$0xB040]  }
0x3a3: {  	v41 =	vld [tilespmem:s8+$0xB050]  }
0x3a4: {  	[tilespmem:$0x1FB70] =	vst v62;
	v62 =	vld [tilespmem:s8+$0xD050]  }
0x3a5: {  	v42 =	vld [tilespmem:s8+$0xB060]  }
0x3a6: {  	v43 =	vld [tilespmem:s8+$0xB800]  }
0x3a7: {  	v44 =	vld [tilespmem:s8+$0xB810]  }
0x3a8: {  	v45 =	vld [tilespmem:s8+$0xB820]  }
0x3a9: {  	[tilespmem:$0x1FB80] =	vst v62;
	v62 =	vld [tilespmem:s8+$0xD060]  }
0x3aa: {  	v46 =	vld [tilespmem:s8+$0xB830]  }
0x3ab: {  	v47 =	vld [tilespmem:s8+$0xB840]  }
0x3ac: {  	v48 =	vld [tilespmem:s8+$0xB850]  }
0x3ad: {  	v49 =	vld [tilespmem:s8+$0xB860]  }
0x3ae: {  	[tilespmem:$0x1FB90] =	vst v62;
	v62 =	vld [tilespmem:s8+$0xD800]  }
0x3af: {  	v50 =	vld [tilespmem:s8+$0xC000]  }
0x3b0: {  	v51 =	vld [tilespmem:s8+$0xC010]  }
0x3b1: {  	v52 =	vld [tilespmem:s8+$0xC020]  }
0x3b2: {  	v63 =	vld [tilespmem:s8+$0xC860]  }
0x3b3: {  	[tilespmem:$0x1FBA0] =	vst v62;
	v62 =	vld [tilespmem:s8+$0xD810]  }
0x3b4: {  	v4 =	vmax.f32 v4, v53;
	v53 =	vld [tilespmem:s8+$0xC030]  }
0x3b5: {  	v2 =	vmax.f32 v4, v2;
	v4 =	vld [tilespmem:s8+$0x9020]  }
0x3b6: {  	v2 =	vmax.f32 v2, v3;
	v3 =	vld [tilespmem:s8+$0xD870]  }
0x3b7: {  	v2 =	vmax.f32 v2, v54;
	v54 =	vld [tilespmem:s8+$0xC040]  }
0x3b8: {  	[tilespmem:$0x1FBB0] =	vst v62;
	v62 =	vld [tilespmem:s8+$0xD820]  }
0x3b9: {  	v1 =	vmax.f32 v2, v1;
	v2 =	vld [tilespmem:s8+$0xE870]  }
0x3ba: {  	v12 =	vmax.f32 v11, v12;
	v11 =	vld [tilespmem:s8+$0xE810]  }
0x3bb: {  	v14 =	vmax.f32 v13, v14;
	v13 =	vld [tilespmem:s8+$0xE830]  }
0x3bc: {  	v1 =	vmax.f32 v1, v55;
	v55 =	vld [tilespmem:s8+$0xC050]  }
0x3bd: {  	[tilespmem:$0x1FBC0] =	vst v62;
	v62 =	vld [tilespmem:s8+$0xD830]  }
0x3be: {  	v1 =	vmax.f32 v1, v56;
	v56 =	vld [tilespmem:s8+$0xC060]  }
0x3bf: {  	v4 =	vmax.f32 v7, v4;
	v7 =	vmax.f32 v12, v20;
	v12 =	vld [tilespmem:s8+$0xE820]  }
0x3c0: {  	v20 =	vld [tilespmem:s8+$0xF030]  }
0x3c1: {  	v1 =	vmax.f32 v1, v57;
	v57 =	vld [tilespmem:s8+$0xC800]  }
0x3c2: {  	[tilespmem:$0x1FBD0] =	vst v62;
	v62 =	vld [tilespmem:s8+$0xD840]  }
0x3c3: {  	v4 =	vmax.f32 v4, v17;
	v17 =	vld [tilespmem:s8+$0xF000]  }
0x3c4: {  	v1 =	vmax.f32 v1, v3;
	v3 =	vld [tilespmem:s8+$0x8800]  }
0x3c5: {  	v4 =	vmax.f32 v4, v24;
	v24 =	vld [tilespmem:s8+$0xF800]  }
0x3c6: {  	v7 =	vmax.f32 v7, v27;
	v1 =	vmax.f32 v1, v58;
	v58 =	vld [tilespmem:s8+$0xC810]  }
0x3c7: {  	v7 =	vmax.f32 v7, v34;
	[tilespmem:$0x1FBE0] =	vst v62;
	v62 =	vld [tilespmem:s8+$0xD850]  }
0x3c8: {  	v7 =	vmax.f32 v7, v41;
	v1 =	vmax.f32 v1, v2;
	v2 =	vld [tilespmem:s8+$0x8810]  }
0x3c9: {  	v7 =	vmax.f32 v7, v48;
	v48 =	vld [tilespmem:s8+$0xF860]  }
0x3ca: {  	v4 =	vmax.f32 v4, v31;
	v1 =	vmax.f32 v1, v59;
	v59 =	vld [tilespmem:s8+$0xC820]  }
0x3cb: {  	v4 =	vmax.f32 v4, v38;
	v1 =	vmax.f32 v1, v60;
	v60 =	vld [tilespmem:s8+$0xC830]  }
0x3cc: {  	v4 =	vmax.f32 v4, v45;
	[tilespmem:$0x1FBF0] =	vst v62;
	v62 =	vld [tilespmem:s8+$0xD860]  }
0x3cd: {  	v4 =	vmax.f32 v4, v52;
	v52 =	vld [tilespmem:s8+$0x10000]  }
0x3ce: {  	v1 =	vmax.f32 v1, v61;
	v61 =	vld [tilespmem:s8+$0xC840]  }
0x3cf: {  	v3 =	vmax.f32 v3, v5;
	v5 =	vld [tilespmem:s8+$0xE050]  }
0x3d0: {  	[tilespmem:s8+$0x11070] =	vst v1;
	v1 =	vld [tilespmem:s8+$0x8830]  }
0x3d1: {  	[tilespmem:$0x1FC00] =	vst v62;
	v62 =	vld [tilespmem:s8+$0xE000]  }
0x3d2: {  	v3 =	vmax.f32 v3, v15;
	v15 =	vld [tilespmem:s8+$0xE850]  }
0x3d3: {  	v2 =	vmax.f32 v2, v6;
	v3 =	vmax.f32 v3, v22;
	v22 =	vld [tilespmem:s8+$0xF050]  }
0x3d4: {  	v2 =	vmax.f32 v2, v16;
	v16 =	vld [tilespmem:s8+$0xE860]  }
0x3d5: {  	v4 =	vmax.f32 v4, v59;
	v59 =	vld [tilespmem:s8+$0x10030]  }
0x3d6: {  	[tilespmem:$0x1FC10] =	vst v62;
	v62 =	vld [tilespmem:s8+$0xE010]  }
0x3d7: {  	v3 =	vmax.f32 v3, v29;
	v2 =	vmax.f32 v2, v23;
	v23 =	vld [tilespmem:s8+$0xF060]  }
0x3d8: {  	v3 =	vmax.f32 v3, v36;
	v36 =	vld [tilespmem:s8+$0xF830]  }
0x3d9: {  	v1 =	vmax.f32 v1, v8;
	v8 =	vld [tilespmem:s8+$0xE060]  }
0x3da: {  	v1 =	vmax.f32 v1, v18;
	v18 =	vld [tilespmem:s8+$0xF010]  }
0x3db: {  	[tilespmem:$0x1FC20] =	vst v62;
	v62 =	vld [tilespmem:s8+$0xE020]  }
0x3dc: {  	v34 =	vld [tilespmem:$0x1FB50]  }
0x3dd: {  	v2 =	vmax.f32 v2, v30;
	v1 =	vmax.f32 v1, v25;
	v25 =	vld [tilespmem:s8+$0xF810]  }
0x3de: {  	v2 =	vmax.f32 v2, v37;
	v37 =	vld [tilespmem:$0x1FB70]  }
0x3df: {  	v38 =	vld [tilespmem:$0x1FB80]  }
0x3e0: {  	v1 =	vmax.f32 v1, v32;
	[tilespmem:$0x1FC30] =	vst v62;
	v62 =	vld [tilespmem:s8+$0xE030]  }
0x3e1: {  	v1 =	vmax.f32 v1, v39;
	v39 =	vld [tilespmem:$0x1FB90]  }
0x3e2: {  	v41 =	vld [tilespmem:$0x1FBA0]  }
0x3e3: {  	v3 =	vmax.f32 v3, v43;
	v43 =	vld [tilespmem:$0x1FBC0]  }
0x3e4: {  	v45 =	vld [tilespmem:$0x1FBD0]  }
0x3e5: {  	[tilespmem:$0x1FC40] =	vst v62;
	v62 =	vld [tilespmem:s8+$0xE040]  }
0x3e6: {  	v1 =	vmax.f32 v1, v46;
	v46 =	vld [tilespmem:$0x1FBE0]  }
0x3e7: {  	v3 =	vmax.f32 v3, v50;
	v2 =	vmax.f32 v2, v44;
	v50 =	vld [tilespmem:$0x1FC10]  }
0x3e8: {  	v2 =	vmax.f32 v2, v51;
	v51 =	vld [tilespmem:$0x1FC20]  }
0x3e9: {  	v1 =	vmax.f32 v1, v53;
	v53 =	vld [tilespmem:$0x1FC30]  }
0x3ea: {  	[tilespmem:$0x1FC50] =	vst v62;
	v62 =	vmax.f32 v9, v10;
	v10 =	vld [tilespmem:s8+$0xE800]  }
0x3eb: {  	v9 =	vmax.f32 v14, v21;
	v14 =	vld [tilespmem:s8+$0xE840]  }
0x3ec: {  	v7 =	vmax.f32 v7, v55;
	v21 =	vld [tilespmem:s8+$0xF040]  }
0x3ed: {  	v3 =	vmax.f32 v3, v57;
	v2 =	vmax.f32 v2, v58;
	v6 =	vmax.f32 v62, v19;
	v19 =	vld [tilespmem:s8+$0xF020]  }
0x3ee: {  	v4 =	vmax.f32 v4, v34;
	v9 =	vmax.f32 v9, v28;
	v62 =	vld [tilespmem:$0x1FB30];
	v6 =	vmax.f32 v6, v26  }
0x3ef: {  	v1 =	vmax.f32 v1, v60;
	v9 =	vmax.f32 v9, v35;
	v35 =	vld [tilespmem:$0x1FB60];
	v6 =	vmax.f32 v6, v33  }
0x3f0: {  	v4 =	vmax.f32 v4, v43;
	v9 =	vmax.f32 v9, v42;
	v33 =	vld [tilespmem:$0x1FB40];
	v6 =	vmax.f32 v6, v40  }
0x3f1: {  	v4 =	vmax.f32 v4, v53;
	v42 =	vld [tilespmem:$0x1FBB0];
	v9 =	vmax.f32 v9, v49;
	v6 =	vmax.f32 v6, v47  }
0x3f2: {  	v4 =	vmax.f32 v4, v12;
	v49 =	vld [tilespmem:$0x1FC00];
	v9 =	vmax.f32 v9, v56;
	v6 =	vmax.f32 v6, v54  }
0x3f3: {  	v55 =	vld [tilespmem:$0x1FC50];
	v9 =	vmax.f32 v9, v63;
	v3 =	vmax.f32 v3, v62;
	v4 =	vmax.f32 v4, v19  }
0x3f4: {  	v54 =	vld [tilespmem:$0x1FC40];
	v6 =	vmax.f32 v6, v61;
	v1 =	vmax.f32 v1, v35;
	v9 =	vmax.f32 v9, v39  }
0x3f5: {  	v61 =	vld [tilespmem:$0x1FB20];
	v3 =	vmax.f32 v3, v41;
	v2 =	vmax.f32 v2, v33;
	v6 =	vmax.f32 v6, v37  }
0x3f6: {  	v40 =	vld [tilespmem:s8+$0xF840];
	v1 =	vmax.f32 v1, v45;
	v3 =	vmax.f32 v3, v50;
	v2 =	vmax.f32 v2, v42  }
0x3f7: {  	v47 =	vld [tilespmem:$0x1FBF0];
	v6 =	vmax.f32 v6, v46;
	v9 =	vmax.f32 v9, v49;
	v3 =	vmax.f32 v3, v10  }
0x3f8: {  	v63 =	vld [tilespmem:s8+$0xF820];
	v2 =	vmax.f32 v2, v51;
	v6 =	vmax.f32 v6, v55;
	v57 =	vmax.f32 v9, v8  }
0x3f9: {  	v56 =	vld [tilespmem:s8+$0x10010];
	v3 =	vmax.f32 v3, v17;
	v1 =	vmax.f32 v1, v54;
	v2 =	vmax.f32 v2, v11  }
0x3fa: {  	v58 =	vld [tilespmem:s8+$0x10020];
	v6 =	vmax.f32 v6, v14;
	v3 =	vmax.f32 v3, v24;
	v7 =	vmax.f32 v7, v61  }
0x3fb: {  	v44 =	vld [tilespmem:s8+$0xF850];
	v1 =	vmax.f32 v1, v13;
	v2 =	vmax.f32 v2, v18;
	v3 =	vmax.f32 v3, v52  }
0x3fc: {  	v60 =	vld [tilespmem:s8+$0x10040];
	v6 =	vmax.f32 v6, v21;
	v7 =	vmax.f32 v7, v38;
	v2 =	vmax.f32 v2, v25  }
0x3fd: {  	v61 =	vld [tilespmem:s8+$0x10050];
	[tilespmem:s8+$0x11000] =	vst v3;
	v1 =	vmax.f32 v1, v20;
	v3 =	vmax.f32 v4, v63;
	v7 =	vmax.f32 v7, v47  }
0x3fe: {  	v62 =	vld [tilespmem:s8+$0x10060];
	v63 =	vmax.f32 v6, v40;
	v2 =	vmax.f32 v2, v56;
	v5 =	vmax.f32 v7, v5  }
0x3ff: {  	s30 =	sadd.s32 $0x1, s30;
	v1 =	vmax.f32 v1, v36;
	[tilespmem:s8+$0x11010] =	vst v2;
	v2 =	vmax.f32 v3, v58;
	v5 =	vmax.f32 v5, v15  }
0x400: {  	p0 =	sne.s32 s30, $0x10;
	v7 =	vmax.f32 v57, v16;
	v1 =	vmax.f32 v1, v59;
	[tilespmem:s8+$0x11020] =	vst v2;
	v3 =	vmax.f32 v5, v22  }
.Ltmp5:
0x401: {  	v2 =	vmax.f32 v7, v23;
	[tilespmem:s8+$0x11030] =	vst v1;
	v1 =	vmax.f32 v63, v60;
	v3 =	vmax.f32 v3, v44;
	(pc) =	sbr.rel @p0 .LBB2_2-.Ltmp5, $4  }
0x402: {  	s31 =	sadd.s32 s5, s31;
	v2 =	vmax.f32 v2, v48;
	[tilespmem:s8+$0x11040] =	vst v1;
	v1 =	vmax.f32 v3, v61  }
0x403: {  	s0 =	sshll.u32 s31, $0x3;
	[tilespmem:s8+$0x11050] =	vst v1;
	v1 =	vmax.f32 v2, v62  }
0x404: {  	s0 =	sadd.s32 s3, s0;
	[tilespmem:s8+$0x11060] =	vst v1  }
0x405: {  	[hbm4b:s0+s4] =	stream.linear.scatter [tilespmem:s26], [sflag:$0x4], $0x800, $0x38;
	[tilespmem:$0x11800] =	vst v63  }
0x406: {  	_ =	swait.ge [sflag:s28], $0x800  }
0x407: {  	[sflag:s28] =	ssyncset.done $0x0  }
0x408: {  	[sflag:s28] =	ssyncadd.s32 $0xFFFFF800  }
0x409: {  	_ =	swait.ge [sflag:s25], $0x800  }
0x40a: {  	s29 =	sadd.s32 $0x1, s29;
	s0 =	rddreg [dreg:$0x5]  }
0x40b: {  	p0 =	sne.s32 s29, s0  }
.Ltmp6:
0x40c: {  	_ = 	snop;
	(pc) =	sbr.rel @p0 .LBB2_1-.Ltmp6, $3  }
0x40d: {  	_ =	sdelay $0x1  }
0x40e: {  	[sflag:s25] =	ssyncset.done $0x0  }
0x40f: {  	[sflag:s25] =	ssyncadd.s32 $0xFFFFF800  }
0x410: {  	_ =	sfence.sel $0x180000  }
0x411: {  	[bflag:$0x0] =	sbarrier.arrive $0xFFFF  }
0x412: {  	_ =	strace $0x9000004A  }
0x413: {  	s0 =	stileid.u32;
	[bflag:$0x2] =	sbarrier.arrive $0xFFFF  }
0x414: {  	p0 =	sne.s32 s0, $0x0;
	s0 =	rddreg [dreg:$0x3]  }
0x415: {  	s0 =	sadd.s32 @!p0 $0x100000, s0  }
0x416: {  	[sflag:s0] =	ssyncadd.tile.s32 @!p0 $0x1;
	_ =	shalt  }
.Lfunc_end2:
_tile_overlayer_lowered:
.L_overlay_start_2:
0x417: {  	(tag) =	ssettag $0x2  }
0x418: {  	s0 =	rddreg [dreg:$0x0];
	s2 =	stileid.u32  }
0x419: {  	s1 =	rddreg [dreg:$0x1];
	p0 =	sne.s32 s2, $0x0  }
0x41a: {  	s3 =	rddreg [dreg:$0x2];
	[bflag:$0x3] =	sbarrier.arrive $0xFFFF;
	s2 =	simm.s32 @!p0 $0x1C07  }
0x41b: {  	[timem:s3], [sflag:s2] =	dma.local @!p0 [hbm:s0], s1  }
0x41c: {  	s0 =	simm.s32 @!p0 $0x7  }
0x41d: {  	_ =	swait.ge @!p0 [sflag:s0], s1  }
0x41e: {  	s1 =	ssub.s32 @!p0 $0x0, s1;
	[sflag:s0] =	ssyncset.done @!p0 $0x0  }
0x41f: {  	[sflag:s0] =	ssyncadd.s32 @!p0 s1  }
0x420: {  	[bflag:$0x3] =	sbarrier.arrive $0xFFFF  }
0x421: {  	_ =	shalt  }

// kernel: sparse-core-data-format-call.cloned.1.call-start
scs
called_computation_lowered:
.L_overlay_start_0:
0x0: {  	s2 =	sld [smem:$0x3FD9]  }
0x1: {  	s3 =	sld [smem:$0x3FFE];
	_ =	sdelay $0x1  }
0x2: {  	s1 =	srdreg.scid  }
0x3: {  	s0 =	sand.u32 $0x1, s1  }
0x4: {  	s18 =	sshll.u32 s0, $0xA;
	s2 =	sadd.s32 s3, s2  }
0x5: {  	s2 =	sadd.s32 s2, s18  }
0x6: {  	[smem:$0x3FC5] =	sst s2  }
0x7: {  	_ = 	snop  }
0x8: {  	s2 =	sld [smem:$0x3FC9];
	(tm) =	ssettm $0x1  }
0x9: {  	s19 =	sld [smem:$0x3FFB];
	_ =	sdelay $0x3  }
0xa: {  	_ =	strace s19  }
0xb: {  	s3 =	sld [smem:$0x3FFC];
	_ =	sdelay $0x3  }
0xc: {  	_ =	strace s3  }
0xd: {  	s3 =	sld [smem:$0x3FFD];
	_ =	sdelay $0x3  }
0xe: {  	_ =	strace s3  }
0xf: {  	_ =	strace $0x8FFFFFFF  }
0x10: {  	s20 =	sld [smem:$0x3FDB];
	_ =	sdelay $0x1  }
0x11: {  	s4 =	simm.s32 $_scs_section_size  }
0x12: {  	s5 =	simm.s32 $_size__tile_overlayer_lowered;
	s6 =	simm.s32 $_tile_overlayer_lowered  }
0x13: {  	s23 =	simm.s32 $0x1BFF;
	s22 =	sshll.u32 s6, $0x1;
	s3 =	sadd.s32 s4, s20  }
0x14: {  	s7 =	simm.s32 $0x0;
	s21 =	sshll.u32 s5, $0x1;
	s5 =	sadd.s32 s22, s3  }
0x15: {  	[timem:s7], [sflag:s23] =	dma.local [hbm:s5], s21  }
0x16: {  	_ =	swait.ge [sflag:s23], s21  }
0x17: {  	s4 =	ssub.s32 $0x0, s21;
	[sflag:s23] =	ssyncset.done $0x0  }
0x18: {  	[sflag:s23] =	ssyncadd.s32 s4;
	_ =	sdelay $0x1  }
0x19: {  	s24 =	simm.s32 $0x1B8B  }
0x1a: {  	_ =	swait.ge [sflag:s24], $0x1  }
0x1b: {  	[sflag:s24] =	ssyncset.done $0x0  }
0x1c: {  	s26 =	simm.s32 $0x1B8E;
	s25 =	sld [smem:$0x3FFE];
	[sflag:s24] =	ssyncadd.s32 $0xFFFFFFFF  }
0x1d: {  	s27 =	simm.s32 $execute0_lowered;
	[smem:$0x3FD2] =	sst s26  }
0x1e: {  	s5 =	sshll.u32 s27, $0x1;
	_ =	strace $0x80000046;
	[dreg:$0x1] =	wrdreg $0xFFFFFFFF  }
0x1f: {  	s28 =	simm.s32 $_size_execute0_lowered;
	s3 =	sadd.s32 s3, s5;
	[dreg:$0x0] =	wrdreg $0x0  }
0x20: {  	s5 =	sshll.u32 s28, $0x1;
	[dreg:$0x2] =	wrdreg s3  }
0x21: {  	[dreg:$0x3] =	wrdreg s5  }
0x22: {  	[dreg:$0x4] =	wrdreg $0xC0  }
0x23: {  	_ =	task [dreg:s7], $0x5FFFF  }
0x24: {  	[dreg:$0x1] =	wrdreg $0xFFFFFFFF  }
0x25: {  	[dreg:$0x0] =	wrdreg $0x60  }
0x26: {  	[dreg:$0x2] =	wrdreg s2  }
0x27: {  	[dreg:$0x3] =	wrdreg s25  }
0x28: {  	[dreg:$0x4] =	wrdreg $0x9  }
0x29: {  	_ =	task.clear_ibuf [dreg:s7], $0x5FFFF;
	_ =	strace $0x90000046  }
0x2a: {  	s29 =	simm.s32 $0x9;
	_ =	strace $0x80000048  }
0x2b: {  	_ =	swait.ge [sflag:s29], $0x1  }
0x2c: {  	[sflag:s29] =	ssyncadd.s32 $0xFFFFFFFF  }
0x2d: {  	_ =	strace $0x90000048  }
0x2e: {  	_ =	sfence  }
0x2f: {  	s30 =	sld [smem:$0x0];
	_ =	sdelay $0x2  }
0x30: {  	s31 =	sshll.u32 s1, $0xD;
	s1 =	sshrl.u32 s1, $0x2  }
0x31: {  	s3 =	sand.u32 $0x4000, s31;
	s1 =	sadd.s32 s1, s30  }
0x32: {  	s0 =	sor.u32 s3, s0;
	s1 =	sshll.u32 s1, $0x11  }
0x33: {  	s0 =	sor.u32 s1, s0  }
0x34: {  	s0 =	sadd.s32 $0x8F2B, s0  }
0x35: {  	[sflag:s0] =	ssyncadd.remote.s32 $0x1  }
0x36: {  	_ =	sfence.sel $0xFFFF  }
0x37: {  	[dreg:$0x0] =	wrdreg $0xFFFFFFFF;
	(pc) =	sbr.abs _section_cstart, $3  }
0x38: {  	[dreg:$0x1] =	wrdreg $0xFFFFFFFF  }
0x39: {  	_ =	task.clear_ibuf [dreg:s7], $0x2FFFF;
	_ =	strace $0x9FFFFFFF  }
0x3a: {  	(tm) =	ssettm $0x7FFFFFFF  }
0x3b: {  	_ =	shalt  }
tec
execute0_lowered:
.L_overlay_start_1:
0x0: {  	(tag) =	ssettag $0x1  }
0x1: {  	s0 =	stileid.u32;
	s2 =	rddreg [dreg:$0x0]  }
0x2: {  	s1 =	srdreg.scid;
	s4 =	rddreg [dreg:$0x1]  }
0x3: {  	s8 =	simm.s32 $0x1;
	s9 =	simm.s32 $0x2;
	s16 =	simm.s32 $0x0  }
0x4: {  	s14 =	simm.s32 $0x0;
	s3 =	sshll.u32 s0, $0x6;
	s1 =	sshll.u32 s1, $0xA  }
0x5: {  	s15 =	simm.s32 $0x0;
	s11 =	simm.s32 $0x0;
	s1 =	sor.u32 s3, s1  }
0x6: {  	s13 =	simm.s32 $0x0;
	s5 =	sand.u32 $0x3, s0;
	s3 =	sand.u32 $0x700, s1  }
0x7: {  	s4 =	sadd.s32 $0xC00, s4;
	s12 =	smov.u32 s5;
	s7 =	ssub.s32 $0x8000, s3  }
.Ltmp0:
0x8: {  	s1 =	rddreg [dreg:$0x2];
	s6 =	sand.u32 $0x700, s7;
	(pc) =	sbr.rel .LBB1_1-.Ltmp0, $4  }
0x9: {  	_ =	strace $0x80000047;
	s10 =	smov.u32 s3;
	p0 =	sne.s32 s6, $0x0  }
0xa: {  	s7 =	sshrl.u32 s7, $0xB;
	s6 =	simm.s32 $0x1;
	s8 =	simm.s32 @!p0 $0x0  }
0xb: {  	[sflag:s6] =	ssyncpa.u1 $0x0;
	p0 =	por $0x0, $0x0;
	s7 =	sadd.s32 s8, s7  }
0xc: {  	[sflag:s9] =	ssyncpa.u1 $0x0;
	s9 =	simm.s32 $0x80;
	s8 =	sadd.s32 $0x1, s7  }
.LBB1_4:
0xd: {  	_ = 	snop  }
0xe: {  	[tilespmem:s21+$0x1860 ss:$0x41] =	vst.msk $0xffff, v8  }
0xf: {  	[tilespmem:s21+$0x1C70 ss:$0x41] =	vst.msk $0xffff, v7  }
0x10: {  	[tilespmem:s21+$0x2490 ss:$0x41] =	vst.msk $0xffff, v1  }
0x11: {  	s24 =	sor.u32 s27, s26;
	v47 =	vld.idx.msk [tilespmem:v0+s19+$0x470 ss:$0x1], $0xffff;
	[tilespmem:s21+$0x28A0 ss:$0x41] =	vst.msk $0xffff, v2  }
0x12: {  	[tilespmem:s21+$0x2CB0 ss:$0x41] =	vst.msk $0xffff, v3;
	v57 =	vld.idx.msk [tilespmem:v0+s24+$0x410 ss:$0x1], $0xffff  }
0x13: {  	[tilespmem:s21+$0x30C0 ss:$0x41] =	vst.msk $0xffff, v4;
	v58 =	vld.idx.msk [tilespmem:v0+s24+$0x420 ss:$0x1], $0xffff  }
0x14: {  	[tilespmem:s21+$0x34D0 ss:$0x41] =	vst.msk $0xffff, v5;
	v59 =	vld.idx.msk [tilespmem:v0+s24+$0x430 ss:$0x1], $0xffff  }
0x15: {  	s27 =	sshra.s32 s22, $0x2;
	[tilespmem:s21+$0x38E0 ss:$0x41] =	vst.msk $0xffff, v6;
	v60 =	vld.idx.msk [tilespmem:v0+s24+$0x440 ss:$0x1], $0xffff  }
0x16: {  	s25 =	sand.u32 $0x3B00, s24;
	s19 =	sadd.s32 s27, s20;
	v61 =	vld.idx.msk [tilespmem:v0+s24+$0x450 ss:$0x1], $0xffff;
	[tilespmem:s21+$0x3CF0 ss:$0x41] =	vst.msk $0xffff, v47  }
0x17: {  	s23 =	sand.u32 $0x80, s23;
	v62 =	vld.idx.msk [tilespmem:v0+s24+$0x460 ss:$0x1], $0xffff;
	s18 =	sadd.s32 s25, s18;
	[tilespmem:s19+$0x2490 ss:$0x41] =	vst.msk $0xffff, v57  }
0x18: {  	v63 =	vld.idx.msk [tilespmem:v0+s24+$0x470 ss:$0x1], $0xffff;
	s18 =	sadd.s32 s23, s18;
	[tilespmem:s19+$0x28A0 ss:$0x41] =	vst.msk $0xffff, v58  }
0x19: {  	v48 =	vld [tilespmem:s18+$0x400];
	[tilespmem:s19+$0x2CB0 ss:$0x41] =	vst.msk $0xffff, v59  }
0x1a: {  	v49 =	vld [tilespmem:s18+$0x0];
	[tilespmem:s19+$0x30C0 ss:$0x41] =	vst.msk $0xffff, v60  }
0x1b: {  	v50 =	vld [tilespmem:s18+$0x10];
	[tilespmem:s19+$0x34D0 ss:$0x41] =	vst.msk $0xffff, v61  }
0x1c: {  	v51 =	vld [tilespmem:s18+$0x20];
	[tilespmem:s19+$0x38E0 ss:$0x41] =	vst.msk $0xffff, v62  }
0x1d: {  	v52 =	vld [tilespmem:s18+$0x30];
	[tilespmem:s19+$0x3CF0 ss:$0x41] =	vst.msk $0xffff, v63  }
0x1e: {  	v53 =	vld [tilespmem:s18+$0x40];
	[tilespmem:s19+$0x2080 ss:$0x41] =	vst.msk $0xffff, v48  }
0x1f: {  	v54 =	vld [tilespmem:s18+$0x50];
	[tilespmem:s19+$0x0 ss:$0x41] =	vst.msk $0xffff, v49  }
0x20: {  	s16 =	sshll.u32 s16, $0x7;
	s28 =	sshll.u32 s14, $0x3;
	v55 =	vld [tilespmem:s18+$0x60];
	[tilespmem:s19+$0x410 ss:$0x41] =	vst.msk $0xffff, v50  }
0x21: {  	s29 =	sand.u32 $0x3FFC00, s16;
	v56 =	vld [tilespmem:s18+$0x70];
	s18 =	sand.u32 $0x3FFC00, s28;
	[tilespmem:s19+$0x820 ss:$0x41] =	vst.msk $0xffff, v51  }
0x22: {  	s15 =	sshll.u32 s15, $0x13;
	s16 =	sand.u32 $0x380, s16;
	s18 =	sadd.s32 s18, s29;
	[tilespmem:s19+$0xC30 ss:$0x41] =	vst.msk $0xffff, v52  }
0x23: {  	s30 =	sshrl.u32 s14, $0x3;
	s31 =	sand.u32 $0x7, s14;
	s16 =	sor.u32 s16, s18;
	[tilespmem:s19+$0x1040 ss:$0x41] =	vst.msk $0xffff, v53  }
0x24: {  	s15 =	sadd.s32 s4, s15;
	s18 =	sand.u32 $0xF, s30;
	s16 =	sshrl.u32 s16, $0x3;
	[tilespmem:s19+$0x1450 ss:$0x41] =	vst.msk $0xffff, v54  }
0x25: {  	s14 =	sshll.u32 s31, $0x12;
	s15 =	sadd.s32 s18, s15;
	s16 =	sand.u32 $0x7FFF0, s16;
	[tilespmem:s19+$0x1860 ss:$0x41] =	vst.msk $0xffff, v55  }
0x26: {  	s14 =	sor.u32 $0x40, s14;
	[tilespmem:s19+$0x1C70 ss:$0x41] =	vst.msk $0xffff, v56;
	s15 =	sadd.s32 s16, s15  }
0x27: {  	[hbm4b:s15+s14] =	stream.strided.scatter [tilespmem:s17], [sflag:$0x2], $0x4000, s9, s14, $0x18;
	[tilespmem:$0x10200] =	vst v63  }
.LBB1_5:
0x28: {  	s17 =	sadd.s32 $0x800, s10  }
0x29: {  	s14 =	sadd.s32 $0x40, s11;
	s18 =	smov.u32 s11;
	p2 =	sgt.s32 s17, $0x7FFF  }
0x2a: {  	s18 =	smov.u32 @p2 s14  }
0x2b: {  	s20 =	smov.u32 s12;
	s14 =	sadd.s32 $0x4, s12;
	p3 =	sgt.s32 s18, $0x3F  }
0x2c: {  	s20 =	smov.u32 @p3 s14  }
0x2d: {  	s17 =	smov.u32 @p2 s3;
	p2 =	sgt.s32 s20, $0x3  }
0x2e: {  	p1 =	slt.u32 s13, $0x2;
	s20 =	smov.u32 @p2 s5;
	p2 =	sne.s32 s13, s8  }
.Ltmp1:
0x2f: {  	s19 =	simm.s32 @!p1 $0x2;
	(pc) =	sbr.rel @!p2 .LBB1_6-.Ltmp1, $4  }
0x30: {  	s16 =	smov.u32 s10;
	s15 =	smov.u32 s12;
	_ =	swait.ge @!p1 [sflag:s19], $0x4000  }
0x31: {  	p0 =	por !p0, !p0;
	[sflag:s19] =	ssyncset.done @!p1 $0x0;
	s10 =	smov.u32 s17  }
0x32: {  	s18 =	simm.s32 @p3 $0x0;
	s14 =	smov.u32 s11;
	[sflag:s19] =	ssyncadd.s32 @!p1 $0xFFFFC000  }
0x33: {  	s11 =	smov.u32 s18;
	s13 =	sadd.s32 $0x1, s13;
	s12 =	smov.u32 s20  }
.LBB1_1:
0x34: {  	p1 =	sge.u32 s13, s7;
	s31 =	sadd.s32 $0xFFFFFFFF, s13  }
0x35: {  	s17 =	sxor.u32 @!p1 $0xFFFFFFFF, s13;
	s18 =	sand.u32 @!p1 $0x78, s10;
	s19 =	sshll.u32 @!p1 s11, $0xF  }
0x36: {  	s20 =	sshll.u32 @!p1 s11, $0x7;
	s21 =	sshll.u32 @!p1 s10, $0x3;
	s17 =	sshll.u32 @!p1 s17, $0xE  }
0x37: {  	s19 =	sand.u32 @!p1 $0x1C0000, s19;
	s20 =	sand.u32 @!p1 $0x380, s20;
	s17 =	sand.u32 @!p1 $0x4000, s17  }
0x38: {  	s19 =	sadd.s32 @!p1 s19, s21;
	s21 =	sand.u32 @!p1 $0x7C00, s21;
	s18 =	sor.u32 @!p1 s20, s18  }
0x39: {  	s20 =	sshll.u32 @!p1 s12, $0x12;
	s18 =	sor.u32 @!p1 s21, s18;
	s19 =	sshrl.u32 @!p1 s19, $0x3  }
0x3a: {  	s20 =	sadd.s32 @!p1 s2, s20;
	s21 =	sand.u32 @!p1 $0x7, s10;
	s19 =	sand.u32 @!p1 $0x3F000, s19  }
0x3b: {  	s18 =	sshrl.u32 @!p1 s18, $0x3;
	s19 =	sadd.s32 @!p1 s19, s20;
	s20 =	sshll.u32 @!p1 s21, $0x12  }
0x3c: {  	s18 =	sadd.s32 @!p1 s18, s19;
	s19 =	sor.u32 @!p1 $0x800, s20;
	s20 =	simm.s32 @!p1 $0x40000  }
0x3d: {  	[tilespmem:s17], [sflag:$0x1] =	stream.strided.gather @!p1 [hbm4b:s18+s19], $0x4000, s20, s19, $0x38;
	[tilespmem:$0x10200] =	vst v63  }
0x3e: {  	p1 =	sge.u32 s31, s7  }
.Ltmp2:
0x3f: {  	_ = 	snop;
	(pc) =	sbr.rel @p1 .LBB1_5-.Ltmp2, $1  }
0x40: {  	_ =	sdelay $0x3  }
0x41: {  	s20 =	simm.s32 $0x0  }
0x42: {  	s19 =	sand.u32 $0x3800, s20;
	s21 =	sand.u32 $0x380, s20  }
0x43: {  	s17 =	sand.u32 $0x1, s13;
	s19 =	sor.u32 s21, s19  }
0x44: {  	_ =	swait.ge [sflag:s6], $0x4000;
	s18 =	sshll.u32 s17, $0xE;
	s21 =	sand.u32 $0x3B00, s19  }
0x45: {  	[sflag:s6] =	ssyncset.done $0x0;
	s20 =	sand.u32 $0x80, s20;
	s21 =	sadd.s32 s21, s18  }
0x46: {  	[sflag:s6] =	ssyncadd.s32 $0xFFFFC000;
	s23 =	sadd.s32 s20, s21  }
0x47: {  	v4 =	vld [tilespmem:s23+$0x400]  }
0x48: {  	s22 =	simm.s32 $0x1;
	v5 =	vld [tilespmem:s23+$0x0]  }
0x49: {  	s22 =	simm.s32 @!p0 $0x0;
	v6 =	vld [tilespmem:s23+$0x10]  }
0x4a: {  	v0 =	vmov s18;
	s31 =	smul.u32 $0x10400, s22;
	v7 =	vld [tilespmem:s23+$0x20]  }
0x4b: {  	v9 =	vld [tilespmem:s23+$0x30]  }
0x4c: {  	s20 =	sshrl.u32 s31, $0x2;
	v10 =	vld [tilespmem:s23+$0x40]  }
0x4d: {  	s20 =	sor.u32 $0x8000, s20;
	v11 =	vld [tilespmem:s23+$0x50]  }
0x4e: {  	v8 =	vld [tilespmem:s23+$0x60];
	s21 =	sadd.s32 $0x0, s20  }
0x4f: {  	v1 =	vld.idx.msk [tilespmem:v0+s19+$0x410 ss:$0x1], $0xffff;
	[tilespmem:s21+$0x2080 ss:$0x41] =	vst.msk $0xffff, v4  }
0x50: {  	v2 =	vld.idx.msk [tilespmem:v0+s19+$0x420 ss:$0x1], $0xffff;
	[tilespmem:s21+$0x0 ss:$0x41] =	vst.msk $0xffff, v5  }
0x51: {  	v3 =	vld.idx.msk [tilespmem:v0+s19+$0x430 ss:$0x1], $0xffff;
	[tilespmem:s21+$0x410 ss:$0x41] =	vst.msk $0xffff, v6  }
0x52: {  	s17 =	smul.u32 $0x10400, s17;
	[tilespmem:s21+$0x820 ss:$0x41] =	vst.msk $0xffff, v7;
	v7 =	vld [tilespmem:s23+$0x70]  }
0x53: {  	s24 =	simm.s32 $0x100;
	s25 =	simm.s32 $0x8;
	[tilespmem:s21+$0xC30 ss:$0x41] =	vst.msk $0xffff, v9;
	v4 =	vld.idx.msk [tilespmem:v0+s19+$0x440 ss:$0x1], $0xffff  }
0x54: {  	s26 =	sand.u32 $0x3800, s24;
	s17 =	sshrl.u32 s17, $0x2;
	[tilespmem:s21+$0x1040 ss:$0x41] =	vst.msk $0xffff, v10;
	v5 =	vld.idx.msk [tilespmem:v0+s19+$0x450 ss:$0x1], $0xffff;
	s23 =	simm.s32 $0x80  }
0x55: {  	s22 =	simm.s32 $0x4;
	s17 =	sor.u32 $0x8000, s17;
	[tilespmem:s21+$0x1450 ss:$0x41] =	vst.msk $0xffff, v11;
	v6 =	vld.idx.msk [tilespmem:v0+s19+$0x460 ss:$0x1], $0xffff;
	s27 =	sand.u32 $0x380, s23  }
.LBB1_3:
0x56: {  	p1 =	sne.s32 s25, $0xFC;
	[tilespmem:s21+$0x1860 ss:$0x41] =	vst.msk $0xffff, v8;
	v8 =	vld.idx.msk [tilespmem:v0+s19+$0x470 ss:$0x1], $0xffff;
	s19 =	sor.u32 s27, s26  }
0x57: {  	s26 =	sand.u32 $0x3B00, s19;
	v9 =	vld.idx.msk [tilespmem:v0+s19+$0x410 ss:$0x1], $0xffff;
	[tilespmem:s21+$0x1C70 ss:$0x41] =	vst.msk $0xffff, v7  }
0x58: {  	s27 =	sand.u32 $0x80, s23;
	s26 =	sadd.s32 s26, s18;
	v7 =	vld.idx.msk [tilespmem:v0+s19+$0x420 ss:$0x1], $0xffff;
	[tilespmem:s21+$0x2490 ss:$0x41] =	vst.msk $0xffff, v1  }
0x59: {  	s26 =	sadd.s32 s27, s26;
	v10 =	vld.idx.msk [tilespmem:v0+s19+$0x430 ss:$0x1], $0xffff;
	[tilespmem:s21+$0x28A0 ss:$0x41] =	vst.msk $0xffff, v2  }
0x5a: {  	v11 =	vld [tilespmem:s26+$0x400];
	[tilespmem:s21+$0x2CB0 ss:$0x41] =	vst.msk $0xffff, v3  }
0x5b: {  	v12 =	vld [tilespmem:s26+$0x0];
	[tilespmem:s21+$0x30C0 ss:$0x41] =	vst.msk $0xffff, v4  }
0x5c: {  	v4 =	vld [tilespmem:s26+$0x10];
	[tilespmem:s21+$0x34D0 ss:$0x41] =	vst.msk $0xffff, v5  }
0x5d: {  	s27 =	sshra.s32 s22, $0x2;
	s22 =	smov.u32 s25;
	v1 =	vmov v9;
	v5 =	vld [tilespmem:s26+$0x20];
	[tilespmem:s21+$0x38E0 ss:$0x41] =	vst.msk $0xffff, v6  }
0x5e: {  	v2 =	vmov v7;
	v6 =	vld [tilespmem:s26+$0x30];
	[tilespmem:s21+$0x3CF0 ss:$0x41] =	vst.msk $0xffff, v8;
	s21 =	sadd.s32 s27, s20  }
0x5f: {  	v3 =	vmov v10;
	v9 =	vld [tilespmem:s26+$0x40];
	[tilespmem:s21+$0x2080 ss:$0x41] =	vst.msk $0xffff, v11  }
0x60: {  	[tilespmem:s21+$0x0 ss:$0x41] =	vst.msk $0xffff, v12;
	v10 =	vld [tilespmem:s26+$0x50]  }
.Ltmp3:
0x61: {  	[tilespmem:s21+$0x410 ss:$0x41] =	vst.msk $0xffff, v4;
	v8 =	vld [tilespmem:s26+$0x60];
	(pc) =	sbr.rel @p1 .LBB1_3-.Ltmp3, $4  }
0x62: {  	[tilespmem:s21+$0x820 ss:$0x41] =	vst.msk $0xffff, v5;
	v7 =	vld [tilespmem:s26+$0x70]  }
0x63: {  	[tilespmem:s21+$0xC30 ss:$0x41] =	vst.msk $0xffff, v6;
	v4 =	vld.idx.msk [tilespmem:v0+s19+$0x440 ss:$0x1], $0xffff  }
0x64: {  	s23 =	sadd.s32 $0x80, s23;
	s24 =	sadd.s32 $0x100, s24;
	[tilespmem:s21+$0x1040 ss:$0x41] =	vst.msk $0xffff, v9;
	v5 =	vld.idx.msk [tilespmem:v0+s19+$0x450 ss:$0x1], $0xffff  }
0x65: {  	s25 =	sadd.s32 $0x4, s25;
	s27 =	sand.u32 $0x380, s23;
	s26 =	sand.u32 $0x3800, s24;
	[tilespmem:s21+$0x1450 ss:$0x41] =	vst.msk $0xffff, v10;
	v6 =	vld.idx.msk [tilespmem:v0+s19+$0x460 ss:$0x1], $0xffff  }
.Ltmp4:
0x66: {  	_ = 	snop;
	(pc) =	sbr.rel .LBB1_4-.Ltmp4, $1  }
0x67: {  	_ =	sdelay $0x3  }
.LBB1_6:
0x68: {  	_ =	sfence.sel $0x180000  }
0x69: {  	s2 =	simm.s32 $0x1;
	[bflag:$0x0] =	sbarrier.arrive $0xFFFF  }
0x6a: {  	s31 =	simm.s32 $0x2;
	[sflag:s2] =	ssyncpa.u1 $0x1  }
0x6b: {  	[sflag:s31] =	ssyncpa.u1 $0x1  }
0x6c: {  	p0 =	sne.s32 s0, $0x0;
	_ =	strace $0x90000047  }
0x6d: {  	s0 =	sadd.s32 @!p0 $0x100000, s1;
	[bflag:$0x2] =	sbarrier.arrive $0xFFFF  }
0x6e: {  	[sflag:s0] =	ssyncadd.tile.s32 @!p0 $0x1;
	_ =	shalt  }
.Lfunc_end1:
_tile_overlayer_lowered:
.L_overlay_start_2:
0x6f: {  	(tag) =	ssettag $0x2  }
0x70: {  	s0 =	rddreg [dreg:$0x0];
	s2 =	stileid.u32  }
0x71: {  	s1 =	rddreg [dreg:$0x1];
	p0 =	sne.s32 s2, $0x0  }
0x72: {  	s3 =	rddreg [dreg:$0x2];
	[bflag:$0x3] =	sbarrier.arrive $0xFFFF;
	s2 =	simm.s32 @!p0 $0x1C01  }
0x73: {  	[timem:s3], [sflag:s2] =	dma.local @!p0 [hbm:s0], s1  }
0x74: {  	s0 =	simm.s32 @!p0 $0x1  }
0x75: {  	_ =	swait.ge @!p0 [sflag:s0], s1  }
0x76: {  	s1 =	ssub.s32 @!p0 $0x0, s1;
	[sflag:s0] =	ssyncset.done @!p0 $0x0  }
0x77: {  	[sflag:s0] =	ssyncadd.s32 @!p0 s1  }
0x78: {  	[bflag:$0x3] =	sbarrier.arrive $0xFFFF  }
0x79: {  	_ =	shalt  }

</sc_bundles>
